<compile_context>
chip_gen: v7x
topology: tpu7x:2x2x1
jax: 0.10.2.dev20260603
libtpu: 0.0.44.dev20260713+nightly
codegen_flags: <defaults>
</compile_context>

<pallas_src>
import functools

import jax
import jax.numpy as jnp
from jax import lax
from jax.experimental import pallas as pl
from jax.experimental.pallas import tpu as pltpu
from jax.experimental.pallas import tpu_sc as plsc

LANES = 16
NC = 2
NS = 16
K = 1024
SLAB = 8


def _build_rank_kernel(B, S, H, W):
    QR = H // 4
    GPQ = QR * W // LANES
    mesh = plsc.VectorSubcoreMesh(core_axis_name="c", subcore_axis_name="s")

    @functools.partial(
        pl.kernel,
        out_type=(jax.ShapeDtypeStruct((S, 1, K), jnp.int32),
                  jax.ShapeDtypeStruct((NC, NS, 1, K), jnp.int32),
                  jax.ShapeDtypeStruct((NC, 2, 2, 4, 1, K), jnp.float32),
                  jax.ShapeDtypeStruct((B, S, H, W), jnp.int32)),
        mesh=mesh,
        scratch_types=[
            pltpu.VMEM((QR, W), jnp.int32),
            pltpu.VMEM((1, K), jnp.int32),
            pltpu.VMEM((8, 1, K), jnp.int32),
            pltpu.VMEM((1, K), jnp.int32),
            pltpu.VMEM((1, K), jnp.float32),
        ],
        compiler_params=pltpu.CompilerParams(needs_layout_passes=False),
    )
    def rank_kernel(seg_hbm, rank_hbm, pres_hbm, cntp_hbm, segs_hbm,
                    seg_v, pres_v, red_v, rank_v, cnt_v):
        ci = lax.axis_index("c")
        si = lax.axis_index("s")
        s_local = si // 8
        b = (si % 8) // 4
        q = si % 4
        s = ci * 2 + s_local
        zero = jnp.zeros((LANES,), jnp.int32)
        ones = jnp.ones((LANES,), jnp.int32)
        onesf = jnp.ones((LANES,), jnp.float32)
        zf = jnp.zeros((LANES,), jnp.float32)
        zconst = jnp.zeros((LANES,), jnp.int32)
        WG = W // LANES
        r0 = pl.multiple_of(q * QR, SLAB)

        pltpu.sync_copy(seg_hbm.at[b, s, pl.ds(r0, QR), pl.ds(0, W)], seg_v)

        def zbody(j, carry):
            jo = pl.multiple_of(j * LANES, LANES)
            pres_v[0, pl.ds(jo, LANES)] = zero
            cnt_v[0, pl.ds(jo, LANES)] = zf
            return carry
        lax.fori_loop(0, K // LANES, zbody, 0)

        @plsc.parallel_loop(0, GPQ, 1, unroll=4)
        def pbody(g):
            r = g // WG
            jo = pl.multiple_of((g % WG) * LANES, LANES)
            v = seg_v[r, pl.ds(jo, LANES)]
            plsc.store_scatter(pres_v, [zconst, v], ones)

        pltpu.sync_copy(pres_v, pres_hbm.at[ci, si])
        plsc.subcore_barrier()

        @pl.when(si % 8 == 0)
        def _():
            pltpu.sync_copy(pres_hbm.at[ci, pl.ds(s_local * 8, 8)], red_v)

            def rbody(j, off):
                jo = pl.multiple_of(j * LANES, LANES)
                tot = red_v[0, 0, pl.ds(jo, LANES)]
                for r in range(1, 8):
                    tot = tot + red_v[r, 0, pl.ds(jo, LANES)]
                p = (tot > 0).astype(jnp.int32)
                incl = plsc.cumsum(p)
                rank_v[0, pl.ds(jo, LANES)] = (incl - p) + off
                return off + jnp.sum(p)
            lax.fori_loop(0, K // LANES, rbody, jnp.int32(0))
            pltpu.sync_copy(rank_v, rank_hbm.at[s])

        plsc.subcore_barrier()
        pltpu.sync_copy(rank_hbm.at[s], rank_v)

        @plsc.parallel_loop(0, GPQ, 1, unroll=4)
        def mbody(g):
            r = g // WG
            jo = pl.multiple_of((g % WG) * LANES, LANES)
            v = seg_v[r, pl.ds(jo, LANES)]
            inv = plsc.load_gather(rank_v, [zconst, v])
            seg_v[r, pl.ds(jo, LANES)] = inv
            plsc.addupdate_scatter(cnt_v, [zconst, inv], onesf)

        pltpu.sync_copy(seg_v,
                        segs_hbm.at[b, s, pl.ds(r0, QR), pl.ds(0, W)])
        pltpu.sync_copy(cnt_v, cntp_hbm.at[ci, s_local, b, q])

    return rank_kernel


def _build_scatter_kernel(B, C, S, H, W):
    CPT = C // NS
    NSLAB = H // SLAB
    GPS = SLAB * W // LANES
    mesh = plsc.VectorSubcoreMesh(core_axis_name="c", subcore_axis_name="s")

    @functools.partial(
        pl.kernel,
        out_type=jax.ShapeDtypeStruct((B, S, NS, 8, 1, K), jnp.float32),
        mesh=mesh,
        scratch_types=[
            pltpu.VMEM((S * 8 * K,), jnp.float32),
            pltpu.VMEM((2, S, SLAB, W), jnp.int32),
            pltpu.VMEM((2, CPT, SLAB, W), jnp.float32),
            pltpu.SemaphoreType.DMA,
            pltpu.SemaphoreType.DMA,
        ],
        compiler_params=pltpu.CompilerParams(needs_layout_passes=False),
    )
    def scatter_kernel(x_hbm, seg_hbm, sums_hbm,
                       acc_v, seg_v, x_v,
                       sem_seg, sem_x):
        b = lax.axis_index("c")
        cb = lax.axis_index("s")
        zf = jnp.zeros((LANES,), jnp.float32)
        WG = W // LANES

        def zbody(j, carry):
            jo = pl.multiple_of(j * LANES, LANES)
            for blk in range(S * 8):
                acc_v[pl.ds(blk * K + jo, LANES)] = zf
            return carry
        lax.fori_loop(0, K // LANES, zbody, 0)

        def seg_copy(slab, buf):
            r0 = pl.multiple_of(slab * SLAB, SLAB)
            return pltpu.make_async_copy(
                seg_hbm.at[b, pl.ds(0, S), pl.ds(r0, SLAB), pl.ds(0, W)],
                seg_v.at[buf], sem_seg)

        def x_copy(slab, buf):
            r0 = pl.multiple_of(slab * SLAB, SLAB)
            return pltpu.make_async_copy(
                x_hbm.at[b, pl.ds(cb * CPT, CPT), pl.ds(r0, SLAB),
                         pl.ds(0, W)],
                x_v.at[buf], sem_x)

        seg_copy(0, 0).start()
        x_copy(0, 0).start()

        def slab_body(slab, carry):
            parity = lax.rem(slab, 2)

            @pl.when(slab + 1 < NSLAB)
            def _():
                seg_copy(slab + 1, 1 - parity).start()
                x_copy(slab + 1, 1 - parity).start()

            seg_copy(slab, parity).wait()
            x_copy(slab, parity).wait()
            seg_b = seg_v.at[parity]
            x_b = x_v.at[parity]

            @plsc.parallel_loop(0, GPS, 1, unroll=4)
            def gbody(g):
                r = g // WG
                jo = pl.multiple_of((g % WG) * LANES, LANES)
                idxs = [seg_b[s, r, pl.ds(jo, LANES)] for s in range(S)]
                for c in range(CPT):
                    xv = x_b[c, r, pl.ds(jo, LANES)]
                    for s in range(S):
                        plsc.addupdate_scatter(
                            acc_v.at[pl.ds((s * 8 + c) * K, K)],
                            [idxs[s]], xv)
            return carry
        lax.fori_loop(0, NSLAB, slab_body, 0)

        for s in range(S):
            for c in range(8):
                pltpu.sync_copy(acc_v.at[pl.ds((s * 8 + c) * K, K)],
                                sums_hbm.at[b, s, cb, c, 0])

    return scatter_kernel


def _tokens_tc(sums, cnts, cls_token, cls_pos_embed, wt, wt_pad, bias2d):
    B, S, C2, _ = sums.shape
    C = wt.shape[0]
    E = wt.shape[1]

    def body(sums_ref, cnts_ref, cls_ref, clsp_ref, wt_ref, wtp_ref, b_ref,
             out_ref):
        sc = jnp.reshape(sums_ref[...], (C2, K))
        cnt4 = jnp.reshape(cnts_ref[...], (4, K))
        cnt = jnp.sum(cnt4, axis=0, keepdims=True)
        recip = 1.0 / jnp.maximum(cnt, 1.0)
        mean = sc * recip
        body_out = lax.dot_general(mean, wtp_ref[...], (((0,), (0,)), ((), ())),
                                   preferred_element_type=jnp.float32)
        cls_row = jnp.dot(cls_ref[...] + clsp_ref[...], wt_ref[...],
                          preferred_element_type=jnp.float32)
        bias = b_ref[...]
        full = jnp.concatenate([cls_row + bias, body_out + bias], axis=0)
        out_ref[...] = jnp.reshape(full, (1, 1, K + 1, E))

    return pl.pallas_call(
        body,
        grid=(S, B),
        in_specs=[
            pl.BlockSpec((1, 1, C2, K), lambda s, b: (b, s, 0, 0)),
            pl.BlockSpec((1, 1, 1, 4, 1, K),
                         lambda s, b: (s // 2, s % 2, b, 0, 0, 0)),
            pl.BlockSpec((1, C), lambda s, b: (0, 0)),
            pl.BlockSpec((1, C), lambda s, b: (0, 0)),
            pl.BlockSpec((C, E), lambda s, b: (0, 0)),
            pl.BlockSpec((C2, E), lambda s, b: (0, 0)),
            pl.BlockSpec((1, E), lambda s, b: (0, 0)),
        ],
        out_specs=pl.BlockSpec((1, 1, K + 1, E), lambda s, b: (s, b, 0, 0)),
        out_shape=jax.ShapeDtypeStruct((S, B, K + 1, E), jnp.float32),
    )(sums, cnts, cls_token, cls_pos_embed, wt, wt_pad, bias2d)


def kernel(x, segments, cls_token, cls_pos_embed, conv_w, conv_b):
    B, C, H, W = x.shape
    S = segments.shape[1]
    CPT = C // NS

    rank, _, cnts, segs = _build_rank_kernel(B, S, H, W)(segments)
    sums6 = _build_scatter_kernel(B, C, S, H, W)(x, segs)
    sums = sums6.reshape(B, S, NS * 8, K)

    wt = conv_w.T
    E = conv_w.shape[0]
    rows = jnp.arange(C, dtype=jnp.int32)
    pad_rows = (rows // CPT) * 8 + (rows % CPT)
    wt_pad = jnp.zeros((NS * 8, E), jnp.float32).at[pad_rows].set(wt)

    toks = _tokens_tc(sums, cnts, cls_token, cls_pos_embed,
                      wt, wt_pad, conv_b.reshape(1, -1))
    tokens = tuple(toks[i] for i in range(S))
    return (tokens, segs)

# --- scband reference (transcript-rebuilt; emitter-appended) ---
"""Pipeline reference for scband-multi-scale-tokenization-37907381354596 (READ-ONLY COPY).

The authoritative reference and input builder live on the scoring server;
editing this copy changes nothing except your own understanding.
"""

import jax, jax.numpy as jnp
import numpy as np


def setup_inputs(seed: int = 0) -> dict:
    key = jax.random.key(seed)
    k1, k2, k3, k4 = jax.random.split(key, 4)
    B, C, H, W = 2, 96, 384, 384
    scales = 4
    embed_dim = 128
    n_superpixels = 1024
    x = jax.random.normal(k1, (B, C, H, W), dtype=jnp.float32)
    segments = jax.random.randint(k2, (B, scales, H, W), 0, n_superpixels, dtype=jnp.int32)
    # learned params (single_cls_token=True, global_pool=False)
    cls_token = jnp.zeros((1, C), dtype=jnp.float32)
    cls_pos_embed = jax.random.normal(k3, (1, C), dtype=jnp.float32) * 0.02
    # Conv1d(input_dim -> embed_dim, kernel_size=1) == pointwise linear over channel dim
    conv_w = jax.random.normal(k4, (embed_dim, C), dtype=jnp.float32) * (1.0 / np.sqrt(C))
    conv_b = jnp.zeros((embed_dim,), dtype=jnp.float32)
    return {"x": x, "segments": segments, "cls_token": cls_token, "cls_pos_embed": cls_pos_embed, "conv_w": conv_w, "conv_b": conv_b}


def _scatter_mean(src, ids_flat, num_segments):
    # src: [N, C] float; ids_flat: [N] int; torch_scatter 'mean' semantics (empty bins -> 0)
    sums = jax.ops.segment_sum(src, ids_flat, num_segments=num_segments)
    cnt = jax.ops.segment_sum(jnp.ones((src.shape[0],), jnp.float32), ids_flat, num_segments=num_segments)
    return sums / jnp.maximum(cnt, 1.0)[:, None]


def reference(x, segments, cls_token, cls_pos_embed, conv_w, conv_b):
    B, C, H, W = x.shape
    scales = segments.shape[1]
    HW = H * W
    # segments.permute(1,0,2,3).flatten(2) -> [scales, B, HW]
    seg = jnp.transpose(segments, (1, 0, 2, 3)).reshape(scales, B, HW)
    xf = x.reshape(B, C, HW)
    cls = cls_token + cls_pos_embed  # [1, C]
    tokens = []
    new_segs = []
    n_superpixels = 1024
    for i in range(scales):
        f_seg = seg[i]  # [B, HW]
        K = n_superpixels
        _, inv = jnp.unique(f_seg, return_inverse=True, size=K)
        inv = inv.reshape(f_seg.shape).astype(jnp.int32)
        new_segs.append(inv)
        # per-batch scatter-mean along last dim: offset ids per batch element
        ids_flat = (inv + jnp.arange(B, dtype=jnp.int32)[:, None] * K).reshape(-1)
        src = jnp.transpose(xf, (0, 2, 1)).reshape(B * HW, C)
        mean = _scatter_mean(src, ids_flat, B * K)  # [B*K, C]
        sequence = jnp.transpose(mean.reshape(B, K, C), (0, 2, 1))  # [B, C, K]
        # cls_token.expand(B, -1, -1).permute(0, 2, 1) -> [B, C, 1]
        cls_b = jnp.transpose(jnp.broadcast_to(cls[None, :, :], (B, 1, C)), (0, 2, 1))
        sequence = jnp.concatenate([cls_b, sequence], axis=2)  # [B, C, K+1]
        # Conv1d k=1: [B, embed, K+1]
        out = jnp.einsum("ec,bct->bet", conv_w, sequence) + conv_b[None, :, None]
        tokens.append(jnp.transpose(out, (0, 2, 1)))  # [B, K+1, embed]
    segs_out = jnp.stack(new_segs, axis=0)  # [scales, B, HW]
    segs_out = jnp.transpose(segs_out, (1, 0, 2)).reshape(B, scales, H, W)
    return (tuple(tokens), segs_out)

if __name__ == "__main__":
    import jax
    _d = setup_inputs()
    print(jax.jit(kernel)(*tuple(_d.values())))

</pallas_src>

<mosaic_0001>
#map = affine_map<(d0, d1) -> (0, 0, 0, 0)>
#map1 = affine_map<(d0, d1) -> (0, 0, 0, 0, 0, 0)>
module attributes {stable_mosaic.version = 14 : i64} {
  func.func @scatter_kernel(%arg0: i32, %arg1: i32, %arg2: memref<2x96x384x384xf32, #tpu.memory_space<hbm>>, %arg3: memref<2x4x384x384xi32, #tpu.memory_space<hbm>>, %arg4: memref<2x4x16x8x1x1024xf32, #tpu.memory_space<hbm>>, %arg5: memref<32768xf32, #tpu.memory_space<vmem>>, %arg6: memref<2x4x8x384xi32, #tpu.memory_space<vmem>>, %arg7: memref<2x6x8x384xf32, #tpu.memory_space<vmem>>, %arg8: memref<!tpu.dma_semaphore, #tpu.memory_space<semaphore_mem>>, %arg9: memref<!tpu.dma_semaphore, #tpu.memory_space<semaphore_mem>>) attributes {dimension_semantics = [#tpu.dimension_semantics<core_parallel>, #tpu.dimension_semantics<subcore_parallel>], iteration_bounds = array<i64: 2, 16>, scalar_prefetch = 0 : i64, scratch_operands = 5 : i64, tpu.core_type = #tpu.core_type<sc_vector_subcore>, window_params = [{transform_indices = #map}, {transform_indices = #map}, {transform_indices = #map1}]} {
    %broadcast_in_dim3A = arith.constant 0.000000e+00 : f32
    %broadcast_in_dim3A_0 = vector.broadcast %broadcast_in_dim3A : f32 to vector<16xf32>
    %scan3A = arith.constant 0 : i32
    %scan3A_1 = arith.constant 0 : i32
    %scan3A_2 = arith.constant 64 : i32
    %scan3A_3 = arith.addi %scan3A_1, %scan3A_2 : i32
    %scan3A_4 = arith.constant 1 : i32
    scf.for %scan3A_146 = %scan3A_1 to %scan3A_3 step %scan3A_4  : i32 {
      %mul3A_147 = arith.constant 16 : i32
      %mul3A_148 = arith.muli %scan3A_146, %mul3A_147 : i32
      %multiple_of3A_149 = tpu.assume_multiple %mul3A_148, 16 : i32
      %add3A = arith.constant 0 : i32
      %add3A_150 = arith.addi %add3A, %multiple_of3A_149 : i32
      %swap3A = arith.index_cast %add3A_150 : i32 to index
      %swap3A_151 = tpu.vector_load %arg5[%swap3A] {strides = array<i32>} : memref<32768xf32, #tpu.memory_space<vmem>>, vector<16xf32>,
      tpu.vector_store %arg5[%swap3A], %broadcast_in_dim3A_0 {strides = array<i32>} : memref<32768xf32, #tpu.memory_space<vmem>>, vector<16xf32>,
      %add3A_152 = arith.constant 1024 : i32
      %add3A_153 = arith.addi %add3A_152, %multiple_of3A_149 : i32
      %swap3A_154 = arith.index_cast %add3A_153 : i32 to index
      %swap3A_155 = tpu.vector_load %arg5[%swap3A_154] {strides = array<i32>} : memref<32768xf32, #tpu.memory_space<vmem>>, vector<16xf32>,
      tpu.vector_store %arg5[%swap3A_154], %broadcast_in_dim3A_0 {strides = array<i32>} : memref<32768xf32, #tpu.memory_space<vmem>>, vector<16xf32>,
      %add3A_156 = arith.constant 2048 : i32
      %add3A_157 = arith.addi %add3A_156, %multiple_of3A_149 : i32
      %swap3A_158 = arith.index_cast %add3A_157 : i32 to index
      %swap3A_159 = tpu.vector_load %arg5[%swap3A_158] {strides = array<i32>} : memref<32768xf32, #tpu.memory_space<vmem>>, vector<16xf32>,
      tpu.vector_store %arg5[%swap3A_158], %broadcast_in_dim3A_0 {strides = array<i32>} : memref<32768xf32, #tpu.memory_space<vmem>>, vector<16xf32>,
      %add3A_160 = arith.constant 3072 : i32
      %add3A_161 = arith.addi %add3A_160, %multiple_of3A_149 : i32
      %swap3A_162 = arith.index_cast %add3A_161 : i32 to index
      %swap3A_163 = tpu.vector_load %arg5[%swap3A_162] {strides = array<i32>} : memref<32768xf32, #tpu.memory_space<vmem>>, vector<16xf32>,
      tpu.vector_store %arg5[%swap3A_162], %broadcast_in_dim3A_0 {strides = array<i32>} : memref<32768xf32, #tpu.memory_space<vmem>>, vector<16xf32>,
      %add3A_164 = arith.constant 4096 : i32
      %add3A_165 = arith.addi %add3A_164, %multiple_of3A_149 : i32
      %swap3A_166 = arith.index_cast %add3A_165 : i32 to index
      %swap3A_167 = tpu.vector_load %arg5[%swap3A_166] {strides = array<i32>} : memref<32768xf32, #tpu.memory_space<vmem>>, vector<16xf32>,
      tpu.vector_store %arg5[%swap3A_166], %broadcast_in_dim3A_0 {strides = array<i32>} : memref<32768xf32, #tpu.memory_space<vmem>>, vector<16xf32>,
      %add3A_168 = arith.constant 5120 : i32
      %add3A_169 = arith.addi %add3A_168, %multiple_of3A_149 : i32
      %swap3A_170 = arith.index_cast %add3A_169 : i32 to index
      %swap3A_171 = tpu.vector_load %arg5[%swap3A_170] {strides = array<i32>} : memref<32768xf32, #tpu.memory_space<vmem>>, vector<16xf32>,
      tpu.vector_store %arg5[%swap3A_170], %broadcast_in_dim3A_0 {strides = array<i32>} : memref<32768xf32, #tpu.memory_space<vmem>>, vector<16xf32>,
      %add3A_172 = arith.constant 6144 : i32
      %add3A_173 = arith.addi %add3A_172, %multiple_of3A_149 : i32
      %swap3A_174 = arith.index_cast %add3A_173 : i32 to index
      %swap3A_175 = tpu.vector_load %arg5[%swap3A_174] {strides = array<i32>} : memref<32768xf32, #tpu.memory_space<vmem>>, vector<16xf32>,
      tpu.vector_store %arg5[%swap3A_174], %broadcast_in_dim3A_0 {strides = array<i32>} : memref<32768xf32, #tpu.memory_space<vmem>>, vector<16xf32>,
      %add3A_176 = arith.constant 7168 : i32
      %add3A_177 = arith.addi %add3A_176, %multiple_of3A_149 : i32
      %swap3A_178 = arith.index_cast %add3A_177 : i32 to index
      %swap3A_179 = tpu.vector_load %arg5[%swap3A_178] {strides = array<i32>} : memref<32768xf32, #tpu.memory_space<vmem>>, vector<16xf32>,
      tpu.vector_store %arg5[%swap3A_178], %broadcast_in_dim3A_0 {strides = array<i32>} : memref<32768xf32, #tpu.memory_space<vmem>>, vector<16xf32>,
      %add3A_180 = arith.constant 8192 : i32
      %add3A_181 = arith.addi %add3A_180, %multiple_of3A_149 : i32
      %swap3A_182 = arith.index_cast %add3A_181 : i32 to index
      %swap3A_183 = tpu.vector_load %arg5[%swap3A_182] {strides = array<i32>} : memref<32768xf32, #tpu.memory_space<vmem>>, vector<16xf32>,
      tpu.vector_store %arg5[%swap3A_182], %broadcast_in_dim3A_0 {strides = array<i32>} : memref<32768xf32, #tpu.memory_space<vmem>>, vector<16xf32>,
      %add3A_184 = arith.constant 9216 : i32
      %add3A_185 = arith.addi %add3A_184, %multiple_of3A_149 : i32
      %swap3A_186 = arith.index_cast %add3A_185 : i32 to index
      %swap3A_187 = tpu.vector_load %arg5[%swap3A_186] {strides = array<i32>} : memref<32768xf32, #tpu.memory_space<vmem>>, vector<16xf32>,
      tpu.vector_store %arg5[%swap3A_186], %broadcast_in_dim3A_0 {strides = array<i32>} : memref<32768xf32, #tpu.memory_space<vmem>>, vector<16xf32>,
      %add3A_188 = arith.constant 10240 : i32
      %add3A_189 = arith.addi %add3A_188, %multiple_of3A_149 : i32
      %swap3A_190 = arith.index_cast %add3A_189 : i32 to index
      %swap3A_191 = tpu.vector_load %arg5[%swap3A_190] {strides = array<i32>} : memref<32768xf32, #tpu.memory_space<vmem>>, vector<16xf32>,
      tpu.vector_store %arg5[%swap3A_190], %broadcast_in_dim3A_0 {strides = array<i32>} : memref<32768xf32, #tpu.memory_space<vmem>>, vector<16xf32>,
      %add3A_192 = arith.constant 11264 : i32
      %add3A_193 = arith.addi %add3A_192, %multiple_of3A_149 : i32
      %swap3A_194 = arith.index_cast %add3A_193 : i32 to index
      %swap3A_195 = tpu.vector_load %arg5[%swap3A_194] {strides = array<i32>} : memref<32768xf32, #tpu.memory_space<vmem>>, vector<16xf32>,
      tpu.vector_store %arg5[%swap3A_194], %broadcast_in_dim3A_0 {strides = array<i32>} : memref<32768xf32, #tpu.memory_space<vmem>>, vector<16xf32>,
      %add3A_196 = arith.constant 12288 : i32
      %add3A_197 = arith.addi %add3A_196, %multiple_of3A_149 : i32
      %swap3A_198 = arith.index_cast %add3A_197 : i32 to index
      %swap3A_199 = tpu.vector_load %arg5[%swap3A_198] {strides = array<i32>} : memref<32768xf32, #tpu.memory_space<vmem>>, vector<16xf32>,
      tpu.vector_store %arg5[%swap3A_198], %broadcast_in_dim3A_0 {strides = array<i32>} : memref<32768xf32, #tpu.memory_space<vmem>>, vector<16xf32>,
      %add3A_200 = arith.constant 13312 : i32
      %add3A_201 = arith.addi %add3A_200, %multiple_of3A_149 : i32
      %swap3A_202 = arith.index_cast %add3A_201 : i32 to index
      %swap3A_203 = tpu.vector_load %arg5[%swap3A_202] {strides = array<i32>} : memref<32768xf32, #tpu.memory_space<vmem>>, vector<16xf32>,
      tpu.vector_store %arg5[%swap3A_202], %broadcast_in_dim3A_0 {strides = array<i32>} : memref<32768xf32, #tpu.memory_space<vmem>>, vector<16xf32>,
      %add3A_204 = arith.constant 14336 : i32
      %add3A_205 = arith.addi %add3A_204, %multiple_of3A_149 : i32
      %swap3A_206 = arith.index_cast %add3A_205 : i32 to index
      %swap3A_207 = tpu.vector_load %arg5[%swap3A_206] {strides = array<i32>} : memref<32768xf32, #tpu.memory_space<vmem>>, vector<16xf32>,
      tpu.vector_store %arg5[%swap3A_206], %broadcast_in_dim3A_0 {strides = array<i32>} : memref<32768xf32, #tpu.memory_space<vmem>>, vector<16xf32>,
      %add3A_208 = arith.constant 15360 : i32
      %add3A_209 = arith.addi %add3A_208, %multiple_of3A_149 : i32
      %swap3A_210 = arith.index_cast %add3A_209 : i32 to index
      %swap3A_211 = tpu.vector_load %arg5[%swap3A_210] {strides = array<i32>} : memref<32768xf32, #tpu.memory_space<vmem>>, vector<16xf32>,
      tpu.vector_store %arg5[%swap3A_210], %broadcast_in_dim3A_0 {strides = array<i32>} : memref<32768xf32, #tpu.memory_space<vmem>>, vector<16xf32>,
      %add3A_212 = arith.constant 16384 : i32
      %add3A_213 = arith.addi %add3A_212, %multiple_of3A_149 : i32
      %swap3A_214 = arith.index_cast %add3A_213 : i32 to index
      %swap3A_215 = tpu.vector_load %arg5[%swap3A_214] {strides = array<i32>} : memref<32768xf32, #tpu.memory_space<vmem>>, vector<16xf32>,
      tpu.vector_store %arg5[%swap3A_214], %broadcast_in_dim3A_0 {strides = array<i32>} : memref<32768xf32, #tpu.memory_space<vmem>>, vector<16xf32>,
      %add3A_216 = arith.constant 17408 : i32
      %add3A_217 = arith.addi %add3A_216, %multiple_of3A_149 : i32
      %swap3A_218 = arith.index_cast %add3A_217 : i32 to index
      %swap3A_219 = tpu.vector_load %arg5[%swap3A_218] {strides = array<i32>} : memref<32768xf32, #tpu.memory_space<vmem>>, vector<16xf32>,
      tpu.vector_store %arg5[%swap3A_218], %broadcast_in_dim3A_0 {strides = array<i32>} : memref<32768xf32, #tpu.memory_space<vmem>>, vector<16xf32>,
      %add3A_220 = arith.constant 18432 : i32
      %add3A_221 = arith.addi %add3A_220, %multiple_of3A_149 : i32
      %swap3A_222 = arith.index_cast %add3A_221 : i32 to index
      %swap3A_223 = tpu.vector_load %arg5[%swap3A_222] {strides = array<i32>} : memref<32768xf32, #tpu.memory_space<vmem>>, vector<16xf32>,
      tpu.vector_store %arg5[%swap3A_222], %broadcast_in_dim3A_0 {strides = array<i32>} : memref<32768xf32, #tpu.memory_space<vmem>>, vector<16xf32>,
      %add3A_224 = arith.constant 19456 : i32
      %add3A_225 = arith.addi %add3A_224, %multiple_of3A_149 : i32
      %swap3A_226 = arith.index_cast %add3A_225 : i32 to index
      %swap3A_227 = tpu.vector_load %arg5[%swap3A_226] {strides = array<i32>} : memref<32768xf32, #tpu.memory_space<vmem>>, vector<16xf32>,
      tpu.vector_store %arg5[%swap3A_226], %broadcast_in_dim3A_0 {strides = array<i32>} : memref<32768xf32, #tpu.memory_space<vmem>>, vector<16xf32>,
      %add3A_228 = arith.constant 20480 : i32
      %add3A_229 = arith.addi %add3A_228, %multiple_of3A_149 : i32
      %swap3A_230 = arith.index_cast %add3A_229 : i32 to index
      %swap3A_231 = tpu.vector_load %arg5[%swap3A_230] {strides = array<i32>} : memref<32768xf32, #tpu.memory_space<vmem>>, vector<16xf32>,
      tpu.vector_store %arg5[%swap3A_230], %broadcast_in_dim3A_0 {strides = array<i32>} : memref<32768xf32, #tpu.memory_space<vmem>>, vector<16xf32>,
      %add3A_232 = arith.constant 21504 : i32
      %add3A_233 = arith.addi %add3A_232, %multiple_of3A_149 : i32
      %swap3A_234 = arith.index_cast %add3A_233 : i32 to index
      %swap3A_235 = tpu.vector_load %arg5[%swap3A_234] {strides = array<i32>} : memref<32768xf32, #tpu.memory_space<vmem>>, vector<16xf32>,
      tpu.vector_store %arg5[%swap3A_234], %broadcast_in_dim3A_0 {strides = array<i32>} : memref<32768xf32, #tpu.memory_space<vmem>>, vector<16xf32>,
      %add3A_236 = arith.constant 22528 : i32
      %add3A_237 = arith.addi %add3A_236, %multiple_of3A_149 : i32
      %swap3A_238 = arith.index_cast %add3A_237 : i32 to index
      %swap3A_239 = tpu.vector_load %arg5[%swap3A_238] {strides = array<i32>} : memref<32768xf32, #tpu.memory_space<vmem>>, vector<16xf32>,
      tpu.vector_store %arg5[%swap3A_238], %broadcast_in_dim3A_0 {strides = array<i32>} : memref<32768xf32, #tpu.memory_space<vmem>>, vector<16xf32>,
      %add3A_240 = arith.constant 23552 : i32
      %add3A_241 = arith.addi %add3A_240, %multiple_of3A_149 : i32
      %swap3A_242 = arith.index_cast %add3A_241 : i32 to index
      %swap3A_243 = tpu.vector_load %arg5[%swap3A_242] {strides = array<i32>} : memref<32768xf32, #tpu.memory_space<vmem>>, vector<16xf32>,
      tpu.vector_store %arg5[%swap3A_242], %broadcast_in_dim3A_0 {strides = array<i32>} : memref<32768xf32, #tpu.memory_space<vmem>>, vector<16xf32>,
      %add3A_244 = arith.constant 24576 : i32
      %add3A_245 = arith.addi %add3A_244, %multiple_of3A_149 : i32
      %swap3A_246 = arith.index_cast %add3A_245 : i32 to index
      %swap3A_247 = tpu.vector_load %arg5[%swap3A_246] {strides = array<i32>} : memref<32768xf32, #tpu.memory_space<vmem>>, vector<16xf32>,
      tpu.vector_store %arg5[%swap3A_246], %broadcast_in_dim3A_0 {strides = array<i32>} : memref<32768xf32, #tpu.memory_space<vmem>>, vector<16xf32>,
      %add3A_248 = arith.constant 25600 : i32
      %add3A_249 = arith.addi %add3A_248, %multiple_of3A_149 : i32
      %swap3A_250 = arith.index_cast %add3A_249 : i32 to index
      %swap3A_251 = tpu.vector_load %arg5[%swap3A_250] {strides = array<i32>} : memref<32768xf32, #tpu.memory_space<vmem>>, vector<16xf32>,
      tpu.vector_store %arg5[%swap3A_250], %broadcast_in_dim3A_0 {strides = array<i32>} : memref<32768xf32, #tpu.memory_space<vmem>>, vector<16xf32>,
      %add3A_252 = arith.constant 26624 : i32
      %add3A_253 = arith.addi %add3A_252, %multiple_of3A_149 : i32
      %swap3A_254 = arith.index_cast %add3A_253 : i32 to index
      %swap3A_255 = tpu.vector_load %arg5[%swap3A_254] {strides = array<i32>} : memref<32768xf32, #tpu.memory_space<vmem>>, vector<16xf32>,
      tpu.vector_store %arg5[%swap3A_254], %broadcast_in_dim3A_0 {strides = array<i32>} : memref<32768xf32, #tpu.memory_space<vmem>>, vector<16xf32>,
      %add3A_256 = arith.constant 27648 : i32
      %add3A_257 = arith.addi %add3A_256, %multiple_of3A_149 : i32
      %swap3A_258 = arith.index_cast %add3A_257 : i32 to index
      %swap3A_259 = tpu.vector_load %arg5[%swap3A_258] {strides = array<i32>} : memref<32768xf32, #tpu.memory_space<vmem>>, vector<16xf32>,
      tpu.vector_store %arg5[%swap3A_258], %broadcast_in_dim3A_0 {strides = array<i32>} : memref<32768xf32, #tpu.memory_space<vmem>>, vector<16xf32>,
      %add3A_260 = arith.constant 28672 : i32
      %add3A_261 = arith.addi %add3A_260, %multiple_of3A_149 : i32
      %swap3A_262 = arith.index_cast %add3A_261 : i32 to index
      %swap3A_263 = tpu.vector_load %arg5[%swap3A_262] {strides = array<i32>} : memref<32768xf32, #tpu.memory_space<vmem>>, vector<16xf32>,
      tpu.vector_store %arg5[%swap3A_262], %broadcast_in_dim3A_0 {strides = array<i32>} : memref<32768xf32, #tpu.memory_space<vmem>>, vector<16xf32>,
      %add3A_264 = arith.constant 29696 : i32
      %add3A_265 = arith.addi %add3A_264, %multiple_of3A_149 : i32
      %swap3A_266 = arith.index_cast %add3A_265 : i32 to index
      %swap3A_267 = tpu.vector_load %arg5[%swap3A_266] {strides = array<i32>} : memref<32768xf32, #tpu.memory_space<vmem>>, vector<16xf32>,
      tpu.vector_store %arg5[%swap3A_266], %broadcast_in_dim3A_0 {strides = array<i32>} : memref<32768xf32, #tpu.memory_space<vmem>>, vector<16xf32>,
      %add3A_268 = arith.constant 30720 : i32
      %add3A_269 = arith.addi %add3A_268, %multiple_of3A_149 : i32
      %swap3A_270 = arith.index_cast %add3A_269 : i32 to index
      %swap3A_271 = tpu.vector_load %arg5[%swap3A_270] {strides = array<i32>} : memref<32768xf32, #tpu.memory_space<vmem>>, vector<16xf32>,
      tpu.vector_store %arg5[%swap3A_270], %broadcast_in_dim3A_0 {strides = array<i32>} : memref<32768xf32, #tpu.memory_space<vmem>>, vector<16xf32>,
      %add3A_272 = arith.constant 31744 : i32
      %add3A_273 = arith.addi %add3A_272, %multiple_of3A_149 : i32
      %swap3A_274 = arith.index_cast %add3A_273 : i32 to index
      %swap3A_275 = tpu.vector_load %arg5[%swap3A_274] {strides = array<i32>} : memref<32768xf32, #tpu.memory_space<vmem>>, vector<16xf32>,
      tpu.vector_store %arg5[%swap3A_274], %broadcast_in_dim3A_0 {strides = array<i32>} : memref<32768xf32, #tpu.memory_space<vmem>>, vector<16xf32>,
    }
    %scan3A_5 = arith.constant 64 : i32
    %multiple_of3A = arith.constant 0 : i32
    %multiple_of3A_6 = tpu.assume_multiple %multiple_of3A, 8 : i32
    %dma_start3A = arith.constant 0 : i32
    %dma_start3A_7 = arith.constant 0 : i32
    %dma_start3A_8 = arith.constant 0 : i32
    %dma_start3A_9 = arith.constant 0 : i32
    %dma_start3A_10 = tpu.memref_slice %arg6[%dma_start3A, %dma_start3A_7, %dma_start3A_8, %dma_start3A_9] : memref<2x4x8x384xi32, #tpu.memory_space<vmem>> -> memref<1x4x8x384xi32, #tpu.memory_space<vmem>>
    %dma_start3A_11 = tpu.memref_squeeze %dma_start3A_10 : memref<1x4x8x384xi32, #tpu.memory_space<vmem>> -> memref<4x8x384xi32, #tpu.memory_space<vmem>>
    %dma_start3A_12 = arith.constant 0 : i32
    %dma_start3A_13 = arith.constant 0 : i32
    %dma_start3A_14 = tpu.memref_slice %arg3[%arg0, %dma_start3A_12, %multiple_of3A_6, %dma_start3A_13] : memref<2x4x384x384xi32, #tpu.memory_space<hbm>> -> memref<1x4x8x384xi32, #tpu.memory_space<hbm>>
    %dma_start3A_15 = tpu.memref_squeeze %dma_start3A_14 : memref<1x4x8x384xi32, #tpu.memory_space<hbm>> -> memref<4x8x384xi32, #tpu.memory_space<hbm>>
    %dma_start3A_16 = arith.constant 0 : i32
    %dma_start3A_17 = arith.constant 0 : i32
    %dma_start3A_18 = arith.constant 0 : i32
    %dma_start3A_19 = tpu.memref_slice %arg6[%dma_start3A, %dma_start3A_16, %dma_start3A_17, %dma_start3A_18] : memref<2x4x8x384xi32, #tpu.memory_space<vmem>> -> memref<1x4x8x384xi32, #tpu.memory_space<vmem>>
    %dma_start3A_20 = tpu.memref_squeeze %dma_start3A_19 : memref<1x4x8x384xi32, #tpu.memory_space<vmem>> -> memref<4x8x384xi32, #tpu.memory_space<vmem>>
    %dma_start3A_21 = arith.constant 0 : i32
    %dma_start3A_22 = arith.constant 0 : i32
    %dma_start3A_23 = tpu.memref_slice %arg3[%arg0, %dma_start3A_21, %multiple_of3A_6, %dma_start3A_22] : memref<2x4x384x384xi32, #tpu.memory_space<hbm>> -> memref<1x4x8x384xi32, #tpu.memory_space<hbm>>
    %dma_start3A_24 = tpu.memref_squeeze %dma_start3A_23 : memref<1x4x8x384xi32, #tpu.memory_space<hbm>> -> memref<4x8x384xi32, #tpu.memory_space<hbm>>
    tpu.enqueue_dma source(%dma_start3A_24 : memref<4x8x384xi32, #tpu.memory_space<hbm>>) target(%dma_start3A_20 : memref<4x8x384xi32, #tpu.memory_space<vmem>>) target_semaphore(%arg8 : memref<!tpu.dma_semaphore, #tpu.memory_space<semaphore_mem>>)
    %multiple_of3A_25 = arith.constant 0 : i32
    %multiple_of3A_26 = tpu.assume_multiple %multiple_of3A_25, 8 : i32
    %mul3A = arith.constant 6 : i32
    %mul3A_27 = arith.muli %arg1, %mul3A : i32
    %dma_start3A_28 = arith.constant 0 : i32
    %dma_start3A_29 = arith.constant 0 : i32
    %dma_start3A_30 = arith.constant 0 : i32
    %dma_start3A_31 = arith.constant 0 : i32
    %dma_start3A_32 = tpu.memref_slice %arg7[%dma_start3A_28, %dma_start3A_29, %dma_start3A_30, %dma_start3A_31] : memref<2x6x8x384xf32, #tpu.memory_space<vmem>> -> memref<1x6x8x384xf32, #tpu.memory_space<vmem>>
    %dma_start3A_33 = tpu.memref_squeeze %dma_start3A_32 : memref<1x6x8x384xf32, #tpu.memory_space<vmem>> -> memref<6x8x384xf32, #tpu.memory_space<vmem>>
    %dma_start3A_34 = arith.constant 0 : i32
    %dma_start3A_35 = tpu.memref_slice %arg2[%arg0, %mul3A_27, %multiple_of3A_26, %dma_start3A_34] : memref<2x96x384x384xf32, #tpu.memory_space<hbm>> -> memref<1x6x8x384xf32, #tpu.memory_space<hbm>>
    %dma_start3A_36 = tpu.memref_squeeze %dma_start3A_35 : memref<1x6x8x384xf32, #tpu.memory_space<hbm>> -> memref<6x8x384xf32, #tpu.memory_space<hbm>>
    %dma_start3A_37 = arith.constant 0 : i32
    %dma_start3A_38 = arith.constant 0 : i32
    %dma_start3A_39 = arith.constant 0 : i32
    %dma_start3A_40 = tpu.memref_slice %arg7[%dma_start3A_28, %dma_start3A_37, %dma_start3A_38, %dma_start3A_39] : memref<2x6x8x384xf32, #tpu.memory_space<vmem>> -> memref<1x6x8x384xf32, #tpu.memory_space<vmem>>
    %dma_start3A_41 = tpu.memref_squeeze %dma_start3A_40 : memref<1x6x8x384xf32, #tpu.memory_space<vmem>> -> memref<6x8x384xf32, #tpu.memory_space<vmem>>
    %dma_start3A_42 = arith.constant 0 : i32
    %dma_start3A_43 = tpu.memref_slice %arg2[%arg0, %mul3A_27, %multiple_of3A_26, %dma_start3A_42] : memref<2x96x384x384xf32, #tpu.memory_space<hbm>> -> memref<1x6x8x384xf32, #tpu.memory_space<hbm>>
    %dma_start3A_44 = tpu.memref_squeeze %dma_start3A_43 : memref<1x6x8x384xf32, #tpu.memory_space<hbm>> -> memref<6x8x384xf32, #tpu.memory_space<hbm>>
    tpu.enqueue_dma source(%dma_start3A_44 : memref<6x8x384xf32, #tpu.memory_space<hbm>>) target(%dma_start3A_41 : memref<6x8x384xf32, #tpu.memory_space<vmem>>) target_semaphore(%arg9 : memref<!tpu.dma_semaphore, #tpu.memory_space<semaphore_mem>>)
    %scan3A_45 = arith.constant 0 : i32
    %scan3A_46 = arith.constant 0 : i32
    %scan3A_47 = arith.constant 48 : i32
    %scan3A_48 = arith.addi %scan3A_46, %scan3A_47 : i32
    %scan3A_49 = arith.constant 1 : i32
    scf.for %scan3A_146 = %scan3A_46 to %scan3A_48 step %scan3A_49  : i32 {
      %rem3A = arith.constant 2 : i32
      %rem3A_147 = arith.remsi %scan3A_146, %rem3A : i32
      %add3A = arith.constant 1 : i32
      %add3A_148 = arith.addi %scan3A_146, %add3A : i32
      %lt3A = arith.constant 48 : i32
      %lt3A_149 = arith.cmpi slt, %add3A_148, %lt3A : i32
      %convert_element_type3A = arith.extui %lt3A_149 : i1 to i32
      %cond3A = arith.constant 0 : i32
      %cond3A_150 = arith.cmpi ne, %convert_element_type3A, %cond3A : i32
      scf.if %cond3A_150 {
        %add3A_194 = arith.constant 1 : i32
        %add3A_195 = arith.addi %scan3A_146, %add3A_194 : i32
        %sub3A = arith.constant 1 : i32
        %sub3A_196 = arith.subi %sub3A, %rem3A_147 : i32
        %mul3A_197 = arith.constant 8 : i32
        %mul3A_198 = arith.muli %add3A_195, %mul3A_197 : i32
        %multiple_of3A_199 = tpu.assume_multiple %mul3A_198, 8 : i32
        %dma_start3A_200 = arith.constant 0 : i32
        %dma_start3A_201 = arith.constant 0 : i32
        %dma_start3A_202 = arith.constant 0 : i32
        %dma_start3A_203 = tpu.memref_slice %arg6[%sub3A_196, %dma_start3A_200, %dma_start3A_201, %dma_start3A_202] : memref<2x4x8x384xi32, #tpu.memory_space<vmem>> -> memref<1x4x8x384xi32, #tpu.memory_space<vmem>>
        %dma_start3A_204 = tpu.memref_squeeze %dma_start3A_203 : memref<1x4x8x384xi32, #tpu.memory_space<vmem>> -> memref<4x8x384xi32, #tpu.memory_space<vmem>>
        %dma_start3A_205 = arith.constant 0 : i32
        %dma_start3A_206 = arith.constant 0 : i32
        %dma_start3A_207 = tpu.memref_slice %arg3[%arg0, %dma_start3A_205, %multiple_of3A_199, %dma_start3A_206] : memref<2x4x384x384xi32, #tpu.memory_space<hbm>> -> memref<1x4x8x384xi32, #tpu.memory_space<hbm>>
        %dma_start3A_208 = tpu.memref_squeeze %dma_start3A_207 : memref<1x4x8x384xi32, #tpu.memory_space<hbm>> -> memref<4x8x384xi32, #tpu.memory_space<hbm>>
        %dma_start3A_209 = arith.constant 0 : i32
        %dma_start3A_210 = arith.constant 0 : i32
        %dma_start3A_211 = arith.constant 0 : i32
        %dma_start3A_212 = tpu.memref_slice %arg6[%sub3A_196, %dma_start3A_209, %dma_start3A_210, %dma_start3A_211] : memref<2x4x8x384xi32, #tpu.memory_space<vmem>> -> memref<1x4x8x384xi32, #tpu.memory_space<vmem>>
        %dma_start3A_213 = tpu.memref_squeeze %dma_start3A_212 : memref<1x4x8x384xi32, #tpu.memory_space<vmem>> -> memref<4x8x384xi32, #tpu.memory_space<vmem>>
        %dma_start3A_214 = arith.constant 0 : i32
        %dma_start3A_215 = arith.constant 0 : i32
        %dma_start3A_216 = tpu.memref_slice %arg3[%arg0, %dma_start3A_214, %multiple_of3A_199, %dma_start3A_215] : memref<2x4x384x384xi32, #tpu.memory_space<hbm>> -> memref<1x4x8x384xi32, #tpu.memory_space<hbm>>
        %dma_start3A_217 = tpu.memref_squeeze %dma_start3A_216 : memref<1x4x8x384xi32, #tpu.memory_space<hbm>> -> memref<4x8x384xi32, #tpu.memory_space<hbm>>
        tpu.enqueue_dma source(%dma_start3A_217 : memref<4x8x384xi32, #tpu.memory_space<hbm>>) target(%dma_start3A_213 : memref<4x8x384xi32, #tpu.memory_space<vmem>>) target_semaphore(%arg8 : memref<!tpu.dma_semaphore, #tpu.memory_space<semaphore_mem>>)
        %add3A_218 = arith.constant 1 : i32
        %add3A_219 = arith.addi %scan3A_146, %add3A_218 : i32
        %sub3A_220 = arith.constant 1 : i32
        %sub3A_221 = arith.subi %sub3A_220, %rem3A_147 : i32
        %mul3A_222 = arith.constant 8 : i32
        %mul3A_223 = arith.muli %add3A_219, %mul3A_222 : i32
        %multiple_of3A_224 = tpu.assume_multiple %mul3A_223, 8 : i32
        %mul3A_225 = arith.constant 6 : i32
        %mul3A_226 = arith.muli %arg1, %mul3A_225 : i32
        %dma_start3A_227 = arith.constant 0 : i32
        %dma_start3A_228 = arith.constant 0 : i32
        %dma_start3A_229 = arith.constant 0 : i32
        %dma_start3A_230 = tpu.memref_slice %arg7[%sub3A_221, %dma_start3A_227, %dma_start3A_228, %dma_start3A_229] : memref<2x6x8x384xf32, #tpu.memory_space<vmem>> -> memref<1x6x8x384xf32, #tpu.memory_space<vmem>>
        %dma_start3A_231 = tpu.memref_squeeze %dma_start3A_230 : memref<1x6x8x384xf32, #tpu.memory_space<vmem>> -> memref<6x8x384xf32, #tpu.memory_space<vmem>>
        %dma_start3A_232 = arith.constant 0 : i32
        %dma_start3A_233 = tpu.memref_slice %arg2[%arg0, %mul3A_226, %multiple_of3A_224, %dma_start3A_232] : memref<2x96x384x384xf32, #tpu.memory_space<hbm>> -> memref<1x6x8x384xf32, #tpu.memory_space<hbm>>
        %dma_start3A_234 = tpu.memref_squeeze %dma_start3A_233 : memref<1x6x8x384xf32, #tpu.memory_space<hbm>> -> memref<6x8x384xf32, #tpu.memory_space<hbm>>
        %dma_start3A_235 = arith.constant 0 : i32
        %dma_start3A_236 = arith.constant 0 : i32
        %dma_start3A_237 = arith.constant 0 : i32
        %dma_start3A_238 = tpu.memref_slice %arg7[%sub3A_221, %dma_start3A_235, %dma_start3A_236, %dma_start3A_237] : memref<2x6x8x384xf32, #tpu.memory_space<vmem>> -> memref<1x6x8x384xf32, #tpu.memory_space<vmem>>
        %dma_start3A_239 = tpu.memref_squeeze %dma_start3A_238 : memref<1x6x8x384xf32, #tpu.memory_space<vmem>> -> memref<6x8x384xf32, #tpu.memory_space<vmem>>
        %dma_start3A_240 = arith.constant 0 : i32
        %dma_start3A_241 = tpu.memref_slice %arg2[%arg0, %mul3A_226, %multiple_of3A_224, %dma_start3A_240] : memref<2x96x384x384xf32, #tpu.memory_space<hbm>> -> memref<1x6x8x384xf32, #tpu.memory_space<hbm>>
        %dma_start3A_242 = tpu.memref_squeeze %dma_start3A_241 : memref<1x6x8x384xf32, #tpu.memory_space<hbm>> -> memref<6x8x384xf32, #tpu.memory_space<hbm>>
        tpu.enqueue_dma source(%dma_start3A_242 : memref<6x8x384xf32, #tpu.memory_space<hbm>>) target(%dma_start3A_239 : memref<6x8x384xf32, #tpu.memory_space<vmem>>) target_semaphore(%arg9 : memref<!tpu.dma_semaphore, #tpu.memory_space<semaphore_mem>>)
      } else {
      }
      %mul3A_151 = arith.constant 8 : i32
      %mul3A_152 = arith.muli %scan3A_146, %mul3A_151 : i32
      %multiple_of3A_153 = tpu.assume_multiple %mul3A_152, 8 : i32
      %dma_wait3A = arith.constant 0 : i32
      %dma_wait3A_154 = arith.constant 0 : i32
      %dma_wait3A_155 = arith.constant 0 : i32
      %dma_wait3A_156 = tpu.memref_slice %arg6[%rem3A_147, %dma_wait3A, %dma_wait3A_154, %dma_wait3A_155] : memref<2x4x8x384xi32, #tpu.memory_space<vmem>> -> memref<1x4x8x384xi32, #tpu.memory_space<vmem>>
      %dma_wait3A_157 = tpu.memref_squeeze %dma_wait3A_156 : memref<1x4x8x384xi32, #tpu.memory_space<vmem>> -> memref<4x8x384xi32, #tpu.memory_space<vmem>>
      %dma_wait3A_158 = arith.constant 0 : i32
      %dma_wait3A_159 = arith.constant 0 : i32
      %dma_wait3A_160 = tpu.memref_slice %arg3[%arg0, %dma_wait3A_158, %multiple_of3A_153, %dma_wait3A_159] : memref<2x4x384x384xi32, #tpu.memory_space<hbm>> -> memref<1x4x8x384xi32, #tpu.memory_space<hbm>>
      %dma_wait3A_161 = tpu.memref_squeeze %dma_wait3A_160 : memref<1x4x8x384xi32, #tpu.memory_space<hbm>> -> memref<4x8x384xi32, #tpu.memory_space<hbm>>
      %dma_wait3A_162 = arith.constant 0 : i32
      %dma_wait3A_163 = arith.constant 0 : i32
      %dma_wait3A_164 = arith.constant 0 : i32
      %dma_wait3A_165 = tpu.memref_slice %arg6[%rem3A_147, %dma_wait3A_162, %dma_wait3A_163, %dma_wait3A_164] : memref<2x4x8x384xi32, #tpu.memory_space<vmem>> -> memref<1x4x8x384xi32, #tpu.memory_space<vmem>>
      %dma_wait3A_166 = tpu.memref_squeeze %dma_wait3A_165 : memref<1x4x8x384xi32, #tpu.memory_space<vmem>> -> memref<4x8x384xi32, #tpu.memory_space<vmem>>
      %dma_wait3A_167 = arith.constant 0 : i32
      %dma_wait3A_168 = arith.constant 0 : i32
      %dma_wait3A_169 = tpu.memref_slice %arg3[%arg0, %dma_wait3A_167, %multiple_of3A_153, %dma_wait3A_168] : memref<2x4x384x384xi32, #tpu.memory_space<hbm>> -> memref<1x4x8x384xi32, #tpu.memory_space<hbm>>
      %dma_wait3A_170 = tpu.memref_squeeze %dma_wait3A_169 : memref<1x4x8x384xi32, #tpu.memory_space<hbm>> -> memref<4x8x384xi32, #tpu.memory_space<hbm>>
      tpu.wait_dma2 semaphore(%arg8 : memref<!tpu.dma_semaphore, #tpu.memory_space<semaphore_mem>>) src(%dma_wait3A_170 : memref<4x8x384xi32, #tpu.memory_space<hbm>>) dst(%dma_wait3A_166 : memref<4x8x384xi32, #tpu.memory_space<vmem>>)
      %mul3A_171 = arith.constant 8 : i32
      %mul3A_172 = arith.muli %scan3A_146, %mul3A_171 : i32
      %multiple_of3A_173 = tpu.assume_multiple %mul3A_172, 8 : i32
      %mul3A_174 = arith.constant 6 : i32
      %mul3A_175 = arith.muli %arg1, %mul3A_174 : i32
      %dma_wait3A_176 = arith.constant 0 : i32
      %dma_wait3A_177 = arith.constant 0 : i32
      %dma_wait3A_178 = arith.constant 0 : i32
      %dma_wait3A_179 = tpu.memref_slice %arg7[%rem3A_147, %dma_wait3A_176, %dma_wait3A_177, %dma_wait3A_178] : memref<2x6x8x384xf32, #tpu.memory_space<vmem>> -> memref<1x6x8x384xf32, #tpu.memory_space<vmem>>
      %dma_wait3A_180 = tpu.memref_squeeze %dma_wait3A_179 : memref<1x6x8x384xf32, #tpu.memory_space<vmem>> -> memref<6x8x384xf32, #tpu.memory_space<vmem>>
      %dma_wait3A_181 = arith.constant 0 : i32
      %dma_wait3A_182 = tpu.memref_slice %arg2[%arg0, %mul3A_175, %multiple_of3A_173, %dma_wait3A_181] : memref<2x96x384x384xf32, #tpu.memory_space<hbm>> -> memref<1x6x8x384xf32, #tpu.memory_space<hbm>>
      %dma_wait3A_183 = tpu.memref_squeeze %dma_wait3A_182 : memref<1x6x8x384xf32, #tpu.memory_space<hbm>> -> memref<6x8x384xf32, #tpu.memory_space<hbm>>
      %dma_wait3A_184 = arith.constant 0 : i32
      %dma_wait3A_185 = arith.constant 0 : i32
      %dma_wait3A_186 = arith.constant 0 : i32
      %dma_wait3A_187 = tpu.memref_slice %arg7[%rem3A_147, %dma_wait3A_184, %dma_wait3A_185, %dma_wait3A_186] : memref<2x6x8x384xf32, #tpu.memory_space<vmem>> -> memref<1x6x8x384xf32, #tpu.memory_space<vmem>>
      %dma_wait3A_188 = tpu.memref_squeeze %dma_wait3A_187 : memref<1x6x8x384xf32, #tpu.memory_space<vmem>> -> memref<6x8x384xf32, #tpu.memory_space<vmem>>
      %dma_wait3A_189 = arith.constant 0 : i32
      %dma_wait3A_190 = tpu.memref_slice %arg2[%arg0, %mul3A_175, %multiple_of3A_173, %dma_wait3A_189] : memref<2x96x384x384xf32, #tpu.memory_space<hbm>> -> memref<1x6x8x384xf32, #tpu.memory_space<hbm>>
      %dma_wait3A_191 = tpu.memref_squeeze %dma_wait3A_190 : memref<1x6x8x384xf32, #tpu.memory_space<hbm>> -> memref<6x8x384xf32, #tpu.memory_space<hbm>>
      tpu.wait_dma2 semaphore(%arg9 : memref<!tpu.dma_semaphore, #tpu.memory_space<semaphore_mem>>) src(%dma_wait3A_191 : memref<6x8x384xf32, #tpu.memory_space<hbm>>) dst(%dma_wait3A_188 : memref<6x8x384xf32, #tpu.memory_space<vmem>>)
      %parallel_loop3A = arith.constant 0 : i32
      %parallel_loop3A_192 = arith.constant 192 : i32
      %parallel_loop3A_193 = arith.constant 1 : i32
      scf.for %parallel_loop3A_194 = %parallel_loop3A to %parallel_loop3A_192 step %parallel_loop3A_193  : i32 {
        %parallel_loop3A_195 = arith.constant 24 : i32
        %parallel_loop3A_196 = arith.divsi %parallel_loop3A_194, %parallel_loop3A_195 : i32
        %parallel_loop3A_197 = arith.constant 0 : i32
        %parallel_loop3A_198 = arith.cmpi sgt, %parallel_loop3A_194, %parallel_loop3A_197 : i32
        %parallel_loop3A_199 = arith.extui %parallel_loop3A_198 : i1 to i32
        %parallel_loop3A_200 = arith.constant 0 : i32
        %parallel_loop3A_201 = arith.cmpi slt, %parallel_loop3A_194, %parallel_loop3A_200 : i32
        %parallel_loop3A_202 = arith.extui %parallel_loop3A_201 : i1 to i32
        %parallel_loop3A_203 = arith.subi %parallel_loop3A_199, %parallel_loop3A_202 : i32
        %parallel_loop3A_204 = arith.constant 0 : i32
        %parallel_loop3A_205 = arith.cmpi sgt, %parallel_loop3A_195, %parallel_loop3A_204 : i32
        %parallel_loop3A_206 = arith.extui %parallel_loop3A_205 : i1 to i32
        %parallel_loop3A_207 = arith.constant 0 : i32
        %parallel_loop3A_208 = arith.cmpi slt, %parallel_loop3A_195, %parallel_loop3A_207 : i32
        %parallel_loop3A_209 = arith.extui %parallel_loop3A_208 : i1 to i32
        %parallel_loop3A_210 = arith.subi %parallel_loop3A_206, %parallel_loop3A_209 : i32
        %parallel_loop3A_211 = arith.cmpi ne, %parallel_loop3A_203, %parallel_loop3A_210 : i32
        %parallel_loop3A_212 = arith.remsi %parallel_loop3A_194, %parallel_loop3A_195 : i32
        %parallel_loop3A_213 = arith.constant 0 : i32
        %parallel_loop3A_214 = arith.cmpi ne, %parallel_loop3A_212, %parallel_loop3A_213 : i32
        %parallel_loop3A_215 = arith.andi %parallel_loop3A_211, %parallel_loop3A_214 : i1
        %parallel_loop3A_216 = arith.constant 1 : i32
        %parallel_loop3A_217 = arith.subi %parallel_loop3A_196, %parallel_loop3A_216 : i32
        %parallel_loop3A_218 = arith.select %parallel_loop3A_215, %parallel_loop3A_217, %parallel_loop3A_196 : i32
        %parallel_loop3A_219 = arith.constant 24 : i32
        %parallel_loop3A_220 = arith.constant 0 : i32
        %parallel_loop3A_221 = arith.cmpi eq, %parallel_loop3A_219, %parallel_loop3A_220 : i32
        %parallel_loop3A_222 = arith.constant 1 : i32
        %parallel_loop3A_223 = arith.select %parallel_loop3A_221, %parallel_loop3A_222, %parallel_loop3A_219 : i32
        %parallel_loop3A_224 = arith.remsi %parallel_loop3A_194, %parallel_loop3A_223 : i32
        %parallel_loop3A_225 = arith.constant 0 : i32
        %parallel_loop3A_226 = arith.cmpi ne, %parallel_loop3A_224, %parallel_loop3A_225 : i32
        %parallel_loop3A_227 = arith.constant 0 : i32
        %parallel_loop3A_228 = arith.cmpi slt, %parallel_loop3A_224, %parallel_loop3A_227 : i32
        %parallel_loop3A_229 = arith.constant 0 : i32
        %parallel_loop3A_230 = arith.cmpi slt, %parallel_loop3A_223, %parallel_loop3A_229 : i32
        %parallel_loop3A_231 = arith.xori %parallel_loop3A_228, %parallel_loop3A_230 : i1
        %parallel_loop3A_232 = arith.andi %parallel_loop3A_231, %parallel_loop3A_226 : i1
        %parallel_loop3A_233 = arith.addi %parallel_loop3A_224, %parallel_loop3A_223 : i32
        %parallel_loop3A_234 = arith.select %parallel_loop3A_232, %parallel_loop3A_233, %parallel_loop3A_224 : i32
        %parallel_loop3A_235 = arith.constant 16 : i32
        %parallel_loop3A_236 = arith.muli %parallel_loop3A_234, %parallel_loop3A_235 : i32
        %parallel_loop3A_237 = tpu.assume_multiple %parallel_loop3A_236, 16 : i32
        %parallel_loop3A_238 = arith.constant 0 : i32
        %parallel_loop3A_239 = arith.constant 0 : i32
        %parallel_loop3A_240 = arith.constant 0 : i32
        %parallel_loop3A_241 = arith.constant 0 : i32
        %parallel_loop3A_242 = tpu.memref_slice %arg6[%rem3A_147, %parallel_loop3A_239, %parallel_loop3A_240, %parallel_loop3A_241] : memref<2x4x8x384xi32, #tpu.memory_space<vmem>> -> memref<1x4x8x384xi32, #tpu.memory_space<vmem>>
        %parallel_loop3A_243 = tpu.memref_squeeze %parallel_loop3A_242 : memref<1x4x8x384xi32, #tpu.memory_space<vmem>> -> memref<4x8x384xi32, #tpu.memory_space<vmem>>
        %parallel_loop3A_244 = arith.index_cast %parallel_loop3A_238 : i32 to index
        %parallel_loop3A_245 = arith.index_cast %parallel_loop3A_218 : i32 to index
        %parallel_loop3A_246 = arith.index_cast %parallel_loop3A_237 : i32 to index
        %parallel_loop3A_247 = tpu.vector_load %parallel_loop3A_243[%parallel_loop3A_244, %parallel_loop3A_245, %parallel_loop3A_246] {strides = array<i32>} : memref<4x8x384xi32, #tpu.memory_space<vmem>>, vector<16xi32>,
        %parallel_loop3A_248 = arith.constant 1 : i32
        %parallel_loop3A_249 = arith.constant 0 : i32
        %parallel_loop3A_250 = arith.constant 0 : i32
        %parallel_loop3A_251 = arith.constant 0 : i32
        %parallel_loop3A_252 = tpu.memref_slice %arg6[%rem3A_147, %parallel_loop3A_249, %parallel_loop3A_250, %parallel_loop3A_251] : memref<2x4x8x384xi32, #tpu.memory_space<vmem>> -> memref<1x4x8x384xi32, #tpu.memory_space<vmem>>
        %parallel_loop3A_253 = tpu.memref_squeeze %parallel_loop3A_252 : memref<1x4x8x384xi32, #tpu.memory_space<vmem>> -> memref<4x8x384xi32, #tpu.memory_space<vmem>>
        %parallel_loop3A_254 = arith.index_cast %parallel_loop3A_248 : i32 to index
        %parallel_loop3A_255 = arith.index_cast %parallel_loop3A_218 : i32 to index
        %parallel_loop3A_256 = arith.index_cast %parallel_loop3A_237 : i32 to index
        %parallel_loop3A_257 = tpu.vector_load %parallel_loop3A_253[%parallel_loop3A_254, %parallel_loop3A_255, %parallel_loop3A_256] {strides = array<i32>} : memref<4x8x384xi32, #tpu.memory_space<vmem>>, vector<16xi32>,
        %parallel_loop3A_258 = arith.constant 2 : i32
        %parallel_loop3A_259 = arith.constant 0 : i32
        %parallel_loop3A_260 = arith.constant 0 : i32
        %parallel_loop3A_261 = arith.constant 0 : i32
        %parallel_loop3A_262 = tpu.memref_slice %arg6[%rem3A_147, %parallel_loop3A_259, %parallel_loop3A_260, %parallel_loop3A_261] : memref<2x4x8x384xi32, #tpu.memory_space<vmem>> -> memref<1x4x8x384xi32, #tpu.memory_space<vmem>>
        %parallel_loop3A_263 = tpu.memref_squeeze %parallel_loop3A_262 : memref<1x4x8x384xi32, #tpu.memory_space<vmem>> -> memref<4x8x384xi32, #tpu.memory_space<vmem>>
        %parallel_loop3A_264 = arith.index_cast %parallel_loop3A_258 : i32 to index
        %parallel_loop3A_265 = arith.index_cast %parallel_loop3A_218 : i32 to index
        %parallel_loop3A_266 = arith.index_cast %parallel_loop3A_237 : i32 to index
        %parallel_loop3A_267 = tpu.vector_load %parallel_loop3A_263[%parallel_loop3A_264, %parallel_loop3A_265, %parallel_loop3A_266] {strides = array<i32>} : memref<4x8x384xi32, #tpu.memory_space<vmem>>, vector<16xi32>,
        %parallel_loop3A_268 = arith.constant 3 : i32
        %parallel_loop3A_269 = arith.constant 0 : i32
        %parallel_loop3A_270 = arith.constant 0 : i32
        %parallel_loop3A_271 = arith.constant 0 : i32
        %parallel_loop3A_272 = tpu.memref_slice %arg6[%rem3A_147, %parallel_loop3A_269, %parallel_loop3A_270, %parallel_loop3A_271] : memref<2x4x8x384xi32, #tpu.memory_space<vmem>> -> memref<1x4x8x384xi32, #tpu.memory_space<vmem>>
        %parallel_loop3A_273 = tpu.memref_squeeze %parallel_loop3A_272 : memref<1x4x8x384xi32, #tpu.memory_space<vmem>> -> memref<4x8x384xi32, #tpu.memory_space<vmem>>
        %parallel_loop3A_274 = arith.index_cast %parallel_loop3A_268 : i32 to index
        %parallel_loop3A_275 = arith.index_cast %parallel_loop3A_218 : i32 to index
        %parallel_loop3A_276 = arith.index_cast %parallel_loop3A_237 : i32 to index
        %parallel_loop3A_277 = tpu.vector_load %parallel_loop3A_273[%parallel_loop3A_274, %parallel_loop3A_275, %parallel_loop3A_276] {strides = array<i32>} : memref<4x8x384xi32, #tpu.memory_space<vmem>>, vector<16xi32>,
        %parallel_loop3A_278 = arith.constant 0 : i32
        %parallel_loop3A_279 = arith.constant 0 : i32
        %parallel_loop3A_280 = arith.constant 0 : i32
        %parallel_loop3A_281 = arith.constant 0 : i32
        %parallel_loop3A_282 = tpu.memref_slice %arg7[%rem3A_147, %parallel_loop3A_279, %parallel_loop3A_280, %parallel_loop3A_281] : memref<2x6x8x384xf32, #tpu.memory_space<vmem>> -> memref<1x6x8x384xf32, #tpu.memory_space<vmem>>
        %parallel_loop3A_283 = tpu.memref_squeeze %parallel_loop3A_282 : memref<1x6x8x384xf32, #tpu.memory_space<vmem>> -> memref<6x8x384xf32, #tpu.memory_space<vmem>>
        %parallel_loop3A_284 = arith.index_cast %parallel_loop3A_278 : i32 to index
        %parallel_loop3A_285 = arith.index_cast %parallel_loop3A_218 : i32 to index
        %parallel_loop3A_286 = arith.index_cast %parallel_loop3A_237 : i32 to index
        %parallel_loop3A_287 = tpu.vector_load %parallel_loop3A_283[%parallel_loop3A_284, %parallel_loop3A_285, %parallel_loop3A_286] {strides = array<i32>} : memref<6x8x384xf32, #tpu.memory_space<vmem>>, vector<16xf32>,
        %parallel_loop3A_288 = arith.constant 0 : i32
        %parallel_loop3A_289 = tpu.memref_slice %arg5[%parallel_loop3A_288] : memref<32768xf32, #tpu.memory_space<vmem>> -> memref<1024xf32, #tpu.memory_space<vmem>>
        tpu.vector_store_idx %parallel_loop3A_289[%parallel_loop3A_247], %parallel_loop3A_287 {add = true} : memref<1024xf32, #tpu.memory_space<vmem>>[vector<16xi32>], vector<16xf32>,
        %parallel_loop3A_290 = arith.constant 8192 : i32
        %parallel_loop3A_291 = tpu.memref_slice %arg5[%parallel_loop3A_290] : memref<32768xf32, #tpu.memory_space<vmem>> -> memref<1024xf32, #tpu.memory_space<vmem>>
        tpu.vector_store_idx %parallel_loop3A_291[%parallel_loop3A_257], %parallel_loop3A_287 {add = true} : memref<1024xf32, #tpu.memory_space<vmem>>[vector<16xi32>], vector<16xf32>,
        %parallel_loop3A_292 = arith.constant 16384 : i32
        %parallel_loop3A_293 = tpu.memref_slice %arg5[%parallel_loop3A_292] : memref<32768xf32, #tpu.memory_space<vmem>> -> memref<1024xf32, #tpu.memory_space<vmem>>
        tpu.vector_store_idx %parallel_loop3A_293[%parallel_loop3A_267], %parallel_loop3A_287 {add = true} : memref<1024xf32, #tpu.memory_space<vmem>>[vector<16xi32>], vector<16xf32>,
        %parallel_loop3A_294 = arith.constant 24576 : i32
        %parallel_loop3A_295 = tpu.memref_slice %arg5[%parallel_loop3A_294] : memref<32768xf32, #tpu.memory_space<vmem>> -> memref<1024xf32, #tpu.memory_space<vmem>>
        tpu.vector_store_idx %parallel_loop3A_295[%parallel_loop3A_277], %parallel_loop3A_287 {add = true} : memref<1024xf32, #tpu.memory_space<vmem>>[vector<16xi32>], vector<16xf32>,
        %parallel_loop3A_296 = arith.constant 1 : i32
        %parallel_loop3A_297 = arith.constant 0 : i32
        %parallel_loop3A_298 = arith.constant 0 : i32
        %parallel_loop3A_299 = arith.constant 0 : i32
        %parallel_loop3A_300 = tpu.memref_slice %arg7[%rem3A_147, %parallel_loop3A_297, %parallel_loop3A_298, %parallel_loop3A_299] : memref<2x6x8x384xf32, #tpu.memory_space<vmem>> -> memref<1x6x8x384xf32, #tpu.memory_space<vmem>>
        %parallel_loop3A_301 = tpu.memref_squeeze %parallel_loop3A_300 : memref<1x6x8x384xf32, #tpu.memory_space<vmem>> -> memref<6x8x384xf32, #tpu.memory_space<vmem>>
        %parallel_loop3A_302 = arith.index_cast %parallel_loop3A_296 : i32 to index
        %parallel_loop3A_303 = arith.index_cast %parallel_loop3A_218 : i32 to index
        %parallel_loop3A_304 = arith.index_cast %parallel_loop3A_237 : i32 to index
        %parallel_loop3A_305 = tpu.vector_load %parallel_loop3A_301[%parallel_loop3A_302, %parallel_loop3A_303, %parallel_loop3A_304] {strides = array<i32>} : memref<6x8x384xf32, #tpu.memory_space<vmem>>, vector<16xf32>,
        %parallel_loop3A_306 = arith.constant 1024 : i32
        %parallel_loop3A_307 = tpu.memref_slice %arg5[%parallel_loop3A_306] : memref<32768xf32, #tpu.memory_space<vmem>> -> memref<1024xf32, #tpu.memory_space<vmem>>
        tpu.vector_store_idx %parallel_loop3A_307[%parallel_loop3A_247], %parallel_loop3A_305 {add = true} : memref<1024xf32, #tpu.memory_space<vmem>>[vector<16xi32>], vector<16xf32>,
        %parallel_loop3A_308 = arith.constant 9216 : i32
        %parallel_loop3A_309 = tpu.memref_slice %arg5[%parallel_loop3A_308] : memref<32768xf32, #tpu.memory_space<vmem>> -> memref<1024xf32, #tpu.memory_space<vmem>>
        tpu.vector_store_idx %parallel_loop3A_309[%parallel_loop3A_257], %parallel_loop3A_305 {add = true} : memref<1024xf32, #tpu.memory_space<vmem>>[vector<16xi32>], vector<16xf32>,
        %parallel_loop3A_310 = arith.constant 17408 : i32
        %parallel_loop3A_311 = tpu.memref_slice %arg5[%parallel_loop3A_310] : memref<32768xf32, #tpu.memory_space<vmem>> -> memref<1024xf32, #tpu.memory_space<vmem>>
        tpu.vector_store_idx %parallel_loop3A_311[%parallel_loop3A_267], %parallel_loop3A_305 {add = true} : memref<1024xf32, #tpu.memory_space<vmem>>[vector<16xi32>], vector<16xf32>,
        %parallel_loop3A_312 = arith.constant 25600 : i32
        %parallel_loop3A_313 = tpu.memref_slice %arg5[%parallel_loop3A_312] : memref<32768xf32, #tpu.memory_space<vmem>> -> memref<1024xf32, #tpu.memory_space<vmem>>
        tpu.vector_store_idx %parallel_loop3A_313[%parallel_loop3A_277], %parallel_loop3A_305 {add = true} : memref<1024xf32, #tpu.memory_space<vmem>>[vector<16xi32>], vector<16xf32>,
        %parallel_loop3A_314 = arith.constant 2 : i32
        %parallel_loop3A_315 = arith.constant 0 : i32
        %parallel_loop3A_316 = arith.constant 0 : i32
        %parallel_loop3A_317 = arith.constant 0 : i32
        %parallel_loop3A_318 = tpu.memref_slice %arg7[%rem3A_147, %parallel_loop3A_315, %parallel_loop3A_316, %parallel_loop3A_317] : memref<2x6x8x384xf32, #tpu.memory_space<vmem>> -> memref<1x6x8x384xf32, #tpu.memory_space<vmem>>
        %parallel_loop3A_319 = tpu.memref_squeeze %parallel_loop3A_318 : memref<1x6x8x384xf32, #tpu.memory_space<vmem>> -> memref<6x8x384xf32, #tpu.memory_space<vmem>>
        %parallel_loop3A_320 = arith.index_cast %parallel_loop3A_314 : i32 to index
        %parallel_loop3A_321 = arith.index_cast %parallel_loop3A_218 : i32 to index
        %parallel_loop3A_322 = arith.index_cast %parallel_loop3A_237 : i32 to index
        %parallel_loop3A_323 = tpu.vector_load %parallel_loop3A_319[%parallel_loop3A_320, %parallel_loop3A_321, %parallel_loop3A_322] {strides = array<i32>} : memref<6x8x384xf32, #tpu.memory_space<vmem>>, vector<16xf32>,
        %parallel_loop3A_324 = arith.constant 2048 : i32
        %parallel_loop3A_325 = tpu.memref_slice %arg5[%parallel_loop3A_324] : memref<32768xf32, #tpu.memory_space<vmem>> -> memref<1024xf32, #tpu.memory_space<vmem>>
        tpu.vector_store_idx %parallel_loop3A_325[%parallel_loop3A_247], %parallel_loop3A_323 {add = true} : memref<1024xf32, #tpu.memory_space<vmem>>[vector<16xi32>], vector<16xf32>,
        %parallel_loop3A_326 = arith.constant 10240 : i32
        %parallel_loop3A_327 = tpu.memref_slice %arg5[%parallel_loop3A_326] : memref<32768xf32, #tpu.memory_space<vmem>> -> memref<1024xf32, #tpu.memory_space<vmem>>
        tpu.vector_store_idx %parallel_loop3A_327[%parallel_loop3A_257], %parallel_loop3A_323 {add = true} : memref<1024xf32, #tpu.memory_space<vmem>>[vector<16xi32>], vector<16xf32>,
        %parallel_loop3A_328 = arith.constant 18432 : i32
        %parallel_loop3A_329 = tpu.memref_slice %arg5[%parallel_loop3A_328] : memref<32768xf32, #tpu.memory_space<vmem>> -> memref<1024xf32, #tpu.memory_space<vmem>>
        tpu.vector_store_idx %parallel_loop3A_329[%parallel_loop3A_267], %parallel_loop3A_323 {add = true} : memref<1024xf32, #tpu.memory_space<vmem>>[vector<16xi32>], vector<16xf32>,
        %parallel_loop3A_330 = arith.constant 26624 : i32
        %parallel_loop3A_331 = tpu.memref_slice %arg5[%parallel_loop3A_330] : memref<32768xf32, #tpu.memory_space<vmem>> -> memref<1024xf32, #tpu.memory_space<vmem>>
        tpu.vector_store_idx %parallel_loop3A_331[%parallel_loop3A_277], %parallel_loop3A_323 {add = true} : memref<1024xf32, #tpu.memory_space<vmem>>[vector<16xi32>], vector<16xf32>,
        %parallel_loop3A_332 = arith.constant 3 : i32
        %parallel_loop3A_333 = arith.constant 0 : i32
        %parallel_loop3A_334 = arith.constant 0 : i32
        %parallel_loop3A_335 = arith.constant 0 : i32
        %parallel_loop3A_336 = tpu.memref_slice %arg7[%rem3A_147, %parallel_loop3A_333, %parallel_loop3A_334, %parallel_loop3A_335] : memref<2x6x8x384xf32, #tpu.memory_space<vmem>> -> memref<1x6x8x384xf32, #tpu.memory_space<vmem>>
        %parallel_loop3A_337 = tpu.memref_squeeze %parallel_loop3A_336 : memref<1x6x8x384xf32, #tpu.memory_space<vmem>> -> memref<6x8x384xf32, #tpu.memory_space<vmem>>
        %parallel_loop3A_338 = arith.index_cast %parallel_loop3A_332 : i32 to index
        %parallel_loop3A_339 = arith.index_cast %parallel_loop3A_218 : i32 to index
        %parallel_loop3A_340 = arith.index_cast %parallel_loop3A_237 : i32 to index
        %parallel_loop3A_341 = tpu.vector_load %parallel_loop3A_337[%parallel_loop3A_338, %parallel_loop3A_339, %parallel_loop3A_340] {strides = array<i32>} : memref<6x8x384xf32, #tpu.memory_space<vmem>>, vector<16xf32>,
        %parallel_loop3A_342 = arith.constant 3072 : i32
        %parallel_loop3A_343 = tpu.memref_slice %arg5[%parallel_loop3A_342] : memref<32768xf32, #tpu.memory_space<vmem>> -> memref<1024xf32, #tpu.memory_space<vmem>>
        tpu.vector_store_idx %parallel_loop3A_343[%parallel_loop3A_247], %parallel_loop3A_341 {add = true} : memref<1024xf32, #tpu.memory_space<vmem>>[vector<16xi32>], vector<16xf32>,
        %parallel_loop3A_344 = arith.constant 11264 : i32
        %parallel_loop3A_345 = tpu.memref_slice %arg5[%parallel_loop3A_344] : memref<32768xf32, #tpu.memory_space<vmem>> -> memref<1024xf32, #tpu.memory_space<vmem>>
        tpu.vector_store_idx %parallel_loop3A_345[%parallel_loop3A_257], %parallel_loop3A_341 {add = true} : memref<1024xf32, #tpu.memory_space<vmem>>[vector<16xi32>], vector<16xf32>,
        %parallel_loop3A_346 = arith.constant 19456 : i32
        %parallel_loop3A_347 = tpu.memref_slice %arg5[%parallel_loop3A_346] : memref<32768xf32, #tpu.memory_space<vmem>> -> memref<1024xf32, #tpu.memory_space<vmem>>
        tpu.vector_store_idx %parallel_loop3A_347[%parallel_loop3A_267], %parallel_loop3A_341 {add = true} : memref<1024xf32, #tpu.memory_space<vmem>>[vector<16xi32>], vector<16xf32>,
        %parallel_loop3A_348 = arith.constant 27648 : i32
        %parallel_loop3A_349 = tpu.memref_slice %arg5[%parallel_loop3A_348] : memref<32768xf32, #tpu.memory_space<vmem>> -> memref<1024xf32, #tpu.memory_space<vmem>>
        tpu.vector_store_idx %parallel_loop3A_349[%parallel_loop3A_277], %parallel_loop3A_341 {add = true} : memref<1024xf32, #tpu.memory_space<vmem>>[vector<16xi32>], vector<16xf32>,
        %parallel_loop3A_350 = arith.constant 4 : i32
        %parallel_loop3A_351 = arith.constant 0 : i32
        %parallel_loop3A_352 = arith.constant 0 : i32
        %parallel_loop3A_353 = arith.constant 0 : i32
        %parallel_loop3A_354 = tpu.memref_slice %arg7[%rem3A_147, %parallel_loop3A_351, %parallel_loop3A_352, %parallel_loop3A_353] : memref<2x6x8x384xf32, #tpu.memory_space<vmem>> -> memref<1x6x8x384xf32, #tpu.memory_space<vmem>>
        %parallel_loop3A_355 = tpu.memref_squeeze %parallel_loop3A_354 : memref<1x6x8x384xf32, #tpu.memory_space<vmem>> -> memref<6x8x384xf32, #tpu.memory_space<vmem>>
        %parallel_loop3A_356 = arith.index_cast %parallel_loop3A_350 : i32 to index
        %parallel_loop3A_357 = arith.index_cast %parallel_loop3A_218 : i32 to index
        %parallel_loop3A_358 = arith.index_cast %parallel_loop3A_237 : i32 to index
        %parallel_loop3A_359 = tpu.vector_load %parallel_loop3A_355[%parallel_loop3A_356, %parallel_loop3A_357, %parallel_loop3A_358] {strides = array<i32>} : memref<6x8x384xf32, #tpu.memory_space<vmem>>, vector<16xf32>,
        %parallel_loop3A_360 = arith.constant 4096 : i32
        %parallel_loop3A_361 = tpu.memref_slice %arg5[%parallel_loop3A_360] : memref<32768xf32, #tpu.memory_space<vmem>> -> memref<1024xf32, #tpu.memory_space<vmem>>
        tpu.vector_store_idx %parallel_loop3A_361[%parallel_loop3A_247], %parallel_loop3A_359 {add = true} : memref<1024xf32, #tpu.memory_space<vmem>>[vector<16xi32>], vector<16xf32>,
        %parallel_loop3A_362 = arith.constant 12288 : i32
        %parallel_loop3A_363 = tpu.memref_slice %arg5[%parallel_loop3A_362] : memref<32768xf32, #tpu.memory_space<vmem>> -> memref<1024xf32, #tpu.memory_space<vmem>>
        tpu.vector_store_idx %parallel_loop3A_363[%parallel_loop3A_257], %parallel_loop3A_359 {add = true} : memref<1024xf32, #tpu.memory_space<vmem>>[vector<16xi32>], vector<16xf32>,
        %parallel_loop3A_364 = arith.constant 20480 : i32
        %parallel_loop3A_365 = tpu.memref_slice %arg5[%parallel_loop3A_364] : memref<32768xf32, #tpu.memory_space<vmem>> -> memref<1024xf32, #tpu.memory_space<vmem>>
        tpu.vector_store_idx %parallel_loop3A_365[%parallel_loop3A_267], %parallel_loop3A_359 {add = true} : memref<1024xf32, #tpu.memory_space<vmem>>[vector<16xi32>], vector<16xf32>,
        %parallel_loop3A_366 = arith.constant 28672 : i32
        %parallel_loop3A_367 = tpu.memref_slice %arg5[%parallel_loop3A_366] : memref<32768xf32, #tpu.memory_space<vmem>> -> memref<1024xf32, #tpu.memory_space<vmem>>
        tpu.vector_store_idx %parallel_loop3A_367[%parallel_loop3A_277], %parallel_loop3A_359 {add = true} : memref<1024xf32, #tpu.memory_space<vmem>>[vector<16xi32>], vector<16xf32>,
        %parallel_loop3A_368 = arith.constant 5 : i32
        %parallel_loop3A_369 = arith.constant 0 : i32
        %parallel_loop3A_370 = arith.constant 0 : i32
        %parallel_loop3A_371 = arith.constant 0 : i32
        %parallel_loop3A_372 = tpu.memref_slice %arg7[%rem3A_147, %parallel_loop3A_369, %parallel_loop3A_370, %parallel_loop3A_371] : memref<2x6x8x384xf32, #tpu.memory_space<vmem>> -> memref<1x6x8x384xf32, #tpu.memory_space<vmem>>
        %parallel_loop3A_373 = tpu.memref_squeeze %parallel_loop3A_372 : memref<1x6x8x384xf32, #tpu.memory_space<vmem>> -> memref<6x8x384xf32, #tpu.memory_space<vmem>>
        %parallel_loop3A_374 = arith.index_cast %parallel_loop3A_368 : i32 to index
        %parallel_loop3A_375 = arith.index_cast %parallel_loop3A_218 : i32 to index
        %parallel_loop3A_376 = arith.index_cast %parallel_loop3A_237 : i32 to index
        %parallel_loop3A_377 = tpu.vector_load %parallel_loop3A_373[%parallel_loop3A_374, %parallel_loop3A_375, %parallel_loop3A_376] {strides = array<i32>} : memref<6x8x384xf32, #tpu.memory_space<vmem>>, vector<16xf32>,
        %parallel_loop3A_378 = arith.constant 5120 : i32
        %parallel_loop3A_379 = tpu.memref_slice %arg5[%parallel_loop3A_378] : memref<32768xf32, #tpu.memory_space<vmem>> -> memref<1024xf32, #tpu.memory_space<vmem>>
        tpu.vector_store_idx %parallel_loop3A_379[%parallel_loop3A_247], %parallel_loop3A_377 {add = true} : memref<1024xf32, #tpu.memory_space<vmem>>[vector<16xi32>], vector<16xf32>,
        %parallel_loop3A_380 = arith.constant 13312 : i32
        %parallel_loop3A_381 = tpu.memref_slice %arg5[%parallel_loop3A_380] : memref<32768xf32, #tpu.memory_space<vmem>> -> memref<1024xf32, #tpu.memory_space<vmem>>
        tpu.vector_store_idx %parallel_loop3A_381[%parallel_loop3A_257], %parallel_loop3A_377 {add = true} : memref<1024xf32, #tpu.memory_space<vmem>>[vector<16xi32>], vector<16xf32>,
        %parallel_loop3A_382 = arith.constant 21504 : i32
        %parallel_loop3A_383 = tpu.memref_slice %arg5[%parallel_loop3A_382] : memref<32768xf32, #tpu.memory_space<vmem>> -> memref<1024xf32, #tpu.memory_space<vmem>>
        tpu.vector_store_idx %parallel_loop3A_383[%parallel_loop3A_267], %parallel_loop3A_377 {add = true} : memref<1024xf32, #tpu.memory_space<vmem>>[vector<16xi32>], vector<16xf32>,
        %parallel_loop3A_384 = arith.constant 29696 : i32
        %parallel_loop3A_385 = tpu.memref_slice %arg5[%parallel_loop3A_384] : memref<32768xf32, #tpu.memory_space<vmem>> -> memref<1024xf32, #tpu.memory_space<vmem>>
        tpu.vector_store_idx %parallel_loop3A_385[%parallel_loop3A_277], %parallel_loop3A_377 {add = true} : memref<1024xf32, #tpu.memory_space<vmem>>[vector<16xi32>], vector<16xf32>,
      } {sc.loop_unroll_factor = 4 : i64, sc.parallel_access}
    }
    %scan3A_50 = arith.constant 48 : i32
    %run_scoped3A = arith.constant 0 : i32
    %run_scoped3A_51 = arith.constant 0 : i32
    %run_scoped3A_52 = arith.constant 0 : i32
    "tpu.region"() ({
      %run_scoped3A_146 = tpu.sem_alloc : memref<!tpu.dma_semaphore, #tpu.memory_space<semaphore_mem>>
      %dma_start3A_147 = arith.constant 0 : i32
      %dma_start3A_148 = tpu.memref_slice %arg5[%dma_start3A_147] : memref<32768xf32, #tpu.memory_space<vmem>> -> memref<1024xf32, #tpu.memory_space<vmem>>
      %dma_start3A_149 = arith.constant 0 : i32
      %dma_start3A_150 = tpu.memref_slice %arg4[%arg0, %run_scoped3A, %arg1, %run_scoped3A_51, %run_scoped3A_52, %dma_start3A_149] : memref<2x4x16x8x1x1024xf32, #tpu.memory_space<hbm>> -> memref<1x1x1x1x1x1024xf32, #tpu.memory_space<hbm>>
      %dma_start3A_151 = tpu.memref_squeeze %dma_start3A_150 : memref<1x1x1x1x1x1024xf32, #tpu.memory_space<hbm>> -> memref<1024xf32, #tpu.memory_space<hbm>>
      %dma_start3A_152 = arith.constant 0 : i32
      %dma_start3A_153 = tpu.memref_slice %arg4[%arg0, %run_scoped3A, %arg1, %run_scoped3A_51, %run_scoped3A_52, %dma_start3A_152] : memref<2x4x16x8x1x1024xf32, #tpu.memory_space<hbm>> -> memref<1x1x1x1x1x1024xf32, #tpu.memory_space<hbm>>
      %dma_start3A_154 = tpu.memref_squeeze %dma_start3A_153 : memref<1x1x1x1x1x1024xf32, #tpu.memory_space<hbm>> -> memref<1024xf32, #tpu.memory_space<hbm>>
      %dma_start3A_155 = arith.constant 0 : i32
      %dma_start3A_156 = tpu.memref_slice %arg5[%dma_start3A_155] : memref<32768xf32, #tpu.memory_space<vmem>> -> memref<1024xf32, #tpu.memory_space<vmem>>
      tpu.enqueue_dma source(%dma_start3A_156 : memref<1024xf32, #tpu.memory_space<vmem>>) target(%dma_start3A_154 : memref<1024xf32, #tpu.memory_space<hbm>>) target_semaphore(%run_scoped3A_146 : memref<!tpu.dma_semaphore, #tpu.memory_space<semaphore_mem>>)
      %dma_wait3A = arith.constant 0 : i32
      %dma_wait3A_157 = tpu.memref_slice %arg5[%dma_wait3A] : memref<32768xf32, #tpu.memory_space<vmem>> -> memref<1024xf32, #tpu.memory_space<vmem>>
      %dma_wait3A_158 = arith.constant 0 : i32
      %dma_wait3A_159 = tpu.memref_slice %arg4[%arg0, %run_scoped3A, %arg1, %run_scoped3A_51, %run_scoped3A_52, %dma_wait3A_158] : memref<2x4x16x8x1x1024xf32, #tpu.memory_space<hbm>> -> memref<1x1x1x1x1x1024xf32, #tpu.memory_space<hbm>>
      %dma_wait3A_160 = tpu.memref_squeeze %dma_wait3A_159 : memref<1x1x1x1x1x1024xf32, #tpu.memory_space<hbm>> -> memref<1024xf32, #tpu.memory_space<hbm>>
      %dma_wait3A_161 = arith.constant 0 : i32
      %dma_wait3A_162 = tpu.memref_slice %arg4[%arg0, %run_scoped3A, %arg1, %run_scoped3A_51, %run_scoped3A_52, %dma_wait3A_161] : memref<2x4x16x8x1x1024xf32, #tpu.memory_space<hbm>> -> memref<1x1x1x1x1x1024xf32, #tpu.memory_space<hbm>>
      %dma_wait3A_163 = tpu.memref_squeeze %dma_wait3A_162 : memref<1x1x1x1x1x1024xf32, #tpu.memory_space<hbm>> -> memref<1024xf32, #tpu.memory_space<hbm>>
      %dma_wait3A_164 = arith.constant 0 : i32
      %dma_wait3A_165 = tpu.memref_slice %arg5[%dma_wait3A_164] : memref<32768xf32, #tpu.memory_space<vmem>> -> memref<1024xf32, #tpu.memory_space<vmem>>
      tpu.wait_dma2 semaphore(%run_scoped3A_146 : memref<!tpu.dma_semaphore, #tpu.memory_space<semaphore_mem>>) src(%dma_wait3A_165 : memref<1024xf32, #tpu.memory_space<vmem>>) dst(%dma_wait3A_163 : memref<1024xf32, #tpu.memory_space<hbm>>)
      tpu.yield
    }) : () -> ()
    %run_scoped3A_53 = arith.constant 0 : i32
    %run_scoped3A_54 = arith.constant 1 : i32
    %run_scoped3A_55 = arith.constant 0 : i32
    "tpu.region"() ({
      %run_scoped3A_146 = tpu.sem_alloc : memref<!tpu.dma_semaphore, #tpu.memory_space<semaphore_mem>>
      %dma_start3A_147 = arith.constant 1024 : i32
      %dma_start3A_148 = tpu.memref_slice %arg5[%dma_start3A_147] : memref<32768xf32, #tpu.memory_space<vmem>> -> memref<1024xf32, #tpu.memory_space<vmem>>
      %dma_start3A_149 = arith.constant 0 : i32
      %dma_start3A_150 = tpu.memref_slice %arg4[%arg0, %run_scoped3A_53, %arg1, %run_scoped3A_54, %run_scoped3A_55, %dma_start3A_149] : memref<2x4x16x8x1x1024xf32, #tpu.memory_space<hbm>> -> memref<1x1x1x1x1x1024xf32, #tpu.memory_space<hbm>>
      %dma_start3A_151 = tpu.memref_squeeze %dma_start3A_150 : memref<1x1x1x1x1x1024xf32, #tpu.memory_space<hbm>> -> memref<1024xf32, #tpu.memory_space<hbm>>
      %dma_start3A_152 = arith.constant 0 : i32
      %dma_start3A_153 = tpu.memref_slice %arg4[%arg0, %run_scoped3A_53, %arg1, %run_scoped3A_54, %run_scoped3A_55, %dma_start3A_152] : memref<2x4x16x8x1x1024xf32, #tpu.memory_space<hbm>> -> memref<1x1x1x1x1x1024xf32, #tpu.memory_space<hbm>>
      %dma_start3A_154 = tpu.memref_squeeze %dma_start3A_153 : memref<1x1x1x1x1x1024xf32, #tpu.memory_space<hbm>> -> memref<1024xf32, #tpu.memory_space<hbm>>
      %dma_start3A_155 = arith.constant 1024 : i32
      %dma_start3A_156 = tpu.memref_slice %arg5[%dma_start3A_155] : memref<32768xf32, #tpu.memory_space<vmem>> -> memref<1024xf32, #tpu.memory_space<vmem>>
      tpu.enqueue_dma source(%dma_start3A_156 : memref<1024xf32, #tpu.memory_space<vmem>>) target(%dma_start3A_154 : memref<1024xf32, #tpu.memory_space<hbm>>) target_semaphore(%run_scoped3A_146 : memref<!tpu.dma_semaphore, #tpu.memory_space<semaphore_mem>>)
      %dma_wait3A = arith.constant 1024 : i32
      %dma_wait3A_157 = tpu.memref_slice %arg5[%dma_wait3A] : memref<32768xf32, #tpu.memory_space<vmem>> -> memref<1024xf32, #tpu.memory_space<vmem>>
      %dma_wait3A_158 = arith.constant 0 : i32
      %dma_wait3A_159 = tpu.memref_slice %arg4[%arg0, %run_scoped3A_53, %arg1, %run_scoped3A_54, %run_scoped3A_55, %dma_wait3A_158] : memref<2x4x16x8x1x1024xf32, #tpu.memory_space<hbm>> -> memref<1x1x1x1x1x1024xf32, #tpu.memory_space<hbm>>
      %dma_wait3A_160 = tpu.memref_squeeze %dma_wait3A_159 : memref<1x1x1x1x1x1024xf32, #tpu.memory_space<hbm>> -> memref<1024xf32, #tpu.memory_space<hbm>>
      %dma_wait3A_161 = arith.constant 0 : i32
      %dma_wait3A_162 = tpu.memref_slice %arg4[%arg0, %run_scoped3A_53, %arg1, %run_scoped3A_54, %run_scoped3A_55, %dma_wait3A_161] : memref<2x4x16x8x1x1024xf32, #tpu.memory_space<hbm>> -> memref<1x1x1x1x1x1024xf32, #tpu.memory_space<hbm>>
      %dma_wait3A_163 = tpu.memref_squeeze %dma_wait3A_162 : memref<1x1x1x1x1x1024xf32, #tpu.memory_space<hbm>> -> memref<1024xf32, #tpu.memory_space<hbm>>
      %dma_wait3A_164 = arith.constant 1024 : i32
      %dma_wait3A_165 = tpu.memref_slice %arg5[%dma_wait3A_164] : memref<32768xf32, #tpu.memory_space<vmem>> -> memref<1024xf32, #tpu.memory_space<vmem>>
      tpu.wait_dma2 semaphore(%run_scoped3A_146 : memref<!tpu.dma_semaphore, #tpu.memory_space<semaphore_mem>>) src(%dma_wait3A_165 : memref<1024xf32, #tpu.memory_space<vmem>>) dst(%dma_wait3A_163 : memref<1024xf32, #tpu.memory_space<hbm>>)
      tpu.yield
    }) : () -> ()
    %run_scoped3A_56 = arith.constant 0 : i32
    %run_scoped3A_57 = arith.constant 2 : i32
    %run_scoped3A_58 = arith.constant 0 : i32
    "tpu.region"() ({
      %run_scoped3A_146 = tpu.sem_alloc : memref<!tpu.dma_semaphore, #tpu.memory_space<semaphore_mem>>
      %dma_start3A_147 = arith.constant 2048 : i32
      %dma_start3A_148 = tpu.memref_slice %arg5[%dma_start3A_147] : memref<32768xf32, #tpu.memory_space<vmem>> -> memref<1024xf32, #tpu.memory_space<vmem>>
      %dma_start3A_149 = arith.constant 0 : i32
      %dma_start3A_150 = tpu.memref_slice %arg4[%arg0, %run_scoped3A_56, %arg1, %run_scoped3A_57, %run_scoped3A_58, %dma_start3A_149] : memref<2x4x16x8x1x1024xf32, #tpu.memory_space<hbm>> -> memref<1x1x1x1x1x1024xf32, #tpu.memory_space<hbm>>
      %dma_start3A_151 = tpu.memref_squeeze %dma_start3A_150 : memref<1x1x1x1x1x1024xf32, #tpu.memory_space<hbm>> -> memref<1024xf32, #tpu.memory_space<hbm>>
      %dma_start3A_152 = arith.constant 0 : i32
      %dma_start3A_153 = tpu.memref_slice %arg4[%arg0, %run_scoped3A_56, %arg1, %run_scoped3A_57, %run_scoped3A_58, %dma_start3A_152] : memref<2x4x16x8x1x1024xf32, #tpu.memory_space<hbm>> -> memref<1x1x1x1x1x1024xf32, #tpu.memory_space<hbm>>
      %dma_start3A_154 = tpu.memref_squeeze %dma_start3A_153 : memref<1x1x1x1x1x1024xf32, #tpu.memory_space<hbm>> -> memref<1024xf32, #tpu.memory_space<hbm>>
      %dma_start3A_155 = arith.constant 2048 : i32
      %dma_start3A_156 = tpu.memref_slice %arg5[%dma_start3A_155] : memref<32768xf32, #tpu.memory_space<vmem>> -> memref<1024xf32, #tpu.memory_space<vmem>>
      tpu.enqueue_dma source(%dma_start3A_156 : memref<1024xf32, #tpu.memory_space<vmem>>) target(%dma_start3A_154 : memref<1024xf32, #tpu.memory_space<hbm>>) target_semaphore(%run_scoped3A_146 : memref<!tpu.dma_semaphore, #tpu.memory_space<semaphore_mem>>)
      %dma_wait3A = arith.constant 2048 : i32
      %dma_wait3A_157 = tpu.memref_slice %arg5[%dma_wait3A] : memref<32768xf32, #tpu.memory_space<vmem>> -> memref<1024xf32, #tpu.memory_space<vmem>>
      %dma_wait3A_158 = arith.constant 0 : i32
      %dma_wait3A_159 = tpu.memref_slice %arg4[%arg0, %run_scoped3A_56, %arg1, %run_scoped3A_57, %run_scoped3A_58, %dma_wait3A_158] : memref<2x4x16x8x1x1024xf32, #tpu.memory_space<hbm>> -> memref<1x1x1x1x1x1024xf32, #tpu.memory_space<hbm>>
      %dma_wait3A_160 = tpu.memref_squeeze %dma_wait3A_159 : memref<1x1x1x1x1x1024xf32, #tpu.memory_space<hbm>> -> memref<1024xf32, #tpu.memory_space<hbm>>
      %dma_wait3A_161 = arith.constant 0 : i32
      %dma_wait3A_162 = tpu.memref_slice %arg4[%arg0, %run_scoped3A_56, %arg1, %run_scoped3A_57, %run_scoped3A_58, %dma_wait3A_161] : memref<2x4x16x8x1x1024xf32, #tpu.memory_space<hbm>> -> memref<1x1x1x1x1x1024xf32, #tpu.memory_space<hbm>>
      %dma_wait3A_163 = tpu.memref_squeeze %dma_wait3A_162 : memref<1x1x1x1x1x1024xf32, #tpu.memory_space<hbm>> -> memref<1024xf32, #tpu.memory_space<hbm>>
      %dma_wait3A_164 = arith.constant 2048 : i32
      %dma_wait3A_165 = tpu.memref_slice %arg5[%dma_wait3A_164] : memref<32768xf32, #tpu.memory_space<vmem>> -> memref<1024xf32, #tpu.memory_space<vmem>>
      tpu.wait_dma2 semaphore(%run_scoped3A_146 : memref<!tpu.dma_semaphore, #tpu.memory_space<semaphore_mem>>) src(%dma_wait3A_165 : memref<1024xf32, #tpu.memory_space<vmem>>) dst(%dma_wait3A_163 : memref<1024xf32, #tpu.memory_space<hbm>>)
      tpu.yield
    }) : () -> ()
    %run_scoped3A_59 = arith.constant 0 : i32
    %run_scoped3A_60 = arith.constant 3 : i32
    %run_scoped3A_61 = arith.constant 0 : i32
    "tpu.region"() ({
      %run_scoped3A_146 = tpu.sem_alloc : memref<!tpu.dma_semaphore, #tpu.memory_space<semaphore_mem>>
      %dma_start3A_147 = arith.constant 3072 : i32
      %dma_start3A_148 = tpu.memref_slice %arg5[%dma_start3A_147] : memref<32768xf32, #tpu.memory_space<vmem>> -> memref<1024xf32, #tpu.memory_space<vmem>>
      %dma_start3A_149 = arith.constant 0 : i32
      %dma_start3A_150 = tpu.memref_slice %arg4[%arg0, %run_scoped3A_59, %arg1, %run_scoped3A_60, %run_scoped3A_61, %dma_start3A_149] : memref<2x4x16x8x1x1024xf32, #tpu.memory_space<hbm>> -> memref<1x1x1x1x1x1024xf32, #tpu.memory_space<hbm>>
      %dma_start3A_151 = tpu.memref_squeeze %dma_start3A_150 : memref<1x1x1x1x1x1024xf32, #tpu.memory_space<hbm>> -> memref<1024xf32, #tpu.memory_space<hbm>>
      %dma_start3A_152 = arith.constant 0 : i32
      %dma_start3A_153 = tpu.memref_slice %arg4[%arg0, %run_scoped3A_59, %arg1, %run_scoped3A_60, %run_scoped3A_61, %dma_start3A_152] : memref<2x4x16x8x1x1024xf32, #tpu.memory_space<hbm>> -> memref<1x1x1x1x1x1024xf32, #tpu.memory_space<hbm>>
      %dma_start3A_154 = tpu.memref_squeeze %dma_start3A_153 : memref<1x1x1x1x1x1024xf32, #tpu.memory_space<hbm>> -> memref<1024xf32, #tpu.memory_space<hbm>>
      %dma_start3A_155 = arith.constant 3072 : i32
      %dma_start3A_156 = tpu.memref_slice %arg5[%dma_start3A_155] : memref<32768xf32, #tpu.memory_space<vmem>> -> memref<1024xf32, #tpu.memory_space<vmem>>
      tpu.enqueue_dma source(%dma_start3A_156 : memref<1024xf32, #tpu.memory_space<vmem>>) target(%dma_start3A_154 : memref<1024xf32, #tpu.memory_space<hbm>>) target_semaphore(%run_scoped3A_146 : memref<!tpu.dma_semaphore, #tpu.memory_space<semaphore_mem>>)
      %dma_wait3A = arith.constant 3072 : i32
      %dma_wait3A_157 = tpu.memref_slice %arg5[%dma_wait3A] : memref<32768xf32, #tpu.memory_space<vmem>> -> memref<1024xf32, #tpu.memory_space<vmem>>
      %dma_wait3A_158 = arith.constant 0 : i32
      %dma_wait3A_159 = tpu.memref_slice %arg4[%arg0, %run_scoped3A_59, %arg1, %run_scoped3A_60, %run_scoped3A_61, %dma_wait3A_158] : memref<2x4x16x8x1x1024xf32, #tpu.memory_space<hbm>> -> memref<1x1x1x1x1x1024xf32, #tpu.memory_space<hbm>>
      %dma_wait3A_160 = tpu.memref_squeeze %dma_wait3A_159 : memref<1x1x1x1x1x1024xf32, #tpu.memory_space<hbm>> -> memref<1024xf32, #tpu.memory_space<hbm>>
      %dma_wait3A_161 = arith.constant 0 : i32
      %dma_wait3A_162 = tpu.memref_slice %arg4[%arg0, %run_scoped3A_59, %arg1, %run_scoped3A_60, %run_scoped3A_61, %dma_wait3A_161] : memref<2x4x16x8x1x1024xf32, #tpu.memory_space<hbm>> -> memref<1x1x1x1x1x1024xf32, #tpu.memory_space<hbm>>
      %dma_wait3A_163 = tpu.memref_squeeze %dma_wait3A_162 : memref<1x1x1x1x1x1024xf32, #tpu.memory_space<hbm>> -> memref<1024xf32, #tpu.memory_space<hbm>>
      %dma_wait3A_164 = arith.constant 3072 : i32
      %dma_wait3A_165 = tpu.memref_slice %arg5[%dma_wait3A_164] : memref<32768xf32, #tpu.memory_space<vmem>> -> memref<1024xf32, #tpu.memory_space<vmem>>
      tpu.wait_dma2 semaphore(%run_scoped3A_146 : memref<!tpu.dma_semaphore, #tpu.memory_space<semaphore_mem>>) src(%dma_wait3A_165 : memref<1024xf32, #tpu.memory_space<vmem>>) dst(%dma_wait3A_163 : memref<1024xf32, #tpu.memory_space<hbm>>)
      tpu.yield
    }) : () -> ()
    %run_scoped3A_62 = arith.constant 0 : i32
    %run_scoped3A_63 = arith.constant 4 : i32
    %run_scoped3A_64 = arith.constant 0 : i32
    "tpu.region"() ({
      %run_scoped3A_146 = tpu.sem_alloc : memref<!tpu.dma_semaphore, #tpu.memory_space<semaphore_mem>>
      %dma_start3A_147 = arith.constant 4096 : i32
      %dma_start3A_148 = tpu.memref_slice %arg5[%dma_start3A_147] : memref<32768xf32, #tpu.memory_space<vmem>> -> memref<1024xf32, #tpu.memory_space<vmem>>
      %dma_start3A_149 = arith.constant 0 : i32
      %dma_start3A_150 = tpu.memref_slice %arg4[%arg0, %run_scoped3A_62, %arg1, %run_scoped3A_63, %run_scoped3A_64, %dma_start3A_149] : memref<2x4x16x8x1x1024xf32, #tpu.memory_space<hbm>> -> memref<1x1x1x1x1x1024xf32, #tpu.memory_space<hbm>>
      %dma_start3A_151 = tpu.memref_squeeze %dma_start3A_150 : memref<1x1x1x1x1x1024xf32, #tpu.memory_space<hbm>> -> memref<1024xf32, #tpu.memory_space<hbm>>
      %dma_start3A_152 = arith.constant 0 : i32
      %dma_start3A_153 = tpu.memref_slice %arg4[%arg0, %run_scoped3A_62, %arg1, %run_scoped3A_63, %run_scoped3A_64, %dma_start3A_152] : memref<2x4x16x8x1x1024xf32, #tpu.memory_space<hbm>> -> memref<1x1x1x1x1x1024xf32, #tpu.memory_space<hbm>>
      %dma_start3A_154 = tpu.memref_squeeze %dma_start3A_153 : memref<1x1x1x1x1x1024xf32, #tpu.memory_space<hbm>> -> memref<1024xf32, #tpu.memory_space<hbm>>
      %dma_start3A_155 = arith.constant 4096 : i32
      %dma_start3A_156 = tpu.memref_slice %arg5[%dma_start3A_155] : memref<32768xf32, #tpu.memory_space<vmem>> -> memref<1024xf32, #tpu.memory_space<vmem>>
      tpu.enqueue_dma source(%dma_start3A_156 : memref<1024xf32, #tpu.memory_space<vmem>>) target(%dma_start3A_154 : memref<1024xf32, #tpu.memory_space<hbm>>) target_semaphore(%run_scoped3A_146 : memref<!tpu.dma_semaphore, #tpu.memory_space<semaphore_mem>>)
      %dma_wait3A = arith.constant 4096 : i32
      %dma_wait3A_157 = tpu.memref_slice %arg5[%dma_wait3A] : memref<32768xf32, #tpu.memory_space<vmem>> -> memref<1024xf32, #tpu.memory_space<vmem>>
      %dma_wait3A_158 = arith.constant 0 : i32
      %dma_wait3A_159 = tpu.memref_slice %arg4[%arg0, %run_scoped3A_62, %arg1, %run_scoped3A_63, %run_scoped3A_64, %dma_wait3A_158] : memref<2x4x16x8x1x1024xf32, #tpu.memory_space<hbm>> -> memref<1x1x1x1x1x1024xf32, #tpu.memory_space<hbm>>
      %dma_wait3A_160 = tpu.memref_squeeze %dma_wait3A_159 : memref<1x1x1x1x1x1024xf32, #tpu.memory_space<hbm>> -> memref<1024xf32, #tpu.memory_space<hbm>>
      %dma_wait3A_161 = arith.constant 0 : i32
      %dma_wait3A_162 = tpu.memref_slice %arg4[%arg0, %run_scoped3A_62, %arg1, %run_scoped3A_63, %run_scoped3A_64, %dma_wait3A_161] : memref<2x4x16x8x1x1024xf32, #tpu.memory_space<hbm>> -> memref<1x1x1x1x1x1024xf32, #tpu.memory_space<hbm>>
      %dma_wait3A_163 = tpu.memref_squeeze %dma_wait3A_162 : memref<1x1x1x1x1x1024xf32, #tpu.memory_space<hbm>> -> memref<1024xf32, #tpu.memory_space<hbm>>
      %dma_wait3A_164 = arith.constant 4096 : i32
      %dma_wait3A_165 = tpu.memref_slice %arg5[%dma_wait3A_164] : memref<32768xf32, #tpu.memory_space<vmem>> -> memref<1024xf32, #tpu.memory_space<vmem>>
      tpu.wait_dma2 semaphore(%run_scoped3A_146 : memref<!tpu.dma_semaphore, #tpu.memory_space<semaphore_mem>>) src(%dma_wait3A_165 : memref<1024xf32, #tpu.memory_space<vmem>>) dst(%dma_wait3A_163 : memref<1024xf32, #tpu.memory_space<hbm>>)
      tpu.yield
    }) : () -> ()
    %run_scoped3A_65 = arith.constant 0 : i32
    %run_scoped3A_66 = arith.constant 5 : i32
    %run_scoped3A_67 = arith.constant 0 : i32
    "tpu.region"() ({
      %run_scoped3A_146 = tpu.sem_alloc : memref<!tpu.dma_semaphore, #tpu.memory_space<semaphore_mem>>
      %dma_start3A_147 = arith.constant 5120 : i32
      %dma_start3A_148 = tpu.memref_slice %arg5[%dma_start3A_147] : memref<32768xf32, #tpu.memory_space<vmem>> -> memref<1024xf32, #tpu.memory_space<vmem>>
      %dma_start3A_149 = arith.constant 0 : i32
      %dma_start3A_150 = tpu.memref_slice %arg4[%arg0, %run_scoped3A_65, %arg1, %run_scoped3A_66, %run_scoped3A_67, %dma_start3A_149] : memref<2x4x16x8x1x1024xf32, #tpu.memory_space<hbm>> -> memref<1x1x1x1x1x1024xf32, #tpu.memory_space<hbm>>
      %dma_start3A_151 = tpu.memref_squeeze %dma_start3A_150 : memref<1x1x1x1x1x1024xf32, #tpu.memory_space<hbm>> -> memref<1024xf32, #tpu.memory_space<hbm>>
      %dma_start3A_152 = arith.constant 0 : i32
      %dma_start3A_153 = tpu.memref_slice %arg4[%arg0, %run_scoped3A_65, %arg1, %run_scoped3A_66, %run_scoped3A_67, %dma_start3A_152] : memref<2x4x16x8x1x1024xf32, #tpu.memory_space<hbm>> -> memref<1x1x1x1x1x1024xf32, #tpu.memory_space<hbm>>
      %dma_start3A_154 = tpu.memref_squeeze %dma_start3A_153 : memref<1x1x1x1x1x1024xf32, #tpu.memory_space<hbm>> -> memref<1024xf32, #tpu.memory_space<hbm>>
      %dma_start3A_155 = arith.constant 5120 : i32
      %dma_start3A_156 = tpu.memref_slice %arg5[%dma_start3A_155] : memref<32768xf32, #tpu.memory_space<vmem>> -> memref<1024xf32, #tpu.memory_space<vmem>>
      tpu.enqueue_dma source(%dma_start3A_156 : memref<1024xf32, #tpu.memory_space<vmem>>) target(%dma_start3A_154 : memref<1024xf32, #tpu.memory_space<hbm>>) target_semaphore(%run_scoped3A_146 : memref<!tpu.dma_semaphore, #tpu.memory_space<semaphore_mem>>)
      %dma_wait3A = arith.constant 5120 : i32
      %dma_wait3A_157 = tpu.memref_slice %arg5[%dma_wait3A] : memref<32768xf32, #tpu.memory_space<vmem>> -> memref<1024xf32, #tpu.memory_space<vmem>>
      %dma_wait3A_158 = arith.constant 0 : i32
      %dma_wait3A_159 = tpu.memref_slice %arg4[%arg0, %run_scoped3A_65, %arg1, %run_scoped3A_66, %run_scoped3A_67, %dma_wait3A_158] : memref<2x4x16x8x1x1024xf32, #tpu.memory_space<hbm>> -> memref<1x1x1x1x1x1024xf32, #tpu.memory_space<hbm>>
      %dma_wait3A_160 = tpu.memref_squeeze %dma_wait3A_159 : memref<1x1x1x1x1x1024xf32, #tpu.memory_space<hbm>> -> memref<1024xf32, #tpu.memory_space<hbm>>
      %dma_wait3A_161 = arith.constant 0 : i32
      %dma_wait3A_162 = tpu.memref_slice %arg4[%arg0, %run_scoped3A_65, %arg1, %run_scoped3A_66, %run_scoped3A_67, %dma_wait3A_161] : memref<2x4x16x8x1x1024xf32, #tpu.memory_space<hbm>> -> memref<1x1x1x1x1x1024xf32, #tpu.memory_space<hbm>>
      %dma_wait3A_163 = tpu.memref_squeeze %dma_wait3A_162 : memref<1x1x1x1x1x1024xf32, #tpu.memory_space<hbm>> -> memref<1024xf32, #tpu.memory_space<hbm>>
      %dma_wait3A_164 = arith.constant 5120 : i32
      %dma_wait3A_165 = tpu.memref_slice %arg5[%dma_wait3A_164] : memref<32768xf32, #tpu.memory_space<vmem>> -> memref<1024xf32, #tpu.memory_space<vmem>>
      tpu.wait_dma2 semaphore(%run_scoped3A_146 : memref<!tpu.dma_semaphore, #tpu.memory_space<semaphore_mem>>) src(%dma_wait3A_165 : memref<1024xf32, #tpu.memory_space<vmem>>) dst(%dma_wait3A_163 : memref<1024xf32, #tpu.memory_space<hbm>>)
      tpu.yield
    }) : () -> ()
    %run_scoped3A_68 = arith.constant 0 : i32
    %run_scoped3A_69 = arith.constant 6 : i32
    %run_scoped3A_70 = arith.constant 0 : i32
    "tpu.region"() ({
      %run_scoped3A_146 = tpu.sem_alloc : memref<!tpu.dma_semaphore, #tpu.memory_space<semaphore_mem>>
      %dma_start3A_147 = arith.constant 6144 : i32
      %dma_start3A_148 = tpu.memref_slice %arg5[%dma_start3A_147] : memref<32768xf32, #tpu.memory_space<vmem>> -> memref<1024xf32, #tpu.memory_space<vmem>>
      %dma_start3A_149 = arith.constant 0 : i32
      %dma_start3A_150 = tpu.memref_slice %arg4[%arg0, %run_scoped3A_68, %arg1, %run_scoped3A_69, %run_scoped3A_70, %dma_start3A_149] : memref<2x4x16x8x1x1024xf32, #tpu.memory_space<hbm>> -> memref<1x1x1x1x1x1024xf32, #tpu.memory_space<hbm>>
      %dma_start3A_151 = tpu.memref_squeeze %dma_start3A_150 : memref<1x1x1x1x1x1024xf32, #tpu.memory_space<hbm>> -> memref<1024xf32, #tpu.memory_space<hbm>>
      %dma_start3A_152 = arith.constant 0 : i32
      %dma_start3A_153 = tpu.memref_slice %arg4[%arg0, %run_scoped3A_68, %arg1, %run_scoped3A_69, %run_scoped3A_70, %dma_start3A_152] : memref<2x4x16x8x1x1024xf32, #tpu.memory_space<hbm>> -> memref<1x1x1x1x1x1024xf32, #tpu.memory_space<hbm>>
      %dma_start3A_154 = tpu.memref_squeeze %dma_start3A_153 : memref<1x1x1x1x1x1024xf32, #tpu.memory_space<hbm>> -> memref<1024xf32, #tpu.memory_space<hbm>>
      %dma_start3A_155 = arith.constant 6144 : i32
      %dma_start3A_156 = tpu.memref_slice %arg5[%dma_start3A_155] : memref<32768xf32, #tpu.memory_space<vmem>> -> memref<1024xf32, #tpu.memory_space<vmem>>
      tpu.enqueue_dma source(%dma_start3A_156 : memref<1024xf32, #tpu.memory_space<vmem>>) target(%dma_start3A_154 : memref<1024xf32, #tpu.memory_space<hbm>>) target_semaphore(%run_scoped3A_146 : memref<!tpu.dma_semaphore, #tpu.memory_space<semaphore_mem>>)
      %dma_wait3A = arith.constant 6144 : i32
      %dma_wait3A_157 = tpu.memref_slice %arg5[%dma_wait3A] : memref<32768xf32, #tpu.memory_space<vmem>> -> memref<1024xf32, #tpu.memory_space<vmem>>
      %dma_wait3A_158 = arith.constant 0 : i32
      %dma_wait3A_159 = tpu.memref_slice %arg4[%arg0, %run_scoped3A_68, %arg1, %run_scoped3A_69, %run_scoped3A_70, %dma_wait3A_158] : memref<2x4x16x8x1x1024xf32, #tpu.memory_space<hbm>> -> memref<1x1x1x1x1x1024xf32, #tpu.memory_space<hbm>>
      %dma_wait3A_160 = tpu.memref_squeeze %dma_wait3A_159 : memref<1x1x1x1x1x1024xf32, #tpu.memory_space<hbm>> -> memref<1024xf32, #tpu.memory_space<hbm>>
      %dma_wait3A_161 = arith.constant 0 : i32
      %dma_wait3A_162 = tpu.memref_slice %arg4[%arg0, %run_scoped3A_68, %arg1, %run_scoped3A_69, %run_scoped3A_70, %dma_wait3A_161] : memref<2x4x16x8x1x1024xf32, #tpu.memory_space<hbm>> -> memref<1x1x1x1x1x1024xf32, #tpu.memory_space<hbm>>
      %dma_wait3A_163 = tpu.memref_squeeze %dma_wait3A_162 : memref<1x1x1x1x1x1024xf32, #tpu.memory_space<hbm>> -> memref<1024xf32, #tpu.memory_space<hbm>>
      %dma_wait3A_164 = arith.constant 6144 : i32
      %dma_wait3A_165 = tpu.memref_slice %arg5[%dma_wait3A_164] : memref<32768xf32, #tpu.memory_space<vmem>> -> memref<1024xf32, #tpu.memory_space<vmem>>
      tpu.wait_dma2 semaphore(%run_scoped3A_146 : memref<!tpu.dma_semaphore, #tpu.memory_space<semaphore_mem>>) src(%dma_wait3A_165 : memref<1024xf32, #tpu.memory_space<vmem>>) dst(%dma_wait3A_163 : memref<1024xf32, #tpu.memory_space<hbm>>)
      tpu.yield
    }) : () -> ()
    %run_scoped3A_71 = arith.constant 0 : i32
    %run_scoped3A_72 = arith.constant 7 : i32
    %run_scoped3A_73 = arith.constant 0 : i32
    "tpu.region"() ({
      %run_scoped3A_146 = tpu.sem_alloc : memref<!tpu.dma_semaphore, #tpu.memory_space<semaphore_mem>>
      %dma_start3A_147 = arith.constant 7168 : i32
      %dma_start3A_148 = tpu.memref_slice %arg5[%dma_start3A_147] : memref<32768xf32, #tpu.memory_space<vmem>> -> memref<1024xf32, #tpu.memory_space<vmem>>
      %dma_start3A_149 = arith.constant 0 : i32
      %dma_start3A_150 = tpu.memref_slice %arg4[%arg0, %run_scoped3A_71, %arg1, %run_scoped3A_72, %run_scoped3A_73, %dma_start3A_149] : memref<2x4x16x8x1x1024xf32, #tpu.memory_space<hbm>> -> memref<1x1x1x1x1x1024xf32, #tpu.memory_space<hbm>>
      %dma_start3A_151 = tpu.memref_squeeze %dma_start3A_150 : memref<1x1x1x1x1x1024xf32, #tpu.memory_space<hbm>> -> memref<1024xf32, #tpu.memory_space<hbm>>
      %dma_start3A_152 = arith.constant 0 : i32
      %dma_start3A_153 = tpu.memref_slice %arg4[%arg0, %run_scoped3A_71, %arg1, %run_scoped3A_72, %run_scoped3A_73, %dma_start3A_152] : memref<2x4x16x8x1x1024xf32, #tpu.memory_space<hbm>> -> memref<1x1x1x1x1x1024xf32, #tpu.memory_space<hbm>>
      %dma_start3A_154 = tpu.memref_squeeze %dma_start3A_153 : memref<1x1x1x1x1x1024xf32, #tpu.memory_space<hbm>> -> memref<1024xf32, #tpu.memory_space<hbm>>
      %dma_start3A_155 = arith.constant 7168 : i32
      %dma_start3A_156 = tpu.memref_slice %arg5[%dma_start3A_155] : memref<32768xf32, #tpu.memory_space<vmem>> -> memref<1024xf32, #tpu.memory_space<vmem>>
      tpu.enqueue_dma source(%dma_start3A_156 : memref<1024xf32, #tpu.memory_space<vmem>>) target(%dma_start3A_154 : memref<1024xf32, #tpu.memory_space<hbm>>) target_semaphore(%run_scoped3A_146 : memref<!tpu.dma_semaphore, #tpu.memory_space<semaphore_mem>>)
      %dma_wait3A = arith.constant 7168 : i32
      %dma_wait3A_157 = tpu.memref_slice %arg5[%dma_wait3A] : memref<32768xf32, #tpu.memory_space<vmem>> -> memref<1024xf32, #tpu.memory_space<vmem>>
      %dma_wait3A_158 = arith.constant 0 : i32
      %dma_wait3A_159 = tpu.memref_slice %arg4[%arg0, %run_scoped3A_71, %arg1, %run_scoped3A_72, %run_scoped3A_73, %dma_wait3A_158] : memref<2x4x16x8x1x1024xf32, #tpu.memory_space<hbm>> -> memref<1x1x1x1x1x1024xf32, #tpu.memory_space<hbm>>
      %dma_wait3A_160 = tpu.memref_squeeze %dma_wait3A_159 : memref<1x1x1x1x1x1024xf32, #tpu.memory_space<hbm>> -> memref<1024xf32, #tpu.memory_space<hbm>>
      %dma_wait3A_161 = arith.constant 0 : i32
      %dma_wait3A_162 = tpu.memref_slice %arg4[%arg0, %run_scoped3A_71, %arg1, %run_scoped3A_72, %run_scoped3A_73, %dma_wait3A_161] : memref<2x4x16x8x1x1024xf32, #tpu.memory_space<hbm>> -> memref<1x1x1x1x1x1024xf32, #tpu.memory_space<hbm>>
      %dma_wait3A_163 = tpu.memref_squeeze %dma_wait3A_162 : memref<1x1x1x1x1x1024xf32, #tpu.memory_space<hbm>> -> memref<1024xf32, #tpu.memory_space<hbm>>
      %dma_wait3A_164 = arith.constant 7168 : i32
      %dma_wait3A_165 = tpu.memref_slice %arg5[%dma_wait3A_164] : memref<32768xf32, #tpu.memory_space<vmem>> -> memref<1024xf32, #tpu.memory_space<vmem>>
      tpu.wait_dma2 semaphore(%run_scoped3A_146 : memref<!tpu.dma_semaphore, #tpu.memory_space<semaphore_mem>>) src(%dma_wait3A_165 : memref<1024xf32, #tpu.memory_space<vmem>>) dst(%dma_wait3A_163 : memref<1024xf32, #tpu.memory_space<hbm>>)
      tpu.yield
    }) : () -> ()
    %run_scoped3A_74 = arith.constant 1 : i32
    %run_scoped3A_75 = arith.constant 0 : i32
    %run_scoped3A_76 = arith.constant 0 : i32
    "tpu.region"() ({
      %run_scoped3A_146 = tpu.sem_alloc : memref<!tpu.dma_semaphore, #tpu.memory_space<semaphore_mem>>
      %dma_start3A_147 = arith.constant 8192 : i32
      %dma_start3A_148 = tpu.memref_slice %arg5[%dma_start3A_147] : memref<32768xf32, #tpu.memory_space<vmem>> -> memref<1024xf32, #tpu.memory_space<vmem>>
      %dma_start3A_149 = arith.constant 0 : i32
      %dma_start3A_150 = tpu.memref_slice %arg4[%arg0, %run_scoped3A_74, %arg1, %run_scoped3A_75, %run_scoped3A_76, %dma_start3A_149] : memref<2x4x16x8x1x1024xf32, #tpu.memory_space<hbm>> -> memref<1x1x1x1x1x1024xf32, #tpu.memory_space<hbm>>
      %dma_start3A_151 = tpu.memref_squeeze %dma_start3A_150 : memref<1x1x1x1x1x1024xf32, #tpu.memory_space<hbm>> -> memref<1024xf32, #tpu.memory_space<hbm>>
      %dma_start3A_152 = arith.constant 0 : i32
      %dma_start3A_153 = tpu.memref_slice %arg4[%arg0, %run_scoped3A_74, %arg1, %run_scoped3A_75, %run_scoped3A_76, %dma_start3A_152] : memref<2x4x16x8x1x1024xf32, #tpu.memory_space<hbm>> -> memref<1x1x1x1x1x1024xf32, #tpu.memory_space<hbm>>
      %dma_start3A_154 = tpu.memref_squeeze %dma_start3A_153 : memref<1x1x1x1x1x1024xf32, #tpu.memory_space<hbm>> -> memref<1024xf32, #tpu.memory_space<hbm>>
      %dma_start3A_155 = arith.constant 8192 : i32
      %dma_start3A_156 = tpu.memref_slice %arg5[%dma_start3A_155] : memref<32768xf32, #tpu.memory_space<vmem>> -> memref<1024xf32, #tpu.memory_space<vmem>>
      tpu.enqueue_dma source(%dma_start3A_156 : memref<1024xf32, #tpu.memory_space<vmem>>) target(%dma_start3A_154 : memref<1024xf32, #tpu.memory_space<hbm>>) target_semaphore(%run_scoped3A_146 : memref<!tpu.dma_semaphore, #tpu.memory_space<semaphore_mem>>)
      %dma_wait3A = arith.constant 8192 : i32
      %dma_wait3A_157 = tpu.memref_slice %arg5[%dma_wait3A] : memref<32768xf32, #tpu.memory_space<vmem>> -> memref<1024xf32, #tpu.memory_space<vmem>>
      %dma_wait3A_158 = arith.constant 0 : i32
      %dma_wait3A_159 = tpu.memref_slice %arg4[%arg0, %run_scoped3A_74, %arg1, %run_scoped3A_75, %run_scoped3A_76, %dma_wait3A_158] : memref<2x4x16x8x1x1024xf32, #tpu.memory_space<hbm>> -> memref<1x1x1x1x1x1024xf32, #tpu.memory_space<hbm>>
      %dma_wait3A_160 = tpu.memref_squeeze %dma_wait3A_159 : memref<1x1x1x1x1x1024xf32, #tpu.memory_space<hbm>> -> memref<1024xf32, #tpu.memory_space<hbm>>
      %dma_wait3A_161 = arith.constant 0 : i32
      %dma_wait3A_162 = tpu.memref_slice %arg4[%arg0, %run_scoped3A_74, %arg1, %run_scoped3A_75, %run_scoped3A_76, %dma_wait3A_161] : memref<2x4x16x8x1x1024xf32, #tpu.memory_space<hbm>> -> memref<1x1x1x1x1x1024xf32, #tpu.memory_space<hbm>>
      %dma_wait3A_163 = tpu.memref_squeeze %dma_wait3A_162 : memref<1x1x1x1x1x1024xf32, #tpu.memory_space<hbm>> -> memref<1024xf32, #tpu.memory_space<hbm>>
      %dma_wait3A_164 = arith.constant 8192 : i32
      %dma_wait3A_165 = tpu.memref_slice %arg5[%dma_wait3A_164] : memref<32768xf32, #tpu.memory_space<vmem>> -> memref<1024xf32, #tpu.memory_space<vmem>>
      tpu.wait_dma2 semaphore(%run_scoped3A_146 : memref<!tpu.dma_semaphore, #tpu.memory_space<semaphore_mem>>) src(%dma_wait3A_165 : memref<1024xf32, #tpu.memory_space<vmem>>) dst(%dma_wait3A_163 : memref<1024xf32, #tpu.memory_space<hbm>>)
      tpu.yield
    }) : () -> ()
    %run_scoped3A_77 = arith.constant 1 : i32
    %run_scoped3A_78 = arith.constant 1 : i32
    %run_scoped3A_79 = arith.constant 0 : i32
    "tpu.region"() ({
      %run_scoped3A_146 = tpu.sem_alloc : memref<!tpu.dma_semaphore, #tpu.memory_space<semaphore_mem>>
      %dma_start3A_147 = arith.constant 9216 : i32
      %dma_start3A_148 = tpu.memref_slice %arg5[%dma_start3A_147] : memref<32768xf32, #tpu.memory_space<vmem>> -> memref<1024xf32, #tpu.memory_space<vmem>>
      %dma_start3A_149 = arith.constant 0 : i32
      %dma_start3A_150 = tpu.memref_slice %arg4[%arg0, %run_scoped3A_77, %arg1, %run_scoped3A_78, %run_scoped3A_79, %dma_start3A_149] : memref<2x4x16x8x1x1024xf32, #tpu.memory_space<hbm>> -> memref<1x1x1x1x1x1024xf32, #tpu.memory_space<hbm>>
      %dma_start3A_151 = tpu.memref_squeeze %dma_start3A_150 : memref<1x1x1x1x1x1024xf32, #tpu.memory_space<hbm>> -> memref<1024xf32, #tpu.memory_space<hbm>>
      %dma_start3A_152 = arith.constant 0 : i32
      %dma_start3A_153 = tpu.memref_slice %arg4[%arg0, %run_scoped3A_77, %arg1, %run_scoped3A_78, %run_scoped3A_79, %dma_start3A_152] : memref<2x4x16x8x1x1024xf32, #tpu.memory_space<hbm>> -> memref<1x1x1x1x1x1024xf32, #tpu.memory_space<hbm>>
      %dma_start3A_154 = tpu.memref_squeeze %dma_start3A_153 : memref<1x1x1x1x1x1024xf32, #tpu.memory_space<hbm>> -> memref<1024xf32, #tpu.memory_space<hbm>>
      %dma_start3A_155 = arith.constant 9216 : i32
      %dma_start3A_156 = tpu.memref_slice %arg5[%dma_start3A_155] : memref<32768xf32, #tpu.memory_space<vmem>> -> memref<1024xf32, #tpu.memory_space<vmem>>
      tpu.enqueue_dma source(%dma_start3A_156 : memref<1024xf32, #tpu.memory_space<vmem>>) target(%dma_start3A_154 : memref<1024xf32, #tpu.memory_space<hbm>>) target_semaphore(%run_scoped3A_146 : memref<!tpu.dma_semaphore, #tpu.memory_space<semaphore_mem>>)
      %dma_wait3A = arith.constant 9216 : i32
      %dma_wait3A_157 = tpu.memref_slice %arg5[%dma_wait3A] : memref<32768xf32, #tpu.memory_space<vmem>> -> memref<1024xf32, #tpu.memory_space<vmem>>
      %dma_wait3A_158 = arith.constant 0 : i32
      %dma_wait3A_159 = tpu.memref_slice %arg4[%arg0, %run_scoped3A_77, %arg1, %run_scoped3A_78, %run_scoped3A_79, %dma_wait3A_158] : memref<2x4x16x8x1x1024xf32, #tpu.memory_space<hbm>> -> memref<1x1x1x1x1x1024xf32, #tpu.memory_space<hbm>>
      %dma_wait3A_160 = tpu.memref_squeeze %dma_wait3A_159 : memref<1x1x1x1x1x1024xf32, #tpu.memory_space<hbm>> -> memref<1024xf32, #tpu.memory_space<hbm>>
      %dma_wait3A_161 = arith.constant 0 : i32
      %dma_wait3A_162 = tpu.memref_slice %arg4[%arg0, %run_scoped3A_77, %arg1, %run_scoped3A_78, %run_scoped3A_79, %dma_wait3A_161] : memref<2x4x16x8x1x1024xf32, #tpu.memory_space<hbm>> -> memref<1x1x1x1x1x1024xf32, #tpu.memory_space<hbm>>
      %dma_wait3A_163 = tpu.memref_squeeze %dma_wait3A_162 : memref<1x1x1x1x1x1024xf32, #tpu.memory_space<hbm>> -> memref<1024xf32, #tpu.memory_space<hbm>>
      %dma_wait3A_164 = arith.constant 9216 : i32
      %dma_wait3A_165 = tpu.memref_slice %arg5[%dma_wait3A_164] : memref<32768xf32, #tpu.memory_space<vmem>> -> memref<1024xf32, #tpu.memory_space<vmem>>
      tpu.wait_dma2 semaphore(%run_scoped3A_146 : memref<!tpu.dma_semaphore, #tpu.memory_space<semaphore_mem>>) src(%dma_wait3A_165 : memref<1024xf32, #tpu.memory_space<vmem>>) dst(%dma_wait3A_163 : memref<1024xf32, #tpu.memory_space<hbm>>)
      tpu.yield
    }) : () -> ()
    %run_scoped3A_80 = arith.constant 1 : i32
    %run_scoped3A_81 = arith.constant 2 : i32
    %run_scoped3A_82 = arith.constant 0 : i32
    "tpu.region"() ({
      %run_scoped3A_146 = tpu.sem_alloc : memref<!tpu.dma_semaphore, #tpu.memory_space<semaphore_mem>>
      %dma_start3A_147 = arith.constant 10240 : i32
      %dma_start3A_148 = tpu.memref_slice %arg5[%dma_start3A_147] : memref<32768xf32, #tpu.memory_space<vmem>> -> memref<1024xf32, #tpu.memory_space<vmem>>
      %dma_start3A_149 = arith.constant 0 : i32
      %dma_start3A_150 = tpu.memref_slice %arg4[%arg0, %run_scoped3A_80, %arg1, %run_scoped3A_81, %run_scoped3A_82, %dma_start3A_149] : memref<2x4x16x8x1x1024xf32, #tpu.memory_space<hbm>> -> memref<1x1x1x1x1x1024xf32, #tpu.memory_space<hbm>>
      %dma_start3A_151 = tpu.memref_squeeze %dma_start3A_150 : memref<1x1x1x1x1x1024xf32, #tpu.memory_space<hbm>> -> memref<1024xf32, #tpu.memory_space<hbm>>
      %dma_start3A_152 = arith.constant 0 : i32
      %dma_start3A_153 = tpu.memref_slice %arg4[%arg0, %run_scoped3A_80, %arg1, %run_scoped3A_81, %run_scoped3A_82, %dma_start3A_152] : memref<2x4x16x8x1x1024xf32, #tpu.memory_space<hbm>> -> memref<1x1x1x1x1x1024xf32, #tpu.memory_space<hbm>>
      %dma_start3A_154 = tpu.memref_squeeze %dma_start3A_153 : memref<1x1x1x1x1x1024xf32, #tpu.memory_space<hbm>> -> memref<1024xf32, #tpu.memory_space<hbm>>
      %dma_start3A_155 = arith.constant 10240 : i32
      %dma_start3A_156 = tpu.memref_slice %arg5[%dma_start3A_155] : memref<32768xf32, #tpu.memory_space<vmem>> -> memref<1024xf32, #tpu.memory_space<vmem>>
      tpu.enqueue_dma source(%dma_start3A_156 : memref<1024xf32, #tpu.memory_space<vmem>>) target(%dma_start3A_154 : memref<1024xf32, #tpu.memory_space<hbm>>) target_semaphore(%run_scoped3A_146 : memref<!tpu.dma_semaphore, #tpu.memory_space<semaphore_mem>>)
      %dma_wait3A = arith.constant 10240 : i32
      %dma_wait3A_157 = tpu.memref_slice %arg5[%dma_wait3A] : memref<32768xf32, #tpu.memory_space<vmem>> -> memref<1024xf32, #tpu.memory_space<vmem>>
      %dma_wait3A_158 = arith.constant 0 : i32
      %dma_wait3A_159 = tpu.memref_slice %arg4[%arg0, %run_scoped3A_80, %arg1, %run_scoped3A_81, %run_scoped3A_82, %dma_wait3A_158] : memref<2x4x16x8x1x1024xf32, #tpu.memory_space<hbm>> -> memref<1x1x1x1x1x1024xf32, #tpu.memory_space<hbm>>
      %dma_wait3A_160 = tpu.memref_squeeze %dma_wait3A_159 : memref<1x1x1x1x1x1024xf32, #tpu.memory_space<hbm>> -> memref<1024xf32, #tpu.memory_space<hbm>>
      %dma_wait3A_161 = arith.constant 0 : i32
      %dma_wait3A_162 = tpu.memref_slice %arg4[%arg0, %run_scoped3A_80, %arg1, %run_scoped3A_81, %run_scoped3A_82, %dma_wait3A_161] : memref<2x4x16x8x1x1024xf32, #tpu.memory_space<hbm>> -> memref<1x1x1x1x1x1024xf32, #tpu.memory_space<hbm>>
      %dma_wait3A_163 = tpu.memref_squeeze %dma_wait3A_162 : memref<1x1x1x1x1x1024xf32, #tpu.memory_space<hbm>> -> memref<1024xf32, #tpu.memory_space<hbm>>
      %dma_wait3A_164 = arith.constant 10240 : i32
      %dma_wait3A_165 = tpu.memref_slice %arg5[%dma_wait3A_164] : memref<32768xf32, #tpu.memory_space<vmem>> -> memref<1024xf32, #tpu.memory_space<vmem>>
      tpu.wait_dma2 semaphore(%run_scoped3A_146 : memref<!tpu.dma_semaphore, #tpu.memory_space<semaphore_mem>>) src(%dma_wait3A_165 : memref<1024xf32, #tpu.memory_space<vmem>>) dst(%dma_wait3A_163 : memref<1024xf32, #tpu.memory_space<hbm>>)
      tpu.yield
    }) : () -> ()
    %run_scoped3A_83 = arith.constant 1 : i32
    %run_scoped3A_84 = arith.constant 3 : i32
    %run_scoped3A_85 = arith.constant 0 : i32
    "tpu.region"() ({
      %run_scoped3A_146 = tpu.sem_alloc : memref<!tpu.dma_semaphore, #tpu.memory_space<semaphore_mem>>
      %dma_start3A_147 = arith.constant 11264 : i32
      %dma_start3A_148 = tpu.memref_slice %arg5[%dma_start3A_147] : memref<32768xf32, #tpu.memory_space<vmem>> -> memref<1024xf32, #tpu.memory_space<vmem>>
      %dma_start3A_149 = arith.constant 0 : i32
      %dma_start3A_150 = tpu.memref_slice %arg4[%arg0, %run_scoped3A_83, %arg1, %run_scoped3A_84, %run_scoped3A_85, %dma_start3A_149] : memref<2x4x16x8x1x1024xf32, #tpu.memory_space<hbm>> -> memref<1x1x1x1x1x1024xf32, #tpu.memory_space<hbm>>
      %dma_start3A_151 = tpu.memref_squeeze %dma_start3A_150 : memref<1x1x1x1x1x1024xf32, #tpu.memory_space<hbm>> -> memref<1024xf32, #tpu.memory_space<hbm>>
      %dma_start3A_152 = arith.constant 0 : i32
      %dma_start3A_153 = tpu.memref_slice %arg4[%arg0, %run_scoped3A_83, %arg1, %run_scoped3A_84, %run_scoped3A_85, %dma_start3A_152] : memref<2x4x16x8x1x1024xf32, #tpu.memory_space<hbm>> -> memref<1x1x1x1x1x1024xf32, #tpu.memory_space<hbm>>
      %dma_start3A_154 = tpu.memref_squeeze %dma_start3A_153 : memref<1x1x1x1x1x1024xf32, #tpu.memory_space<hbm>> -> memref<1024xf32, #tpu.memory_space<hbm>>
      %dma_start3A_155 = arith.constant 11264 : i32
      %dma_start3A_156 = tpu.memref_slice %arg5[%dma_start3A_155] : memref<32768xf32, #tpu.memory_space<vmem>> -> memref<1024xf32, #tpu.memory_space<vmem>>
      tpu.enqueue_dma source(%dma_start3A_156 : memref<1024xf32, #tpu.memory_space<vmem>>) target(%dma_start3A_154 : memref<1024xf32, #tpu.memory_space<hbm>>) target_semaphore(%run_scoped3A_146 : memref<!tpu.dma_semaphore, #tpu.memory_space<semaphore_mem>>)
      %dma_wait3A = arith.constant 11264 : i32
      %dma_wait3A_157 = tpu.memref_slice %arg5[%dma_wait3A] : memref<32768xf32, #tpu.memory_space<vmem>> -> memref<1024xf32, #tpu.memory_space<vmem>>
      %dma_wait3A_158 = arith.constant 0 : i32
      %dma_wait3A_159 = tpu.memref_slice %arg4[%arg0, %run_scoped3A_83, %arg1, %run_scoped3A_84, %run_scoped3A_85, %dma_wait3A_158] : memref<2x4x16x8x1x1024xf32, #tpu.memory_space<hbm>> -> memref<1x1x1x1x1x1024xf32, #tpu.memory_space<hbm>>
      %dma_wait3A_160 = tpu.memref_squeeze %dma_wait3A_159 : memref<1x1x1x1x1x1024xf32, #tpu.memory_space<hbm>> -> memref<1024xf32, #tpu.memory_space<hbm>>
      %dma_wait3A_161 = arith.constant 0 : i32
      %dma_wait3A_162 = tpu.memref_slice %arg4[%arg0, %run_scoped3A_83, %arg1, %run_scoped3A_84, %run_scoped3A_85, %dma_wait3A_161] : memref<2x4x16x8x1x1024xf32, #tpu.memory_space<hbm>> -> memref<1x1x1x1x1x1024xf32, #tpu.memory_space<hbm>>
      %dma_wait3A_163 = tpu.memref_squeeze %dma_wait3A_162 : memref<1x1x1x1x1x1024xf32, #tpu.memory_space<hbm>> -> memref<1024xf32, #tpu.memory_space<hbm>>
      %dma_wait3A_164 = arith.constant 11264 : i32
      %dma_wait3A_165 = tpu.memref_slice %arg5[%dma_wait3A_164] : memref<32768xf32, #tpu.memory_space<vmem>> -> memref<1024xf32, #tpu.memory_space<vmem>>
      tpu.wait_dma2 semaphore(%run_scoped3A_146 : memref<!tpu.dma_semaphore, #tpu.memory_space<semaphore_mem>>) src(%dma_wait3A_165 : memref<1024xf32, #tpu.memory_space<vmem>>) dst(%dma_wait3A_163 : memref<1024xf32, #tpu.memory_space<hbm>>)
      tpu.yield
    }) : () -> ()
    %run_scoped3A_86 = arith.constant 1 : i32
    %run_scoped3A_87 = arith.constant 4 : i32
    %run_scoped3A_88 = arith.constant 0 : i32
    "tpu.region"() ({
      %run_scoped3A_146 = tpu.sem_alloc : memref<!tpu.dma_semaphore, #tpu.memory_space<semaphore_mem>>
      %dma_start3A_147 = arith.constant 12288 : i32
      %dma_start3A_148 = tpu.memref_slice %arg5[%dma_start3A_147] : memref<32768xf32, #tpu.memory_space<vmem>> -> memref<1024xf32, #tpu.memory_space<vmem>>
      %dma_start3A_149 = arith.constant 0 : i32
      %dma_start3A_150 = tpu.memref_slice %arg4[%arg0, %run_scoped3A_86, %arg1, %run_scoped3A_87, %run_scoped3A_88, %dma_start3A_149] : memref<2x4x16x8x1x1024xf32, #tpu.memory_space<hbm>> -> memref<1x1x1x1x1x1024xf32, #tpu.memory_space<hbm>>
      %dma_start3A_151 = tpu.memref_squeeze %dma_start3A_150 : memref<1x1x1x1x1x1024xf32, #tpu.memory_space<hbm>> -> memref<1024xf32, #tpu.memory_space<hbm>>
      %dma_start3A_152 = arith.constant 0 : i32
      %dma_start3A_153 = tpu.memref_slice %arg4[%arg0, %run_scoped3A_86, %arg1, %run_scoped3A_87, %run_scoped3A_88, %dma_start3A_152] : memref<2x4x16x8x1x1024xf32, #tpu.memory_space<hbm>> -> memref<1x1x1x1x1x1024xf32, #tpu.memory_space<hbm>>
      %dma_start3A_154 = tpu.memref_squeeze %dma_start3A_153 : memref<1x1x1x1x1x1024xf32, #tpu.memory_space<hbm>> -> memref<1024xf32, #tpu.memory_space<hbm>>
      %dma_start3A_155 = arith.constant 12288 : i32
      %dma_start3A_156 = tpu.memref_slice %arg5[%dma_start3A_155] : memref<32768xf32, #tpu.memory_space<vmem>> -> memref<1024xf32, #tpu.memory_space<vmem>>
      tpu.enqueue_dma source(%dma_start3A_156 : memref<1024xf32, #tpu.memory_space<vmem>>) target(%dma_start3A_154 : memref<1024xf32, #tpu.memory_space<hbm>>) target_semaphore(%run_scoped3A_146 : memref<!tpu.dma_semaphore, #tpu.memory_space<semaphore_mem>>)
      %dma_wait3A = arith.constant 12288 : i32
      %dma_wait3A_157 = tpu.memref_slice %arg5[%dma_wait3A] : memref<32768xf32, #tpu.memory_space<vmem>> -> memref<1024xf32, #tpu.memory_space<vmem>>
      %dma_wait3A_158 = arith.constant 0 : i32
      %dma_wait3A_159 = tpu.memref_slice %arg4[%arg0, %run_scoped3A_86, %arg1, %run_scoped3A_87, %run_scoped3A_88, %dma_wait3A_158] : memref<2x4x16x8x1x1024xf32, #tpu.memory_space<hbm>> -> memref<1x1x1x1x1x1024xf32, #tpu.memory_space<hbm>>
      %dma_wait3A_160 = tpu.memref_squeeze %dma_wait3A_159 : memref<1x1x1x1x1x1024xf32, #tpu.memory_space<hbm>> -> memref<1024xf32, #tpu.memory_space<hbm>>
      %dma_wait3A_161 = arith.constant 0 : i32
      %dma_wait3A_162 = tpu.memref_slice %arg4[%arg0, %run_scoped3A_86, %arg1, %run_scoped3A_87, %run_scoped3A_88, %dma_wait3A_161] : memref<2x4x16x8x1x1024xf32, #tpu.memory_space<hbm>> -> memref<1x1x1x1x1x1024xf32, #tpu.memory_space<hbm>>
      %dma_wait3A_163 = tpu.memref_squeeze %dma_wait3A_162 : memref<1x1x1x1x1x1024xf32, #tpu.memory_space<hbm>> -> memref<1024xf32, #tpu.memory_space<hbm>>
      %dma_wait3A_164 = arith.constant 12288 : i32
      %dma_wait3A_165 = tpu.memref_slice %arg5[%dma_wait3A_164] : memref<32768xf32, #tpu.memory_space<vmem>> -> memref<1024xf32, #tpu.memory_space<vmem>>
      tpu.wait_dma2 semaphore(%run_scoped3A_146 : memref<!tpu.dma_semaphore, #tpu.memory_space<semaphore_mem>>) src(%dma_wait3A_165 : memref<1024xf32, #tpu.memory_space<vmem>>) dst(%dma_wait3A_163 : memref<1024xf32, #tpu.memory_space<hbm>>)
      tpu.yield
    }) : () -> ()
    %run_scoped3A_89 = arith.constant 1 : i32
    %run_scoped3A_90 = arith.constant 5 : i32
    %run_scoped3A_91 = arith.constant 0 : i32
    "tpu.region"() ({
      %run_scoped3A_146 = tpu.sem_alloc : memref<!tpu.dma_semaphore, #tpu.memory_space<semaphore_mem>>
      %dma_start3A_147 = arith.constant 13312 : i32
      %dma_start3A_148 = tpu.memref_slice %arg5[%dma_start3A_147] : memref<32768xf32, #tpu.memory_space<vmem>> -> memref<1024xf32, #tpu.memory_space<vmem>>
      %dma_start3A_149 = arith.constant 0 : i32
      %dma_start3A_150 = tpu.memref_slice %arg4[%arg0, %run_scoped3A_89, %arg1, %run_scoped3A_90, %run_scoped3A_91, %dma_start3A_149] : memref<2x4x16x8x1x1024xf32, #tpu.memory_space<hbm>> -> memref<1x1x1x1x1x1024xf32, #tpu.memory_space<hbm>>
      %dma_start3A_151 = tpu.memref_squeeze %dma_start3A_150 : memref<1x1x1x1x1x1024xf32, #tpu.memory_space<hbm>> -> memref<1024xf32, #tpu.memory_space<hbm>>
      %dma_start3A_152 = arith.constant 0 : i32
      %dma_start3A_153 = tpu.memref_slice %arg4[%arg0, %run_scoped3A_89, %arg1, %run_scoped3A_90, %run_scoped3A_91, %dma_start3A_152] : memref<2x4x16x8x1x1024xf32, #tpu.memory_space<hbm>> -> memref<1x1x1x1x1x1024xf32, #tpu.memory_space<hbm>>
      %dma_start3A_154 = tpu.memref_squeeze %dma_start3A_153 : memref<1x1x1x1x1x1024xf32, #tpu.memory_space<hbm>> -> memref<1024xf32, #tpu.memory_space<hbm>>
      %dma_start3A_155 = arith.constant 13312 : i32
      %dma_start3A_156 = tpu.memref_slice %arg5[%dma_start3A_155] : memref<32768xf32, #tpu.memory_space<vmem>> -> memref<1024xf32, #tpu.memory_space<vmem>>
      tpu.enqueue_dma source(%dma_start3A_156 : memref<1024xf32, #tpu.memory_space<vmem>>) target(%dma_start3A_154 : memref<1024xf32, #tpu.memory_space<hbm>>) target_semaphore(%run_scoped3A_146 : memref<!tpu.dma_semaphore, #tpu.memory_space<semaphore_mem>>)
      %dma_wait3A = arith.constant 13312 : i32
      %dma_wait3A_157 = tpu.memref_slice %arg5[%dma_wait3A] : memref<32768xf32, #tpu.memory_space<vmem>> -> memref<1024xf32, #tpu.memory_space<vmem>>
      %dma_wait3A_158 = arith.constant 0 : i32
      %dma_wait3A_159 = tpu.memref_slice %arg4[%arg0, %run_scoped3A_89, %arg1, %run_scoped3A_90, %run_scoped3A_91, %dma_wait3A_158] : memref<2x4x16x8x1x1024xf32, #tpu.memory_space<hbm>> -> memref<1x1x1x1x1x1024xf32, #tpu.memory_space<hbm>>
      %dma_wait3A_160 = tpu.memref_squeeze %dma_wait3A_159 : memref<1x1x1x1x1x1024xf32, #tpu.memory_space<hbm>> -> memref<1024xf32, #tpu.memory_space<hbm>>
      %dma_wait3A_161 = arith.constant 0 : i32
      %dma_wait3A_162 = tpu.memref_slice %arg4[%arg0, %run_scoped3A_89, %arg1, %run_scoped3A_90, %run_scoped3A_91, %dma_wait3A_161] : memref<2x4x16x8x1x1024xf32, #tpu.memory_space<hbm>> -> memref<1x1x1x1x1x1024xf32, #tpu.memory_space<hbm>>
      %dma_wait3A_163 = tpu.memref_squeeze %dma_wait3A_162 : memref<1x1x1x1x1x1024xf32, #tpu.memory_space<hbm>> -> memref<1024xf32, #tpu.memory_space<hbm>>
      %dma_wait3A_164 = arith.constant 13312 : i32
      %dma_wait3A_165 = tpu.memref_slice %arg5[%dma_wait3A_164] : memref<32768xf32, #tpu.memory_space<vmem>> -> memref<1024xf32, #tpu.memory_space<vmem>>
      tpu.wait_dma2 semaphore(%run_scoped3A_146 : memref<!tpu.dma_semaphore, #tpu.memory_space<semaphore_mem>>) src(%dma_wait3A_165 : memref<1024xf32, #tpu.memory_space<vmem>>) dst(%dma_wait3A_163 : memref<1024xf32, #tpu.memory_space<hbm>>)
      tpu.yield
    }) : () -> ()
    %run_scoped3A_92 = arith.constant 1 : i32
    %run_scoped3A_93 = arith.constant 6 : i32
    %run_scoped3A_94 = arith.constant 0 : i32
    "tpu.region"() ({
      %run_scoped3A_146 = tpu.sem_alloc : memref<!tpu.dma_semaphore, #tpu.memory_space<semaphore_mem>>
      %dma_start3A_147 = arith.constant 14336 : i32
      %dma_start3A_148 = tpu.memref_slice %arg5[%dma_start3A_147] : memref<32768xf32, #tpu.memory_space<vmem>> -> memref<1024xf32, #tpu.memory_space<vmem>>
      %dma_start3A_149 = arith.constant 0 : i32
      %dma_start3A_150 = tpu.memref_slice %arg4[%arg0, %run_scoped3A_92, %arg1, %run_scoped3A_93, %run_scoped3A_94, %dma_start3A_149] : memref<2x4x16x8x1x1024xf32, #tpu.memory_space<hbm>> -> memref<1x1x1x1x1x1024xf32, #tpu.memory_space<hbm>>
      %dma_start3A_151 = tpu.memref_squeeze %dma_start3A_150 : memref<1x1x1x1x1x1024xf32, #tpu.memory_space<hbm>> -> memref<1024xf32, #tpu.memory_space<hbm>>
      %dma_start3A_152 = arith.constant 0 : i32
      %dma_start3A_153 = tpu.memref_slice %arg4[%arg0, %run_scoped3A_92, %arg1, %run_scoped3A_93, %run_scoped3A_94, %dma_start3A_152] : memref<2x4x16x8x1x1024xf32, #tpu.memory_space<hbm>> -> memref<1x1x1x1x1x1024xf32, #tpu.memory_space<hbm>>
      %dma_start3A_154 = tpu.memref_squeeze %dma_start3A_153 : memref<1x1x1x1x1x1024xf32, #tpu.memory_space<hbm>> -> memref<1024xf32, #tpu.memory_space<hbm>>
      %dma_start3A_155 = arith.constant 14336 : i32
      %dma_start3A_156 = tpu.memref_slice %arg5[%dma_start3A_155] : memref<32768xf32, #tpu.memory_space<vmem>> -> memref<1024xf32, #tpu.memory_space<vmem>>
      tpu.enqueue_dma source(%dma_start3A_156 : memref<1024xf32, #tpu.memory_space<vmem>>) target(%dma_start3A_154 : memref<1024xf32, #tpu.memory_space<hbm>>) target_semaphore(%run_scoped3A_146 : memref<!tpu.dma_semaphore, #tpu.memory_space<semaphore_mem>>)
      %dma_wait3A = arith.constant 14336 : i32
      %dma_wait3A_157 = tpu.memref_slice %arg5[%dma_wait3A] : memref<32768xf32, #tpu.memory_space<vmem>> -> memref<1024xf32, #tpu.memory_space<vmem>>
      %dma_wait3A_158 = arith.constant 0 : i32
      %dma_wait3A_159 = tpu.memref_slice %arg4[%arg0, %run_scoped3A_92, %arg1, %run_scoped3A_93, %run_scoped3A_94, %dma_wait3A_158] : memref<2x4x16x8x1x1024xf32, #tpu.memory_space<hbm>> -> memref<1x1x1x1x1x1024xf32, #tpu.memory_space<hbm>>
      %dma_wait3A_160 = tpu.memref_squeeze %dma_wait3A_159 : memref<1x1x1x1x1x1024xf32, #tpu.memory_space<hbm>> -> memref<1024xf32, #tpu.memory_space<hbm>>
      %dma_wait3A_161 = arith.constant 0 : i32
      %dma_wait3A_162 = tpu.memref_slice %arg4[%arg0, %run_scoped3A_92, %arg1, %run_scoped3A_93, %run_scoped3A_94, %dma_wait3A_161] : memref<2x4x16x8x1x1024xf32, #tpu.memory_space<hbm>> -> memref<1x1x1x1x1x1024xf32, #tpu.memory_space<hbm>>
      %dma_wait3A_163 = tpu.memref_squeeze %dma_wait3A_162 : memref<1x1x1x1x1x1024xf32, #tpu.memory_space<hbm>> -> memref<1024xf32, #tpu.memory_space<hbm>>
      %dma_wait3A_164 = arith.constant 14336 : i32
      %dma_wait3A_165 = tpu.memref_slice %arg5[%dma_wait3A_164] : memref<32768xf32, #tpu.memory_space<vmem>> -> memref<1024xf32, #tpu.memory_space<vmem>>
      tpu.wait_dma2 semaphore(%run_scoped3A_146 : memref<!tpu.dma_semaphore, #tpu.memory_space<semaphore_mem>>) src(%dma_wait3A_165 : memref<1024xf32, #tpu.memory_space<vmem>>) dst(%dma_wait3A_163 : memref<1024xf32, #tpu.memory_space<hbm>>)
      tpu.yield
    }) : () -> ()
    %run_scoped3A_95 = arith.constant 1 : i32
    %run_scoped3A_96 = arith.constant 7 : i32
    %run_scoped3A_97 = arith.constant 0 : i32
    "tpu.region"() ({
      %run_scoped3A_146 = tpu.sem_alloc : memref<!tpu.dma_semaphore, #tpu.memory_space<semaphore_mem>>
      %dma_start3A_147 = arith.constant 15360 : i32
      %dma_start3A_148 = tpu.memref_slice %arg5[%dma_start3A_147] : memref<32768xf32, #tpu.memory_space<vmem>> -> memref<1024xf32, #tpu.memory_space<vmem>>
      %dma_start3A_149 = arith.constant 0 : i32
      %dma_start3A_150 = tpu.memref_slice %arg4[%arg0, %run_scoped3A_95, %arg1, %run_scoped3A_96, %run_scoped3A_97, %dma_start3A_149] : memref<2x4x16x8x1x1024xf32, #tpu.memory_space<hbm>> -> memref<1x1x1x1x1x1024xf32, #tpu.memory_space<hbm>>
      %dma_start3A_151 = tpu.memref_squeeze %dma_start3A_150 : memref<1x1x1x1x1x1024xf32, #tpu.memory_space<hbm>> -> memref<1024xf32, #tpu.memory_space<hbm>>
      %dma_start3A_152 = arith.constant 0 : i32
      %dma_start3A_153 = tpu.memref_slice %arg4[%arg0, %run_scoped3A_95, %arg1, %run_scoped3A_96, %run_scoped3A_97, %dma_start3A_152] : memref<2x4x16x8x1x1024xf32, #tpu.memory_space<hbm>> -> memref<1x1x1x1x1x1024xf32, #tpu.memory_space<hbm>>
      %dma_start3A_154 = tpu.memref_squeeze %dma_start3A_153 : memref<1x1x1x1x1x1024xf32, #tpu.memory_space<hbm>> -> memref<1024xf32, #tpu.memory_space<hbm>>
      %dma_start3A_155 = arith.constant 15360 : i32
      %dma_start3A_156 = tpu.memref_slice %arg5[%dma_start3A_155] : memref<32768xf32, #tpu.memory_space<vmem>> -> memref<1024xf32, #tpu.memory_space<vmem>>
      tpu.enqueue_dma source(%dma_start3A_156 : memref<1024xf32, #tpu.memory_space<vmem>>) target(%dma_start3A_154 : memref<1024xf32, #tpu.memory_space<hbm>>) target_semaphore(%run_scoped3A_146 : memref<!tpu.dma_semaphore, #tpu.memory_space<semaphore_mem>>)
      %dma_wait3A = arith.constant 15360 : i32
      %dma_wait3A_157 = tpu.memref_slice %arg5[%dma_wait3A] : memref<32768xf32, #tpu.memory_space<vmem>> -> memref<1024xf32, #tpu.memory_space<vmem>>
      %dma_wait3A_158 = arith.constant 0 : i32
      %dma_wait3A_159 = tpu.memref_slice %arg4[%arg0, %run_scoped3A_95, %arg1, %run_scoped3A_96, %run_scoped3A_97, %dma_wait3A_158] : memref<2x4x16x8x1x1024xf32, #tpu.memory_space<hbm>> -> memref<1x1x1x1x1x1024xf32, #tpu.memory_space<hbm>>
      %dma_wait3A_160 = tpu.memref_squeeze %dma_wait3A_159 : memref<1x1x1x1x1x1024xf32, #tpu.memory_space<hbm>> -> memref<1024xf32, #tpu.memory_space<hbm>>
      %dma_wait3A_161 = arith.constant 0 : i32
      %dma_wait3A_162 = tpu.memref_slice %arg4[%arg0, %run_scoped3A_95, %arg1, %run_scoped3A_96, %run_scoped3A_97, %dma_wait3A_161] : memref<2x4x16x8x1x1024xf32, #tpu.memory_space<hbm>> -> memref<1x1x1x1x1x1024xf32, #tpu.memory_space<hbm>>
      %dma_wait3A_163 = tpu.memref_squeeze %dma_wait3A_162 : memref<1x1x1x1x1x1024xf32, #tpu.memory_space<hbm>> -> memref<1024xf32, #tpu.memory_space<hbm>>
      %dma_wait3A_164 = arith.constant 15360 : i32
      %dma_wait3A_165 = tpu.memref_slice %arg5[%dma_wait3A_164] : memref<32768xf32, #tpu.memory_space<vmem>> -> memref<1024xf32, #tpu.memory_space<vmem>>
      tpu.wait_dma2 semaphore(%run_scoped3A_146 : memref<!tpu.dma_semaphore, #tpu.memory_space<semaphore_mem>>) src(%dma_wait3A_165 : memref<1024xf32, #tpu.memory_space<vmem>>) dst(%dma_wait3A_163 : memref<1024xf32, #tpu.memory_space<hbm>>)
      tpu.yield
    }) : () -> ()
    %run_scoped3A_98 = arith.constant 2 : i32
    %run_scoped3A_99 = arith.constant 0 : i32
    %run_scoped3A_100 = arith.constant 0 : i32
    "tpu.region"() ({
      %run_scoped3A_146 = tpu.sem_alloc : memref<!tpu.dma_semaphore, #tpu.memory_space<semaphore_mem>>
      %dma_start3A_147 = arith.constant 16384 : i32
      %dma_start3A_148 = tpu.memref_slice %arg5[%dma_start3A_147] : memref<32768xf32, #tpu.memory_space<vmem>> -> memref<1024xf32, #tpu.memory_space<vmem>>
      %dma_start3A_149 = arith.constant 0 : i32
      %dma_start3A_150 = tpu.memref_slice %arg4[%arg0, %run_scoped3A_98, %arg1, %run_scoped3A_99, %run_scoped3A_100, %dma_start3A_149] : memref<2x4x16x8x1x1024xf32, #tpu.memory_space<hbm>> -> memref<1x1x1x1x1x1024xf32, #tpu.memory_space<hbm>>
      %dma_start3A_151 = tpu.memref_squeeze %dma_start3A_150 : memref<1x1x1x1x1x1024xf32, #tpu.memory_space<hbm>> -> memref<1024xf32, #tpu.memory_space<hbm>>
      %dma_start3A_152 = arith.constant 0 : i32
      %dma_start3A_153 = tpu.memref_slice %arg4[%arg0, %run_scoped3A_98, %arg1, %run_scoped3A_99, %run_scoped3A_100, %dma_start3A_152] : memref<2x4x16x8x1x1024xf32, #tpu.memory_space<hbm>> -> memref<1x1x1x1x1x1024xf32, #tpu.memory_space<hbm>>
      %dma_start3A_154 = tpu.memref_squeeze %dma_start3A_153 : memref<1x1x1x1x1x1024xf32, #tpu.memory_space<hbm>> -> memref<1024xf32, #tpu.memory_space<hbm>>
      %dma_start3A_155 = arith.constant 16384 : i32
      %dma_start3A_156 = tpu.memref_slice %arg5[%dma_start3A_155] : memref<32768xf32, #tpu.memory_space<vmem>> -> memref<1024xf32, #tpu.memory_space<vmem>>
      tpu.enqueue_dma source(%dma_start3A_156 : memref<1024xf32, #tpu.memory_space<vmem>>) target(%dma_start3A_154 : memref<1024xf32, #tpu.memory_space<hbm>>) target_semaphore(%run_scoped3A_146 : memref<!tpu.dma_semaphore, #tpu.memory_space<semaphore_mem>>)
      %dma_wait3A = arith.constant 16384 : i32
      %dma_wait3A_157 = tpu.memref_slice %arg5[%dma_wait3A] : memref<32768xf32, #tpu.memory_space<vmem>> -> memref<1024xf32, #tpu.memory_space<vmem>>
      %dma_wait3A_158 = arith.constant 0 : i32
      %dma_wait3A_159 = tpu.memref_slice %arg4[%arg0, %run_scoped3A_98, %arg1, %run_scoped3A_99, %run_scoped3A_100, %dma_wait3A_158] : memref<2x4x16x8x1x1024xf32, #tpu.memory_space<hbm>> -> memref<1x1x1x1x1x1024xf32, #tpu.memory_space<hbm>>
      %dma_wait3A_160 = tpu.memref_squeeze %dma_wait3A_159 : memref<1x1x1x1x1x1024xf32, #tpu.memory_space<hbm>> -> memref<1024xf32, #tpu.memory_space<hbm>>
      %dma_wait3A_161 = arith.constant 0 : i32
      %dma_wait3A_162 = tpu.memref_slice %arg4[%arg0, %run_scoped3A_98, %arg1, %run_scoped3A_99, %run_scoped3A_100, %dma_wait3A_161] : memref<2x4x16x8x1x1024xf32, #tpu.memory_space<hbm>> -> memref<1x1x1x1x1x1024xf32, #tpu.memory_space<hbm>>
      %dma_wait3A_163 = tpu.memref_squeeze %dma_wait3A_162 : memref<1x1x1x1x1x1024xf32, #tpu.memory_space<hbm>> -> memref<1024xf32, #tpu.memory_space<hbm>>
      %dma_wait3A_164 = arith.constant 16384 : i32
      %dma_wait3A_165 = tpu.memref_slice %arg5[%dma_wait3A_164] : memref<32768xf32, #tpu.memory_space<vmem>> -> memref<1024xf32, #tpu.memory_space<vmem>>
      tpu.wait_dma2 semaphore(%run_scoped3A_146 : memref<!tpu.dma_semaphore, #tpu.memory_space<semaphore_mem>>) src(%dma_wait3A_165 : memref<1024xf32, #tpu.memory_space<vmem>>) dst(%dma_wait3A_163 : memref<1024xf32, #tpu.memory_space<hbm>>)
      tpu.yield
    }) : () -> ()
    %run_scoped3A_101 = arith.constant 2 : i32
    %run_scoped3A_102 = arith.constant 1 : i32
    %run_scoped3A_103 = arith.constant 0 : i32
    "tpu.region"() ({
      %run_scoped3A_146 = tpu.sem_alloc : memref<!tpu.dma_semaphore, #tpu.memory_space<semaphore_mem>>
      %dma_start3A_147 = arith.constant 17408 : i32
      %dma_start3A_148 = tpu.memref_slice %arg5[%dma_start3A_147] : memref<32768xf32, #tpu.memory_space<vmem>> -> memref<1024xf32, #tpu.memory_space<vmem>>
      %dma_start3A_149 = arith.constant 0 : i32
      %dma_start3A_150 = tpu.memref_slice %arg4[%arg0, %run_scoped3A_101, %arg1, %run_scoped3A_102, %run_scoped3A_103, %dma_start3A_149] : memref<2x4x16x8x1x1024xf32, #tpu.memory_space<hbm>> -> memref<1x1x1x1x1x1024xf32, #tpu.memory_space<hbm>>
      %dma_start3A_151 = tpu.memref_squeeze %dma_start3A_150 : memref<1x1x1x1x1x1024xf32, #tpu.memory_space<hbm>> -> memref<1024xf32, #tpu.memory_space<hbm>>
      %dma_start3A_152 = arith.constant 0 : i32
      %dma_start3A_153 = tpu.memref_slice %arg4[%arg0, %run_scoped3A_101, %arg1, %run_scoped3A_102, %run_scoped3A_103, %dma_start3A_152] : memref<2x4x16x8x1x1024xf32, #tpu.memory_space<hbm>> -> memref<1x1x1x1x1x1024xf32, #tpu.memory_space<hbm>>
      %dma_start3A_154 = tpu.memref_squeeze %dma_start3A_153 : memref<1x1x1x1x1x1024xf32, #tpu.memory_space<hbm>> -> memref<1024xf32, #tpu.memory_space<hbm>>
      %dma_start3A_155 = arith.constant 17408 : i32
      %dma_start3A_156 = tpu.memref_slice %arg5[%dma_start3A_155] : memref<32768xf32, #tpu.memory_space<vmem>> -> memref<1024xf32, #tpu.memory_space<vmem>>
      tpu.enqueue_dma source(%dma_start3A_156 : memref<1024xf32, #tpu.memory_space<vmem>>) target(%dma_start3A_154 : memref<1024xf32, #tpu.memory_space<hbm>>) target_semaphore(%run_scoped3A_146 : memref<!tpu.dma_semaphore, #tpu.memory_space<semaphore_mem>>)
      %dma_wait3A = arith.constant 17408 : i32
      %dma_wait3A_157 = tpu.memref_slice %arg5[%dma_wait3A] : memref<32768xf32, #tpu.memory_space<vmem>> -> memref<1024xf32, #tpu.memory_space<vmem>>
      %dma_wait3A_158 = arith.constant 0 : i32
      %dma_wait3A_159 = tpu.memref_slice %arg4[%arg0, %run_scoped3A_101, %arg1, %run_scoped3A_102, %run_scoped3A_103, %dma_wait3A_158] : memref<2x4x16x8x1x1024xf32, #tpu.memory_space<hbm>> -> memref<1x1x1x1x1x1024xf32, #tpu.memory_space<hbm>>
      %dma_wait3A_160 = tpu.memref_squeeze %dma_wait3A_159 : memref<1x1x1x1x1x1024xf32, #tpu.memory_space<hbm>> -> memref<1024xf32, #tpu.memory_space<hbm>>
      %dma_wait3A_161 = arith.constant 0 : i32
      %dma_wait3A_162 = tpu.memref_slice %arg4[%arg0, %run_scoped3A_101, %arg1, %run_scoped3A_102, %run_scoped3A_103, %dma_wait3A_161] : memref<2x4x16x8x1x1024xf32, #tpu.memory_space<hbm>> -> memref<1x1x1x1x1x1024xf32, #tpu.memory_space<hbm>>
      %dma_wait3A_163 = tpu.memref_squeeze %dma_wait3A_162 : memref<1x1x1x1x1x1024xf32, #tpu.memory_space<hbm>> -> memref<1024xf32, #tpu.memory_space<hbm>>
      %dma_wait3A_164 = arith.constant 17408 : i32
      %dma_wait3A_165 = tpu.memref_slice %arg5[%dma_wait3A_164] : memref<32768xf32, #tpu.memory_space<vmem>> -> memref<1024xf32, #tpu.memory_space<vmem>>
      tpu.wait_dma2 semaphore(%run_scoped3A_146 : memref<!tpu.dma_semaphore, #tpu.memory_space<semaphore_mem>>) src(%dma_wait3A_165 : memref<1024xf32, #tpu.memory_space<vmem>>) dst(%dma_wait3A_163 : memref<1024xf32, #tpu.memory_space<hbm>>)
      tpu.yield
    }) : () -> ()
    %run_scoped3A_104 = arith.constant 2 : i32
    %run_scoped3A_105 = arith.constant 2 : i32
    %run_scoped3A_106 = arith.constant 0 : i32
    "tpu.region"() ({
      %run_scoped3A_146 = tpu.sem_alloc : memref<!tpu.dma_semaphore, #tpu.memory_space<semaphore_mem>>
      %dma_start3A_147 = arith.constant 18432 : i32
      %dma_start3A_148 = tpu.memref_slice %arg5[%dma_start3A_147] : memref<32768xf32, #tpu.memory_space<vmem>> -> memref<1024xf32, #tpu.memory_space<vmem>>
      %dma_start3A_149 = arith.constant 0 : i32
      %dma_start3A_150 = tpu.memref_slice %arg4[%arg0, %run_scoped3A_104, %arg1, %run_scoped3A_105, %run_scoped3A_106, %dma_start3A_149] : memref<2x4x16x8x1x1024xf32, #tpu.memory_space<hbm>> -> memref<1x1x1x1x1x1024xf32, #tpu.memory_space<hbm>>
      %dma_start3A_151 = tpu.memref_squeeze %dma_start3A_150 : memref<1x1x1x1x1x1024xf32, #tpu.memory_space<hbm>> -> memref<1024xf32, #tpu.memory_space<hbm>>
      %dma_start3A_152 = arith.constant 0 : i32
      %dma_start3A_153 = tpu.memref_slice %arg4[%arg0, %run_scoped3A_104, %arg1, %run_scoped3A_105, %run_scoped3A_106, %dma_start3A_152] : memref<2x4x16x8x1x1024xf32, #tpu.memory_space<hbm>> -> memref<1x1x1x1x1x1024xf32, #tpu.memory_space<hbm>>
      %dma_start3A_154 = tpu.memref_squeeze %dma_start3A_153 : memref<1x1x1x1x1x1024xf32, #tpu.memory_space<hbm>> -> memref<1024xf32, #tpu.memory_space<hbm>>
      %dma_start3A_155 = arith.constant 18432 : i32
      %dma_start3A_156 = tpu.memref_slice %arg5[%dma_start3A_155] : memref<32768xf32, #tpu.memory_space<vmem>> -> memref<1024xf32, #tpu.memory_space<vmem>>
      tpu.enqueue_dma source(%dma_start3A_156 : memref<1024xf32, #tpu.memory_space<vmem>>) target(%dma_start3A_154 : memref<1024xf32, #tpu.memory_space<hbm>>) target_semaphore(%run_scoped3A_146 : memref<!tpu.dma_semaphore, #tpu.memory_space<semaphore_mem>>)
      %dma_wait3A = arith.constant 18432 : i32
      %dma_wait3A_157 = tpu.memref_slice %arg5[%dma_wait3A] : memref<32768xf32, #tpu.memory_space<vmem>> -> memref<1024xf32, #tpu.memory_space<vmem>>
      %dma_wait3A_158 = arith.constant 0 : i32
      %dma_wait3A_159 = tpu.memref_slice %arg4[%arg0, %run_scoped3A_104, %arg1, %run_scoped3A_105, %run_scoped3A_106, %dma_wait3A_158] : memref<2x4x16x8x1x1024xf32, #tpu.memory_space<hbm>> -> memref<1x1x1x1x1x1024xf32, #tpu.memory_space<hbm>>
      %dma_wait3A_160 = tpu.memref_squeeze %dma_wait3A_159 : memref<1x1x1x1x1x1024xf32, #tpu.memory_space<hbm>> -> memref<1024xf32, #tpu.memory_space<hbm>>
      %dma_wait3A_161 = arith.constant 0 : i32
      %dma_wait3A_162 = tpu.memref_slice %arg4[%arg0, %run_scoped3A_104, %arg1, %run_scoped3A_105, %run_scoped3A_106, %dma_wait3A_161] : memref<2x4x16x8x1x1024xf32, #tpu.memory_space<hbm>> -> memref<1x1x1x1x1x1024xf32, #tpu.memory_space<hbm>>
      %dma_wait3A_163 = tpu.memref_squeeze %dma_wait3A_162 : memref<1x1x1x1x1x1024xf32, #tpu.memory_space<hbm>> -> memref<1024xf32, #tpu.memory_space<hbm>>
      %dma_wait3A_164 = arith.constant 18432 : i32
      %dma_wait3A_165 = tpu.memref_slice %arg5[%dma_wait3A_164] : memref<32768xf32, #tpu.memory_space<vmem>> -> memref<1024xf32, #tpu.memory_space<vmem>>
      tpu.wait_dma2 semaphore(%run_scoped3A_146 : memref<!tpu.dma_semaphore, #tpu.memory_space<semaphore_mem>>) src(%dma_wait3A_165 : memref<1024xf32, #tpu.memory_space<vmem>>) dst(%dma_wait3A_163 : memref<1024xf32, #tpu.memory_space<hbm>>)
      tpu.yield
    }) : () -> ()
    %run_scoped3A_107 = arith.constant 2 : i32
    %run_scoped3A_108 = arith.constant 3 : i32
    %run_scoped3A_109 = arith.constant 0 : i32
    "tpu.region"() ({
      %run_scoped3A_146 = tpu.sem_alloc : memref<!tpu.dma_semaphore, #tpu.memory_space<semaphore_mem>>
      %dma_start3A_147 = arith.constant 19456 : i32
      %dma_start3A_148 = tpu.memref_slice %arg5[%dma_start3A_147] : memref<32768xf32, #tpu.memory_space<vmem>> -> memref<1024xf32, #tpu.memory_space<vmem>>
      %dma_start3A_149 = arith.constant 0 : i32
      %dma_start3A_150 = tpu.memref_slice %arg4[%arg0, %run_scoped3A_107, %arg1, %run_scoped3A_108, %run_scoped3A_109, %dma_start3A_149] : memref<2x4x16x8x1x1024xf32, #tpu.memory_space<hbm>> -> memref<1x1x1x1x1x1024xf32, #tpu.memory_space<hbm>>
      %dma_start3A_151 = tpu.memref_squeeze %dma_start3A_150 : memref<1x1x1x1x1x1024xf32, #tpu.memory_space<hbm>> -> memref<1024xf32, #tpu.memory_space<hbm>>
      %dma_start3A_152 = arith.constant 0 : i32
      %dma_start3A_153 = tpu.memref_slice %arg4[%arg0, %run_scoped3A_107, %arg1, %run_scoped3A_108, %run_scoped3A_109, %dma_start3A_152] : memref<2x4x16x8x1x1024xf32, #tpu.memory_space<hbm>> -> memref<1x1x1x1x1x1024xf32, #tpu.memory_space<hbm>>
      %dma_start3A_154 = tpu.memref_squeeze %dma_start3A_153 : memref<1x1x1x1x1x1024xf32, #tpu.memory_space<hbm>> -> memref<1024xf32, #tpu.memory_space<hbm>>
      %dma_start3A_155 = arith.constant 19456 : i32
      %dma_start3A_156 = tpu.memref_slice %arg5[%dma_start3A_155] : memref<32768xf32, #tpu.memory_space<vmem>> -> memref<1024xf32, #tpu.memory_space<vmem>>
      tpu.enqueue_dma source(%dma_start3A_156 : memref<1024xf32, #tpu.memory_space<vmem>>) target(%dma_start3A_154 : memref<1024xf32, #tpu.memory_space<hbm>>) target_semaphore(%run_scoped3A_146 : memref<!tpu.dma_semaphore, #tpu.memory_space<semaphore_mem>>)
      %dma_wait3A = arith.constant 19456 : i32
      %dma_wait3A_157 = tpu.memref_slice %arg5[%dma_wait3A] : memref<32768xf32, #tpu.memory_space<vmem>> -> memref<1024xf32, #tpu.memory_space<vmem>>
      %dma_wait3A_158 = arith.constant 0 : i32
      %dma_wait3A_159 = tpu.memref_slice %arg4[%arg0, %run_scoped3A_107, %arg1, %run_scoped3A_108, %run_scoped3A_109, %dma_wait3A_158] : memref<2x4x16x8x1x1024xf32, #tpu.memory_space<hbm>> -> memref<1x1x1x1x1x1024xf32, #tpu.memory_space<hbm>>
      %dma_wait3A_160 = tpu.memref_squeeze %dma_wait3A_159 : memref<1x1x1x1x1x1024xf32, #tpu.memory_space<hbm>> -> memref<1024xf32, #tpu.memory_space<hbm>>
      %dma_wait3A_161 = arith.constant 0 : i32
      %dma_wait3A_162 = tpu.memref_slice %arg4[%arg0, %run_scoped3A_107, %arg1, %run_scoped3A_108, %run_scoped3A_109, %dma_wait3A_161] : memref<2x4x16x8x1x1024xf32, #tpu.memory_space<hbm>> -> memref<1x1x1x1x1x1024xf32, #tpu.memory_space<hbm>>
      %dma_wait3A_163 = tpu.memref_squeeze %dma_wait3A_162 : memref<1x1x1x1x1x1024xf32, #tpu.memory_space<hbm>> -> memref<1024xf32, #tpu.memory_space<hbm>>
      %dma_wait3A_164 = arith.constant 19456 : i32
      %dma_wait3A_165 = tpu.memref_slice %arg5[%dma_wait3A_164] : memref<32768xf32, #tpu.memory_space<vmem>> -> memref<1024xf32, #tpu.memory_space<vmem>>
      tpu.wait_dma2 semaphore(%run_scoped3A_146 : memref<!tpu.dma_semaphore, #tpu.memory_space<semaphore_mem>>) src(%dma_wait3A_165 : memref<1024xf32, #tpu.memory_space<vmem>>) dst(%dma_wait3A_163 : memref<1024xf32, #tpu.memory_space<hbm>>)
      tpu.yield
    }) : () -> ()
    %run_scoped3A_110 = arith.constant 2 : i32
    %run_scoped3A_111 = arith.constant 4 : i32
    %run_scoped3A_112 = arith.constant 0 : i32
    "tpu.region"() ({
      %run_scoped3A_146 = tpu.sem_alloc : memref<!tpu.dma_semaphore, #tpu.memory_space<semaphore_mem>>
      %dma_start3A_147 = arith.constant 20480 : i32
      %dma_start3A_148 = tpu.memref_slice %arg5[%dma_start3A_147] : memref<32768xf32, #tpu.memory_space<vmem>> -> memref<1024xf32, #tpu.memory_space<vmem>>
      %dma_start3A_149 = arith.constant 0 : i32
      %dma_start3A_150 = tpu.memref_slice %arg4[%arg0, %run_scoped3A_110, %arg1, %run_scoped3A_111, %run_scoped3A_112, %dma_start3A_149] : memref<2x4x16x8x1x1024xf32, #tpu.memory_space<hbm>> -> memref<1x1x1x1x1x1024xf32, #tpu.memory_space<hbm>>
      %dma_start3A_151 = tpu.memref_squeeze %dma_start3A_150 : memref<1x1x1x1x1x1024xf32, #tpu.memory_space<hbm>> -> memref<1024xf32, #tpu.memory_space<hbm>>
      %dma_start3A_152 = arith.constant 0 : i32
      %dma_start3A_153 = tpu.memref_slice %arg4[%arg0, %run_scoped3A_110, %arg1, %run_scoped3A_111, %run_scoped3A_112, %dma_start3A_152] : memref<2x4x16x8x1x1024xf32, #tpu.memory_space<hbm>> -> memref<1x1x1x1x1x1024xf32, #tpu.memory_space<hbm>>
      %dma_start3A_154 = tpu.memref_squeeze %dma_start3A_153 : memref<1x1x1x1x1x1024xf32, #tpu.memory_space<hbm>> -> memref<1024xf32, #tpu.memory_space<hbm>>
      %dma_start3A_155 = arith.constant 20480 : i32
      %dma_start3A_156 = tpu.memref_slice %arg5[%dma_start3A_155] : memref<32768xf32, #tpu.memory_space<vmem>> -> memref<1024xf32, #tpu.memory_space<vmem>>
      tpu.enqueue_dma source(%dma_start3A_156 : memref<1024xf32, #tpu.memory_space<vmem>>) target(%dma_start3A_154 : memref<1024xf32, #tpu.memory_space<hbm>>) target_semaphore(%run_scoped3A_146 : memref<!tpu.dma_semaphore, #tpu.memory_space<semaphore_mem>>)
      %dma_wait3A = arith.constant 20480 : i32
      %dma_wait3A_157 = tpu.memref_slice %arg5[%dma_wait3A] : memref<32768xf32, #tpu.memory_space<vmem>> -> memref<1024xf32, #tpu.memory_space<vmem>>
      %dma_wait3A_158 = arith.constant 0 : i32
      %dma_wait3A_159 = tpu.memref_slice %arg4[%arg0, %run_scoped3A_110, %arg1, %run_scoped3A_111, %run_scoped3A_112, %dma_wait3A_158] : memref<2x4x16x8x1x1024xf32, #tpu.memory_space<hbm>> -> memref<1x1x1x1x1x1024xf32, #tpu.memory_space<hbm>>
      %dma_wait3A_160 = tpu.memref_squeeze %dma_wait3A_159 : memref<1x1x1x1x1x1024xf32, #tpu.memory_space<hbm>> -> memref<1024xf32, #tpu.memory_space<hbm>>
      %dma_wait3A_161 = arith.constant 0 : i32
      %dma_wait3A_162 = tpu.memref_slice %arg4[%arg0, %run_scoped3A_110, %arg1, %run_scoped3A_111, %run_scoped3A_112, %dma_wait3A_161] : memref<2x4x16x8x1x1024xf32, #tpu.memory_space<hbm>> -> memref<1x1x1x1x1x1024xf32, #tpu.memory_space<hbm>>
      %dma_wait3A_163 = tpu.memref_squeeze %dma_wait3A_162 : memref<1x1x1x1x1x1024xf32, #tpu.memory_space<hbm>> -> memref<1024xf32, #tpu.memory_space<hbm>>
      %dma_wait3A_164 = arith.constant 20480 : i32
      %dma_wait3A_165 = tpu.memref_slice %arg5[%dma_wait3A_164] : memref<32768xf32, #tpu.memory_space<vmem>> -> memref<1024xf32, #tpu.memory_space<vmem>>
      tpu.wait_dma2 semaphore(%run_scoped3A_146 : memref<!tpu.dma_semaphore, #tpu.memory_space<semaphore_mem>>) src(%dma_wait3A_165 : memref<1024xf32, #tpu.memory_space<vmem>>) dst(%dma_wait3A_163 : memref<1024xf32, #tpu.memory_space<hbm>>)
      tpu.yield
    }) : () -> ()
    %run_scoped3A_113 = arith.constant 2 : i32
    %run_scoped3A_114 = arith.constant 5 : i32
    %run_scoped3A_115 = arith.constant 0 : i32
    "tpu.region"() ({
      %run_scoped3A_146 = tpu.sem_alloc : memref<!tpu.dma_semaphore, #tpu.memory_space<semaphore_mem>>
      %dma_start3A_147 = arith.constant 21504 : i32
      %dma_start3A_148 = tpu.memref_slice %arg5[%dma_start3A_147] : memref<32768xf32, #tpu.memory_space<vmem>> -> memref<1024xf32, #tpu.memory_space<vmem>>
      %dma_start3A_149 = arith.constant 0 : i32
      %dma_start3A_150 = tpu.memref_slice %arg4[%arg0, %run_scoped3A_113, %arg1, %run_scoped3A_114, %run_scoped3A_115, %dma_start3A_149] : memref<2x4x16x8x1x1024xf32, #tpu.memory_space<hbm>> -> memref<1x1x1x1x1x1024xf32, #tpu.memory_space<hbm>>
      %dma_start3A_151 = tpu.memref_squeeze %dma_start3A_150 : memref<1x1x1x1x1x1024xf32, #tpu.memory_space<hbm>> -> memref<1024xf32, #tpu.memory_space<hbm>>
      %dma_start3A_152 = arith.constant 0 : i32
      %dma_start3A_153 = tpu.memref_slice %arg4[%arg0, %run_scoped3A_113, %arg1, %run_scoped3A_114, %run_scoped3A_115, %dma_start3A_152] : memref<2x4x16x8x1x1024xf32, #tpu.memory_space<hbm>> -> memref<1x1x1x1x1x1024xf32, #tpu.memory_space<hbm>>
      %dma_start3A_154 = tpu.memref_squeeze %dma_start3A_153 : memref<1x1x1x1x1x1024xf32, #tpu.memory_space<hbm>> -> memref<1024xf32, #tpu.memory_space<hbm>>
      %dma_start3A_155 = arith.constant 21504 : i32
      %dma_start3A_156 = tpu.memref_slice %arg5[%dma_start3A_155] : memref<32768xf32, #tpu.memory_space<vmem>> -> memref<1024xf32, #tpu.memory_space<vmem>>
      tpu.enqueue_dma source(%dma_start3A_156 : memref<1024xf32, #tpu.memory_space<vmem>>) target(%dma_start3A_154 : memref<1024xf32, #tpu.memory_space<hbm>>) target_semaphore(%run_scoped3A_146 : memref<!tpu.dma_semaphore, #tpu.memory_space<semaphore_mem>>)
      %dma_wait3A = arith.constant 21504 : i32
      %dma_wait3A_157 = tpu.memref_slice %arg5[%dma_wait3A] : memref<32768xf32, #tpu.memory_space<vmem>> -> memref<1024xf32, #tpu.memory_space<vmem>>
      %dma_wait3A_158 = arith.constant 0 : i32
      %dma_wait3A_159 = tpu.memref_slice %arg4[%arg0, %run_scoped3A_113, %arg1, %run_scoped3A_114, %run_scoped3A_115, %dma_wait3A_158] : memref<2x4x16x8x1x1024xf32, #tpu.memory_space<hbm>> -> memref<1x1x1x1x1x1024xf32, #tpu.memory_space<hbm>>
      %dma_wait3A_160 = tpu.memref_squeeze %dma_wait3A_159 : memref<1x1x1x1x1x1024xf32, #tpu.memory_space<hbm>> -> memref<1024xf32, #tpu.memory_space<hbm>>
      %dma_wait3A_161 = arith.constant 0 : i32
      %dma_wait3A_162 = tpu.memref_slice %arg4[%arg0, %run_scoped3A_113, %arg1, %run_scoped3A_114, %run_scoped3A_115, %dma_wait3A_161] : memref<2x4x16x8x1x1024xf32, #tpu.memory_space<hbm>> -> memref<1x1x1x1x1x1024xf32, #tpu.memory_space<hbm>>
      %dma_wait3A_163 = tpu.memref_squeeze %dma_wait3A_162 : memref<1x1x1x1x1x1024xf32, #tpu.memory_space<hbm>> -> memref<1024xf32, #tpu.memory_space<hbm>>
      %dma_wait3A_164 = arith.constant 21504 : i32
      %dma_wait3A_165 = tpu.memref_slice %arg5[%dma_wait3A_164] : memref<32768xf32, #tpu.memory_space<vmem>> -> memref<1024xf32, #tpu.memory_space<vmem>>
      tpu.wait_dma2 semaphore(%run_scoped3A_146 : memref<!tpu.dma_semaphore, #tpu.memory_space<semaphore_mem>>) src(%dma_wait3A_165 : memref<1024xf32, #tpu.memory_space<vmem>>) dst(%dma_wait3A_163 : memref<1024xf32, #tpu.memory_space<hbm>>)
      tpu.yield
    }) : () -> ()
    %run_scoped3A_116 = arith.constant 2 : i32
    %run_scoped3A_117 = arith.constant 6 : i32
    %run_scoped3A_118 = arith.constant 0 : i32
    "tpu.region"() ({
      %run_scoped3A_146 = tpu.sem_alloc : memref<!tpu.dma_semaphore, #tpu.memory_space<semaphore_mem>>
      %dma_start3A_147 = arith.constant 22528 : i32
      %dma_start3A_148 = tpu.memref_slice %arg5[%dma_start3A_147] : memref<32768xf32, #tpu.memory_space<vmem>> -> memref<1024xf32, #tpu.memory_space<vmem>>
      %dma_start3A_149 = arith.constant 0 : i32
      %dma_start3A_150 = tpu.memref_slice %arg4[%arg0, %run_scoped3A_116, %arg1, %run_scoped3A_117, %run_scoped3A_118, %dma_start3A_149] : memref<2x4x16x8x1x1024xf32, #tpu.memory_space<hbm>> -> memref<1x1x1x1x1x1024xf32, #tpu.memory_space<hbm>>
      %dma_start3A_151 = tpu.memref_squeeze %dma_start3A_150 : memref<1x1x1x1x1x1024xf32, #tpu.memory_space<hbm>> -> memref<1024xf32, #tpu.memory_space<hbm>>
      %dma_start3A_152 = arith.constant 0 : i32
      %dma_start3A_153 = tpu.memref_slice %arg4[%arg0, %run_scoped3A_116, %arg1, %run_scoped3A_117, %run_scoped3A_118, %dma_start3A_152] : memref<2x4x16x8x1x1024xf32, #tpu.memory_space<hbm>> -> memref<1x1x1x1x1x1024xf32, #tpu.memory_space<hbm>>
      %dma_start3A_154 = tpu.memref_squeeze %dma_start3A_153 : memref<1x1x1x1x1x1024xf32, #tpu.memory_space<hbm>> -> memref<1024xf32, #tpu.memory_space<hbm>>
      %dma_start3A_155 = arith.constant 22528 : i32
      %dma_start3A_156 = tpu.memref_slice %arg5[%dma_start3A_155] : memref<32768xf32, #tpu.memory_space<vmem>> -> memref<1024xf32, #tpu.memory_space<vmem>>
      tpu.enqueue_dma source(%dma_start3A_156 : memref<1024xf32, #tpu.memory_space<vmem>>) target(%dma_start3A_154 : memref<1024xf32, #tpu.memory_space<hbm>>) target_semaphore(%run_scoped3A_146 : memref<!tpu.dma_semaphore, #tpu.memory_space<semaphore_mem>>)
      %dma_wait3A = arith.constant 22528 : i32
      %dma_wait3A_157 = tpu.memref_slice %arg5[%dma_wait3A] : memref<32768xf32, #tpu.memory_space<vmem>> -> memref<1024xf32, #tpu.memory_space<vmem>>
      %dma_wait3A_158 = arith.constant 0 : i32
      %dma_wait3A_159 = tpu.memref_slice %arg4[%arg0, %run_scoped3A_116, %arg1, %run_scoped3A_117, %run_scoped3A_118, %dma_wait3A_158] : memref<2x4x16x8x1x1024xf32, #tpu.memory_space<hbm>> -> memref<1x1x1x1x1x1024xf32, #tpu.memory_space<hbm>>
      %dma_wait3A_160 = tpu.memref_squeeze %dma_wait3A_159 : memref<1x1x1x1x1x1024xf32, #tpu.memory_space<hbm>> -> memref<1024xf32, #tpu.memory_space<hbm>>
      %dma_wait3A_161 = arith.constant 0 : i32
      %dma_wait3A_162 = tpu.memref_slice %arg4[%arg0, %run_scoped3A_116, %arg1, %run_scoped3A_117, %run_scoped3A_118, %dma_wait3A_161] : memref<2x4x16x8x1x1024xf32, #tpu.memory_space<hbm>> -> memref<1x1x1x1x1x1024xf32, #tpu.memory_space<hbm>>
      %dma_wait3A_163 = tpu.memref_squeeze %dma_wait3A_162 : memref<1x1x1x1x1x1024xf32, #tpu.memory_space<hbm>> -> memref<1024xf32, #tpu.memory_space<hbm>>
      %dma_wait3A_164 = arith.constant 22528 : i32
      %dma_wait3A_165 = tpu.memref_slice %arg5[%dma_wait3A_164] : memref<32768xf32, #tpu.memory_space<vmem>> -> memref<1024xf32, #tpu.memory_space<vmem>>
      tpu.wait_dma2 semaphore(%run_scoped3A_146 : memref<!tpu.dma_semaphore, #tpu.memory_space<semaphore_mem>>) src(%dma_wait3A_165 : memref<1024xf32, #tpu.memory_space<vmem>>) dst(%dma_wait3A_163 : memref<1024xf32, #tpu.memory_space<hbm>>)
      tpu.yield
    }) : () -> ()
    %run_scoped3A_119 = arith.constant 2 : i32
    %run_scoped3A_120 = arith.constant 7 : i32
    %run_scoped3A_121 = arith.constant 0 : i32
    "tpu.region"() ({
      %run_scoped3A_146 = tpu.sem_alloc : memref<!tpu.dma_semaphore, #tpu.memory_space<semaphore_mem>>
      %dma_start3A_147 = arith.constant 23552 : i32
      %dma_start3A_148 = tpu.memref_slice %arg5[%dma_start3A_147] : memref<32768xf32, #tpu.memory_space<vmem>> -> memref<1024xf32, #tpu.memory_space<vmem>>
      %dma_start3A_149 = arith.constant 0 : i32
      %dma_start3A_150 = tpu.memref_slice %arg4[%arg0, %run_scoped3A_119, %arg1, %run_scoped3A_120, %run_scoped3A_121, %dma_start3A_149] : memref<2x4x16x8x1x1024xf32, #tpu.memory_space<hbm>> -> memref<1x1x1x1x1x1024xf32, #tpu.memory_space<hbm>>
      %dma_start3A_151 = tpu.memref_squeeze %dma_start3A_150 : memref<1x1x1x1x1x1024xf32, #tpu.memory_space<hbm>> -> memref<1024xf32, #tpu.memory_space<hbm>>
      %dma_start3A_152 = arith.constant 0 : i32
      %dma_start3A_153 = tpu.memref_slice %arg4[%arg0, %run_scoped3A_119, %arg1, %run_scoped3A_120, %run_scoped3A_121, %dma_start3A_152] : memref<2x4x16x8x1x1024xf32, #tpu.memory_space<hbm>> -> memref<1x1x1x1x1x1024xf32, #tpu.memory_space<hbm>>
      %dma_start3A_154 = tpu.memref_squeeze %dma_start3A_153 : memref<1x1x1x1x1x1024xf32, #tpu.memory_space<hbm>> -> memref<1024xf32, #tpu.memory_space<hbm>>
      %dma_start3A_155 = arith.constant 23552 : i32
      %dma_start3A_156 = tpu.memref_slice %arg5[%dma_start3A_155] : memref<32768xf32, #tpu.memory_space<vmem>> -> memref<1024xf32, #tpu.memory_space<vmem>>
      tpu.enqueue_dma source(%dma_start3A_156 : memref<1024xf32, #tpu.memory_space<vmem>>) target(%dma_start3A_154 : memref<1024xf32, #tpu.memory_space<hbm>>) target_semaphore(%run_scoped3A_146 : memref<!tpu.dma_semaphore, #tpu.memory_space<semaphore_mem>>)
      %dma_wait3A = arith.constant 23552 : i32
      %dma_wait3A_157 = tpu.memref_slice %arg5[%dma_wait3A] : memref<32768xf32, #tpu.memory_space<vmem>> -> memref<1024xf32, #tpu.memory_space<vmem>>
      %dma_wait3A_158 = arith.constant 0 : i32
      %dma_wait3A_159 = tpu.memref_slice %arg4[%arg0, %run_scoped3A_119, %arg1, %run_scoped3A_120, %run_scoped3A_121, %dma_wait3A_158] : memref<2x4x16x8x1x1024xf32, #tpu.memory_space<hbm>> -> memref<1x1x1x1x1x1024xf32, #tpu.memory_space<hbm>>
      %dma_wait3A_160 = tpu.memref_squeeze %dma_wait3A_159 : memref<1x1x1x1x1x1024xf32, #tpu.memory_space<hbm>> -> memref<1024xf32, #tpu.memory_space<hbm>>
      %dma_wait3A_161 = arith.constant 0 : i32
      %dma_wait3A_162 = tpu.memref_slice %arg4[%arg0, %run_scoped3A_119, %arg1, %run_scoped3A_120, %run_scoped3A_121, %dma_wait3A_161] : memref<2x4x16x8x1x1024xf32, #tpu.memory_space<hbm>> -> memref<1x1x1x1x1x1024xf32, #tpu.memory_space<hbm>>
      %dma_wait3A_163 = tpu.memref_squeeze %dma_wait3A_162 : memref<1x1x1x1x1x1024xf32, #tpu.memory_space<hbm>> -> memref<1024xf32, #tpu.memory_space<hbm>>
      %dma_wait3A_164 = arith.constant 23552 : i32
      %dma_wait3A_165 = tpu.memref_slice %arg5[%dma_wait3A_164] : memref<32768xf32, #tpu.memory_space<vmem>> -> memref<1024xf32, #tpu.memory_space<vmem>>
      tpu.wait_dma2 semaphore(%run_scoped3A_146 : memref<!tpu.dma_semaphore, #tpu.memory_space<semaphore_mem>>) src(%dma_wait3A_165 : memref<1024xf32, #tpu.memory_space<vmem>>) dst(%dma_wait3A_163 : memref<1024xf32, #tpu.memory_space<hbm>>)
      tpu.yield
    }) : () -> ()
    %run_scoped3A_122 = arith.constant 3 : i32
    %run_scoped3A_123 = arith.constant 0 : i32
    %run_scoped3A_124 = arith.constant 0 : i32
    "tpu.region"() ({
      %run_scoped3A_146 = tpu.sem_alloc : memref<!tpu.dma_semaphore, #tpu.memory_space<semaphore_mem>>
      %dma_start3A_147 = arith.constant 24576 : i32
      %dma_start3A_148 = tpu.memref_slice %arg5[%dma_start3A_147] : memref<32768xf32, #tpu.memory_space<vmem>> -> memref<1024xf32, #tpu.memory_space<vmem>>
      %dma_start3A_149 = arith.constant 0 : i32
      %dma_start3A_150 = tpu.memref_slice %arg4[%arg0, %run_scoped3A_122, %arg1, %run_scoped3A_123, %run_scoped3A_124, %dma_start3A_149] : memref<2x4x16x8x1x1024xf32, #tpu.memory_space<hbm>> -> memref<1x1x1x1x1x1024xf32, #tpu.memory_space<hbm>>
      %dma_start3A_151 = tpu.memref_squeeze %dma_start3A_150 : memref<1x1x1x1x1x1024xf32, #tpu.memory_space<hbm>> -> memref<1024xf32, #tpu.memory_space<hbm>>
      %dma_start3A_152 = arith.constant 0 : i32
      %dma_start3A_153 = tpu.memref_slice %arg4[%arg0, %run_scoped3A_122, %arg1, %run_scoped3A_123, %run_scoped3A_124, %dma_start3A_152] : memref<2x4x16x8x1x1024xf32, #tpu.memory_space<hbm>> -> memref<1x1x1x1x1x1024xf32, #tpu.memory_space<hbm>>
      %dma_start3A_154 = tpu.memref_squeeze %dma_start3A_153 : memref<1x1x1x1x1x1024xf32, #tpu.memory_space<hbm>> -> memref<1024xf32, #tpu.memory_space<hbm>>
      %dma_start3A_155 = arith.constant 24576 : i32
      %dma_start3A_156 = tpu.memref_slice %arg5[%dma_start3A_155] : memref<32768xf32, #tpu.memory_space<vmem>> -> memref<1024xf32, #tpu.memory_space<vmem>>
      tpu.enqueue_dma source(%dma_start3A_156 : memref<1024xf32, #tpu.memory_space<vmem>>) target(%dma_start3A_154 : memref<1024xf32, #tpu.memory_space<hbm>>) target_semaphore(%run_scoped3A_146 : memref<!tpu.dma_semaphore, #tpu.memory_space<semaphore_mem>>)
      %dma_wait3A = arith.constant 24576 : i32
      %dma_wait3A_157 = tpu.memref_slice %arg5[%dma_wait3A] : memref<32768xf32, #tpu.memory_space<vmem>> -> memref<1024xf32, #tpu.memory_space<vmem>>
      %dma_wait3A_158 = arith.constant 0 : i32
      %dma_wait3A_159 = tpu.memref_slice %arg4[%arg0, %run_scoped3A_122, %arg1, %run_scoped3A_123, %run_scoped3A_124, %dma_wait3A_158] : memref<2x4x16x8x1x1024xf32, #tpu.memory_space<hbm>> -> memref<1x1x1x1x1x1024xf32, #tpu.memory_space<hbm>>
      %dma_wait3A_160 = tpu.memref_squeeze %dma_wait3A_159 : memref<1x1x1x1x1x1024xf32, #tpu.memory_space<hbm>> -> memref<1024xf32, #tpu.memory_space<hbm>>
      %dma_wait3A_161 = arith.constant 0 : i32
      %dma_wait3A_162 = tpu.memref_slice %arg4[%arg0, %run_scoped3A_122, %arg1, %run_scoped3A_123, %run_scoped3A_124, %dma_wait3A_161] : memref<2x4x16x8x1x1024xf32, #tpu.memory_space<hbm>> -> memref<1x1x1x1x1x1024xf32, #tpu.memory_space<hbm>>
      %dma_wait3A_163 = tpu.memref_squeeze %dma_wait3A_162 : memref<1x1x1x1x1x1024xf32, #tpu.memory_space<hbm>> -> memref<1024xf32, #tpu.memory_space<hbm>>
      %dma_wait3A_164 = arith.constant 24576 : i32
      %dma_wait3A_165 = tpu.memref_slice %arg5[%dma_wait3A_164] : memref<32768xf32, #tpu.memory_space<vmem>> -> memref<1024xf32, #tpu.memory_space<vmem>>
      tpu.wait_dma2 semaphore(%run_scoped3A_146 : memref<!tpu.dma_semaphore, #tpu.memory_space<semaphore_mem>>) src(%dma_wait3A_165 : memref<1024xf32, #tpu.memory_space<vmem>>) dst(%dma_wait3A_163 : memref<1024xf32, #tpu.memory_space<hbm>>)
      tpu.yield
    }) : () -> ()
    %run_scoped3A_125 = arith.constant 3 : i32
    %run_scoped3A_126 = arith.constant 1 : i32
    %run_scoped3A_127 = arith.constant 0 : i32
    "tpu.region"() ({
      %run_scoped3A_146 = tpu.sem_alloc : memref<!tpu.dma_semaphore, #tpu.memory_space<semaphore_mem>>
      %dma_start3A_147 = arith.constant 25600 : i32
      %dma_start3A_148 = tpu.memref_slice %arg5[%dma_start3A_147] : memref<32768xf32, #tpu.memory_space<vmem>> -> memref<1024xf32, #tpu.memory_space<vmem>>
      %dma_start3A_149 = arith.constant 0 : i32
      %dma_start3A_150 = tpu.memref_slice %arg4[%arg0, %run_scoped3A_125, %arg1, %run_scoped3A_126, %run_scoped3A_127, %dma_start3A_149] : memref<2x4x16x8x1x1024xf32, #tpu.memory_space<hbm>> -> memref<1x1x1x1x1x1024xf32, #tpu.memory_space<hbm>>
      %dma_start3A_151 = tpu.memref_squeeze %dma_start3A_150 : memref<1x1x1x1x1x1024xf32, #tpu.memory_space<hbm>> -> memref<1024xf32, #tpu.memory_space<hbm>>
      %dma_start3A_152 = arith.constant 0 : i32
      %dma_start3A_153 = tpu.memref_slice %arg4[%arg0, %run_scoped3A_125, %arg1, %run_scoped3A_126, %run_scoped3A_127, %dma_start3A_152] : memref<2x4x16x8x1x1024xf32, #tpu.memory_space<hbm>> -> memref<1x1x1x1x1x1024xf32, #tpu.memory_space<hbm>>
      %dma_start3A_154 = tpu.memref_squeeze %dma_start3A_153 : memref<1x1x1x1x1x1024xf32, #tpu.memory_space<hbm>> -> memref<1024xf32, #tpu.memory_space<hbm>>
      %dma_start3A_155 = arith.constant 25600 : i32
      %dma_start3A_156 = tpu.memref_slice %arg5[%dma_start3A_155] : memref<32768xf32, #tpu.memory_space<vmem>> -> memref<1024xf32, #tpu.memory_space<vmem>>
      tpu.enqueue_dma source(%dma_start3A_156 : memref<1024xf32, #tpu.memory_space<vmem>>) target(%dma_start3A_154 : memref<1024xf32, #tpu.memory_space<hbm>>) target_semaphore(%run_scoped3A_146 : memref<!tpu.dma_semaphore, #tpu.memory_space<semaphore_mem>>)
      %dma_wait3A = arith.constant 25600 : i32
      %dma_wait3A_157 = tpu.memref_slice %arg5[%dma_wait3A] : memref<32768xf32, #tpu.memory_space<vmem>> -> memref<1024xf32, #tpu.memory_space<vmem>>
      %dma_wait3A_158 = arith.constant 0 : i32
      %dma_wait3A_159 = tpu.memref_slice %arg4[%arg0, %run_scoped3A_125, %arg1, %run_scoped3A_126, %run_scoped3A_127, %dma_wait3A_158] : memref<2x4x16x8x1x1024xf32, #tpu.memory_space<hbm>> -> memref<1x1x1x1x1x1024xf32, #tpu.memory_space<hbm>>
      %dma_wait3A_160 = tpu.memref_squeeze %dma_wait3A_159 : memref<1x1x1x1x1x1024xf32, #tpu.memory_space<hbm>> -> memref<1024xf32, #tpu.memory_space<hbm>>
      %dma_wait3A_161 = arith.constant 0 : i32
      %dma_wait3A_162 = tpu.memref_slice %arg4[%arg0, %run_scoped3A_125, %arg1, %run_scoped3A_126, %run_scoped3A_127, %dma_wait3A_161] : memref<2x4x16x8x1x1024xf32, #tpu.memory_space<hbm>> -> memref<1x1x1x1x1x1024xf32, #tpu.memory_space<hbm>>
      %dma_wait3A_163 = tpu.memref_squeeze %dma_wait3A_162 : memref<1x1x1x1x1x1024xf32, #tpu.memory_space<hbm>> -> memref<1024xf32, #tpu.memory_space<hbm>>
      %dma_wait3A_164 = arith.constant 25600 : i32
      %dma_wait3A_165 = tpu.memref_slice %arg5[%dma_wait3A_164] : memref<32768xf32, #tpu.memory_space<vmem>> -> memref<1024xf32, #tpu.memory_space<vmem>>
      tpu.wait_dma2 semaphore(%run_scoped3A_146 : memref<!tpu.dma_semaphore, #tpu.memory_space<semaphore_mem>>) src(%dma_wait3A_165 : memref<1024xf32, #tpu.memory_space<vmem>>) dst(%dma_wait3A_163 : memref<1024xf32, #tpu.memory_space<hbm>>)
      tpu.yield
    }) : () -> ()
    %run_scoped3A_128 = arith.constant 3 : i32
    %run_scoped3A_129 = arith.constant 2 : i32
    %run_scoped3A_130 = arith.constant 0 : i32
    "tpu.region"() ({
      %run_scoped3A_146 = tpu.sem_alloc : memref<!tpu.dma_semaphore, #tpu.memory_space<semaphore_mem>>
      %dma_start3A_147 = arith.constant 26624 : i32
      %dma_start3A_148 = tpu.memref_slice %arg5[%dma_start3A_147] : memref<32768xf32, #tpu.memory_space<vmem>> -> memref<1024xf32, #tpu.memory_space<vmem>>
      %dma_start3A_149 = arith.constant 0 : i32
      %dma_start3A_150 = tpu.memref_slice %arg4[%arg0, %run_scoped3A_128, %arg1, %run_scoped3A_129, %run_scoped3A_130, %dma_start3A_149] : memref<2x4x16x8x1x1024xf32, #tpu.memory_space<hbm>> -> memref<1x1x1x1x1x1024xf32, #tpu.memory_space<hbm>>
      %dma_start3A_151 = tpu.memref_squeeze %dma_start3A_150 : memref<1x1x1x1x1x1024xf32, #tpu.memory_space<hbm>> -> memref<1024xf32, #tpu.memory_space<hbm>>
      %dma_start3A_152 = arith.constant 0 : i32
      %dma_start3A_153 = tpu.memref_slice %arg4[%arg0, %run_scoped3A_128, %arg1, %run_scoped3A_129, %run_scoped3A_130, %dma_start3A_152] : memref<2x4x16x8x1x1024xf32, #tpu.memory_space<hbm>> -> memref<1x1x1x1x1x1024xf32, #tpu.memory_space<hbm>>
      %dma_start3A_154 = tpu.memref_squeeze %dma_start3A_153 : memref<1x1x1x1x1x1024xf32, #tpu.memory_space<hbm>> -> memref<1024xf32, #tpu.memory_space<hbm>>
      %dma_start3A_155 = arith.constant 26624 : i32
      %dma_start3A_156 = tpu.memref_slice %arg5[%dma_start3A_155] : memref<32768xf32, #tpu.memory_space<vmem>> -> memref<1024xf32, #tpu.memory_space<vmem>>
      tpu.enqueue_dma source(%dma_start3A_156 : memref<1024xf32, #tpu.memory_space<vmem>>) target(%dma_start3A_154 : memref<1024xf32, #tpu.memory_space<hbm>>) target_semaphore(%run_scoped3A_146 : memref<!tpu.dma_semaphore, #tpu.memory_space<semaphore_mem>>)
      %dma_wait3A = arith.constant 26624 : i32
      %dma_wait3A_157 = tpu.memref_slice %arg5[%dma_wait3A] : memref<32768xf32, #tpu.memory_space<vmem>> -> memref<1024xf32, #tpu.memory_space<vmem>>
      %dma_wait3A_158 = arith.constant 0 : i32
      %dma_wait3A_159 = tpu.memref_slice %arg4[%arg0, %run_scoped3A_128, %arg1, %run_scoped3A_129, %run_scoped3A_130, %dma_wait3A_158] : memref<2x4x16x8x1x1024xf32, #tpu.memory_space<hbm>> -> memref<1x1x1x1x1x1024xf32, #tpu.memory_space<hbm>>
      %dma_wait3A_160 = tpu.memref_squeeze %dma_wait3A_159 : memref<1x1x1x1x1x1024xf32, #tpu.memory_space<hbm>> -> memref<1024xf32, #tpu.memory_space<hbm>>
      %dma_wait3A_161 = arith.constant 0 : i32
      %dma_wait3A_162 = tpu.memref_slice %arg4[%arg0, %run_scoped3A_128, %arg1, %run_scoped3A_129, %run_scoped3A_130, %dma_wait3A_161] : memref<2x4x16x8x1x1024xf32, #tpu.memory_space<hbm>> -> memref<1x1x1x1x1x1024xf32, #tpu.memory_space<hbm>>
      %dma_wait3A_163 = tpu.memref_squeeze %dma_wait3A_162 : memref<1x1x1x1x1x1024xf32, #tpu.memory_space<hbm>> -> memref<1024xf32, #tpu.memory_space<hbm>>
      %dma_wait3A_164 = arith.constant 26624 : i32
      %dma_wait3A_165 = tpu.memref_slice %arg5[%dma_wait3A_164] : memref<32768xf32, #tpu.memory_space<vmem>> -> memref<1024xf32, #tpu.memory_space<vmem>>
      tpu.wait_dma2 semaphore(%run_scoped3A_146 : memref<!tpu.dma_semaphore, #tpu.memory_space<semaphore_mem>>) src(%dma_wait3A_165 : memref<1024xf32, #tpu.memory_space<vmem>>) dst(%dma_wait3A_163 : memref<1024xf32, #tpu.memory_space<hbm>>)
      tpu.yield
    }) : () -> ()
    %run_scoped3A_131 = arith.constant 3 : i32
    %run_scoped3A_132 = arith.constant 3 : i32
    %run_scoped3A_133 = arith.constant 0 : i32
    "tpu.region"() ({
      %run_scoped3A_146 = tpu.sem_alloc : memref<!tpu.dma_semaphore, #tpu.memory_space<semaphore_mem>>
      %dma_start3A_147 = arith.constant 27648 : i32
      %dma_start3A_148 = tpu.memref_slice %arg5[%dma_start3A_147] : memref<32768xf32, #tpu.memory_space<vmem>> -> memref<1024xf32, #tpu.memory_space<vmem>>
      %dma_start3A_149 = arith.constant 0 : i32
      %dma_start3A_150 = tpu.memref_slice %arg4[%arg0, %run_scoped3A_131, %arg1, %run_scoped3A_132, %run_scoped3A_133, %dma_start3A_149] : memref<2x4x16x8x1x1024xf32, #tpu.memory_space<hbm>> -> memref<1x1x1x1x1x1024xf32, #tpu.memory_space<hbm>>
      %dma_start3A_151 = tpu.memref_squeeze %dma_start3A_150 : memref<1x1x1x1x1x1024xf32, #tpu.memory_space<hbm>> -> memref<1024xf32, #tpu.memory_space<hbm>>
      %dma_start3A_152 = arith.constant 0 : i32
      %dma_start3A_153 = tpu.memref_slice %arg4[%arg0, %run_scoped3A_131, %arg1, %run_scoped3A_132, %run_scoped3A_133, %dma_start3A_152] : memref<2x4x16x8x1x1024xf32, #tpu.memory_space<hbm>> -> memref<1x1x1x1x1x1024xf32, #tpu.memory_space<hbm>>
      %dma_start3A_154 = tpu.memref_squeeze %dma_start3A_153 : memref<1x1x1x1x1x1024xf32, #tpu.memory_space<hbm>> -> memref<1024xf32, #tpu.memory_space<hbm>>
      %dma_start3A_155 = arith.constant 27648 : i32
      %dma_start3A_156 = tpu.memref_slice %arg5[%dma_start3A_155] : memref<32768xf32, #tpu.memory_space<vmem>> -> memref<1024xf32, #tpu.memory_space<vmem>>
      tpu.enqueue_dma source(%dma_start3A_156 : memref<1024xf32, #tpu.memory_space<vmem>>) target(%dma_start3A_154 : memref<1024xf32, #tpu.memory_space<hbm>>) target_semaphore(%run_scoped3A_146 : memref<!tpu.dma_semaphore, #tpu.memory_space<semaphore_mem>>)
      %dma_wait3A = arith.constant 27648 : i32
      %dma_wait3A_157 = tpu.memref_slice %arg5[%dma_wait3A] : memref<32768xf32, #tpu.memory_space<vmem>> -> memref<1024xf32, #tpu.memory_space<vmem>>
      %dma_wait3A_158 = arith.constant 0 : i32
      %dma_wait3A_159 = tpu.memref_slice %arg4[%arg0, %run_scoped3A_131, %arg1, %run_scoped3A_132, %run_scoped3A_133, %dma_wait3A_158] : memref<2x4x16x8x1x1024xf32, #tpu.memory_space<hbm>> -> memref<1x1x1x1x1x1024xf32, #tpu.memory_space<hbm>>
      %dma_wait3A_160 = tpu.memref_squeeze %dma_wait3A_159 : memref<1x1x1x1x1x1024xf32, #tpu.memory_space<hbm>> -> memref<1024xf32, #tpu.memory_space<hbm>>
      %dma_wait3A_161 = arith.constant 0 : i32
      %dma_wait3A_162 = tpu.memref_slice %arg4[%arg0, %run_scoped3A_131, %arg1, %run_scoped3A_132, %run_scoped3A_133, %dma_wait3A_161] : memref<2x4x16x8x1x1024xf32, #tpu.memory_space<hbm>> -> memref<1x1x1x1x1x1024xf32, #tpu.memory_space<hbm>>
      %dma_wait3A_163 = tpu.memref_squeeze %dma_wait3A_162 : memref<1x1x1x1x1x1024xf32, #tpu.memory_space<hbm>> -> memref<1024xf32, #tpu.memory_space<hbm>>
      %dma_wait3A_164 = arith.constant 27648 : i32
      %dma_wait3A_165 = tpu.memref_slice %arg5[%dma_wait3A_164] : memref<32768xf32, #tpu.memory_space<vmem>> -> memref<1024xf32, #tpu.memory_space<vmem>>
      tpu.wait_dma2 semaphore(%run_scoped3A_146 : memref<!tpu.dma_semaphore, #tpu.memory_space<semaphore_mem>>) src(%dma_wait3A_165 : memref<1024xf32, #tpu.memory_space<vmem>>) dst(%dma_wait3A_163 : memref<1024xf32, #tpu.memory_space<hbm>>)
      tpu.yield
    }) : () -> ()
    %run_scoped3A_134 = arith.constant 3 : i32
    %run_scoped3A_135 = arith.constant 4 : i32
    %run_scoped3A_136 = arith.constant 0 : i32
    "tpu.region"() ({
      %run_scoped3A_146 = tpu.sem_alloc : memref<!tpu.dma_semaphore, #tpu.memory_space<semaphore_mem>>
      %dma_start3A_147 = arith.constant 28672 : i32
      %dma_start3A_148 = tpu.memref_slice %arg5[%dma_start3A_147] : memref<32768xf32, #tpu.memory_space<vmem>> -> memref<1024xf32, #tpu.memory_space<vmem>>
      %dma_start3A_149 = arith.constant 0 : i32
      %dma_start3A_150 = tpu.memref_slice %arg4[%arg0, %run_scoped3A_134, %arg1, %run_scoped3A_135, %run_scoped3A_136, %dma_start3A_149] : memref<2x4x16x8x1x1024xf32, #tpu.memory_space<hbm>> -> memref<1x1x1x1x1x1024xf32, #tpu.memory_space<hbm>>
      %dma_start3A_151 = tpu.memref_squeeze %dma_start3A_150 : memref<1x1x1x1x1x1024xf32, #tpu.memory_space<hbm>> -> memref<1024xf32, #tpu.memory_space<hbm>>
      %dma_start3A_152 = arith.constant 0 : i32
      %dma_start3A_153 = tpu.memref_slice %arg4[%arg0, %run_scoped3A_134, %arg1, %run_scoped3A_135, %run_scoped3A_136, %dma_start3A_152] : memref<2x4x16x8x1x1024xf32, #tpu.memory_space<hbm>> -> memref<1x1x1x1x1x1024xf32, #tpu.memory_space<hbm>>
      %dma_start3A_154 = tpu.memref_squeeze %dma_start3A_153 : memref<1x1x1x1x1x1024xf32, #tpu.memory_space<hbm>> -> memref<1024xf32, #tpu.memory_space<hbm>>
      %dma_start3A_155 = arith.constant 28672 : i32
      %dma_start3A_156 = tpu.memref_slice %arg5[%dma_start3A_155] : memref<32768xf32, #tpu.memory_space<vmem>> -> memref<1024xf32, #tpu.memory_space<vmem>>
      tpu.enqueue_dma source(%dma_start3A_156 : memref<1024xf32, #tpu.memory_space<vmem>>) target(%dma_start3A_154 : memref<1024xf32, #tpu.memory_space<hbm>>) target_semaphore(%run_scoped3A_146 : memref<!tpu.dma_semaphore, #tpu.memory_space<semaphore_mem>>)
      %dma_wait3A = arith.constant 28672 : i32
      %dma_wait3A_157 = tpu.memref_slice %arg5[%dma_wait3A] : memref<32768xf32, #tpu.memory_space<vmem>> -> memref<1024xf32, #tpu.memory_space<vmem>>
      %dma_wait3A_158 = arith.constant 0 : i32
      %dma_wait3A_159 = tpu.memref_slice %arg4[%arg0, %run_scoped3A_134, %arg1, %run_scoped3A_135, %run_scoped3A_136, %dma_wait3A_158] : memref<2x4x16x8x1x1024xf32, #tpu.memory_space<hbm>> -> memref<1x1x1x1x1x1024xf32, #tpu.memory_space<hbm>>
      %dma_wait3A_160 = tpu.memref_squeeze %dma_wait3A_159 : memref<1x1x1x1x1x1024xf32, #tpu.memory_space<hbm>> -> memref<1024xf32, #tpu.memory_space<hbm>>
      %dma_wait3A_161 = arith.constant 0 : i32
      %dma_wait3A_162 = tpu.memref_slice %arg4[%arg0, %run_scoped3A_134, %arg1, %run_scoped3A_135, %run_scoped3A_136, %dma_wait3A_161] : memref<2x4x16x8x1x1024xf32, #tpu.memory_space<hbm>> -> memref<1x1x1x1x1x1024xf32, #tpu.memory_space<hbm>>
      %dma_wait3A_163 = tpu.memref_squeeze %dma_wait3A_162 : memref<1x1x1x1x1x1024xf32, #tpu.memory_space<hbm>> -> memref<1024xf32, #tpu.memory_space<hbm>>
      %dma_wait3A_164 = arith.constant 28672 : i32
      %dma_wait3A_165 = tpu.memref_slice %arg5[%dma_wait3A_164] : memref<32768xf32, #tpu.memory_space<vmem>> -> memref<1024xf32, #tpu.memory_space<vmem>>
      tpu.wait_dma2 semaphore(%run_scoped3A_146 : memref<!tpu.dma_semaphore, #tpu.memory_space<semaphore_mem>>) src(%dma_wait3A_165 : memref<1024xf32, #tpu.memory_space<vmem>>) dst(%dma_wait3A_163 : memref<1024xf32, #tpu.memory_space<hbm>>)
      tpu.yield
    }) : () -> ()
    %run_scoped3A_137 = arith.constant 3 : i32
    %run_scoped3A_138 = arith.constant 5 : i32
    %run_scoped3A_139 = arith.constant 0 : i32
    "tpu.region"() ({
      %run_scoped3A_146 = tpu.sem_alloc : memref<!tpu.dma_semaphore, #tpu.memory_space<semaphore_mem>>
      %dma_start3A_147 = arith.constant 29696 : i32
      %dma_start3A_148 = tpu.memref_slice %arg5[%dma_start3A_147] : memref<32768xf32, #tpu.memory_space<vmem>> -> memref<1024xf32, #tpu.memory_space<vmem>>
      %dma_start3A_149 = arith.constant 0 : i32
      %dma_start3A_150 = tpu.memref_slice %arg4[%arg0, %run_scoped3A_137, %arg1, %run_scoped3A_138, %run_scoped3A_139, %dma_start3A_149] : memref<2x4x16x8x1x1024xf32, #tpu.memory_space<hbm>> -> memref<1x1x1x1x1x1024xf32, #tpu.memory_space<hbm>>
      %dma_start3A_151 = tpu.memref_squeeze %dma_start3A_150 : memref<1x1x1x1x1x1024xf32, #tpu.memory_space<hbm>> -> memref<1024xf32, #tpu.memory_space<hbm>>
      %dma_start3A_152 = arith.constant 0 : i32
      %dma_start3A_153 = tpu.memref_slice %arg4[%arg0, %run_scoped3A_137, %arg1, %run_scoped3A_138, %run_scoped3A_139, %dma_start3A_152] : memref<2x4x16x8x1x1024xf32, #tpu.memory_space<hbm>> -> memref<1x1x1x1x1x1024xf32, #tpu.memory_space<hbm>>
      %dma_start3A_154 = tpu.memref_squeeze %dma_start3A_153 : memref<1x1x1x1x1x1024xf32, #tpu.memory_space<hbm>> -> memref<1024xf32, #tpu.memory_space<hbm>>
      %dma_start3A_155 = arith.constant 29696 : i32
      %dma_start3A_156 = tpu.memref_slice %arg5[%dma_start3A_155] : memref<32768xf32, #tpu.memory_space<vmem>> -> memref<1024xf32, #tpu.memory_space<vmem>>
      tpu.enqueue_dma source(%dma_start3A_156 : memref<1024xf32, #tpu.memory_space<vmem>>) target(%dma_start3A_154 : memref<1024xf32, #tpu.memory_space<hbm>>) target_semaphore(%run_scoped3A_146 : memref<!tpu.dma_semaphore, #tpu.memory_space<semaphore_mem>>)
      %dma_wait3A = arith.constant 29696 : i32
      %dma_wait3A_157 = tpu.memref_slice %arg5[%dma_wait3A] : memref<32768xf32, #tpu.memory_space<vmem>> -> memref<1024xf32, #tpu.memory_space<vmem>>
      %dma_wait3A_158 = arith.constant 0 : i32
      %dma_wait3A_159 = tpu.memref_slice %arg4[%arg0, %run_scoped3A_137, %arg1, %run_scoped3A_138, %run_scoped3A_139, %dma_wait3A_158] : memref<2x4x16x8x1x1024xf32, #tpu.memory_space<hbm>> -> memref<1x1x1x1x1x1024xf32, #tpu.memory_space<hbm>>
      %dma_wait3A_160 = tpu.memref_squeeze %dma_wait3A_159 : memref<1x1x1x1x1x1024xf32, #tpu.memory_space<hbm>> -> memref<1024xf32, #tpu.memory_space<hbm>>
      %dma_wait3A_161 = arith.constant 0 : i32
      %dma_wait3A_162 = tpu.memref_slice %arg4[%arg0, %run_scoped3A_137, %arg1, %run_scoped3A_138, %run_scoped3A_139, %dma_wait3A_161] : memref<2x4x16x8x1x1024xf32, #tpu.memory_space<hbm>> -> memref<1x1x1x1x1x1024xf32, #tpu.memory_space<hbm>>
      %dma_wait3A_163 = tpu.memref_squeeze %dma_wait3A_162 : memref<1x1x1x1x1x1024xf32, #tpu.memory_space<hbm>> -> memref<1024xf32, #tpu.memory_space<hbm>>
      %dma_wait3A_164 = arith.constant 29696 : i32
      %dma_wait3A_165 = tpu.memref_slice %arg5[%dma_wait3A_164] : memref<32768xf32, #tpu.memory_space<vmem>> -> memref<1024xf32, #tpu.memory_space<vmem>>
      tpu.wait_dma2 semaphore(%run_scoped3A_146 : memref<!tpu.dma_semaphore, #tpu.memory_space<semaphore_mem>>) src(%dma_wait3A_165 : memref<1024xf32, #tpu.memory_space<vmem>>) dst(%dma_wait3A_163 : memref<1024xf32, #tpu.memory_space<hbm>>)
      tpu.yield
    }) : () -> ()
    %run_scoped3A_140 = arith.constant 3 : i32
    %run_scoped3A_141 = arith.constant 6 : i32
    %run_scoped3A_142 = arith.constant 0 : i32
    "tpu.region"() ({
      %run_scoped3A_146 = tpu.sem_alloc : memref<!tpu.dma_semaphore, #tpu.memory_space<semaphore_mem>>
      %dma_start3A_147 = arith.constant 30720 : i32
      %dma_start3A_148 = tpu.memref_slice %arg5[%dma_start3A_147] : memref<32768xf32, #tpu.memory_space<vmem>> -> memref<1024xf32, #tpu.memory_space<vmem>>
      %dma_start3A_149 = arith.constant 0 : i32
      %dma_start3A_150 = tpu.memref_slice %arg4[%arg0, %run_scoped3A_140, %arg1, %run_scoped3A_141, %run_scoped3A_142, %dma_start3A_149] : memref<2x4x16x8x1x1024xf32, #tpu.memory_space<hbm>> -> memref<1x1x1x1x1x1024xf32, #tpu.memory_space<hbm>>
      %dma_start3A_151 = tpu.memref_squeeze %dma_start3A_150 : memref<1x1x1x1x1x1024xf32, #tpu.memory_space<hbm>> -> memref<1024xf32, #tpu.memory_space<hbm>>
      %dma_start3A_152 = arith.constant 0 : i32
      %dma_start3A_153 = tpu.memref_slice %arg4[%arg0, %run_scoped3A_140, %arg1, %run_scoped3A_141, %run_scoped3A_142, %dma_start3A_152] : memref<2x4x16x8x1x1024xf32, #tpu.memory_space<hbm>> -> memref<1x1x1x1x1x1024xf32, #tpu.memory_space<hbm>>
      %dma_start3A_154 = tpu.memref_squeeze %dma_start3A_153 : memref<1x1x1x1x1x1024xf32, #tpu.memory_space<hbm>> -> memref<1024xf32, #tpu.memory_space<hbm>>
      %dma_start3A_155 = arith.constant 30720 : i32
      %dma_start3A_156 = tpu.memref_slice %arg5[%dma_start3A_155] : memref<32768xf32, #tpu.memory_space<vmem>> -> memref<1024xf32, #tpu.memory_space<vmem>>
      tpu.enqueue_dma source(%dma_start3A_156 : memref<1024xf32, #tpu.memory_space<vmem>>) target(%dma_start3A_154 : memref<1024xf32, #tpu.memory_space<hbm>>) target_semaphore(%run_scoped3A_146 : memref<!tpu.dma_semaphore, #tpu.memory_space<semaphore_mem>>)
      %dma_wait3A = arith.constant 30720 : i32
      %dma_wait3A_157 = tpu.memref_slice %arg5[%dma_wait3A] : memref<32768xf32, #tpu.memory_space<vmem>> -> memref<1024xf32, #tpu.memory_space<vmem>>
      %dma_wait3A_158 = arith.constant 0 : i32
      %dma_wait3A_159 = tpu.memref_slice %arg4[%arg0, %run_scoped3A_140, %arg1, %run_scoped3A_141, %run_scoped3A_142, %dma_wait3A_158] : memref<2x4x16x8x1x1024xf32, #tpu.memory_space<hbm>> -> memref<1x1x1x1x1x1024xf32, #tpu.memory_space<hbm>>
      %dma_wait3A_160 = tpu.memref_squeeze %dma_wait3A_159 : memref<1x1x1x1x1x1024xf32, #tpu.memory_space<hbm>> -> memref<1024xf32, #tpu.memory_space<hbm>>
      %dma_wait3A_161 = arith.constant 0 : i32
      %dma_wait3A_162 = tpu.memref_slice %arg4[%arg0, %run_scoped3A_140, %arg1, %run_scoped3A_141, %run_scoped3A_142, %dma_wait3A_161] : memref<2x4x16x8x1x1024xf32, #tpu.memory_space<hbm>> -> memref<1x1x1x1x1x1024xf32, #tpu.memory_space<hbm>>
      %dma_wait3A_163 = tpu.memref_squeeze %dma_wait3A_162 : memref<1x1x1x1x1x1024xf32, #tpu.memory_space<hbm>> -> memref<1024xf32, #tpu.memory_space<hbm>>
      %dma_wait3A_164 = arith.constant 30720 : i32
      %dma_wait3A_165 = tpu.memref_slice %arg5[%dma_wait3A_164] : memref<32768xf32, #tpu.memory_space<vmem>> -> memref<1024xf32, #tpu.memory_space<vmem>>
      tpu.wait_dma2 semaphore(%run_scoped3A_146 : memref<!tpu.dma_semaphore, #tpu.memory_space<semaphore_mem>>) src(%dma_wait3A_165 : memref<1024xf32, #tpu.memory_space<vmem>>) dst(%dma_wait3A_163 : memref<1024xf32, #tpu.memory_space<hbm>>)
      tpu.yield
    }) : () -> ()
    %run_scoped3A_143 = arith.constant 3 : i32
    %run_scoped3A_144 = arith.constant 7 : i32
    %run_scoped3A_145 = arith.constant 0 : i32
    "tpu.region"() ({
      %run_scoped3A_146 = tpu.sem_alloc : memref<!tpu.dma_semaphore, #tpu.memory_space<semaphore_mem>>
      %dma_start3A_147 = arith.constant 31744 : i32
      %dma_start3A_148 = tpu.memref_slice %arg5[%dma_start3A_147] : memref<32768xf32, #tpu.memory_space<vmem>> -> memref<1024xf32, #tpu.memory_space<vmem>>
      %dma_start3A_149 = arith.constant 0 : i32
      %dma_start3A_150 = tpu.memref_slice %arg4[%arg0, %run_scoped3A_143, %arg1, %run_scoped3A_144, %run_scoped3A_145, %dma_start3A_149] : memref<2x4x16x8x1x1024xf32, #tpu.memory_space<hbm>> -> memref<1x1x1x1x1x1024xf32, #tpu.memory_space<hbm>>
      %dma_start3A_151 = tpu.memref_squeeze %dma_start3A_150 : memref<1x1x1x1x1x1024xf32, #tpu.memory_space<hbm>> -> memref<1024xf32, #tpu.memory_space<hbm>>
      %dma_start3A_152 = arith.constant 0 : i32
      %dma_start3A_153 = tpu.memref_slice %arg4[%arg0, %run_scoped3A_143, %arg1, %run_scoped3A_144, %run_scoped3A_145, %dma_start3A_152] : memref<2x4x16x8x1x1024xf32, #tpu.memory_space<hbm>> -> memref<1x1x1x1x1x1024xf32, #tpu.memory_space<hbm>>
      %dma_start3A_154 = tpu.memref_squeeze %dma_start3A_153 : memref<1x1x1x1x1x1024xf32, #tpu.memory_space<hbm>> -> memref<1024xf32, #tpu.memory_space<hbm>>
      %dma_start3A_155 = arith.constant 31744 : i32
      %dma_start3A_156 = tpu.memref_slice %arg5[%dma_start3A_155] : memref<32768xf32, #tpu.memory_space<vmem>> -> memref<1024xf32, #tpu.memory_space<vmem>>
      tpu.enqueue_dma source(%dma_start3A_156 : memref<1024xf32, #tpu.memory_space<vmem>>) target(%dma_start3A_154 : memref<1024xf32, #tpu.memory_space<hbm>>) target_semaphore(%run_scoped3A_146 : memref<!tpu.dma_semaphore, #tpu.memory_space<semaphore_mem>>)
      %dma_wait3A = arith.constant 31744 : i32
      %dma_wait3A_157 = tpu.memref_slice %arg5[%dma_wait3A] : memref<32768xf32, #tpu.memory_space<vmem>> -> memref<1024xf32, #tpu.memory_space<vmem>>
      %dma_wait3A_158 = arith.constant 0 : i32
      %dma_wait3A_159 = tpu.memref_slice %arg4[%arg0, %run_scoped3A_143, %arg1, %run_scoped3A_144, %run_scoped3A_145, %dma_wait3A_158] : memref<2x4x16x8x1x1024xf32, #tpu.memory_space<hbm>> -> memref<1x1x1x1x1x1024xf32, #tpu.memory_space<hbm>>
      %dma_wait3A_160 = tpu.memref_squeeze %dma_wait3A_159 : memref<1x1x1x1x1x1024xf32, #tpu.memory_space<hbm>> -> memref<1024xf32, #tpu.memory_space<hbm>>
      %dma_wait3A_161 = arith.constant 0 : i32
      %dma_wait3A_162 = tpu.memref_slice %arg4[%arg0, %run_scoped3A_143, %arg1, %run_scoped3A_144, %run_scoped3A_145, %dma_wait3A_161] : memref<2x4x16x8x1x1024xf32, #tpu.memory_space<hbm>> -> memref<1x1x1x1x1x1024xf32, #tpu.memory_space<hbm>>
      %dma_wait3A_163 = tpu.memref_squeeze %dma_wait3A_162 : memref<1x1x1x1x1x1024xf32, #tpu.memory_space<hbm>> -> memref<1024xf32, #tpu.memory_space<hbm>>
      %dma_wait3A_164 = arith.constant 31744 : i32
      %dma_wait3A_165 = tpu.memref_slice %arg5[%dma_wait3A_164] : memref<32768xf32, #tpu.memory_space<vmem>> -> memref<1024xf32, #tpu.memory_space<vmem>>
      tpu.wait_dma2 semaphore(%run_scoped3A_146 : memref<!tpu.dma_semaphore, #tpu.memory_space<semaphore_mem>>) src(%dma_wait3A_165 : memref<1024xf32, #tpu.memory_space<vmem>>) dst(%dma_wait3A_163 : memref<1024xf32, #tpu.memory_space<hbm>>)
      tpu.yield
    }) : () -> ()
    return
  }
}

#map = affine_map<(d0, d1) -> (0, 0, 0, 0)>
#map1 = affine_map<(d0, d1) -> (0, 0, 0)>
#map2 = affine_map<(d0, d1) -> (0, 0, 0, 0, 0, 0)>
module attributes {stable_mosaic.version = 14 : i64} {
  func.func @rank_kernel(%arg0: i32, %arg1: i32, %arg2: memref<2x4x384x384xi32, #tpu.memory_space<hbm>>, %arg3: memref<4x1x1024xi32, #tpu.memory_space<hbm>>, %arg4: memref<2x16x1x1024xi32, #tpu.memory_space<hbm>>, %arg5: memref<2x2x2x4x1x1024xf32, #tpu.memory_space<hbm>>, %arg6: memref<2x4x384x384xi32, #tpu.memory_space<hbm>>, %arg7: memref<96x384xi32, #tpu.memory_space<vmem>>, %arg8: memref<1x1024xi32, #tpu.memory_space<vmem>>, %arg9: memref<8x1x1024xi32, #tpu.memory_space<vmem>>, %arg10: memref<1x1024xi32, #tpu.memory_space<vmem>>, %arg11: memref<1x1024xf32, #tpu.memory_space<vmem>>) attributes {dimension_semantics = [#tpu.dimension_semantics<core_parallel>, #tpu.dimension_semantics<subcore_parallel>], iteration_bounds = array<i64: 2, 16>, scalar_prefetch = 0 : i64, scratch_operands = 5 : i64, tpu.core_type = #tpu.core_type<sc_vector_subcore>, window_params = [{transform_indices = #map}, {transform_indices = #map1}, {transform_indices = #map}, {transform_indices = #map2}, {transform_indices = #map}]} {
    %jit3A = arith.constant 8 : i32
    %div3A = arith.divsi %arg1, %jit3A : i32
    %sign3A = arith.constant 0 : i32
    %sign3A_0 = arith.cmpi sgt, %arg1, %sign3A : i32
    %sign3A_1 = arith.extui %sign3A_0 : i1 to i32
    %sign3A_2 = arith.constant 0 : i32
    %sign3A_3 = arith.cmpi slt, %arg1, %sign3A_2 : i32
    %sign3A_4 = arith.extui %sign3A_3 : i1 to i32
    %sign3A_5 = arith.subi %sign3A_1, %sign3A_4 : i32
    %sign3A_6 = arith.constant 0 : i32
    %sign3A_7 = arith.cmpi sgt, %jit3A, %sign3A_6 : i32
    %sign3A_8 = arith.extui %sign3A_7 : i1 to i32
    %sign3A_9 = arith.constant 0 : i32
    %sign3A_10 = arith.cmpi slt, %jit3A, %sign3A_9 : i32
    %sign3A_11 = arith.extui %sign3A_10 : i1 to i32
    %sign3A_12 = arith.subi %sign3A_8, %sign3A_11 : i32
    %ne3A = arith.cmpi ne, %sign3A_5, %sign3A_12 : i32
    %rem3A = arith.remsi %arg1, %jit3A : i32
    %ne3A_13 = arith.constant 0 : i32
    %ne3A_14 = arith.cmpi ne, %rem3A, %ne3A_13 : i32
    %and3A = arith.andi %ne3A, %ne3A_14 : i1
    %sub3A = arith.constant 1 : i32
    %sub3A_15 = arith.subi %div3A, %sub3A : i32
    %select_n3A = arith.select %and3A, %sub3A_15, %div3A : i32
    %jit3A_16 = arith.constant 8 : i32
    %eq3A = arith.constant 0 : i32
    %eq3A_17 = arith.cmpi eq, %jit3A_16, %eq3A : i32
    %jit3A_18 = arith.constant 1 : i32
    %select_n3A_19 = arith.select %eq3A_17, %jit3A_18, %jit3A_16 : i32
    %rem3A_20 = arith.remsi %arg1, %select_n3A_19 : i32
    %ne3A_21 = arith.constant 0 : i32
    %ne3A_22 = arith.cmpi ne, %rem3A_20, %ne3A_21 : i32
    %lt3A = arith.constant 0 : i32
    %lt3A_23 = arith.cmpi slt, %rem3A_20, %lt3A : i32
    %lt3A_24 = arith.constant 0 : i32
    %lt3A_25 = arith.cmpi slt, %select_n3A_19, %lt3A_24 : i32
    %ne3A_26 = arith.xori %lt3A_23, %lt3A_25 : i1
    %and3A_27 = arith.andi %ne3A_26, %ne3A_22 : i1
    %add3A = arith.addi %rem3A_20, %select_n3A_19 : i32
    %select_n3A_28 = arith.select %and3A_27, %add3A, %rem3A_20 : i32
    %jit3A_29 = arith.constant 4 : i32
    %div3A_30 = arith.divsi %select_n3A_28, %jit3A_29 : i32
    %sign3A_31 = arith.constant 0 : i32
    %sign3A_32 = arith.cmpi sgt, %select_n3A_28, %sign3A_31 : i32
    %sign3A_33 = arith.extui %sign3A_32 : i1 to i32
    %sign3A_34 = arith.constant 0 : i32
    %sign3A_35 = arith.cmpi slt, %select_n3A_28, %sign3A_34 : i32
    %sign3A_36 = arith.extui %sign3A_35 : i1 to i32
    %sign3A_37 = arith.subi %sign3A_33, %sign3A_36 : i32
    %sign3A_38 = arith.constant 0 : i32
    %sign3A_39 = arith.cmpi sgt, %jit3A_29, %sign3A_38 : i32
    %sign3A_40 = arith.extui %sign3A_39 : i1 to i32
    %sign3A_41 = arith.constant 0 : i32
    %sign3A_42 = arith.cmpi slt, %jit3A_29, %sign3A_41 : i32
    %sign3A_43 = arith.extui %sign3A_42 : i1 to i32
    %sign3A_44 = arith.subi %sign3A_40, %sign3A_43 : i32
    %ne3A_45 = arith.cmpi ne, %sign3A_37, %sign3A_44 : i32
    %rem3A_46 = arith.remsi %select_n3A_28, %jit3A_29 : i32
    %ne3A_47 = arith.constant 0 : i32
    %ne3A_48 = arith.cmpi ne, %rem3A_46, %ne3A_47 : i32
    %and3A_49 = arith.andi %ne3A_45, %ne3A_48 : i1
    %sub3A_50 = arith.constant 1 : i32
    %sub3A_51 = arith.subi %div3A_30, %sub3A_50 : i32
    %select_n3A_52 = arith.select %and3A_49, %sub3A_51, %div3A_30 : i32
    %jit3A_53 = arith.constant 4 : i32
    %eq3A_54 = arith.constant 0 : i32
    %eq3A_55 = arith.cmpi eq, %jit3A_53, %eq3A_54 : i32
    %jit3A_56 = arith.constant 1 : i32
    %select_n3A_57 = arith.select %eq3A_55, %jit3A_56, %jit3A_53 : i32
    %rem3A_58 = arith.remsi %arg1, %select_n3A_57 : i32
    %ne3A_59 = arith.constant 0 : i32
    %ne3A_60 = arith.cmpi ne, %rem3A_58, %ne3A_59 : i32
    %lt3A_61 = arith.constant 0 : i32
    %lt3A_62 = arith.cmpi slt, %rem3A_58, %lt3A_61 : i32
    %lt3A_63 = arith.constant 0 : i32
    %lt3A_64 = arith.cmpi slt, %select_n3A_57, %lt3A_63 : i32
    %ne3A_65 = arith.xori %lt3A_62, %lt3A_64 : i1
    %and3A_66 = arith.andi %ne3A_65, %ne3A_60 : i1
    %add3A_67 = arith.addi %rem3A_58, %select_n3A_57 : i32
    %select_n3A_68 = arith.select %and3A_66, %add3A_67, %rem3A_58 : i32
    %mul3A = arith.constant 2 : i32
    %mul3A_69 = arith.muli %arg0, %mul3A : i32
    %add3A_70 = arith.addi %mul3A_69, %select_n3A : i32
    %broadcast_in_dim3A = arith.constant 0 : i32
    %broadcast_in_dim3A_71 = vector.broadcast %broadcast_in_dim3A : i32 to vector<16xi32>
    %broadcast_in_dim3A_72 = arith.constant 1 : i32
    %broadcast_in_dim3A_73 = vector.broadcast %broadcast_in_dim3A_72 : i32 to vector<16xi32>
    %broadcast_in_dim3A_74 = arith.constant 1.000000e+00 : f32
    %broadcast_in_dim3A_75 = vector.broadcast %broadcast_in_dim3A_74 : f32 to vector<16xf32>
    %broadcast_in_dim3A_76 = arith.constant 0.000000e+00 : f32
    %broadcast_in_dim3A_77 = vector.broadcast %broadcast_in_dim3A_76 : f32 to vector<16xf32>
    %broadcast_in_dim3A_78 = arith.constant 0 : i32
    %broadcast_in_dim3A_79 = vector.broadcast %broadcast_in_dim3A_78 : i32 to vector<16xi32>
    %mul3A_80 = arith.constant 96 : i32
    %mul3A_81 = arith.muli %select_n3A_68, %mul3A_80 : i32
    %multiple_of3A = tpu.assume_multiple %mul3A_81, 8 : i32
    "tpu.region"() ({
      %run_scoped3A = tpu.sem_alloc : memref<!tpu.dma_semaphore, #tpu.memory_space<semaphore_mem>>
      %dma_start3A = arith.constant 0 : i32
      %dma_start3A_112 = tpu.memref_slice %arg2[%select_n3A_52, %add3A_70, %multiple_of3A, %dma_start3A] : memref<2x4x384x384xi32, #tpu.memory_space<hbm>> -> memref<1x1x96x384xi32, #tpu.memory_space<hbm>>
      %dma_start3A_113 = tpu.memref_squeeze %dma_start3A_112 : memref<1x1x96x384xi32, #tpu.memory_space<hbm>> -> memref<96x384xi32, #tpu.memory_space<hbm>>
      %dma_start3A_114 = arith.constant 0 : i32
      %dma_start3A_115 = tpu.memref_slice %arg2[%select_n3A_52, %add3A_70, %multiple_of3A, %dma_start3A_114] : memref<2x4x384x384xi32, #tpu.memory_space<hbm>> -> memref<1x1x96x384xi32, #tpu.memory_space<hbm>>
      %dma_start3A_116 = tpu.memref_squeeze %dma_start3A_115 : memref<1x1x96x384xi32, #tpu.memory_space<hbm>> -> memref<96x384xi32, #tpu.memory_space<hbm>>
      tpu.enqueue_dma source(%dma_start3A_116 : memref<96x384xi32, #tpu.memory_space<hbm>>) target(%arg7 : memref<96x384xi32, #tpu.memory_space<vmem>>) target_semaphore(%run_scoped3A : memref<!tpu.dma_semaphore, #tpu.memory_space<semaphore_mem>>)
      %dma_wait3A = arith.constant 0 : i32
      %dma_wait3A_117 = tpu.memref_slice %arg2[%select_n3A_52, %add3A_70, %multiple_of3A, %dma_wait3A] : memref<2x4x384x384xi32, #tpu.memory_space<hbm>> -> memref<1x1x96x384xi32, #tpu.memory_space<hbm>>
      %dma_wait3A_118 = tpu.memref_squeeze %dma_wait3A_117 : memref<1x1x96x384xi32, #tpu.memory_space<hbm>> -> memref<96x384xi32, #tpu.memory_space<hbm>>
      %dma_wait3A_119 = arith.constant 0 : i32
      %dma_wait3A_120 = tpu.memref_slice %arg2[%select_n3A_52, %add3A_70, %multiple_of3A, %dma_wait3A_119] : memref<2x4x384x384xi32, #tpu.memory_space<hbm>> -> memref<1x1x96x384xi32, #tpu.memory_space<hbm>>
      %dma_wait3A_121 = tpu.memref_squeeze %dma_wait3A_120 : memref<1x1x96x384xi32, #tpu.memory_space<hbm>> -> memref<96x384xi32, #tpu.memory_space<hbm>>
      tpu.wait_dma2 semaphore(%run_scoped3A : memref<!tpu.dma_semaphore, #tpu.memory_space<semaphore_mem>>) src(%dma_wait3A_121 : memref<96x384xi32, #tpu.memory_space<hbm>>) dst(%arg7 : memref<96x384xi32, #tpu.memory_space<vmem>>)
      tpu.yield
    }) : () -> ()
    %scan3A = arith.constant 0 : i32
    %scan3A_82 = arith.constant 0 : i32
    %scan3A_83 = arith.constant 64 : i32
    %scan3A_84 = arith.addi %scan3A_82, %scan3A_83 : i32
    %scan3A_85 = arith.constant 1 : i32
    scf.for %scan3A_112 = %scan3A_82 to %scan3A_84 step %scan3A_85  : i32 {
      %mul3A_113 = arith.constant 16 : i32
      %mul3A_114 = arith.muli %scan3A_112, %mul3A_113 : i32
      %multiple_of3A_115 = tpu.assume_multiple %mul3A_114, 16 : i32
      %swap3A = arith.constant 0 : i32
      %swap3A_116 = arith.index_cast %swap3A : i32 to index
      %swap3A_117 = arith.index_cast %multiple_of3A_115 : i32 to index
      %swap3A_118 = tpu.vector_load %arg8[%swap3A_116, %swap3A_117] {strides = array<i32>} : memref<1x1024xi32, #tpu.memory_space<vmem>>, vector<16xi32>,
      tpu.vector_store %arg8[%swap3A_116, %swap3A_117], %broadcast_in_dim3A_71 {strides = array<i32>} : memref<1x1024xi32, #tpu.memory_space<vmem>>, vector<16xi32>,
      %swap3A_119 = arith.constant 0 : i32
      %swap3A_120 = arith.index_cast %swap3A_119 : i32 to index
      %swap3A_121 = arith.index_cast %multiple_of3A_115 : i32 to index
      %swap3A_122 = tpu.vector_load %arg11[%swap3A_120, %swap3A_121] {strides = array<i32>} : memref<1x1024xf32, #tpu.memory_space<vmem>>, vector<16xf32>,
      tpu.vector_store %arg11[%swap3A_120, %swap3A_121], %broadcast_in_dim3A_77 {strides = array<i32>} : memref<1x1024xf32, #tpu.memory_space<vmem>>, vector<16xf32>,
    }
    %scan3A_86 = arith.constant 64 : i32
    %parallel_loop3A = arith.constant 0 : i32
    %parallel_loop3A_87 = arith.constant 2304 : i32
    %parallel_loop3A_88 = arith.constant 1 : i32
    scf.for %parallel_loop3A_112 = %parallel_loop3A to %parallel_loop3A_87 step %parallel_loop3A_88  : i32 {
      %parallel_loop3A_113 = arith.constant 24 : i32
      %parallel_loop3A_114 = arith.divsi %parallel_loop3A_112, %parallel_loop3A_113 : i32
      %parallel_loop3A_115 = arith.constant 0 : i32
      %parallel_loop3A_116 = arith.cmpi sgt, %parallel_loop3A_112, %parallel_loop3A_115 : i32
      %parallel_loop3A_117 = arith.extui %parallel_loop3A_116 : i1 to i32
      %parallel_loop3A_118 = arith.constant 0 : i32
      %parallel_loop3A_119 = arith.cmpi slt, %parallel_loop3A_112, %parallel_loop3A_118 : i32
      %parallel_loop3A_120 = arith.extui %parallel_loop3A_119 : i1 to i32
      %parallel_loop3A_121 = arith.subi %parallel_loop3A_117, %parallel_loop3A_120 : i32
      %parallel_loop3A_122 = arith.constant 0 : i32
      %parallel_loop3A_123 = arith.cmpi sgt, %parallel_loop3A_113, %parallel_loop3A_122 : i32
      %parallel_loop3A_124 = arith.extui %parallel_loop3A_123 : i1 to i32
      %parallel_loop3A_125 = arith.constant 0 : i32
      %parallel_loop3A_126 = arith.cmpi slt, %parallel_loop3A_113, %parallel_loop3A_125 : i32
      %parallel_loop3A_127 = arith.extui %parallel_loop3A_126 : i1 to i32
      %parallel_loop3A_128 = arith.subi %parallel_loop3A_124, %parallel_loop3A_127 : i32
      %parallel_loop3A_129 = arith.cmpi ne, %parallel_loop3A_121, %parallel_loop3A_128 : i32
      %parallel_loop3A_130 = arith.remsi %parallel_loop3A_112, %parallel_loop3A_113 : i32
      %parallel_loop3A_131 = arith.constant 0 : i32
      %parallel_loop3A_132 = arith.cmpi ne, %parallel_loop3A_130, %parallel_loop3A_131 : i32
      %parallel_loop3A_133 = arith.andi %parallel_loop3A_129, %parallel_loop3A_132 : i1
      %parallel_loop3A_134 = arith.constant 1 : i32
      %parallel_loop3A_135 = arith.subi %parallel_loop3A_114, %parallel_loop3A_134 : i32
      %parallel_loop3A_136 = arith.select %parallel_loop3A_133, %parallel_loop3A_135, %parallel_loop3A_114 : i32
      %parallel_loop3A_137 = arith.constant 24 : i32
      %parallel_loop3A_138 = arith.constant 0 : i32
      %parallel_loop3A_139 = arith.cmpi eq, %parallel_loop3A_137, %parallel_loop3A_138 : i32
      %parallel_loop3A_140 = arith.constant 1 : i32
      %parallel_loop3A_141 = arith.select %parallel_loop3A_139, %parallel_loop3A_140, %parallel_loop3A_137 : i32
      %parallel_loop3A_142 = arith.remsi %parallel_loop3A_112, %parallel_loop3A_141 : i32
      %parallel_loop3A_143 = arith.constant 0 : i32
      %parallel_loop3A_144 = arith.cmpi ne, %parallel_loop3A_142, %parallel_loop3A_143 : i32
      %parallel_loop3A_145 = arith.constant 0 : i32
      %parallel_loop3A_146 = arith.cmpi slt, %parallel_loop3A_142, %parallel_loop3A_145 : i32
      %parallel_loop3A_147 = arith.constant 0 : i32
      %parallel_loop3A_148 = arith.cmpi slt, %parallel_loop3A_141, %parallel_loop3A_147 : i32
      %parallel_loop3A_149 = arith.xori %parallel_loop3A_146, %parallel_loop3A_148 : i1
      %parallel_loop3A_150 = arith.andi %parallel_loop3A_149, %parallel_loop3A_144 : i1
      %parallel_loop3A_151 = arith.addi %parallel_loop3A_142, %parallel_loop3A_141 : i32
      %parallel_loop3A_152 = arith.select %parallel_loop3A_150, %parallel_loop3A_151, %parallel_loop3A_142 : i32
      %parallel_loop3A_153 = arith.constant 16 : i32
      %parallel_loop3A_154 = arith.muli %parallel_loop3A_152, %parallel_loop3A_153 : i32
      %parallel_loop3A_155 = tpu.assume_multiple %parallel_loop3A_154, 16 : i32
      %parallel_loop3A_156 = arith.index_cast %parallel_loop3A_136 : i32 to index
      %parallel_loop3A_157 = arith.index_cast %parallel_loop3A_155 : i32 to index
      %parallel_loop3A_158 = tpu.vector_load %arg7[%parallel_loop3A_156, %parallel_loop3A_157] {strides = array<i32>} : memref<96x384xi32, #tpu.memory_space<vmem>>, vector<16xi32>,
      tpu.vector_store_idx %arg8[%broadcast_in_dim3A_79, %parallel_loop3A_158], %broadcast_in_dim3A_73 : memref<1x1024xi32, #tpu.memory_space<vmem>>[vector<16xi32>, vector<16xi32>], vector<16xi32>,
    } {sc.loop_unroll_factor = 4 : i64, sc.parallel_access}
    "tpu.region"() ({
      %run_scoped3A = tpu.sem_alloc : memref<!tpu.dma_semaphore, #tpu.memory_space<semaphore_mem>>
      %dma_start3A = arith.constant 0 : i32
      %dma_start3A_112 = arith.constant 0 : i32
      %dma_start3A_113 = tpu.memref_slice %arg4[%arg0, %arg1, %dma_start3A, %dma_start3A_112] : memref<2x16x1x1024xi32, #tpu.memory_space<hbm>> -> memref<1x1x1x1024xi32, #tpu.memory_space<hbm>>
      %dma_start3A_114 = tpu.memref_squeeze %dma_start3A_113 : memref<1x1x1x1024xi32, #tpu.memory_space<hbm>> -> memref<1x1024xi32, #tpu.memory_space<hbm>>
      %dma_start3A_115 = arith.constant 0 : i32
      %dma_start3A_116 = arith.constant 0 : i32
      %dma_start3A_117 = tpu.memref_slice %arg4[%arg0, %arg1, %dma_start3A_115, %dma_start3A_116] : memref<2x16x1x1024xi32, #tpu.memory_space<hbm>> -> memref<1x1x1x1024xi32, #tpu.memory_space<hbm>>
      %dma_start3A_118 = tpu.memref_squeeze %dma_start3A_117 : memref<1x1x1x1024xi32, #tpu.memory_space<hbm>> -> memref<1x1024xi32, #tpu.memory_space<hbm>>
      tpu.enqueue_dma source(%arg8 : memref<1x1024xi32, #tpu.memory_space<vmem>>) target(%dma_start3A_118 : memref<1x1024xi32, #tpu.memory_space<hbm>>) target_semaphore(%run_scoped3A : memref<!tpu.dma_semaphore, #tpu.memory_space<semaphore_mem>>)
      %dma_wait3A = arith.constant 0 : i32
      %dma_wait3A_119 = arith.constant 0 : i32
      %dma_wait3A_120 = tpu.memref_slice %arg4[%arg0, %arg1, %dma_wait3A, %dma_wait3A_119] : memref<2x16x1x1024xi32, #tpu.memory_space<hbm>> -> memref<1x1x1x1024xi32, #tpu.memory_space<hbm>>
      %dma_wait3A_121 = tpu.memref_squeeze %dma_wait3A_120 : memref<1x1x1x1024xi32, #tpu.memory_space<hbm>> -> memref<1x1024xi32, #tpu.memory_space<hbm>>
      %dma_wait3A_122 = arith.constant 0 : i32
      %dma_wait3A_123 = arith.constant 0 : i32
      %dma_wait3A_124 = tpu.memref_slice %arg4[%arg0, %arg1, %dma_wait3A_122, %dma_wait3A_123] : memref<2x16x1x1024xi32, #tpu.memory_space<hbm>> -> memref<1x1x1x1024xi32, #tpu.memory_space<hbm>>
      %dma_wait3A_125 = tpu.memref_squeeze %dma_wait3A_124 : memref<1x1x1x1024xi32, #tpu.memory_space<hbm>> -> memref<1x1024xi32, #tpu.memory_space<hbm>>
      tpu.wait_dma2 semaphore(%run_scoped3A : memref<!tpu.dma_semaphore, #tpu.memory_space<semaphore_mem>>) src(%arg8 : memref<1x1024xi32, #tpu.memory_space<vmem>>) dst(%dma_wait3A_125 : memref<1x1024xi32, #tpu.memory_space<hbm>>)
      tpu.yield
    }) : () -> ()
    %barrier3A = arith.constant 0 : index
    tpu.barrier barrier_id(%barrier3A)
    %jit3A_89 = arith.constant 8 : i32
    %eq3A_90 = arith.constant 0 : i32
    %eq3A_91 = arith.cmpi eq, %jit3A_89, %eq3A_90 : i32
    %jit3A_92 = arith.constant 1 : i32
    %select_n3A_93 = arith.select %eq3A_91, %jit3A_92, %jit3A_89 : i32
    %rem3A_94 = arith.remsi %arg1, %select_n3A_93 : i32
    %ne3A_95 = arith.constant 0 : i32
    %ne3A_96 = arith.cmpi ne, %rem3A_94, %ne3A_95 : i32
    %lt3A_97 = arith.constant 0 : i32
    %lt3A_98 = arith.cmpi slt, %rem3A_94, %lt3A_97 : i32
    %lt3A_99 = arith.constant 0 : i32
    %lt3A_100 = arith.cmpi slt, %select_n3A_93, %lt3A_99 : i32
    %ne3A_101 = arith.xori %lt3A_98, %lt3A_100 : i1
    %and3A_102 = arith.andi %ne3A_101, %ne3A_96 : i1
    %add3A_103 = arith.addi %rem3A_94, %select_n3A_93 : i32
    %select_n3A_104 = arith.select %and3A_102, %add3A_103, %rem3A_94 : i32
    %eq3A_105 = arith.constant 0 : i32
    %eq3A_106 = arith.cmpi eq, %select_n3A_104, %eq3A_105 : i32
    %convert_element_type3A = arith.extui %eq3A_106 : i1 to i32
    %cond3A = arith.constant 0 : i32
    %cond3A_107 = arith.cmpi ne, %convert_element_type3A, %cond3A : i32
    scf.if %cond3A_107 {
      %mul3A_112 = arith.constant 8 : i32
      %mul3A_113 = arith.muli %select_n3A, %mul3A_112 : i32
      "tpu.region"() ({
        %run_scoped3A = tpu.sem_alloc : memref<!tpu.dma_semaphore, #tpu.memory_space<semaphore_mem>>
        %dma_start3A = arith.constant 0 : i32
        %dma_start3A_121 = arith.constant 0 : i32
        %dma_start3A_122 = tpu.memref_slice %arg4[%arg0, %mul3A_113, %dma_start3A, %dma_start3A_121] : memref<2x16x1x1024xi32, #tpu.memory_space<hbm>> -> memref<1x8x1x1024xi32, #tpu.memory_space<hbm>>
        %dma_start3A_123 = tpu.memref_squeeze %dma_start3A_122 : memref<1x8x1x1024xi32, #tpu.memory_space<hbm>> -> memref<8x1x1024xi32, #tpu.memory_space<hbm>>
        %dma_start3A_124 = arith.constant 0 : i32
        %dma_start3A_125 = arith.constant 0 : i32
        %dma_start3A_126 = tpu.memref_slice %arg4[%arg0, %mul3A_113, %dma_start3A_124, %dma_start3A_125] : memref<2x16x1x1024xi32, #tpu.memory_space<hbm>> -> memref<1x8x1x1024xi32, #tpu.memory_space<hbm>>
        %dma_start3A_127 = tpu.memref_squeeze %dma_start3A_126 : memref<1x8x1x1024xi32, #tpu.memory_space<hbm>> -> memref<8x1x1024xi32, #tpu.memory_space<hbm>>
        tpu.enqueue_dma source(%dma_start3A_127 : memref<8x1x1024xi32, #tpu.memory_space<hbm>>) target(%arg9 : memref<8x1x1024xi32, #tpu.memory_space<vmem>>) target_semaphore(%run_scoped3A : memref<!tpu.dma_semaphore, #tpu.memory_space<semaphore_mem>>)
        %dma_wait3A = arith.constant 0 : i32
        %dma_wait3A_128 = arith.constant 0 : i32
        %dma_wait3A_129 = tpu.memref_slice %arg4[%arg0, %mul3A_113, %dma_wait3A, %dma_wait3A_128] : memref<2x16x1x1024xi32, #tpu.memory_space<hbm>> -> memref<1x8x1x1024xi32, #tpu.memory_space<hbm>>
        %dma_wait3A_130 = tpu.memref_squeeze %dma_wait3A_129 : memref<1x8x1x1024xi32, #tpu.memory_space<hbm>> -> memref<8x1x1024xi32, #tpu.memory_space<hbm>>
        %dma_wait3A_131 = arith.constant 0 : i32
        %dma_wait3A_132 = arith.constant 0 : i32
        %dma_wait3A_133 = tpu.memref_slice %arg4[%arg0, %mul3A_113, %dma_wait3A_131, %dma_wait3A_132] : memref<2x16x1x1024xi32, #tpu.memory_space<hbm>> -> memref<1x8x1x1024xi32, #tpu.memory_space<hbm>>
        %dma_wait3A_134 = tpu.memref_squeeze %dma_wait3A_133 : memref<1x8x1x1024xi32, #tpu.memory_space<hbm>> -> memref<8x1x1024xi32, #tpu.memory_space<hbm>>
        tpu.wait_dma2 semaphore(%run_scoped3A : memref<!tpu.dma_semaphore, #tpu.memory_space<semaphore_mem>>) src(%dma_wait3A_134 : memref<8x1x1024xi32, #tpu.memory_space<hbm>>) dst(%arg9 : memref<8x1x1024xi32, #tpu.memory_space<vmem>>)
        tpu.yield
      }) : () -> ()
      %scan3A_114 = arith.constant 0 : i32
      %scan3A_115 = arith.constant 0 : i32
      %scan3A_116 = arith.constant 64 : i32
      %scan3A_117 = arith.addi %scan3A_115, %scan3A_116 : i32
      %scan3A_118 = arith.constant 1 : i32
      %scan3A_119 = scf.for %scan3A_121 = %scan3A_115 to %scan3A_117 step %scan3A_118 iter_args(%scan3A_122 = %scan3A_114) -> (i32)  : i32 {
        %mul3A_123 = arith.constant 16 : i32
        %mul3A_124 = arith.muli %scan3A_121, %mul3A_123 : i32
        %multiple_of3A_125 = tpu.assume_multiple %mul3A_124, 16 : i32
        %get3A = arith.constant 0 : i32
        %get3A_126 = arith.constant 0 : i32
        %get3A_127 = arith.index_cast %get3A : i32 to index
        %get3A_128 = arith.index_cast %get3A_126 : i32 to index
        %get3A_129 = arith.index_cast %multiple_of3A_125 : i32 to index
        %get3A_130 = tpu.vector_load %arg9[%get3A_127, %get3A_128, %get3A_129] {strides = array<i32>} : memref<8x1x1024xi32, #tpu.memory_space<vmem>>, vector<16xi32>,
        %get3A_131 = arith.constant 1 : i32
        %get3A_132 = arith.constant 0 : i32
        %get3A_133 = arith.index_cast %get3A_131 : i32 to index
        %get3A_134 = arith.index_cast %get3A_132 : i32 to index
        %get3A_135 = arith.index_cast %multiple_of3A_125 : i32 to index
        %get3A_136 = tpu.vector_load %arg9[%get3A_133, %get3A_134, %get3A_135] {strides = array<i32>} : memref<8x1x1024xi32, #tpu.memory_space<vmem>>, vector<16xi32>,
        %add3A_137 = arith.addi %get3A_130, %get3A_136 : vector<16xi32>
        %get3A_138 = arith.constant 2 : i32
        %get3A_139 = arith.constant 0 : i32
        %get3A_140 = arith.index_cast %get3A_138 : i32 to index
        %get3A_141 = arith.index_cast %get3A_139 : i32 to index
        %get3A_142 = arith.index_cast %multiple_of3A_125 : i32 to index
        %get3A_143 = tpu.vector_load %arg9[%get3A_140, %get3A_141, %get3A_142] {strides = array<i32>} : memref<8x1x1024xi32, #tpu.memory_space<vmem>>, vector<16xi32>,
        %add3A_144 = arith.addi %add3A_137, %get3A_143 : vector<16xi32>
        %get3A_145 = arith.constant 3 : i32
        %get3A_146 = arith.constant 0 : i32
        %get3A_147 = arith.index_cast %get3A_145 : i32 to index
        %get3A_148 = arith.index_cast %get3A_146 : i32 to index
        %get3A_149 = arith.index_cast %multiple_of3A_125 : i32 to index
        %get3A_150 = tpu.vector_load %arg9[%get3A_147, %get3A_148, %get3A_149] {strides = array<i32>} : memref<8x1x1024xi32, #tpu.memory_space<vmem>>, vector<16xi32>,
        %add3A_151 = arith.addi %add3A_144, %get3A_150 : vector<16xi32>
        %get3A_152 = arith.constant 4 : i32
        %get3A_153 = arith.constant 0 : i32
        %get3A_154 = arith.index_cast %get3A_152 : i32 to index
        %get3A_155 = arith.index_cast %get3A_153 : i32 to index
        %get3A_156 = arith.index_cast %multiple_of3A_125 : i32 to index
        %get3A_157 = tpu.vector_load %arg9[%get3A_154, %get3A_155, %get3A_156] {strides = array<i32>} : memref<8x1x1024xi32, #tpu.memory_space<vmem>>, vector<16xi32>,
        %add3A_158 = arith.addi %add3A_151, %get3A_157 : vector<16xi32>
        %get3A_159 = arith.constant 5 : i32
        %get3A_160 = arith.constant 0 : i32
        %get3A_161 = arith.index_cast %get3A_159 : i32 to index
        %get3A_162 = arith.index_cast %get3A_160 : i32 to index
        %get3A_163 = arith.index_cast %multiple_of3A_125 : i32 to index
        %get3A_164 = tpu.vector_load %arg9[%get3A_161, %get3A_162, %get3A_163] {strides = array<i32>} : memref<8x1x1024xi32, #tpu.memory_space<vmem>>, vector<16xi32>,
        %add3A_165 = arith.addi %add3A_158, %get3A_164 : vector<16xi32>
        %get3A_166 = arith.constant 6 : i32
        %get3A_167 = arith.constant 0 : i32
        %get3A_168 = arith.index_cast %get3A_166 : i32 to index
        %get3A_169 = arith.index_cast %get3A_167 : i32 to index
        %get3A_170 = arith.index_cast %multiple_of3A_125 : i32 to index
        %get3A_171 = tpu.vector_load %arg9[%get3A_168, %get3A_169, %get3A_170] {strides = array<i32>} : memref<8x1x1024xi32, #tpu.memory_space<vmem>>, vector<16xi32>,
        %add3A_172 = arith.addi %add3A_165, %get3A_171 : vector<16xi32>
        %get3A_173 = arith.constant 7 : i32
        %get3A_174 = arith.constant 0 : i32
        %get3A_175 = arith.index_cast %get3A_173 : i32 to index
        %get3A_176 = arith.index_cast %get3A_174 : i32 to index
        %get3A_177 = arith.index_cast %multiple_of3A_125 : i32 to index
        %get3A_178 = tpu.vector_load %arg9[%get3A_175, %get3A_176, %get3A_177] {strides = array<i32>} : memref<8x1x1024xi32, #tpu.memory_space<vmem>>, vector<16xi32>,
        %add3A_179 = arith.addi %add3A_172, %get3A_178 : vector<16xi32>
        %gt3A = arith.constant 0 : i32
        %gt3A_180 = vector.broadcast %gt3A : i32 to vector<16xi32>
        %gt3A_181 = arith.cmpi sgt, %add3A_179, %gt3A_180 : vector<16xi32>
        %convert_element_type3A_182 = arith.extui %gt3A_181 : vector<16xi1> to vector<16xi32>
        %broadcast_in_dim3A_183 = arith.constant true
        %broadcast_in_dim3A_184 = vector.broadcast %broadcast_in_dim3A_183 : i1 to vector<16xi1>
        %masked_cumsum3A = tpu.scan <sum>, %convert_element_type3A_182 masked %broadcast_in_dim3A_184 : vector<16xi32>, vector<16xi1> -> vector<16xi32>
        %sub3A_185 = arith.subi %masked_cumsum3A, %convert_element_type3A_182 : vector<16xi32>
        %add3A_186 = vector.broadcast %scan3A_122 : i32 to vector<16xi32>
        %add3A_187 = arith.addi %sub3A_185, %add3A_186 : vector<16xi32>
        %swap3A = arith.constant 0 : i32
        %swap3A_188 = arith.index_cast %swap3A : i32 to index
        %swap3A_189 = arith.index_cast %multiple_of3A_125 : i32 to index
        %swap3A_190 = tpu.vector_load %arg10[%swap3A_188, %swap3A_189] {strides = array<i32>} : memref<1x1024xi32, #tpu.memory_space<vmem>>, vector<16xi32>,
        tpu.vector_store %arg10[%swap3A_188, %swap3A_189], %add3A_187 {strides = array<i32>} : memref<1x1024xi32, #tpu.memory_space<vmem>>, vector<16xi32>,
        %reduce_sum3A = arith.constant true
        %reduce_sum3A_191 = vector.broadcast %reduce_sum3A : i1 to vector<16xi1>
        %reduce_sum3A_192 = tpu.scan <sum>, %convert_element_type3A_182 masked %reduce_sum3A_191 : vector<16xi32>, vector<16xi1> -> vector<16xi32>
        %reduce_sum3A_193 = vector.extract %reduce_sum3A_192[15] : i32 from vector<16xi32>
        %add3A_194 = arith.addi %scan3A_122, %reduce_sum3A_193 : i32
        scf.yield %add3A_194 : i32
      }
      %scan3A_120 = arith.constant 64 : i32
      "tpu.region"() ({
        %run_scoped3A = tpu.sem_alloc : memref<!tpu.dma_semaphore, #tpu.memory_space<semaphore_mem>>
        %dma_start3A = arith.constant 0 : i32
        %dma_start3A_121 = arith.constant 0 : i32
        %dma_start3A_122 = tpu.memref_slice %arg3[%add3A_70, %dma_start3A, %dma_start3A_121] : memref<4x1x1024xi32, #tpu.memory_space<hbm>> -> memref<1x1x1024xi32, #tpu.memory_space<hbm>>
        %dma_start3A_123 = tpu.memref_squeeze %dma_start3A_122 : memref<1x1x1024xi32, #tpu.memory_space<hbm>> -> memref<1x1024xi32, #tpu.memory_space<hbm>>
        %dma_start3A_124 = arith.constant 0 : i32
        %dma_start3A_125 = arith.constant 0 : i32
        %dma_start3A_126 = tpu.memref_slice %arg3[%add3A_70, %dma_start3A_124, %dma_start3A_125] : memref<4x1x1024xi32, #tpu.memory_space<hbm>> -> memref<1x1x1024xi32, #tpu.memory_space<hbm>>
        %dma_start3A_127 = tpu.memref_squeeze %dma_start3A_126 : memref<1x1x1024xi32, #tpu.memory_space<hbm>> -> memref<1x1024xi32, #tpu.memory_space<hbm>>
        tpu.enqueue_dma source(%arg10 : memref<1x1024xi32, #tpu.memory_space<vmem>>) target(%dma_start3A_127 : memref<1x1024xi32, #tpu.memory_space<hbm>>) target_semaphore(%run_scoped3A : memref<!tpu.dma_semaphore, #tpu.memory_space<semaphore_mem>>)
        %dma_wait3A = arith.constant 0 : i32
        %dma_wait3A_128 = arith.constant 0 : i32
        %dma_wait3A_129 = tpu.memref_slice %arg3[%add3A_70, %dma_wait3A, %dma_wait3A_128] : memref<4x1x1024xi32, #tpu.memory_space<hbm>> -> memref<1x1x1024xi32, #tpu.memory_space<hbm>>
        %dma_wait3A_130 = tpu.memref_squeeze %dma_wait3A_129 : memref<1x1x1024xi32, #tpu.memory_space<hbm>> -> memref<1x1024xi32, #tpu.memory_space<hbm>>
        %dma_wait3A_131 = arith.constant 0 : i32
        %dma_wait3A_132 = arith.constant 0 : i32
        %dma_wait3A_133 = tpu.memref_slice %arg3[%add3A_70, %dma_wait3A_131, %dma_wait3A_132] : memref<4x1x1024xi32, #tpu.memory_space<hbm>> -> memref<1x1x1024xi32, #tpu.memory_space<hbm>>
        %dma_wait3A_134 = tpu.memref_squeeze %dma_wait3A_133 : memref<1x1x1024xi32, #tpu.memory_space<hbm>> -> memref<1x1024xi32, #tpu.memory_space<hbm>>
        tpu.wait_dma2 semaphore(%run_scoped3A : memref<!tpu.dma_semaphore, #tpu.memory_space<semaphore_mem>>) src(%arg10 : memref<1x1024xi32, #tpu.memory_space<vmem>>) dst(%dma_wait3A_134 : memref<1x1024xi32, #tpu.memory_space<hbm>>)
        tpu.yield
      }) : () -> ()
    } else {
    }
    %barrier3A_108 = arith.constant 0 : index
    tpu.barrier barrier_id(%barrier3A_108)
    "tpu.region"() ({
      %run_scoped3A = tpu.sem_alloc : memref<!tpu.dma_semaphore, #tpu.memory_space<semaphore_mem>>
      %dma_start3A = arith.constant 0 : i32
      %dma_start3A_112 = arith.constant 0 : i32
      %dma_start3A_113 = tpu.memref_slice %arg3[%add3A_70, %dma_start3A, %dma_start3A_112] : memref<4x1x1024xi32, #tpu.memory_space<hbm>> -> memref<1x1x1024xi32, #tpu.memory_space<hbm>>
      %dma_start3A_114 = tpu.memref_squeeze %dma_start3A_113 : memref<1x1x1024xi32, #tpu.memory_space<hbm>> -> memref<1x1024xi32, #tpu.memory_space<hbm>>
      %dma_start3A_115 = arith.constant 0 : i32
      %dma_start3A_116 = arith.constant 0 : i32
      %dma_start3A_117 = tpu.memref_slice %arg3[%add3A_70, %dma_start3A_115, %dma_start3A_116] : memref<4x1x1024xi32, #tpu.memory_space<hbm>> -> memref<1x1x1024xi32, #tpu.memory_space<hbm>>
      %dma_start3A_118 = tpu.memref_squeeze %dma_start3A_117 : memref<1x1x1024xi32, #tpu.memory_space<hbm>> -> memref<1x1024xi32, #tpu.memory_space<hbm>>
      tpu.enqueue_dma source(%dma_start3A_118 : memref<1x1024xi32, #tpu.memory_space<hbm>>) target(%arg10 : memref<1x1024xi32, #tpu.memory_space<vmem>>) target_semaphore(%run_scoped3A : memref<!tpu.dma_semaphore, #tpu.memory_space<semaphore_mem>>)
      %dma_wait3A = arith.constant 0 : i32
      %dma_wait3A_119 = arith.constant 0 : i32
      %dma_wait3A_120 = tpu.memref_slice %arg3[%add3A_70, %dma_wait3A, %dma_wait3A_119] : memref<4x1x1024xi32, #tpu.memory_space<hbm>> -> memref<1x1x1024xi32, #tpu.memory_space<hbm>>
      %dma_wait3A_121 = tpu.memref_squeeze %dma_wait3A_120 : memref<1x1x1024xi32, #tpu.memory_space<hbm>> -> memref<1x1024xi32, #tpu.memory_space<hbm>>
      %dma_wait3A_122 = arith.constant 0 : i32
      %dma_wait3A_123 = arith.constant 0 : i32
      %dma_wait3A_124 = tpu.memref_slice %arg3[%add3A_70, %dma_wait3A_122, %dma_wait3A_123] : memref<4x1x1024xi32, #tpu.memory_space<hbm>> -> memref<1x1x1024xi32, #tpu.memory_space<hbm>>
      %dma_wait3A_125 = tpu.memref_squeeze %dma_wait3A_124 : memref<1x1x1024xi32, #tpu.memory_space<hbm>> -> memref<1x1024xi32, #tpu.memory_space<hbm>>
      tpu.wait_dma2 semaphore(%run_scoped3A : memref<!tpu.dma_semaphore, #tpu.memory_space<semaphore_mem>>) src(%dma_wait3A_125 : memref<1x1024xi32, #tpu.memory_space<hbm>>) dst(%arg10 : memref<1x1024xi32, #tpu.memory_space<vmem>>)
      tpu.yield
    }) : () -> ()
    %parallel_loop3A_109 = arith.constant 0 : i32
    %parallel_loop3A_110 = arith.constant 2304 : i32
    %parallel_loop3A_111 = arith.constant 1 : i32
    scf.for %parallel_loop3A_112 = %parallel_loop3A_109 to %parallel_loop3A_110 step %parallel_loop3A_111  : i32 {
      %parallel_loop3A_113 = arith.constant 24 : i32
      %parallel_loop3A_114 = arith.divsi %parallel_loop3A_112, %parallel_loop3A_113 : i32
      %parallel_loop3A_115 = arith.constant 0 : i32
      %parallel_loop3A_116 = arith.cmpi sgt, %parallel_loop3A_112, %parallel_loop3A_115 : i32
      %parallel_loop3A_117 = arith.extui %parallel_loop3A_116 : i1 to i32
      %parallel_loop3A_118 = arith.constant 0 : i32
      %parallel_loop3A_119 = arith.cmpi slt, %parallel_loop3A_112, %parallel_loop3A_118 : i32
      %parallel_loop3A_120 = arith.extui %parallel_loop3A_119 : i1 to i32
      %parallel_loop3A_121 = arith.subi %parallel_loop3A_117, %parallel_loop3A_120 : i32
      %parallel_loop3A_122 = arith.constant 0 : i32
      %parallel_loop3A_123 = arith.cmpi sgt, %parallel_loop3A_113, %parallel_loop3A_122 : i32
      %parallel_loop3A_124 = arith.extui %parallel_loop3A_123 : i1 to i32
      %parallel_loop3A_125 = arith.constant 0 : i32
      %parallel_loop3A_126 = arith.cmpi slt, %parallel_loop3A_113, %parallel_loop3A_125 : i32
      %parallel_loop3A_127 = arith.extui %parallel_loop3A_126 : i1 to i32
      %parallel_loop3A_128 = arith.subi %parallel_loop3A_124, %parallel_loop3A_127 : i32
      %parallel_loop3A_129 = arith.cmpi ne, %parallel_loop3A_121, %parallel_loop3A_128 : i32
      %parallel_loop3A_130 = arith.remsi %parallel_loop3A_112, %parallel_loop3A_113 : i32
      %parallel_loop3A_131 = arith.constant 0 : i32
      %parallel_loop3A_132 = arith.cmpi ne, %parallel_loop3A_130, %parallel_loop3A_131 : i32
      %parallel_loop3A_133 = arith.andi %parallel_loop3A_129, %parallel_loop3A_132 : i1
      %parallel_loop3A_134 = arith.constant 1 : i32
      %parallel_loop3A_135 = arith.subi %parallel_loop3A_114, %parallel_loop3A_134 : i32
      %parallel_loop3A_136 = arith.select %parallel_loop3A_133, %parallel_loop3A_135, %parallel_loop3A_114 : i32
      %parallel_loop3A_137 = arith.constant 24 : i32
      %parallel_loop3A_138 = arith.constant 0 : i32
      %parallel_loop3A_139 = arith.cmpi eq, %parallel_loop3A_137, %parallel_loop3A_138 : i32
      %parallel_loop3A_140 = arith.constant 1 : i32
      %parallel_loop3A_141 = arith.select %parallel_loop3A_139, %parallel_loop3A_140, %parallel_loop3A_137 : i32
      %parallel_loop3A_142 = arith.remsi %parallel_loop3A_112, %parallel_loop3A_141 : i32
      %parallel_loop3A_143 = arith.constant 0 : i32
      %parallel_loop3A_144 = arith.cmpi ne, %parallel_loop3A_142, %parallel_loop3A_143 : i32
      %parallel_loop3A_145 = arith.constant 0 : i32
      %parallel_loop3A_146 = arith.cmpi slt, %parallel_loop3A_142, %parallel_loop3A_145 : i32
      %parallel_loop3A_147 = arith.constant 0 : i32
      %parallel_loop3A_148 = arith.cmpi slt, %parallel_loop3A_141, %parallel_loop3A_147 : i32
      %parallel_loop3A_149 = arith.xori %parallel_loop3A_146, %parallel_loop3A_148 : i1
      %parallel_loop3A_150 = arith.andi %parallel_loop3A_149, %parallel_loop3A_144 : i1
      %parallel_loop3A_151 = arith.addi %parallel_loop3A_142, %parallel_loop3A_141 : i32
      %parallel_loop3A_152 = arith.select %parallel_loop3A_150, %parallel_loop3A_151, %parallel_loop3A_142 : i32
      %parallel_loop3A_153 = arith.constant 16 : i32
      %parallel_loop3A_154 = arith.muli %parallel_loop3A_152, %parallel_loop3A_153 : i32
      %parallel_loop3A_155 = tpu.assume_multiple %parallel_loop3A_154, 16 : i32
      %parallel_loop3A_156 = arith.index_cast %parallel_loop3A_136 : i32 to index
      %parallel_loop3A_157 = arith.index_cast %parallel_loop3A_155 : i32 to index
      %parallel_loop3A_158 = tpu.vector_load %arg7[%parallel_loop3A_156, %parallel_loop3A_157] {strides = array<i32>} : memref<96x384xi32, #tpu.memory_space<vmem>>, vector<16xi32>,
      %parallel_loop3A_159 = tpu.vector_load_idx %arg10[%broadcast_in_dim3A_79, %parallel_loop3A_158] : memref<1x1024xi32, #tpu.memory_space<vmem>>[vector<16xi32>, vector<16xi32>], vector<16xi32>,
      %parallel_loop3A_160 = arith.index_cast %parallel_loop3A_136 : i32 to index
      %parallel_loop3A_161 = arith.index_cast %parallel_loop3A_155 : i32 to index
      %parallel_loop3A_162 = tpu.vector_load %arg7[%parallel_loop3A_160, %parallel_loop3A_161] {strides = array<i32>} : memref<96x384xi32, #tpu.memory_space<vmem>>, vector<16xi32>,
      tpu.vector_store %arg7[%parallel_loop3A_160, %parallel_loop3A_161], %parallel_loop3A_159 {strides = array<i32>} : memref<96x384xi32, #tpu.memory_space<vmem>>, vector<16xi32>,
      tpu.vector_store_idx %arg11[%broadcast_in_dim3A_79, %parallel_loop3A_159], %broadcast_in_dim3A_75 {add = true} : memref<1x1024xf32, #tpu.memory_space<vmem>>[vector<16xi32>, vector<16xi32>], vector<16xf32>,
    } {sc.loop_unroll_factor = 4 : i64, sc.parallel_access}
    "tpu.region"() ({
      %run_scoped3A = tpu.sem_alloc : memref<!tpu.dma_semaphore, #tpu.memory_space<semaphore_mem>>
      %dma_start3A = arith.constant 0 : i32
      %dma_start3A_112 = tpu.memref_slice %arg6[%select_n3A_52, %add3A_70, %multiple_of3A, %dma_start3A] : memref<2x4x384x384xi32, #tpu.memory_space<hbm>> -> memref<1x1x96x384xi32, #tpu.memory_space<hbm>>
      %dma_start3A_113 = tpu.memref_squeeze %dma_start3A_112 : memref<1x1x96x384xi32, #tpu.memory_space<hbm>> -> memref<96x384xi32, #tpu.memory_space<hbm>>
      %dma_start3A_114 = arith.constant 0 : i32
      %dma_start3A_115 = tpu.memref_slice %arg6[%select_n3A_52, %add3A_70, %multiple_of3A, %dma_start3A_114] : memref<2x4x384x384xi32, #tpu.memory_space<hbm>> -> memref<1x1x96x384xi32, #tpu.memory_space<hbm>>
      %dma_start3A_116 = tpu.memref_squeeze %dma_start3A_115 : memref<1x1x96x384xi32, #tpu.memory_space<hbm>> -> memref<96x384xi32, #tpu.memory_space<hbm>>
      tpu.enqueue_dma source(%arg7 : memref<96x384xi32, #tpu.memory_space<vmem>>) target(%dma_start3A_116 : memref<96x384xi32, #tpu.memory_space<hbm>>) target_semaphore(%run_scoped3A : memref<!tpu.dma_semaphore, #tpu.memory_space<semaphore_mem>>)
      %dma_wait3A = arith.constant 0 : i32
      %dma_wait3A_117 = tpu.memref_slice %arg6[%select_n3A_52, %add3A_70, %multiple_of3A, %dma_wait3A] : memref<2x4x384x384xi32, #tpu.memory_space<hbm>> -> memref<1x1x96x384xi32, #tpu.memory_space<hbm>>
      %dma_wait3A_118 = tpu.memref_squeeze %dma_wait3A_117 : memref<1x1x96x384xi32, #tpu.memory_space<hbm>> -> memref<96x384xi32, #tpu.memory_space<hbm>>
      %dma_wait3A_119 = arith.constant 0 : i32
      %dma_wait3A_120 = tpu.memref_slice %arg6[%select_n3A_52, %add3A_70, %multiple_of3A, %dma_wait3A_119] : memref<2x4x384x384xi32, #tpu.memory_space<hbm>> -> memref<1x1x96x384xi32, #tpu.memory_space<hbm>>
      %dma_wait3A_121 = tpu.memref_squeeze %dma_wait3A_120 : memref<1x1x96x384xi32, #tpu.memory_space<hbm>> -> memref<96x384xi32, #tpu.memory_space<hbm>>
      tpu.wait_dma2 semaphore(%run_scoped3A : memref<!tpu.dma_semaphore, #tpu.memory_space<semaphore_mem>>) src(%arg7 : memref<96x384xi32, #tpu.memory_space<vmem>>) dst(%dma_wait3A_121 : memref<96x384xi32, #tpu.memory_space<hbm>>)
      tpu.yield
    }) : () -> ()
    "tpu.region"() ({
      %run_scoped3A = tpu.sem_alloc : memref<!tpu.dma_semaphore, #tpu.memory_space<semaphore_mem>>
      %dma_start3A = arith.constant 0 : i32
      %dma_start3A_112 = arith.constant 0 : i32
      %dma_start3A_113 = tpu.memref_slice %arg5[%arg0, %select_n3A, %select_n3A_52, %select_n3A_68, %dma_start3A, %dma_start3A_112] : memref<2x2x2x4x1x1024xf32, #tpu.memory_space<hbm>> -> memref<1x1x1x1x1x1024xf32, #tpu.memory_space<hbm>>
      %dma_start3A_114 = tpu.memref_squeeze %dma_start3A_113 : memref<1x1x1x1x1x1024xf32, #tpu.memory_space<hbm>> -> memref<1x1024xf32, #tpu.memory_space<hbm>>
      %dma_start3A_115 = arith.constant 0 : i32
      %dma_start3A_116 = arith.constant 0 : i32
      %dma_start3A_117 = tpu.memref_slice %arg5[%arg0, %select_n3A, %select_n3A_52, %select_n3A_68, %dma_start3A_115, %dma_start3A_116] : memref<2x2x2x4x1x1024xf32, #tpu.memory_space<hbm>> -> memref<1x1x1x1x1x1024xf32, #tpu.memory_space<hbm>>
      %dma_start3A_118 = tpu.memref_squeeze %dma_start3A_117 : memref<1x1x1x1x1x1024xf32, #tpu.memory_space<hbm>> -> memref<1x1024xf32, #tpu.memory_space<hbm>>
      tpu.enqueue_dma source(%arg11 : memref<1x1024xf32, #tpu.memory_space<vmem>>) target(%dma_start3A_118 : memref<1x1024xf32, #tpu.memory_space<hbm>>) target_semaphore(%run_scoped3A : memref<!tpu.dma_semaphore, #tpu.memory_space<semaphore_mem>>)
      %dma_wait3A = arith.constant 0 : i32
      %dma_wait3A_119 = arith.constant 0 : i32
      %dma_wait3A_120 = tpu.memref_slice %arg5[%arg0, %select_n3A, %select_n3A_52, %select_n3A_68, %dma_wait3A, %dma_wait3A_119] : memref<2x2x2x4x1x1024xf32, #tpu.memory_space<hbm>> -> memref<1x1x1x1x1x1024xf32, #tpu.memory_space<hbm>>
      %dma_wait3A_121 = tpu.memref_squeeze %dma_wait3A_120 : memref<1x1x1x1x1x1024xf32, #tpu.memory_space<hbm>> -> memref<1x1024xf32, #tpu.memory_space<hbm>>
      %dma_wait3A_122 = arith.constant 0 : i32
      %dma_wait3A_123 = arith.constant 0 : i32
      %dma_wait3A_124 = tpu.memref_slice %arg5[%arg0, %select_n3A, %select_n3A_52, %select_n3A_68, %dma_wait3A_122, %dma_wait3A_123] : memref<2x2x2x4x1x1024xf32, #tpu.memory_space<hbm>> -> memref<1x1x1x1x1x1024xf32, #tpu.memory_space<hbm>>
      %dma_wait3A_125 = tpu.memref_squeeze %dma_wait3A_124 : memref<1x1x1x1x1x1024xf32, #tpu.memory_space<hbm>> -> memref<1x1024xf32, #tpu.memory_space<hbm>>
      tpu.wait_dma2 semaphore(%run_scoped3A : memref<!tpu.dma_semaphore, #tpu.memory_space<semaphore_mem>>) src(%arg11 : memref<1x1024xf32, #tpu.memory_space<vmem>>) dst(%dma_wait3A_125 : memref<1x1024xf32, #tpu.memory_space<hbm>>)
      tpu.yield
    }) : () -> ()
    return
  }
}

module attributes {stable_mosaic.version = 14 : i64} {
  func.func @body(%arg0: i32, %arg1: i32, %arg2: memref<1x1x128x1024xf32, #tpu.memory_space<vmem>>, %arg3: memref<1x1x1x4x1x1024xf32, #tpu.memory_space<vmem>>, %arg4: memref<1x96xf32, #tpu.memory_space<vmem>>, %arg5: memref<1x96xf32, #tpu.memory_space<vmem>>, %arg6: memref<96x128xf32, #tpu.memory_space<vmem>>, %arg7: memref<128x128xf32, #tpu.memory_space<vmem>>, %arg8: memref<1x128xf32, #tpu.memory_space<vmem>>, %arg9: memref<1x1x1025x128xf32, #tpu.memory_space<vmem>>) attributes {dimension_semantics = [#tpu.dimension_semantics<arbitrary>, #tpu.dimension_semantics<arbitrary>], iteration_bounds = array<i64: 4, 2>, scalar_prefetch = 0 : i64, scratch_operands = 0 : i64, tpu.core_type = #tpu.core_type<tc>, window_params = [{transform_indices = @transform_0, window_bounds = array<i64: 1, 1, 128, 1024>}, {transform_indices = @transform_1, window_bounds = array<i64: 1, 1, 1, 4, 1, 1024>}, {pipeline_mode = #tpu.pipeline_mode<synchronous>, transform_indices = @transform_2, window_bounds = array<i64: 1, 96>}, {pipeline_mode = #tpu.pipeline_mode<synchronous>, transform_indices = @transform_3, window_bounds = array<i64: 1, 96>}, {pipeline_mode = #tpu.pipeline_mode<synchronous>, transform_indices = @transform_4, window_bounds = array<i64: 96, 128>}, {pipeline_mode = #tpu.pipeline_mode<synchronous>, transform_indices = @transform_5, window_bounds = array<i64: 128, 128>}, {pipeline_mode = #tpu.pipeline_mode<synchronous>, transform_indices = @transform_6, window_bounds = array<i64: 1, 128>}, {transform_indices = @transform_7, window_bounds = array<i64: 1, 1, 1025, 128>}]} {
    %get3A = arith.constant 0 : index
    %get3A_0 = arith.constant 0 : index
    %get3A_1 = arith.constant 0 : index
    %get3A_2 = arith.constant 0 : index
    %get3A_3 = vector.load %arg2[%get3A, %get3A_0, %get3A_1, %get3A_2] : memref<1x1x128x1024xf32, #tpu.memory_space<vmem>>, vector<1x1x128x1024xf32>
    %reshape3A = vector.shape_cast %get3A_3 : vector<1x1x128x1024xf32> to vector<128x1024xf32>
    %get3A_4 = arith.constant 0 : index
    %get3A_5 = arith.constant 0 : index
    %get3A_6 = arith.constant 0 : index
    %get3A_7 = arith.constant 0 : index
    %get3A_8 = arith.constant 0 : index
    %get3A_9 = arith.constant 0 : index
    %get3A_10 = vector.load %arg3[%get3A_4, %get3A_5, %get3A_6, %get3A_7, %get3A_8, %get3A_9] : memref<1x1x1x4x1x1024xf32, #tpu.memory_space<vmem>>, vector<1x1x1x4x1x1024xf32>
    %reshape3A_11 = vector.shape_cast %get3A_10 : vector<1x1x1x4x1x1024xf32> to vector<4x1024xf32>
    %reduce_sum3A = arith.constant dense<0.000000e+00> : vector<1024xf32>
    %reduce_sum3A_12 = vector.multi_reduction <add>, %reshape3A_11, %reduce_sum3A [0] : vector<4x1024xf32> to vector<1024xf32>
    %broadcast_in_dim3A = vector.shape_cast %reduce_sum3A_12 : vector<1024xf32> to vector<1x1024xf32>
    %max3A = arith.constant 1.000000e+00 : f32
    %max3A_13 = vector.broadcast %max3A : f32 to vector<1x1024xf32>
    %max3A_14 = arith.maximumf %broadcast_in_dim3A, %max3A_13 : vector<1x1024xf32>
    %div3A = arith.constant 1.000000e+00 : f32
    %div3A_15 = vector.broadcast %div3A : f32 to vector<1x1024xf32>
    %div3A_16 = arith.divf %div3A_15, %max3A_14 : vector<1x1024xf32>
    %mul3A = vector.broadcast %div3A_16 : vector<1x1024xf32> to vector<128x1024xf32>
    %mul3A_17 = arith.mulf %reshape3A, %mul3A : vector<128x1024xf32>
    %get3A_18 = arith.constant 0 : index
    %get3A_19 = arith.constant 0 : index
    %get3A_20 = vector.load %arg7[%get3A_18, %get3A_19] : memref<128x128xf32, #tpu.memory_space<vmem>>, vector<128x128xf32>
    %dot_general3A = arith.constant dense<0.000000e+00> : vector<1024x128xf32>
    %dot_general3A_21 = tpu.matmul %mul3A_17, %get3A_20, %dot_general3A {dimension_numbers = #tpu.dot_dimension_numbers<[0], [0], [1], [1], [0, 1, 1, 1], [], []>, transpose_lhs_hint = false} : vector<128x1024xf32>, vector<128x128xf32>, vector<1024x128xf32> -> vector<1024x128xf32>
    %get3A_22 = arith.constant 0 : index
    %get3A_23 = arith.constant 0 : index
    %get3A_24 = vector.load %arg4[%get3A_22, %get3A_23] : memref<1x96xf32, #tpu.memory_space<vmem>>, vector<1x96xf32>
    %get3A_25 = arith.constant 0 : index
    %get3A_26 = arith.constant 0 : index
    %get3A_27 = vector.load %arg5[%get3A_25, %get3A_26] : memref<1x96xf32, #tpu.memory_space<vmem>>, vector<1x96xf32>
    %add3A = arith.addf %get3A_24, %get3A_27 : vector<1x96xf32>
    %get3A_28 = arith.constant 0 : index
    %get3A_29 = arith.constant 0 : index
    %get3A_30 = vector.load %arg6[%get3A_28, %get3A_29] : memref<96x128xf32, #tpu.memory_space<vmem>>, vector<96x128xf32>
    %dot_general3A_31 = arith.constant dense<0.000000e+00> : vector<1x128xf32>
    %dot_general3A_32 = tpu.matmul %add3A, %get3A_30, %dot_general3A_31 {dimension_numbers = #tpu.dot_dimension_numbers<[1], [0], [0], [1], [0, 0, 1, 1], [], []>, transpose_lhs_hint = false} : vector<1x96xf32>, vector<96x128xf32>, vector<1x128xf32> -> vector<1x128xf32>
    %get3A_33 = arith.constant 0 : index
    %get3A_34 = arith.constant 0 : index
    %get3A_35 = vector.load %arg8[%get3A_33, %get3A_34] : memref<1x128xf32, #tpu.memory_space<vmem>>, vector<1x128xf32>
    %add3A_36 = arith.addf %dot_general3A_32, %get3A_35 : vector<1x128xf32>
    %add3A_37 = vector.broadcast %get3A_35 : vector<1x128xf32> to vector<1024x128xf32>
    %add3A_38 = arith.addf %dot_general3A_21, %add3A_37 : vector<1024x128xf32>
    %concatenate3A = tpu.concatenate %add3A_36, %add3A_38 in 0 : vector<1x128xf32>, vector<1024x128xf32> -> vector<1025x128xf32>
    %reshape3A_39 = vector.shape_cast %concatenate3A : vector<1025x128xf32> to vector<1x1x1025x128xf32>
    %swap3A = arith.constant 0 : index
    %swap3A_40 = arith.constant 0 : index
    %swap3A_41 = arith.constant 0 : index
    %swap3A_42 = arith.constant 0 : index
    %swap3A_43 = vector.load %arg9[%swap3A, %swap3A_40, %swap3A_41, %swap3A_42] : memref<1x1x1025x128xf32, #tpu.memory_space<vmem>>, vector<1x1x1025x128xf32>
    tpu.vector_store %arg9[%swap3A, %swap3A_40, %swap3A_41, %swap3A_42], %reshape3A_39 {strides = array<i32>} : memref<1x1x1025x128xf32, #tpu.memory_space<vmem>>, vector<1x1x1025x128xf32>,
    return
  }
  func.func @transform_0(%arg0: i32, %arg1: i32) -> (i32, i32, i32, i32) {
    %c0_i32 = arith.constant 0 : i32
    %c0_i32_0 = arith.constant 0 : i32
    %c0_i32_1 = arith.constant 0 : i32
    return %arg1, %arg0, %c0_i32, %c0_i32_0 : i32, i32, i32, i32
  }
  func.func @transform_1(%arg0: i32, %arg1: i32) -> (i32, i32, i32, i32, i32, i32) {
    %jit3A = arith.constant 2 : i32
    %div3A = arith.divsi %arg0, %jit3A : i32
    %sign3A = arith.constant 0 : i32
    %sign3A_0 = arith.cmpi sgt, %arg0, %sign3A : i32
    %sign3A_1 = arith.extui %sign3A_0 : i1 to i32
    %sign3A_2 = arith.constant 0 : i32
    %sign3A_3 = arith.cmpi slt, %arg0, %sign3A_2 : i32
    %sign3A_4 = arith.extui %sign3A_3 : i1 to i32
    %sign3A_5 = arith.subi %sign3A_1, %sign3A_4 : i32
    %sign3A_6 = arith.constant 0 : i32
    %sign3A_7 = arith.cmpi sgt, %jit3A, %sign3A_6 : i32
    %sign3A_8 = arith.extui %sign3A_7 : i1 to i32
    %sign3A_9 = arith.constant 0 : i32
    %sign3A_10 = arith.cmpi slt, %jit3A, %sign3A_9 : i32
    %sign3A_11 = arith.extui %sign3A_10 : i1 to i32
    %sign3A_12 = arith.subi %sign3A_8, %sign3A_11 : i32
    %ne3A = arith.cmpi ne, %sign3A_5, %sign3A_12 : i32
    %rem3A = arith.remsi %arg0, %jit3A : i32
    %ne3A_13 = arith.constant 0 : i32
    %ne3A_14 = arith.cmpi ne, %rem3A, %ne3A_13 : i32
    %and3A = arith.andi %ne3A, %ne3A_14 : i1
    %sub3A = arith.constant 1 : i32
    %sub3A_15 = arith.subi %div3A, %sub3A : i32
    %select_n3A = arith.select %and3A, %sub3A_15, %div3A : i32
    %jit3A_16 = arith.constant 2 : i32
    %eq3A = arith.constant 0 : i32
    %eq3A_17 = arith.cmpi eq, %jit3A_16, %eq3A : i32
    %jit3A_18 = arith.constant 1 : i32
    %select_n3A_19 = arith.select %eq3A_17, %jit3A_18, %jit3A_16 : i32
    %rem3A_20 = arith.remsi %arg0, %select_n3A_19 : i32
    %ne3A_21 = arith.constant 0 : i32
    %ne3A_22 = arith.cmpi ne, %rem3A_20, %ne3A_21 : i32
    %lt3A = arith.constant 0 : i32
    %lt3A_23 = arith.cmpi slt, %rem3A_20, %lt3A : i32
    %lt3A_24 = arith.constant 0 : i32
    %lt3A_25 = arith.cmpi slt, %select_n3A_19, %lt3A_24 : i32
    %ne3A_26 = arith.xori %lt3A_23, %lt3A_25 : i1
    %and3A_27 = arith.andi %ne3A_26, %ne3A_22 : i1
    %add3A = arith.addi %rem3A_20, %select_n3A_19 : i32
    %select_n3A_28 = arith.select %and3A_27, %add3A, %rem3A_20 : i32
    %c0_i32 = arith.constant 0 : i32
    %c0_i32_29 = arith.constant 0 : i32
    %c0_i32_30 = arith.constant 0 : i32
    %c0_i32_31 = arith.constant 0 : i32
    return %select_n3A, %select_n3A_28, %arg1, %c0_i32, %c0_i32_29, %c0_i32_30 : i32, i32, i32, i32, i32, i32
  }
  func.func @transform_2(%arg0: i32, %arg1: i32) -> (i32, i32) {
    %c0_i32 = arith.constant 0 : i32
    %c0_i32_0 = arith.constant 0 : i32
    %c0_i32_1 = arith.constant 0 : i32
    return %c0_i32, %c0_i32_0 : i32, i32
  }
  func.func @transform_3(%arg0: i32, %arg1: i32) -> (i32, i32) {
    %c0_i32 = arith.constant 0 : i32
    %c0_i32_0 = arith.constant 0 : i32
    %c0_i32_1 = arith.constant 0 : i32
    return %c0_i32, %c0_i32_0 : i32, i32
  }
  func.func @transform_4(%arg0: i32, %arg1: i32) -> (i32, i32) {
    %c0_i32 = arith.constant 0 : i32
    %c0_i32_0 = arith.constant 0 : i32
    %c0_i32_1 = arith.constant 0 : i32
    return %c0_i32, %c0_i32_0 : i32, i32
  }
  func.func @transform_5(%arg0: i32, %arg1: i32) -> (i32, i32) {
    %c0_i32 = arith.constant 0 : i32
    %c0_i32_0 = arith.constant 0 : i32
    %c0_i32_1 = arith.constant 0 : i32
    return %c0_i32, %c0_i32_0 : i32, i32
  }
  func.func @transform_6(%arg0: i32, %arg1: i32) -> (i32, i32) {
    %c0_i32 = arith.constant 0 : i32
    %c0_i32_0 = arith.constant 0 : i32
    %c0_i32_1 = arith.constant 0 : i32
    return %c0_i32, %c0_i32_0 : i32, i32
  }
  func.func @transform_7(%arg0: i32, %arg1: i32) -> (i32, i32, i32, i32) {
    %c0_i32 = arith.constant 0 : i32
    %c0_i32_0 = arith.constant 0 : i32
    %c0_i32_1 = arith.constant 0 : i32
    return %arg0, %arg1, %c0_i32, %c0_i32_0 : i32, i32, i32, i32
  }
}

</mosaic_0001>

<sc_bundles>
// kernel: kernel.5.cloned.1.call-start
scs
__scs_entry_jumppad:
0x0: {  	(pc) =	sbr.rel $0x88, $3  }
0x1: {  	(tag) =	ssettag $0x0;
	lr =	simm.s32 $0x1  }
0x2: {  	[smem:$0x3F9B] =	sst lr;
	_ =	strace $0xD0000000  }
0x3: {  	_ = 	snop  }
0x4: {  	_ = 	snop  }
0x5: {  	_ = 	snop  }
0x6: {  	_ = 	snop  }
0x7: {  	_ = 	snop  }
__scs_overlays_trampoline_lowered:
0x8: {  	[smem:$0x3FAA] =	sst s0  }
0x9: {  	[smem:$0x3FAB] =	sst s1  }
0xa: {  	[smem:$0x3FAC] =	sst s2  }
0xb: {  	[smem:$0x3FAD] =	sst s3  }
0xc: {  	[smem:$0x3FAE] =	sst s4  }
0xd: {  	[smem:$0x3FAF] =	sst s5  }
0xe: {  	[smem:$0x3FB0] =	sst s6  }
0xf: {  	[smem:$0x3FB1] =	sst s7  }
0x10: {  	[smem:$0x3FB2] =	sst s8  }
0x11: {  	[smem:$0x3FB3] =	sst s9;
	s0 =	simm.s32 @!p0 $0x0  }
0x12: {  	s1 =	sld [smem:$0x3F99];
	s0 =	simm.s32 @p0 $0x1  }
0x13: {  	[smem:$0x3FB4] =	sst s0;
	s0 =	simm.s32 @!p1 $0x0  }
0x14: {  	s2 =	sld [smem:$0x3F98];
	s0 =	simm.s32 @p1 $0x1  }
0x15: {  	[smem:$0x3FB5] =	sst s0;
	s0 =	simm.s32 @!p2 $0x0  }
0x16: {  	s3 =	sld [smem:$0x3FDB];
	s0 =	simm.s32 @p2 $0x1  }
0x17: {  	s4 =	simm.s32 $0x1BF5;
	[smem:$0x3FB7] =	sst s0  }
0x18: {  	s0 =	sld [smem:$0x3F9A];
	_ =	swait.ge [sflag:s4], $0x0  }
0x19: {  	s7 =	sld [smem:$0x3F9B]  }
0x1a: {  	s8 =	sadd.s32 $0xFFFFE003, lr  }
0x1b: {  	s9 =	sadd.s32 $0xFFFFFEF7, lr;
	s5 =	simm.s32 $0xFFFFFFFF;
	p2 =	slt.u32 s8, $0xFFFFF086  }
0x1c: {  	p1 =	slt.u32 s9, $0xF7A;
	s5 =	simm.s32 @!p2 $0x0  }
0x1d: {  	s5 =	simm.s32 @p1 $0x1;
	p0 =	seq.s32 s7, s2  }
0x1e: {  	s7 =	smul.u32 @!p0 $0xF7A, s2;
	p2 =	seq.s32 @!p0 s5, $0x0  }
0x1f: {  	s9 =	smul.u32 $0xF7A, s1;
	s8 =	simm.s32 @!p0 $0x1BF5;
	p2 =	por !p2, p0  }
0x20: {  	[sflag:s8] =	ssyncset.s32 @!p0 $0xFFFFF086;
	s6 =	sadd.s32 @!p0 s3, s7;
	s7 =	simm.s32 @!p0 $0x108  }
0x21: {  	s3 =	sadd.s32 s3, s9;
	s6 =	sadd.s32 @!p0 $0x88, s6;
	s7 =	simm.s32 @p2 $0x1082  }
0x22: {  	[simem:s7], [sflag:s8] =	dma.local @!p0 [hbm:s6], $0xF7A  }
0x23: {  	s9 =	sor.u32 $0xD0000000, s2;
	s6 =	simm.s32 $0x108;
	_ =	swait.ge @!p0 [sflag:s8], $0x0  }
0x24: {  	s3 =	sadd.s32 $0x88, s3;
	s6 =	simm.s32 @!p1 $0x1082;
	[sflag:s4] =	ssyncset.s32 $0xFFFFF086  }
0x25: {  	[simem:s6], [sflag:s4] =	dma.local [hbm:s3], $0xF7A  }
0x26: {  	[smem:$0x3F9B] =	sst s1;
	(tag) =	ssettag s2;
	_ =	strace s9  }
0x27: {  	s1 =	sld [smem:$0x3FAB]  }
0x28: {  	s2 =	sld [smem:$0x3FAC]  }
0x29: {  	s4 =	sld [smem:$0x3FAE]  }
0x2a: {  	p0 =	seq.s32 s5, $0x0;
	s5 =	sld [smem:$0x3FAF]  }
0x2b: {  	s6 =	sld [smem:$0x3FB0]  }
0x2c: {  	s7 =	sld [smem:$0x3FB1]  }
0x2d: {  	s3 =	simm.s32 $0x108;
	s8 =	sld [smem:$0x3FB2]  }
0x2e: {  	s3 =	simm.s32 @!p0 $0x1082;
	s9 =	sld [smem:$0x3FB3]  }
0x2f: {  	lr =	sadd.s32 s0, s3;
	s0 =	sld [smem:$0x3FAA]  }
0x30: {  	s3 =	sld [smem:$0x3FAD]  }
0x31: {  	[smem:$0x3FB6] =	sst s10  }
0x32: {  	s10 =	sld [smem:$0x3FB4];
	_ =	sdelay $0x3  }
0x33: {  	p0 =	seq.s32 s10, $0x1;
	s10 =	sld [smem:$0x3FB6];
	_ =	sdelay $0x3  }
0x34: {  	[smem:$0x3FB6] =	sst s10  }
0x35: {  	s10 =	sld [smem:$0x3FB5];
	_ =	sdelay $0x3  }
0x36: {  	p1 =	seq.s32 s10, $0x1;
	s10 =	sld [smem:$0x3FB6];
	_ =	sdelay $0x3  }
0x37: {  	[smem:$0x3FB6] =	sst s10  }
0x38: {  	s10 =	sld [smem:$0x3FB7]  }
0x39: {  	_ = 	snop;
	(pc) =	sbr.ind lr, $3  }
0x3a: {  	_ = 	snop  }
0x3b: {  	_ = 	snop  }
0x3c: {  	p2 =	seq.s32 s10, $0x1;
	s10 =	sld [smem:$0x3FB6]  }
0x3d: {  	_ =	shalt  }
0x3e: {  	_ =	shalt  }
0x3f: {  	_ =	shalt  }
0x40: {  	_ =	shalt  }
0x41: {  	_ =	shalt  }
0x42: {  	_ =	shalt  }
0x43: {  	_ =	shalt  }
0x44: {  	_ =	shalt  }
0x45: {  	_ =	shalt  }
0x46: {  	_ =	shalt  }
0x47: {  	_ =	shalt  }
0x48: {  	_ =	shalt  }
0x49: {  	_ =	shalt  }
0x4a: {  	_ =	shalt  }
0x4b: {  	_ =	shalt  }
0x4c: {  	_ =	shalt  }
0x4d: {  	_ =	shalt  }
0x4e: {  	_ =	shalt  }
0x4f: {  	_ =	shalt  }
0x50: {  	_ =	shalt  }
0x51: {  	_ =	shalt  }
0x52: {  	_ =	shalt  }
0x53: {  	_ =	shalt  }
0x54: {  	_ =	shalt  }
0x55: {  	_ =	shalt  }
0x56: {  	_ =	shalt  }
0x57: {  	_ =	shalt  }
0x58: {  	_ =	shalt  }
0x59: {  	_ =	shalt  }
0x5a: {  	_ =	shalt  }
0x5b: {  	_ =	shalt  }
0x5c: {  	_ =	shalt  }
0x5d: {  	_ =	shalt  }
0x5e: {  	_ =	shalt  }
0x5f: {  	_ =	shalt  }
0x60: {  	_ =	shalt  }
0x61: {  	_ =	shalt  }
0x62: {  	_ =	shalt  }
0x63: {  	_ =	shalt  }
0x64: {  	_ =	shalt  }
0x65: {  	_ =	shalt  }
0x66: {  	_ =	shalt  }
0x67: {  	_ =	shalt  }
0x68: {  	_ =	shalt  }
0x69: {  	_ =	shalt  }
0x6a: {  	_ =	shalt  }
0x6b: {  	_ =	shalt  }
0x6c: {  	_ =	shalt  }
0x6d: {  	_ =	shalt  }
0x6e: {  	_ =	shalt  }
0x6f: {  	_ =	shalt  }
0x70: {  	_ =	shalt  }
0x71: {  	_ =	shalt  }
0x72: {  	_ =	shalt  }
0x73: {  	_ =	shalt  }
0x74: {  	_ =	shalt  }
0x75: {  	_ =	shalt  }
0x76: {  	_ =	shalt  }
0x77: {  	_ =	shalt  }
0x78: {  	_ =	shalt  }
0x79: {  	_ =	shalt  }
0x7a: {  	_ =	shalt  }
0x7b: {  	_ =	shalt  }
0x7c: {  	_ =	shalt  }
0x7d: {  	_ =	shalt  }
0x7e: {  	_ =	shalt  }
0x7f: {  	_ =	shalt  }
0x80: {  	_ =	shalt  }
0x81: {  	_ =	shalt  }
0x82: {  	_ =	shalt  }
0x83: {  	_ =	shalt  }
0x84: {  	_ =	shalt  }
0x85: {  	_ =	shalt  }
0x86: {  	_ =	shalt  }
0x87: {  	_ =	shalt  }
.Lfunc_end0:
.L_simem_size_0:
called_computation_lowered:
.L_overlay_start_0:
0x88: {  	s2 =	sld [smem:$0x3FD9]  }
0x89: {  	s3 =	sld [smem:$0x3FFE];
	_ =	sdelay $0x1  }
0x8a: {  	s1 =	srdreg.scid  }
0x8b: {  	s0 =	sand.u32 $0x1, s1  }
0x8c: {  	s15 =	sshll.u32 s0, $0xA;
	s2 =	sadd.s32 s3, s2  }
0x8d: {  	s2 =	sadd.s32 s2, s15  }
0x8e: {  	[smem:$0x3FC2] =	sst s2  }
0x8f: {  	_ = 	snop  }
0x90: {  	s2 =	sld [smem:$0x3FD0];
	_ =	sdelay $0x2  }
0x91: {  	s4 =	simm.s32 $0xA;
	s5 =	simm.s32 $0x10;
	s16 =	sld [smem:$0x3FC8]  }
0x92: {  	[smem:s5], [sflag:s4] =	dma.local [hbm:s2], $0x1  }
0x93: {  	_ =	swait.eq [sflag:s4], $0x1  }
0x94: {  	s17 =	sld [smem:$0x11]  }
0x95: {  	s18 =	sld [smem:$0x12];
	[sflag:s4] =	ssyncset.done $0x0  }
0x96: {  	s6 =	sld [smem:$0x13];
	[sflag:s4] =	ssyncadd.s32 $0xFFFFFFFF  }
0x97: {  	s19 =	sld [smem:$0x14];
	(tm) =	ssettm $0x1  }
0x98: {  	s7 =	sld [smem:$0x3FFB];
	_ =	sdelay $0x3  }
0x99: {  	_ =	strace s7  }
0x9a: {  	s7 =	sld [smem:$0x3FFC];
	_ =	sdelay $0x3  }
0x9b: {  	_ =	strace s7  }
0x9c: {  	s7 =	sld [smem:$0x3FFD];
	_ =	sdelay $0x3  }
0x9d: {  	_ =	strace s7  }
0x9e: {  	_ =	strace $0x8FFFFFFF  }
0x9f: {  	s20 =	sld [smem:$0x3FDB];
	_ =	sdelay $0x1  }
0xa0: {  	s8 =	simm.s32 $_scs_section_size  }
0xa1: {  	s9 =	simm.s32 $_size__tile_overlayer_lowered;
	s10 =	simm.s32 $_tile_overlayer_lowered  }
0xa2: {  	s23 =	simm.s32 $0x1BFF;
	s22 =	sshll.u32 s10, $0x1;
	s7 =	sadd.s32 s8, s20  }
0xa3: {  	s11 =	simm.s32 $0x0;
	s21 =	sshll.u32 s9, $0x1;
	s9 =	sadd.s32 s22, s7  }
0xa4: {  	[timem:s11], [sflag:s23] =	dma.local [hbm:s9], s21  }
0xa5: {  	_ =	swait.ge [sflag:s23], s21  }
0xa6: {  	s8 =	ssub.s32 $0x0, s21;
	[sflag:s23] =	ssyncset.done $0x0  }
0xa7: {  	[sflag:s23] =	ssyncadd.s32 s8;
	_ =	sdelay $0x1  }
0xa8: {  	s24 =	simm.s32 $0x1B8B  }
0xa9: {  	_ =	swait.ge [sflag:s24], $0x1  }
0xaa: {  	[sflag:s24] =	ssyncset.done $0x0  }
0xab: {  	s25 =	simm.s32 $0x1B8E;
	[sflag:s24] =	ssyncadd.s32 $0xFFFFFFFF  }
0xac: {  	s26 =	simm.s32 $execute0_lowered;
	[smem:$0x3FD2] =	sst s25  }
0xad: {  	s8 =	sshll.u32 s26, $0x1;
	_ =	strace $0x80000046;
	[dreg:$0x1] =	wrdreg $0xFFFFFFFF  }
0xae: {  	s28 =	simm.s32 $_size_execute0_lowered;
	s7 =	sadd.s32 s7, s8;
	[dreg:$0x0] =	wrdreg $0x0  }
0xaf: {  	s8 =	sshll.u32 s28, $0x1;
	[dreg:$0x2] =	wrdreg s7  }
0xb0: {  	[dreg:$0x3] =	wrdreg s8  }
0xb1: {  	[dreg:$0x4] =	wrdreg $0xC0  }
0xb2: {  	_ =	task [dreg:s11], $0x5FFFF  }
0xb3: {  	[dreg:$0x1] =	wrdreg $0xFFFFFFFF  }
0xb4: {  	[dreg:$0x0] =	wrdreg $0x60  }
0xb5: {  	[dreg:$0x2] =	wrdreg s16  }
0xb6: {  	[dreg:$0x3] =	wrdreg s17  }
0xb7: {  	[dreg:$0x4] =	wrdreg s6  }
0xb8: {  	[dreg:$0x5] =	wrdreg s18  }
0xb9: {  	[dreg:$0x6] =	wrdreg s19  }
0xba: {  	[dreg:$0x7] =	wrdreg $0x9  }
0xbb: {  	_ =	task.clear_ibuf [dreg:s11], $0x8FFFF;
	_ =	strace $0x90000046  }
0xbc: {  	s29 =	simm.s32 $0x9;
	_ =	strace $0x80000048  }
0xbd: {  	_ =	swait.ge [sflag:s29], $0x1  }
0xbe: {  	[sflag:s29] =	ssyncadd.s32 $0xFFFFFFFF  }
0xbf: {  	_ =	strace $0x90000048  }
0xc0: {  	_ =	sfence  }
0xc1: {  	s30 =	sld [smem:$0x0];
	_ =	sdelay $0x2  }
0xc2: {  	s31 =	sshll.u32 s1, $0xD;
	s1 =	sshrl.u32 s1, $0x2  }
0xc3: {  	s3 =	sand.u32 $0x4000, s31;
	s1 =	sadd.s32 s1, s30  }
0xc4: {  	s0 =	sor.u32 s3, s0;
	s1 =	sshll.u32 s1, $0x11  }
0xc5: {  	s0 =	sor.u32 s1, s0  }
0xc6: {  	s0 =	sadd.s32 $0x8F2B, s0  }
0xc7: {  	[sflag:s0] =	ssyncadd.remote.s32 $0x1  }
0xc8: {  	_ =	sfence.sel $0xFFFF  }
0xc9: {  	[dreg:$0x0] =	wrdreg $0xFFFFFFFF;
	(pc) =	sbr.abs _section_cstart, $3  }
0xca: {  	[dreg:$0x1] =	wrdreg $0xFFFFFFFF  }
0xcb: {  	_ =	task.clear_ibuf [dreg:s11], $0x2FFFF;
	_ =	strace $0x9FFFFFFF  }
0xcc: {  	(tm) =	ssettm $0x7FFFFFFF  }
0xcd: {  	_ =	shalt  }
tec
execute0_lowered:
.L_overlay_start_1:
0x0: {  	(tag) =	ssettag $0x1  }
0x1: {  	s3 =	rddreg [dreg:$0x0]  }
0x2: {  	s6 =	rddreg [dreg:$0x1]  }
0x3: {  	s5 =	rddreg [dreg:$0x2]  }
0x4: {  	s1 =	srdreg.scid;
	s8 =	rddreg [dreg:$0x3]  }
0x5: {  	s0 =	stileid.u32;
	s7 =	rddreg [dreg:$0x4];
	s4 =	sand.u32 $0x1, s1  }
0x6: {  	s9 =	sshrl.u32 s0, $0x3;
	s1 =	rddreg [dreg:$0x5];
	s12 =	sand.u32 $0x7, s0  }
0x7: {  	s11 =	sand.u32 $0x3, s0;
	s29 =	sshll.u32 s0, $0xA;
	s2 =	sshll.u32 s4, $0x1  }
0x8: {  	s14 =	sshrl.u32 s12, $0x2;
	s15 =	smul.u32 $0x9000, s11;
	s17 =	ssub.s32 $0x2, s4  }
0x9: {  	s28 =	sshll.u32 s4, $0xE;
	s11 =	sshll.u32 s11, $0xA;
	p0 =	sne.s32 s12, $0x0  }
0xa: {  	s12 =	simm.s32 $0xB400;
	s10 =	sor.u32 s9, s2;
	s2 =	simm.s32 $0x0  }
0xb: {  	s16 =	smul.u32 $0x90000, s14;
	s30 =	sshrl.u32 s17, $0x1;
	s4 =	sor.u32 s29, s28  }
0xc: {  	s9 =	sshll.u32 s9, $0xD;
	s14 =	sshll.u32 s14, $0xC;
	s13 =	smul.u32 $0x24000, s10  }
0xd: {  	[smem:$0x7FF] =	sst s2;
	s4 =	sshrl.u32 s4, $0x3;
	s9 =	sor.u32 s28, s9  }
0xe: {  	s11 =	sor.u32 s11, s14;
	s10 =	sshll.u32 s10, $0x7;
	s14 =	simm.s32 $0x0  }
0xf: {  	_ =	strace $0x80000047;
	s4 =	sadd.s32 s5, s4;
	s31 =	sshrl.u32 s9, $0x3  }
0x10: {  	s9 =	sor.u32 s11, s9;
	s6 =	sadd.s32 s6, s10;
	s10 =	simm.s32 $0x1  }
0x11: {  	s11 =	simm.s32 $0x9000;
	s13 =	sadd.s32 s15, s13;
	s5 =	sadd.s32 s5, s31  }
0x12: {  	s9 =	sshrl.u32 s9, $0x3;
	s13 =	sadd.s32 s16, s13;
	s16 =	ssub.s32 s17, s30  }
0x13: {  	v0 =	vimm.s32 $0x0;
	s8 =	sadd.s32 s8, s9;
	s13 =	sshrl.u32 s13, $0x3;
	s9 =	smax.u32 s16, $0x1  }
0x14: {  	v1 =	vimm.f32 $0.0e+00;
	v2 =	vimm.s32 $0x1;
	v3 =	vimm.f32 $1.000000000e+00;
	s3 =	sadd.s32 s3, s13;
	s7 =	sadd.s32 s7, s13;
	s13 =	simm.s32 $0xB800  }
.LBB2_1:
0x15: {  	[tilespmem:s2], [sflag:$0x1] =	stream.linear.gather [hbm4b:s3+s2], $0x9000, $0x38;
	[tilespmem:$0xBC00] =	vst v63  }
0x16: {  	_ =	swait.ge [sflag:s10], $0x9000  }
0x17: {  	[sflag:s10] =	ssyncset.done $0x0  }
0x18: {  	s15 =	simm.s32 $0x0;
	[sflag:s10] =	ssyncadd.s32 $0xFFFF7000  }
.LBB2_2:
0x19: {  	p1 =	sne.s32 s15, $0xFC0  }
.Ltmp0:
0x1a: {  	_ = 	snop;
	(pc) =	sbr.rel @p1 .LBB2_2-.Ltmp0, $4  }
0x1b: {  	_ = 	snop  }
0x1c: {  	s16 =	sshra.s32 s15, $0x2  }
0x1d: {  	[tilespmem:s16+$0x9000] =	vst v0  }
0x1e: {  	s15 =	sadd.s32 $0x40, s15;
	[tilespmem:s16+$0xB800] =	vst v1  }
0x1f: {  	s15 =	simm.s32 $0x0  }
0x20: {  	s16 =	sor.u32 $0x3, s15  }
0x21: {  	s17 =	sor.u32 $0x1, s15;
	s21 =	smul.u32 $0xAAAB, s15;
	s18 =	sand.u32 $0xFFFF, s16  }
0x22: {  	s20 =	sor.u32 $0x2, s15;
	s19 =	sand.u32 $0xFFFF, s17;
	s18 =	smul.u32 $0xAAAB, s18  }
0x23: {  	s22 =	sand.u32 $0xFFFF, s20;
	s19 =	smul.u32 $0xAAAB, s19  }
0x24: {  	s23 =	sshrl.u32 s21, $0x17;
	s22 =	smul.u32 $0xAAAB, s22;
	s18 =	sshrl.u32 s18, $0x14  }
0x25: {  	s24 =	sshrl.u32 s21, $0x14;
	s21 =	sshrl.u32 s21, $0xD;
	s18 =	smul.u32 $0x18, s18  }
0x26: {  	s23 =	smul.u32 $0x3000, s23;
	s25 =	sand.u32 $0x380, s21  }
0x27: {  	s31 =	smul.u32 $0x18, s24;
	s19 =	sshrl.u32 s19, $0x14;
	s16 =	ssub.s32 s16, s18  }
0x28: {  	s28 =	sshrl.u32 s22, $0x14;
	s26 =	smul.u32 $0x18, s19;
	s29 =	sshll.u32 s16, $0x7  }
0x29: {  	s23 =	sshrl.u32 s23, $0x2;
	s19 =	smul.u32 $0x18, s28;
	s22 =	sand.u32 $0xC00, s29  }
0x2a: {  	s28 =	ssub.s32 $0x0, s31;
	s16 =	sshll.u32 s16, $0x4;
	s30 =	sadd.s32 s22, s23  }
0x2b: {  	s17 =	ssub.s32 s17, s26;
	s16 =	sand.u32 $0x70, s16;
	s21 =	sor.u32 s25, s30  }
0x2c: {  	s26 =	ssub.s32 s20, s19;
	s24 =	sshll.u32 s17, $0x4;
	s16 =	sor.u32 s16, s21  }
0x2d: {  	s17 =	sshll.u32 s17, $0x7;
	s20 =	sshll.u32 s26, $0x7;
	s18 =	sshll.u32 s26, $0x4;
	v4 =	vld [tilespmem:s16+$0x0]  }
0x2e: {  	s17 =	sand.u32 $0xC00, s17;
	s29 =	sshll.u32 s28, $0x7;
	s20 =	sand.u32 $0xC00, s20  }
0x2f: {  	s17 =	sadd.s32 s17, s23;
	s26 =	sadd.s32 s20, s23;
	s30 =	sand.u32 $0xC00, s29  }
0x30: {  	s20 =	sand.u32 $0x50, s24;
	s17 =	sor.u32 s25, s17;
	s31 =	sadd.s32 s30, s23  }
0x31: {  	s19 =	sor.u32 s25, s26;
	s21 =	sshll.u32 s28, $0x4;
	s16 =	sor.u32 s25, s31  }
.LBB2_4:
0x32: {  	s15 =	sadd.s32 $0x4, s15  }
0x33: {  	s21 =	sand.u32 $0x40, s21;
	s18 =	sand.u32 $0x60, s18;
	s24 =	sor.u32 $0x3, s15  }
0x34: {  	s22 =	sor.u32 $0x1, s15;
	s23 =	sor.u32 $0x2, s15;
	s28 =	sand.u32 $0xFFFF, s24  }
0x35: {  	s25 =	sand.u32 $0xFFFF, s22;
	s26 =	sand.u32 $0xFFFF, s23;
	[tilespmem:v4+s11+$0x0] =	vst.idx.msk $0xffff, v2;
	s28 =	smul.u32 $0xAAAB, s28  }
0x36: {  	s17 =	sor.u32 s20, s17;
	s18 =	sor.u32 s18, s19;
	s19 =	smul.u32 $0xAAAB, s25  }
0x37: {  	p1 =	slt.u32 s15, $0x8FC;
	s16 =	sor.u32 s21, s16;
	s21 =	smul.u32 $0xAAAB, s26;
	v4 =	vld [tilespmem:s17+$0x0]  }
0x38: {  	s17 =	smul.u32 $0xAAAB, s15;
	s20 =	sshrl.u32 s28, $0x14;
	v5 =	vld [tilespmem:s18+$0x0]  }
0x39: {  	s18 =	sshrl.u32 s19, $0x14;
	s19 =	smul.u32 $0x18, s20;
	v6 =	vld [tilespmem:s16+$0x0]  }
0x3a: {  	s16 =	sshrl.u32 s17, $0x14;
	s20 =	sshrl.u32 s17, $0x17  }
0x3b: {  	s21 =	sshrl.u32 s21, $0x14;
	s20 =	smul.u32 $0x3000, s20;
	s19 =	ssub.s32 s24, s19  }
0x3c: {  	s18 =	smul.u32 $0x18, s18;
	s17 =	sshrl.u32 s17, $0xD;
	s24 =	sshll.u32 s19, $0x7  }
0x3d: {  	s21 =	smul.u32 $0x18, s21;
	s20 =	sshrl.u32 s20, $0x2;
	s24 =	sand.u32 $0xC00, s24  }
0x3e: {  	s25 =	sand.u32 $0x380, s17;
	s17 =	sshll.u32 s19, $0x4;
	s19 =	sadd.s32 s24, s20  }
0x3f: {  	s16 =	smul.u32 $0x18, s16;
	s17 =	sand.u32 $0x70, s17;
	s19 =	sor.u32 s25, s19;
	[tilespmem:v4+s11+$0x0] =	vst.idx.msk $0xffff, v2  }
0x40: {  	s18 =	ssub.s32 s22, s18;
	s21 =	ssub.s32 s23, s21;
	s17 =	sor.u32 s17, s19;
	[tilespmem:v5+s11+$0x0] =	vst.idx.msk $0xffff, v2  }
0x41: {  	s16 =	ssub.s32 s15, s16;
	s19 =	sshll.u32 s18, $0x4;
	s18 =	sshll.u32 s18, $0x7;
	v4 =	vld [tilespmem:s17+$0x0];
	[tilespmem:v6+s11+$0x0] =	vst.idx.msk $0xffff, v2  }
.Ltmp1:
0x42: {  	s17 =	sand.u32 $0xC00, s18;
	s18 =	sshll.u32 s21, $0x7;
	(pc) =	sbr.rel @p1 .LBB2_4-.Ltmp1, $4  }
0x43: {  	s22 =	sshll.u32 s16, $0x7;
	s17 =	sadd.s32 s17, s20;
	s23 =	sand.u32 $0xC00, s18  }
0x44: {  	s22 =	sand.u32 $0xC00, s22;
	s18 =	sshll.u32 s21, $0x4;
	s23 =	sadd.s32 s23, s20  }
0x45: {  	s21 =	sshll.u32 s16, $0x4;
	s16 =	sadd.s32 s22, s20;
	s17 =	sor.u32 s25, s17  }
0x46: {  	s16 =	sor.u32 s25, s16;
	s20 =	sand.u32 $0x50, s19;
	s19 =	sor.u32 s25, s23  }
0x47: {  	s15 =	sand.u32 $0x60, s18;
	s17 =	sor.u32 s20, s17  }
0x48: {  	s31 =	sand.u32 $0x40, s21;
	s15 =	sor.u32 s15, s19;
	v5 =	vld [tilespmem:s17+$0x0]  }
0x49: {  	s16 =	sor.u32 s31, s16;
	v6 =	vld [tilespmem:s15+$0x0]  }
0x4a: {  	v7 =	vld [tilespmem:s16+$0x0];
	_ =	sdelay $0x4  }
0x4b: {  	[tilespmem:v4+s11+$0x0] =	vst.idx.msk $0xffff, v2  }
0x4c: {  	[tilespmem:v5+s11+$0x0] =	vst.idx.msk $0xffff, v2  }
0x4d: {  	[tilespmem:v6+s11+$0x0] =	vst.idx.msk $0xffff, v2  }
0x4e: {  	[tilespmem:v7+s11+$0x0] =	vst.idx.msk $0xffff, v2  }
0x4f: {  	[hbm4b:s4+s2] =	stream.linear.scatter [tilespmem:s11], [sflag:$0x1], $0x400, $0x38;
	[tilespmem:$0xBC00] =	vst v63  }
.Ltmp2:
0x50: {  	_ =	swait.ge [sflag:s10], $0x400;
	(pc) =	sbr.rel @p0 .LBB2_9-.Ltmp2, $3  }
0x51: {  	[sflag:s10] =	ssyncset.done $0x0  }
0x52: {  	[sflag:s10] =	ssyncadd.s32 $0xFFFFFC00  }
0x53: {  	[bflag:$0x0] =	sbarrier.arrive $0xFFFF;
	_ =	sdelay $0x1  }
0x54: {  	s15 =	simm.s32 $0x0;
	s16 =	simm.s32 $0x9400  }
0x55: {  	[tilespmem:s16], [sflag:$0x1] =	stream.linear.gather [hbm4b:s5+s15], $0x2000, $0x38;
	[tilespmem:$0xBC00] =	vst v63  }
0x56: {  	_ =	swait.ge [sflag:s10], $0x2000  }
0x57: {  	[sflag:s10] =	ssyncset.done $0x0  }
0x58: {  	s17 =	sand.u32 $0x3F0, s15;
	[sflag:s10] =	ssyncadd.s32 $0xFFFFE000  }
0x59: {  	v4 =	vld [tilespmem:s17+$0x9800]  }
0x5a: {  	v5 =	vld [tilespmem:s16+$0x0]  }
0x5b: {  	v6 =	vld [tilespmem:s17+$0x9C00]  }
0x5c: {  	v7 =	vld [tilespmem:s17+$0xA000]  }
0x5d: {  	v8 =	vld [tilespmem:s17+$0xA400]  }
0x5e: {  	v9 =	vld [tilespmem:s17+$0xA800]  }
0x5f: {  	v4 =	vadd.s32 v5, v4;
	v5 =	vld [tilespmem:s17+$0xAC00]  }
0x60: {  	v4 =	vadd.s32 v6, v4;
	v6 =	vld [tilespmem:s17+$0xB000]  }
0x61: {  	v4 =	vadd.s32 v7, v4  }
0x62: {  	v4 =	vadd.s32 v8, v4  }
0x63: {  	v4 =	vadd.s32 v9, v4  }
0x64: {  	v4 =	vadd.s32 v5, v4  }
0x65: {  	v4 =	vadd.s32 v6, v4  }
0x66: {  	vm0 =	vgt.s32 v4, $0x0  }
0x67: {  	v4 =	vsel vm0, $0x1, v0  }
0x68: {  	(xrf0) =	vadd.scan.msk.s32 $0xffff, v4;
	_ =	sdelay $0x4  }
0x69: {  	v4 =	vsel vm0, $0xFFFFFFFF, v0  }
0x6a: {  	v4 =	vadd.s32 s15, v4;
	v5, _, _ =	vpop (xrf0)  }
0x6b: {  	s31 =	simm.s32 $0x10;
	s16 =	simm.s32 $0xB400;
	v4 =	vadd.s32 v5, v4;
	(v2sf) =	vpush v5, $0xF  }
0x6c: {  	s19 =	sand.u32 $0x3F0, s31;
	[tilespmem:s16+$0x0] =	vst v4  }
0x6d: {  	s18 =	simm.s32 $0x20;
	s17 =	simm.s32 $0x9410;
	v4 =	vld [tilespmem:s19+$0x9800]  }
.LBB2_7:
0x6e: {  	p1 =	sne.s32 s18, $0x3F0;
	v5 =	vld [tilespmem:s17+$0x0]  }
0x6f: {  	v6 =	vld [tilespmem:s19+$0x9C00]  }
0x70: {  	v7 =	vld [tilespmem:s19+$0xA000]  }
0x71: {  	v8 =	vld [tilespmem:s19+$0xA400]  }
0x72: {  	v9 =	vld [tilespmem:s19+$0xA800]  }
0x73: {  	v4 =	vadd.s32 v5, v4;
	v5 =	vld [tilespmem:s19+$0xAC00]  }
0x74: {  	v4 =	vadd.s32 v6, v4;
	v6 =	vld [tilespmem:s19+$0xB000]  }
0x75: {  	v4 =	vadd.s32 v7, v4  }
0x76: {  	v4 =	vadd.s32 v8, v4  }
0x77: {  	v4 =	vadd.s32 v9, v4  }
0x78: {  	v4 =	vadd.s32 v5, v4  }
0x79: {  	v4 =	vadd.s32 v6, v4  }
0x7a: {  	vm0 =	vgt.s32 v4, $0x0;
	s19 =	spop (v2sf)  }
0x7b: {  	v4 =	vsel vm0, $0xFFFFFFFF, v0;
	v5 =	vsel vm0, $0x1, v0;
	s15 =	sadd.s32 s15, s19  }
0x7c: {  	v4 =	vadd.s32 s15, v4;
	(xrf0) =	vadd.scan.msk.s32 $0xffff, v5;
	_ =	sdelay $0x4  }
.Ltmp3:
0x7d: {  	(pc) =	sbr.rel @p1 .LBB2_7-.Ltmp3, $4  }
0x7e: {  	v5, _, _ =	vpop (xrf0)  }
0x7f: {  	s16 =	sadd.s32 $0x10, s16;
	v4 =	vadd.s32 v5, v4;
	(v2sf) =	vpush v5, $0xF  }
0x80: {  	s19 =	sand.u32 $0x3F0, s18;
	[tilespmem:s16+$0x0] =	vst v4  }
0x81: {  	s17 =	sadd.s32 $0x10, s17;
	s18 =	sadd.s32 $0x10, s18;
	v4 =	vld [tilespmem:s19+$0x9800]  }
0x82: {  	v5 =	vld [tilespmem:s17+$0x0]  }
0x83: {  	v6 =	vld [tilespmem:s19+$0x9C00]  }
0x84: {  	v7 =	vld [tilespmem:s19+$0xA000]  }
0x85: {  	v8 =	vld [tilespmem:s19+$0xA400]  }
0x86: {  	v9 =	vld [tilespmem:s19+$0xA800]  }
0x87: {  	v4 =	vadd.s32 v5, v4;
	v5 =	vld [tilespmem:s19+$0xAC00]  }
0x88: {  	v63 =	vld [tilespmem:s19+$0xB000];
	v4 =	vadd.s32 v6, v4  }
0x89: {  	v4 =	vadd.s32 v7, v4  }
0x8a: {  	v4 =	vadd.s32 v8, v4  }
0x8b: {  	v4 =	vadd.s32 v9, v4  }
0x8c: {  	v4 =	vadd.s32 v5, v4  }
0x8d: {  	v4 =	vadd.s32 v63, v4  }
0x8e: {  	vm0 =	vgt.s32 v4, $0x0  }
0x8f: {  	v4 =	vsel vm0, $0x1, v0  }
0x90: {  	(xrf0) =	vadd.scan.msk.s32 $0xffff, v4;
	_ =	sdelay $0x5  }
0x91: {  	v4, _, _ =	vpop (xrf0)  }
0x92: {  	(v2sf) =	vpush v4, $0xF;
	_ =	sdelay $0x8  }
0x93: {  	s29 =	spop (v2sf)  }
0x94: {  	v5 =	vsel vm0, $0xFFFFFFFF, v0;
	s15 =	sadd.s32 s15, s29  }
0x95: {  	v5 =	vadd.s32 s15, v5  }
0x96: {  	s30 =	sadd.s32 $0x10, s16;
	v4 =	vadd.s32 v4, v5  }
0x97: {  	[tilespmem:s30+$0x0] =	vst v4  }
0x98: {  	[hbm4b:s6+s2] =	stream.linear.scatter [tilespmem:s12], [sflag:$0x1], $0x400, $0x38;
	[tilespmem:$0xBC00] =	vst v63  }
0x99: {  	s31 =	spop (v2sf)  }
0x9a: {  	_ =	swait.ge [sflag:s10], $0x400  }
0x9b: {  	[sflag:s10] =	ssyncset.done $0x0  }
0x9c: {  	[sflag:s10] =	ssyncadd.s32 $0xFFFFFC00  }
.LBB2_9:
0x9d: {  	[bflag:$0x0] =	sbarrier.arrive $0xFFFF;
	s15 =	simm.s32 $0x0  }
0x9e: {  	[tilespmem:s12], [sflag:$0x1] =	stream.linear.gather [hbm4b:s6+s2], $0x400, $0x38;
	[tilespmem:$0xBC00] =	vst v63  }
0x9f: {  	s16 =	sor.u32 $0x3, s15;
	s17 =	sor.u32 $0x1, s15  }
0xa0: {  	s20 =	sor.u32 $0x2, s15;
	s15 =	smul.u32 $0xAAAB, s15;
	s18 =	sand.u32 $0xFFFF, s16  }
0xa1: {  	s19 =	sand.u32 $0xFFFF, s17;
	s18 =	smul.u32 $0xAAAB, s18  }
0xa2: {  	s21 =	sand.u32 $0xFFFF, s20;
	s19 =	smul.u32 $0xAAAB, s19  }
0xa3: {  	s22 =	sshrl.u32 s15, $0x17;
	s21 =	smul.u32 $0xAAAB, s21  }
0xa4: {  	s23 =	sshrl.u32 s15, $0x14;
	s22 =	smul.u32 $0x3000, s22  }
0xa5: {  	_ =	swait.ge [sflag:s10], $0x400;
	s31 =	smul.u32 $0x18, s23;
	s18 =	sshrl.u32 s18, $0x14  }
0xa6: {  	[sflag:s10] =	ssyncset.done $0x0;
	s19 =	sshrl.u32 s19, $0x14;
	s18 =	smul.u32 $0x18, s18  }
0xa7: {  	s15 =	sshrl.u32 s15, $0xD;
	s26 =	sshrl.u32 s21, $0x14;
	s25 =	smul.u32 $0x18, s19  }
0xa8: {  	[sflag:s10] =	ssyncadd.s32 $0xFFFFFC00;
	s24 =	sand.u32 $0x380, s15;
	s19 =	smul.u32 $0x18, s26  }
0xa9: {  	s22 =	sshrl.u32 s22, $0x2;
	s16 =	ssub.s32 s16, s18;
	s17 =	ssub.s32 s17, s25  }
0xaa: {  	s26 =	ssub.s32 s20, s19;
	s28 =	sshll.u32 s16, $0x7;
	s29 =	sshll.u32 s16, $0x4  }
0xab: {  	s23 =	sshll.u32 s17, $0x4;
	s25 =	sshll.u32 s17, $0x7;
	s20 =	sshll.u32 s26, $0x7  }
0xac: {  	s17 =	sshll.u32 s26, $0x4;
	s21 =	sand.u32 $0xC00, s28;
	s15 =	sand.u32 $0x70, s29  }
0xad: {  	s28 =	ssub.s32 $0x0, s31;
	s20 =	sand.u32 $0xC00, s20;
	s30 =	sadd.s32 s21, s22  }
0xae: {  	s17 =	sand.u32 $0x60, s17;
	s21 =	sshll.u32 s28, $0x7;
	s16 =	sor.u32 s24, s30  }
0xaf: {  	s20 =	sadd.s32 s20, s22;
	s18 =	sor.u32 s15, s16;
	s15 =	sand.u32 $0xC00, s25  }
0xb0: {  	s19 =	sshll.u32 s28, $0x4;
	s21 =	sand.u32 $0xC00, s21;
	s15 =	sadd.s32 s15, s22;
	v4 =	vld [tilespmem:s18+$0x0]  }
0xb1: {  	s20 =	sor.u32 s24, s20;
	s29 =	sor.u32 s24, s15;
	s15 =	simm.s32 $0x4  }
0xb2: {  	s21 =	sadd.s32 s21, s22;
	s16 =	sand.u32 $0x50, s23;
	s23 =	sor.u32 $0x3, s15  }
0xb3: {  	s21 =	sor.u32 s24, s21;
	s24 =	sor.u32 $0x1, s15;
	s25 =	sand.u32 $0xFFFF, s23  }
0xb4: {  	s19 =	sand.u32 $0x40, s19;
	s26 =	sand.u32 $0xFFFF, s24;
	s25 =	smul.u32 $0xAAAB, s25  }
0xb5: {  	s28 =	sor.u32 $0x2, s15;
	s29 =	sor.u32 s16, s29;
	s22 =	smul.u32 $0xAAAB, s26  }
0xb6: {  	v5 =	vld [tilespmem:s29+$0x0];
	s26 =	sor.u32 s17, s20;
	s17 =	smul.u32 $0xAAAB, s15;
	s30 =	sshrl.u32 s25, $0x14  }
0xb7: {  	s16 =	sor.u32 s19, s21;
	s31 =	sand.u32 $0xFFFF, s28;
	v6 =	vld [tilespmem:s26+$0x0];
	s19 =	smul.u32 $0x18, s30  }
0xb8: {  	s20 =	sshrl.u32 s22, $0x14;
	s22 =	sshrl.u32 s17, $0x17;
	s30 =	smul.u32 $0xAAAB, s31;
	v7 =	vld.idx.msk [tilespmem:v4+s12+$0x0], $0xffff  }
0xb9: {  	s21 =	smul.u32 $0x3000, s22  }
0xba: {  	s31 =	sshrl.u32 s17, $0x14;
	s20 =	smul.u32 $0x18, s20  }
0xbb: {  	s17 =	sshrl.u32 s17, $0xD;
	s31 =	smul.u32 $0x18, s31;
	s19 =	ssub.s32 s23, s19  }
0xbc: {  	v8 =	vld [tilespmem:s16+$0x0];
	s22 =	sshrl.u32 s30, $0x14;
	s21 =	sshrl.u32 s21, $0x2;
	s23 =	sshll.u32 s19, $0x7  }
0xbd: {  	s30 =	sand.u32 $0x380, s17;
	s22 =	smul.u32 $0x18, s22;
	s23 =	sand.u32 $0xC00, s23  }
0xbe: {  	s20 =	ssub.s32 s24, s20;
	s19 =	sshll.u32 s19, $0x4;
	v4 =	vld.idx.msk [tilespmem:v5+s12+$0x0], $0xffff;
	s23 =	sadd.s32 s23, s21  }
0xbf: {  	s17 =	sand.u32 $0x70, s19;
	s22 =	ssub.s32 s28, s22;
	s19 =	sor.u32 s30, s23;
	v5 =	vld.idx.msk [tilespmem:v6+s12+$0x0], $0xffff;
	[tilespmem:s18+$0x0] =	vst v7  }
0xc0: {  	s23 =	ssub.s32 $0x4, s31;
	s25 =	sshll.u32 s22, $0x7;
	s17 =	sor.u32 s17, s19;
	[tilespmem:v7+s13+$0x0] =	vst.idx.add.f32.msk $0xffff, v3  }
0xc1: {  	s22 =	sshll.u32 s22, $0x4;
	s19 =	sshll.u32 s20, $0x4;
	s20 =	sshll.u32 s20, $0x7;
	v7 =	vld [tilespmem:s17+$0x0]  }
0xc2: {  	s28 =	sshll.u32 s23, $0x7;
	s24 =	sand.u32 $0xC00, s25;
	s20 =	sand.u32 $0xC00, s20  }
0xc3: {  	s18 =	sand.u32 $0xC00, s28;
	s31 =	sadd.s32 s24, s21;
	s24 =	sshll.u32 s23, $0x4  }
0xc4: {  	v6 =	vld.idx.msk [tilespmem:v8+s12+$0x0], $0xffff;
	s19 =	sand.u32 $0x50, s19;
	s20 =	sadd.s32 s20, s21;
	s18 =	sadd.s32 s18, s21;
	[tilespmem:s29+$0x0] =	vst v4  }
0xc5: {  	s23 =	sor.u32 s30, s31;
	s21 =	sor.u32 s30, s20;
	s20 =	sor.u32 s30, s18;
	[tilespmem:s26+$0x0] =	vst v5  }
.LBB2_10:
0xc6: {  	s15 =	sadd.s32 $0x4, s15;
	s24 =	sand.u32 $0x40, s24  }
0xc7: {  	s18 =	sand.u32 $0x60, s22;
	[tilespmem:v4+s13+$0x0] =	vst.idx.add.f32.msk $0xffff, v3;
	s22 =	sor.u32 $0x1, s15;
	s25 =	sor.u32 $0x2, s15  }
0xc8: {  	s26 =	sor.u32 $0x3, s15;
	[tilespmem:v5+s13+$0x0] =	vst.idx.add.f32.msk $0xffff, v3;
	s28 =	sand.u32 $0xFFFF, s22;
	s29 =	sand.u32 $0xFFFF, s25  }
0xc9: {  	s30 =	sand.u32 $0xFFFF, s26;
	v4 =	vld.idx.msk [tilespmem:v7+s12+$0x0], $0xffff;
	[tilespmem:s16+$0x0] =	vst v6;
	s16 =	sor.u32 s24, s20;
	s20 =	smul.u32 $0xAAAB, s15  }
0xca: {  	s19 =	sor.u32 s19, s21;
	s18 =	sor.u32 s18, s23;
	s30 =	smul.u32 $0xAAAB, s30;
	[tilespmem:v6+s13+$0x0] =	vst.idx.add.f32.msk $0xffff, v3  }
0xcb: {  	p1 =	slt.u32 s15, $0x8FC;
	s21 =	smul.u32 $0xAAAB, s28;
	v5 =	vld [tilespmem:s19+$0x0]  }
0xcc: {  	s29 =	smul.u32 $0xAAAB, s29;
	s23 =	sshrl.u32 s30, $0x14;
	v6 =	vld [tilespmem:s18+$0x0]  }
0xcd: {  	s28 =	sshrl.u32 s20, $0x17;
	s21 =	sshrl.u32 s21, $0x14;
	s23 =	smul.u32 $0x18, s23;
	v8 =	vld [tilespmem:s16+$0x0]  }
0xce: {  	s24 =	sshrl.u32 s20, $0x14;
	s28 =	smul.u32 $0x3000, s28  }
0xcf: {  	s24 =	smul.u32 $0x18, s24;
	s23 =	ssub.s32 s26, s23  }
0xd0: {  	s21 =	smul.u32 $0x18, s21;
	s26 =	sshrl.u32 s29, $0x14;
	s29 =	sshll.u32 s23, $0x7;
	[tilespmem:s17+$0x0] =	vst v4  }
0xd1: {  	s17 =	sshrl.u32 s20, $0xD;
	s20 =	sshrl.u32 s28, $0x2;
	s28 =	sand.u32 $0xC00, s29;
	[tilespmem:v4+s13+$0x0] =	vst.idx.add.f32.msk $0xffff, v3  }
0xd2: {  	s29 =	sand.u32 $0x380, s17;
	s17 =	sshll.u32 s23, $0x4;
	s23 =	sadd.s32 s28, s20  }
0xd3: {  	s26 =	smul.u32 $0x18, s26;
	s17 =	sand.u32 $0x70, s17;
	s23 =	sor.u32 s29, s23;
	v4 =	vld.idx.msk [tilespmem:v5+s12+$0x0], $0xffff  }
0xd4: {  	s24 =	ssub.s32 s15, s24;
	s21 =	ssub.s32 s22, s21;
	s17 =	sor.u32 s17, s23;
	v5 =	vld.idx.msk [tilespmem:v6+s12+$0x0], $0xffff  }
0xd5: {  	s22 =	ssub.s32 s25, s26;
	s23 =	sshll.u32 s21, $0x4;
	s21 =	sshll.u32 s21, $0x7;
	v7 =	vld [tilespmem:s17+$0x0]  }
.Ltmp4:
0xd6: {  	s25 =	sshll.u32 s22, $0x7;
	s21 =	sand.u32 $0xC00, s21;
	v6 =	vld.idx.msk [tilespmem:v8+s12+$0x0], $0xffff;
	(pc) =	sbr.rel @p1 .LBB2_10-.Ltmp4, $4  }
0xd7: {  	s26 =	sshll.u32 s24, $0x7;
	s25 =	sand.u32 $0xC00, s25;
	s21 =	sadd.s32 s21, s20  }
0xd8: {  	s26 =	sand.u32 $0xC00, s26;
	s22 =	sshll.u32 s22, $0x4;
	s25 =	sadd.s32 s25, s20  }
0xd9: {  	s24 =	sshll.u32 s24, $0x4;
	s20 =	sadd.s32 s26, s20;
	s21 =	sor.u32 s29, s21;
	[tilespmem:s19+$0x0] =	vst v4  }
0xda: {  	s20 =	sor.u32 s29, s20;
	s19 =	sand.u32 $0x50, s23;
	s23 =	sor.u32 s29, s25;
	[tilespmem:s18+$0x0] =	vst v5  }
0xdb: {  	s15 =	sand.u32 $0x60, s22;
	s18 =	sor.u32 s19, s21  }
0xdc: {  	s31 =	sand.u32 $0x40, s24;
	s15 =	sor.u32 s15, s23;
	v8 =	vld [tilespmem:s18+$0x0]  }
0xdd: {  	s19 =	sor.u32 s31, s20;
	v9 =	vld [tilespmem:s15+$0x0]  }
0xde: {  	v10 =	vld [tilespmem:s19+$0x0]  }
0xdf: {  	v7 =	vld.idx.msk [tilespmem:v7+s12+$0x0], $0xffff  }
0xe0: {  	[tilespmem:v4+s13+$0x0] =	vst.idx.add.f32.msk $0xffff, v3  }
0xe1: {  	[tilespmem:v5+s13+$0x0] =	vst.idx.add.f32.msk $0xffff, v3  }
0xe2: {  	[tilespmem:s16+$0x0] =	vst v6  }
0xe3: {  	[tilespmem:v6+s13+$0x0] =	vst.idx.add.f32.msk $0xffff, v3  }
0xe4: {  	v4 =	vld.idx.msk [tilespmem:v8+s12+$0x0], $0xffff  }
0xe5: {  	v5 =	vld.idx.msk [tilespmem:v9+s12+$0x0], $0xffff  }
0xe6: {  	v63 =	vld.idx.msk [tilespmem:v10+s12+$0x0], $0xffff  }
0xe7: {  	[tilespmem:s17+$0x0] =	vst v7  }
0xe8: {  	[tilespmem:v7+s13+$0x0] =	vst.idx.add.f32.msk $0xffff, v3  }
0xe9: {  	[tilespmem:s18+$0x0] =	vst v4  }
0xea: {  	[tilespmem:s15+$0x0] =	vst v5  }
0xeb: {  	[tilespmem:s19+$0x0] =	vst v63  }
0xec: {  	[tilespmem:v4+s13+$0x0] =	vst.idx.add.f32.msk $0xffff, v3  }
0xed: {  	[tilespmem:v5+s13+$0x0] =	vst.idx.add.f32.msk $0xffff, v3  }
0xee: {  	[tilespmem:v63+s13+$0x0] =	vst.idx.add.f32.msk $0xffff, v3  }
0xef: {  	[hbm4b:s7+s2] =	stream.linear.scatter [tilespmem:s2], [sflag:$0x1], $0x9000, $0x38;
	[tilespmem:$0xBC00] =	vst v63  }
0xf0: {  	s14 =	sadd.s32 $0x1, s14;
	_ =	swait.ge [sflag:s10], $0x9000  }
0xf1: {  	p1 =	sne.s32 s14, s9;
	[sflag:s10] =	ssyncset.done $0x0  }
.Ltmp5:
0xf2: {  	[sflag:s10] =	ssyncadd.s32 $0xFFFF7000;
	(pc) =	sbr.rel @p1 .LBB2_1-.Ltmp5, $4  }
0xf3: {  	[hbm4b:s8+s2] =	stream.linear.scatter [tilespmem:s13], [sflag:$0x1], $0x400, $0x38;
	[tilespmem:$0xBC00] =	vst v63  }
0xf4: {  	_ =	swait.ge [sflag:s10], $0x400  }
0xf5: {  	[sflag:s10] =	ssyncset.done $0x0  }
0xf6: {  	[sflag:s10] =	ssyncadd.s32 $0xFFFFFC00  }
0xf7: {  	_ =	sfence.sel $0x180000  }
0xf8: {  	[bflag:$0x0] =	sbarrier.arrive $0xFFFF  }
0xf9: {  	p0 =	sne.s32 s0, $0x0;
	_ =	strace $0x90000047  }
0xfa: {  	s0 =	sadd.s32 @!p0 $0x100000, s1;
	[bflag:$0x2] =	sbarrier.arrive $0xFFFF  }
0xfb: {  	[sflag:s0] =	ssyncadd.tile.s32 @!p0 $0x1;
	_ =	shalt  }
.Lfunc_end2:
_tile_overlayer_lowered:
.L_overlay_start_2:
0xfc: {  	(tag) =	ssettag $0x2  }
0xfd: {  	s0 =	rddreg [dreg:$0x0];
	s2 =	stileid.u32  }
0xfe: {  	s1 =	rddreg [dreg:$0x1];
	p0 =	sne.s32 s2, $0x0  }
0xff: {  	s3 =	rddreg [dreg:$0x2];
	[bflag:$0x3] =	sbarrier.arrive $0xFFFF;
	s2 =	simm.s32 @!p0 $0x1C01  }
0x100: {  	[timem:s3], [sflag:s2] =	dma.local @!p0 [hbm:s0], s1  }
0x101: {  	s0 =	simm.s32 @!p0 $0x1  }
0x102: {  	_ =	swait.ge @!p0 [sflag:s0], s1  }
0x103: {  	s1 =	ssub.s32 @!p0 $0x0, s1;
	[sflag:s0] =	ssyncset.done @!p0 $0x0  }
0x104: {  	[sflag:s0] =	ssyncadd.s32 @!p0 s1  }
0x105: {  	[bflag:$0x3] =	sbarrier.arrive $0xFFFF  }
0x106: {  	_ =	shalt  }

// kernel: kernel.8.cloned.1.call-start
scs
__scs_entry_jumppad:
0x0: {  	(pc) =	sbr.rel $0x88, $3  }
0x1: {  	(tag) =	ssettag $0x0;
	lr =	simm.s32 $0x1  }
0x2: {  	[smem:$0x3F9B] =	sst lr;
	_ =	strace $0xD0000000  }
0x3: {  	_ = 	snop  }
0x4: {  	_ = 	snop  }
0x5: {  	_ = 	snop  }
0x6: {  	_ = 	snop  }
0x7: {  	_ = 	snop  }
__scs_overlays_trampoline_lowered:
0x8: {  	[smem:$0x3FAA] =	sst s0  }
0x9: {  	[smem:$0x3FAB] =	sst s1  }
0xa: {  	[smem:$0x3FAC] =	sst s2  }
0xb: {  	[smem:$0x3FAD] =	sst s3  }
0xc: {  	[smem:$0x3FAE] =	sst s4  }
0xd: {  	[smem:$0x3FAF] =	sst s5  }
0xe: {  	[smem:$0x3FB0] =	sst s6  }
0xf: {  	[smem:$0x3FB1] =	sst s7  }
0x10: {  	[smem:$0x3FB2] =	sst s8  }
0x11: {  	[smem:$0x3FB3] =	sst s9;
	s0 =	simm.s32 @!p0 $0x0  }
0x12: {  	s1 =	sld [smem:$0x3F99];
	s0 =	simm.s32 @p0 $0x1  }
0x13: {  	[smem:$0x3FB4] =	sst s0;
	s0 =	simm.s32 @!p1 $0x0  }
0x14: {  	s2 =	sld [smem:$0x3F98];
	s0 =	simm.s32 @p1 $0x1  }
0x15: {  	[smem:$0x3FB5] =	sst s0;
	s0 =	simm.s32 @!p2 $0x0  }
0x16: {  	s3 =	sld [smem:$0x3FDB];
	s0 =	simm.s32 @p2 $0x1  }
0x17: {  	s4 =	simm.s32 $0x1BF5;
	[smem:$0x3FB7] =	sst s0  }
0x18: {  	s0 =	sld [smem:$0x3F9A];
	_ =	swait.ge [sflag:s4], $0x0  }
0x19: {  	s7 =	sld [smem:$0x3F9B]  }
0x1a: {  	s8 =	sadd.s32 $0xFFFFE003, lr  }
0x1b: {  	s9 =	sadd.s32 $0xFFFFFEF7, lr;
	s5 =	simm.s32 $0xFFFFFFFF;
	p2 =	slt.u32 s8, $0xFFFFF086  }
0x1c: {  	p1 =	slt.u32 s9, $0xF7A;
	s5 =	simm.s32 @!p2 $0x0  }
0x1d: {  	s5 =	simm.s32 @p1 $0x1;
	p0 =	seq.s32 s7, s2  }
0x1e: {  	s7 =	smul.u32 @!p0 $0xF7A, s2;
	p2 =	seq.s32 @!p0 s5, $0x0  }
0x1f: {  	s9 =	smul.u32 $0xF7A, s1;
	s8 =	simm.s32 @!p0 $0x1BF5;
	p2 =	por !p2, p0  }
0x20: {  	[sflag:s8] =	ssyncset.s32 @!p0 $0xFFFFF086;
	s6 =	sadd.s32 @!p0 s3, s7;
	s7 =	simm.s32 @!p0 $0x108  }
0x21: {  	s3 =	sadd.s32 s3, s9;
	s6 =	sadd.s32 @!p0 $0x88, s6;
	s7 =	simm.s32 @p2 $0x1082  }
0x22: {  	[simem:s7], [sflag:s8] =	dma.local @!p0 [hbm:s6], $0xF7A  }
0x23: {  	s9 =	sor.u32 $0xD0000000, s2;
	s6 =	simm.s32 $0x108;
	_ =	swait.ge @!p0 [sflag:s8], $0x0  }
0x24: {  	s3 =	sadd.s32 $0x88, s3;
	s6 =	simm.s32 @!p1 $0x1082;
	[sflag:s4] =	ssyncset.s32 $0xFFFFF086  }
0x25: {  	[simem:s6], [sflag:s4] =	dma.local [hbm:s3], $0xF7A  }
0x26: {  	[smem:$0x3F9B] =	sst s1;
	(tag) =	ssettag s2;
	_ =	strace s9  }
0x27: {  	s1 =	sld [smem:$0x3FAB]  }
0x28: {  	s2 =	sld [smem:$0x3FAC]  }
0x29: {  	s4 =	sld [smem:$0x3FAE]  }
0x2a: {  	p0 =	seq.s32 s5, $0x0;
	s5 =	sld [smem:$0x3FAF]  }
0x2b: {  	s6 =	sld [smem:$0x3FB0]  }
0x2c: {  	s7 =	sld [smem:$0x3FB1]  }
0x2d: {  	s3 =	simm.s32 $0x108;
	s8 =	sld [smem:$0x3FB2]  }
0x2e: {  	s3 =	simm.s32 @!p0 $0x1082;
	s9 =	sld [smem:$0x3FB3]  }
0x2f: {  	lr =	sadd.s32 s0, s3;
	s0 =	sld [smem:$0x3FAA]  }
0x30: {  	s3 =	sld [smem:$0x3FAD]  }
0x31: {  	[smem:$0x3FB6] =	sst s10  }
0x32: {  	s10 =	sld [smem:$0x3FB4];
	_ =	sdelay $0x3  }
0x33: {  	p0 =	seq.s32 s10, $0x1;
	s10 =	sld [smem:$0x3FB6];
	_ =	sdelay $0x3  }
0x34: {  	[smem:$0x3FB6] =	sst s10  }
0x35: {  	s10 =	sld [smem:$0x3FB5];
	_ =	sdelay $0x3  }
0x36: {  	p1 =	seq.s32 s10, $0x1;
	s10 =	sld [smem:$0x3FB6];
	_ =	sdelay $0x3  }
0x37: {  	[smem:$0x3FB6] =	sst s10  }
0x38: {  	s10 =	sld [smem:$0x3FB7]  }
0x39: {  	_ = 	snop;
	(pc) =	sbr.ind lr, $3  }
0x3a: {  	_ = 	snop  }
0x3b: {  	_ = 	snop  }
0x3c: {  	p2 =	seq.s32 s10, $0x1;
	s10 =	sld [smem:$0x3FB6]  }
0x3d: {  	_ =	shalt  }
0x3e: {  	_ =	shalt  }
0x3f: {  	_ =	shalt  }
0x40: {  	_ =	shalt  }
0x41: {  	_ =	shalt  }
0x42: {  	_ =	shalt  }
0x43: {  	_ =	shalt  }
0x44: {  	_ =	shalt  }
0x45: {  	_ =	shalt  }
0x46: {  	_ =	shalt  }
0x47: {  	_ =	shalt  }
0x48: {  	_ =	shalt  }
0x49: {  	_ =	shalt  }
0x4a: {  	_ =	shalt  }
0x4b: {  	_ =	shalt  }
0x4c: {  	_ =	shalt  }
0x4d: {  	_ =	shalt  }
0x4e: {  	_ =	shalt  }
0x4f: {  	_ =	shalt  }
0x50: {  	_ =	shalt  }
0x51: {  	_ =	shalt  }
0x52: {  	_ =	shalt  }
0x53: {  	_ =	shalt  }
0x54: {  	_ =	shalt  }
0x55: {  	_ =	shalt  }
0x56: {  	_ =	shalt  }
0x57: {  	_ =	shalt  }
0x58: {  	_ =	shalt  }
0x59: {  	_ =	shalt  }
0x5a: {  	_ =	shalt  }
0x5b: {  	_ =	shalt  }
0x5c: {  	_ =	shalt  }
0x5d: {  	_ =	shalt  }
0x5e: {  	_ =	shalt  }
0x5f: {  	_ =	shalt  }
0x60: {  	_ =	shalt  }
0x61: {  	_ =	shalt  }
0x62: {  	_ =	shalt  }
0x63: {  	_ =	shalt  }
0x64: {  	_ =	shalt  }
0x65: {  	_ =	shalt  }
0x66: {  	_ =	shalt  }
0x67: {  	_ =	shalt  }
0x68: {  	_ =	shalt  }
0x69: {  	_ =	shalt  }
0x6a: {  	_ =	shalt  }
0x6b: {  	_ =	shalt  }
0x6c: {  	_ =	shalt  }
0x6d: {  	_ =	shalt  }
0x6e: {  	_ =	shalt  }
0x6f: {  	_ =	shalt  }
0x70: {  	_ =	shalt  }
0x71: {  	_ =	shalt  }
0x72: {  	_ =	shalt  }
0x73: {  	_ =	shalt  }
0x74: {  	_ =	shalt  }
0x75: {  	_ =	shalt  }
0x76: {  	_ =	shalt  }
0x77: {  	_ =	shalt  }
0x78: {  	_ =	shalt  }
0x79: {  	_ =	shalt  }
0x7a: {  	_ =	shalt  }
0x7b: {  	_ =	shalt  }
0x7c: {  	_ =	shalt  }
0x7d: {  	_ =	shalt  }
0x7e: {  	_ =	shalt  }
0x7f: {  	_ =	shalt  }
0x80: {  	_ =	shalt  }
0x81: {  	_ =	shalt  }
0x82: {  	_ =	shalt  }
0x83: {  	_ =	shalt  }
0x84: {  	_ =	shalt  }
0x85: {  	_ =	shalt  }
0x86: {  	_ =	shalt  }
0x87: {  	_ =	shalt  }
.Lfunc_end0:
.L_simem_size_0:
called_computation.1_lowered:
.L_overlay_start_0:
0x88: {  	s2 =	sld [smem:$0x3FD9]  }
0x89: {  	s3 =	sld [smem:$0x3FFE];
	_ =	sdelay $0x1  }
0x8a: {  	s1 =	srdreg.scid  }
0x8b: {  	s0 =	sand.u32 $0x1, s1  }
0x8c: {  	s14 =	sshll.u32 s0, $0xA;
	s2 =	sadd.s32 s3, s2  }
0x8d: {  	s2 =	sadd.s32 s2, s14  }
0x8e: {  	[smem:$0x3FC2] =	sst s2  }
0x8f: {  	_ = 	snop  }
0x90: {  	s2 =	sld [smem:$0x3FD0];
	_ =	sdelay $0x2  }
0x91: {  	s4 =	simm.s32 $0xA;
	s5 =	simm.s32 $0x10;
	s15 =	sld [smem:$0x3FC9]  }
0x92: {  	[smem:s5], [sflag:s4] =	dma.local [hbm:s2], $0x1  }
0x93: {  	_ =	swait.eq [sflag:s4], $0x1  }
0x94: {  	[sflag:s4] =	ssyncset.done $0x0  }
0x95: {  	[sflag:s4] =	ssyncadd.s32 $0xFFFFFFFF  }
0x96: {  	s16 =	sld [smem:$0x14];
	(tm) =	ssettm $0x1  }
0x97: {  	s17 =	sld [smem:$0x3FFB];
	_ =	sdelay $0x3  }
0x98: {  	_ =	strace s17  }
0x99: {  	s4 =	sld [smem:$0x3FFC];
	_ =	sdelay $0x3  }
0x9a: {  	_ =	strace s4  }
0x9b: {  	s4 =	sld [smem:$0x3FFD];
	_ =	sdelay $0x3  }
0x9c: {  	_ =	strace s4  }
0x9d: {  	_ =	strace $0x8FFFFFFF  }
0x9e: {  	s18 =	sld [smem:$0x3FDB];
	_ =	sdelay $0x1  }
0x9f: {  	s19 =	simm.s32 $_scs_section_size  }
0xa0: {  	s6 =	simm.s32 $_size__tile_overlayer_lowered;
	s7 =	simm.s32 $_tile_overlayer_lowered  }
0xa1: {  	s22 =	simm.s32 $0x1BFF;
	s21 =	sshll.u32 s7, $0x1;
	s4 =	sadd.s32 s19, s18  }
0xa2: {  	s8 =	simm.s32 $0x0;
	s20 =	sshll.u32 s6, $0x1;
	s6 =	sadd.s32 s21, s4  }
0xa3: {  	[timem:s8], [sflag:s22] =	dma.local [hbm:s6], s20  }
0xa4: {  	_ =	swait.ge [sflag:s22], s20  }
0xa5: {  	s5 =	ssub.s32 $0x0, s20;
	[sflag:s22] =	ssyncset.done $0x0  }
0xa6: {  	[sflag:s22] =	ssyncadd.s32 s5;
	_ =	sdelay $0x1  }
0xa7: {  	s23 =	simm.s32 $0x1B8B  }
0xa8: {  	_ =	swait.ge [sflag:s23], $0x1  }
0xa9: {  	[sflag:s23] =	ssyncset.done $0x0  }
0xaa: {  	s25 =	simm.s32 $0x1B8E;
	s24 =	sld [smem:$0x3FFE];
	[sflag:s23] =	ssyncadd.s32 $0xFFFFFFFF  }
0xab: {  	s26 =	simm.s32 $execute0_lowered;
	[smem:$0x3FD2] =	sst s25  }
0xac: {  	s6 =	sshll.u32 s26, $0x1;
	_ =	strace $0x80000049;
	[dreg:$0x1] =	wrdreg $0xFFFFFFFF  }
0xad: {  	s28 =	simm.s32 $_size_execute0_lowered;
	s4 =	sadd.s32 s4, s6;
	[dreg:$0x0] =	wrdreg $0x0  }
0xae: {  	s6 =	sshll.u32 s28, $0x1;
	[dreg:$0x2] =	wrdreg s4  }
0xaf: {  	[dreg:$0x3] =	wrdreg s6  }
0xb0: {  	[dreg:$0x4] =	wrdreg $0xC0  }
0xb1: {  	_ =	task [dreg:s8], $0x5FFFF  }
0xb2: {  	[dreg:$0x1] =	wrdreg $0xFFFFFFFF  }
0xb3: {  	[dreg:$0x0] =	wrdreg $0x60  }
0xb4: {  	[dreg:$0x2] =	wrdreg s15  }
0xb5: {  	[dreg:$0x3] =	wrdreg s16  }
0xb6: {  	[dreg:$0x4] =	wrdreg s24  }
0xb7: {  	[dreg:$0x5] =	wrdreg $0x9  }
0xb8: {  	_ =	task.clear_ibuf [dreg:s8], $0x6FFFF;
	_ =	strace $0x90000049  }
0xb9: {  	s29 =	simm.s32 $0x9;
	_ =	strace $0x8000004B  }
0xba: {  	_ =	swait.ge [sflag:s29], $0x1  }
0xbb: {  	[sflag:s29] =	ssyncadd.s32 $0xFFFFFFFF  }
0xbc: {  	_ =	strace $0x9000004B  }
0xbd: {  	_ =	sfence  }
0xbe: {  	s30 =	sld [smem:$0x0];
	_ =	sdelay $0x2  }
0xbf: {  	s31 =	sshll.u32 s1, $0xD;
	s1 =	sshrl.u32 s1, $0x2  }
0xc0: {  	s3 =	sand.u32 $0x4000, s31;
	s1 =	sadd.s32 s1, s30  }
0xc1: {  	s0 =	sor.u32 s3, s0;
	s1 =	sshll.u32 s1, $0x11  }
0xc2: {  	s0 =	sor.u32 s1, s0  }
0xc3: {  	s0 =	sadd.s32 $0x8F2B, s0  }
0xc4: {  	[sflag:s0] =	ssyncadd.remote.s32 $0x1  }
0xc5: {  	_ =	sfence.sel $0xFFFF  }
0xc6: {  	[dreg:$0x0] =	wrdreg $0xFFFFFFFF;
	(pc) =	sbr.abs _section_cstart, $3  }
0xc7: {  	[dreg:$0x1] =	wrdreg $0xFFFFFFFF  }
0xc8: {  	_ =	task.clear_ibuf [dreg:s8], $0x2FFFF;
	_ =	strace $0x9FFFFFFF  }
0xc9: {  	(tm) =	ssettm $0x7FFFFFFF  }
tec
execute0_lowered:
.L_overlay_start_1:
0x0: {  	(tag) =	ssettag $0x1  }
0x1: {  	s6 =	rddreg [dreg:$0x0]  }
0x2: {  	s1 =	srdreg.scid;
	s5 =	stileid.u32  }
0x3: {  	s7 =	rddreg [dreg:$0x1];
	s1 =	sand.u32 $0x1, s1;
	s17 =	smul.u32 $0xD8000, s5  }
0x4: {  	s14 =	simm.s32 $0x0;
	s3 =	sshll.u32 s5, $0xA;
	s8 =	smul.u32 $0x90000, s1  }
0x5: {  	[smem:$0x7FF] =	sst s14;
	s2 =	sshll.u32 s1, $0x10;
	s4 =	smul.u32 $0xD80000, s1  }
0x6: {  	s0 =	rddreg [dreg:$0x2];
	_ =	strace $0x8000004A;
	s2 =	sor.u32 s3, s2  }
0x7: {  	[dreg:$0x7] =	wrdreg s8;
	s19 =	sshrl.u32 s8, $0x3;
	s3 =	sadd.s32 s17, s4  }
0x8: {  	s0 =	sadd.s32 s2, s0;
	s20 =	sadd.s32 s7, s19;
	[dreg:$0x8] =	wrdreg s3  }
0x9: {  	s22 =	sadd.s32 $0x1600, s0;
	[dreg:$0x9] =	wrdreg s20  }
0xa: {  	s23 =	sadd.s32 $0x1680, s0;
	[dreg:$0xb] =	wrdreg s22  }
0xb: {  	s24 =	sadd.s32 $0x1700, s0;
	[dreg:$0xc] =	wrdreg s23  }
0xc: {  	s25 =	sadd.s32 $0x1780, s0;
	[dreg:$0xd] =	wrdreg s24  }
0xd: {  	s26 =	sadd.s32 $0x1800, s0;
	[dreg:$0xe] =	wrdreg s25  }
0xe: {  	s28 =	sadd.s32 $0x1880, s0;
	[dreg:$0xf] =	wrdreg s26  }
0xf: {  	s31 =	sadd.s32 $0x1900, s0;
	[dreg:$0x10] =	wrdreg s28  }
0x10: {  	s21 =	sshrl.u32 s3, $0x3;
	s3 =	sadd.s32 $0x1980, s0;
	[dreg:$0x11] =	wrdreg s31  }
0x11: {  	s4 =	sadd.s32 $0x5600, s0;
	[dreg:$0x12] =	wrdreg s3  }
0x12: {  	s5 =	sadd.s32 $0x5680, s0;
	[dreg:$0x13] =	wrdreg s4  }
0x13: {  	s7 =	sadd.s32 $0x5780, s0;
	[dreg:$0x14] =	wrdreg s5  }
0x14: {  	s8 =	sadd.s32 $0x5800, s0;
	[dreg:$0x16] =	wrdreg s7  }
0x15: {  	s9 =	sadd.s32 $0x5880, s0;
	[dreg:$0x17] =	wrdreg s8  }
0x16: {  	s10 =	sadd.s32 $0x5900, s0;
	[dreg:$0x18] =	wrdreg s9  }
0x17: {  	s11 =	sadd.s32 $0x5980, s0;
	[dreg:$0x19] =	wrdreg s10  }
0x18: {  	s12 =	sadd.s32 $0x9600, s0;
	[dreg:$0x1a] =	wrdreg s11  }
0x19: {  	s13 =	sadd.s32 $0x9680, s0;
	[dreg:$0x1b] =	wrdreg s12  }
0x1a: {  	s15 =	sadd.s32 $0x9700, s0;
	[dreg:$0x1c] =	wrdreg s13  }
0x1b: {  	s1 =	ssub.s32 $0x2, s1;
	s16 =	sadd.s32 $0x9780, s0;
	[dreg:$0x1d] =	wrdreg s15  }
0x1c: {  	s18 =	sshrl.u32 s1, $0x1;
	s17 =	sadd.s32 $0x9800, s0;
	[dreg:$0x1e] =	wrdreg s16  }
0x1d: {  	s1 =	ssub.s32 s1, s18;
	s18 =	sadd.s32 $0x9880, s0;
	[dreg:$0x1f] =	wrdreg s17  }
0x1e: {  	s19 =	sadd.s32 $0x9900, s0;
	[smem:$0x7F2] =	sst s18  }
0x1f: {  	s2 =	sadd.s32 s6, s21;
	[smem:$0x7F3] =	sst s19  }
0x20: {  	s6 =	sadd.s32 $0x5700, s0;
	[dreg:$0xa] =	wrdreg s2  }
0x21: {  	s20 =	sadd.s32 $0x9980, s0;
	[dreg:$0x15] =	wrdreg s6  }
0x22: {  	s21 =	sadd.s32 $0xD600, s0;
	[smem:$0x7F4] =	sst s20  }
0x23: {  	s22 =	sadd.s32 $0xD680, s0;
	[smem:$0x7F5] =	sst s21  }
0x24: {  	s30 =	simm.s32 $0x2000;
	s23 =	sadd.s32 $0xD700, s0;
	[smem:$0x7F6] =	sst s22  }
0x25: {  	s29 =	simm.s32 $0x6C00;
	s24 =	sadd.s32 $0xD780, s0;
	[smem:$0x7F7] =	sst s23  }
0x26: {  	s25 =	sadd.s32 $0xD800, s0;
	s26 =	sadd.s32 $0xD880, s0;
	[smem:$0x7F8] =	sst s24  }
0x27: {  	s28 =	sadd.s32 $0xD900, s0;
	s0 =	sadd.s32 $0xD980, s0;
	[smem:$0x7F9] =	sst s25  }
0x28: {  	s31 =	smax.u32 s1, $0x1;
	s3 =	simm.s32 $0xC00;
	[smem:$0x7FA] =	sst s26  }
0x29: {  	s10 =	simm.s32 $0x4000;
	s11 =	simm.s32 $0x6000;
	[smem:$0x7FB] =	sst s28  }
0x2a: {  	s16 =	simm.s32 $0x400;
	s13 =	simm.s32 $0x2400;
	[smem:$0x7FC] =	sst s0  }
0x2b: {  	v0 =	vimm.f32 $0.0e+00;
	s1 =	simm.s32 $0x0;
	[smem:$0x7FD] =	sst s31;
	s23 =	simm.s32 $0x4400  }
.LBB2_1:
0x2c: {  	[smem:$0x7F1] =	sst s1  }
0x2d: {  	[tilespmem:s14+$0x0] =	vst v0;
	s0 =	sand.u32 $0x3F0, s14;
	s1 =	simm.s32 $0x10;
	s2 =	simm.s32 $0x0  }
.LBB2_2:
0x2e: {  	p0 =	sne.s32 s1, $0x3F0;
	[tilespmem:s0+$0x400] =	vst v0  }
0x2f: {  	[tilespmem:s0+$0x800] =	vst v0  }
0x30: {  	[tilespmem:s0+$0xC00] =	vst v0  }
0x31: {  	[tilespmem:s0+$0x1000] =	vst v0  }
0x32: {  	[tilespmem:s0+$0x1400] =	vst v0  }
0x33: {  	[tilespmem:s0+$0x1800] =	vst v0  }
0x34: {  	[tilespmem:s0+$0x1C00] =	vst v0  }
0x35: {  	[tilespmem:s0+$0x2000] =	vst v0  }
0x36: {  	[tilespmem:s0+$0x2400] =	vst v0  }
0x37: {  	[tilespmem:s0+$0x2800] =	vst v0  }
0x38: {  	[tilespmem:s0+$0x2C00] =	vst v0  }
0x39: {  	[tilespmem:s0+$0x3000] =	vst v0  }
0x3a: {  	[tilespmem:s0+$0x3400] =	vst v0  }
0x3b: {  	[tilespmem:s0+$0x3800] =	vst v0  }
0x3c: {  	[tilespmem:s0+$0x3C00] =	vst v0  }
0x3d: {  	[tilespmem:s0+$0x4000] =	vst v0  }
0x3e: {  	[tilespmem:s0+$0x4400] =	vst v0  }
0x3f: {  	[tilespmem:s0+$0x4800] =	vst v0  }
0x40: {  	[tilespmem:s0+$0x4C00] =	vst v0  }
0x41: {  	[tilespmem:s0+$0x5000] =	vst v0  }
0x42: {  	[tilespmem:s0+$0x5400] =	vst v0  }
0x43: {  	[tilespmem:s0+$0x5800] =	vst v0  }
0x44: {  	[tilespmem:s0+$0x5C00] =	vst v0  }
0x45: {  	[tilespmem:s0+$0x6000] =	vst v0  }
0x46: {  	[tilespmem:s0+$0x6400] =	vst v0  }
0x47: {  	[tilespmem:s0+$0x6800] =	vst v0  }
0x48: {  	[tilespmem:s0+$0x6C00] =	vst v0  }
.Ltmp0:
0x49: {  	[tilespmem:s0+$0x7000] =	vst v0;
	(pc) =	sbr.rel @p0 .LBB2_2-.Ltmp0, $4  }
0x4a: {  	[tilespmem:s0+$0x7400] =	vst v0  }
0x4b: {  	[tilespmem:s0+$0x7800] =	vst v0  }
0x4c: {  	s2 =	sadd.s32 $0x10, s2;
	[tilespmem:s0+$0x7C00] =	vst v0  }
0x4d: {  	s0 =	sand.u32 $0x3F0, s1;
	s1 =	sadd.s32 $0x10, s1;
	[tilespmem:s2+$0x0] =	vst v0  }
0x4e: {  	[tilespmem:s0+$0x400] =	vst v0  }
0x4f: {  	[tilespmem:s0+$0x800] =	vst v0  }
0x50: {  	[tilespmem:s0+$0xC00] =	vst v0  }
0x51: {  	[tilespmem:s0+$0x1000] =	vst v0  }
0x52: {  	[tilespmem:s0+$0x1400] =	vst v0  }
0x53: {  	[tilespmem:s0+$0x1800] =	vst v0  }
0x54: {  	[tilespmem:s0+$0x1C00] =	vst v0  }
0x55: {  	[tilespmem:s0+$0x2000] =	vst v0  }
0x56: {  	[tilespmem:s0+$0x2400] =	vst v0  }
0x57: {  	[tilespmem:s0+$0x2800] =	vst v0  }
0x58: {  	[tilespmem:s0+$0x2C00] =	vst v0  }
0x59: {  	[tilespmem:s0+$0x3000] =	vst v0  }
0x5a: {  	[tilespmem:s0+$0x3400] =	vst v0  }
0x5b: {  	[tilespmem:s0+$0x3800] =	vst v0  }
0x5c: {  	[tilespmem:s0+$0x3C00] =	vst v0  }
0x5d: {  	[tilespmem:s0+$0x4000] =	vst v0  }
0x5e: {  	[tilespmem:s0+$0x4400] =	vst v0  }
0x5f: {  	[tilespmem:s0+$0x4800] =	vst v0  }
0x60: {  	[tilespmem:s0+$0x4C00] =	vst v0  }
0x61: {  	[tilespmem:s0+$0x5000] =	vst v0  }
0x62: {  	[tilespmem:s0+$0x5400] =	vst v0  }
0x63: {  	[tilespmem:s0+$0x5800] =	vst v0  }
0x64: {  	[tilespmem:s0+$0x5C00] =	vst v0  }
0x65: {  	[tilespmem:s0+$0x6000] =	vst v0  }
0x66: {  	[tilespmem:s0+$0x6400] =	vst v0  }
0x67: {  	[tilespmem:s0+$0x6800] =	vst v0  }
0x68: {  	[tilespmem:s0+$0x6C00] =	vst v0  }
0x69: {  	[tilespmem:s0+$0x7000] =	vst v0  }
0x6a: {  	[tilespmem:s0+$0x7400] =	vst v0  }
0x6b: {  	[tilespmem:s0+$0x7800] =	vst v0  }
0x6c: {  	[tilespmem:s0+$0x7C00] =	vst v0;
	s26 =	rddreg [dreg:$0x9];
	s1 =	simm.s32 $0x24000;
	s2 =	simm.s32 $0x8000  }
0x6d: {  	[tilespmem:s2], [sflag:$0x1] =	stream.strided.gather [hbm4b:s26+s3], $0x3000, s1, s3, $0x38;
	[tilespmem:$0x17000] =	vst v63  }
0x6e: {  	s28 =	rddreg [dreg:$0xa];
	s31 =	simm.s32 $0xE000;
	s0 =	simm.s32 $0x0  }
0x6f: {  	[tilespmem:s31], [sflag:$0x2] =	stream.strided.gather [hbm4b:s28+s3], $0x4800, s1, s3, $0x38;
	[tilespmem:$0x17000] =	vst v63  }
.LBB2_5:
0x70: {  	s1 =	sand.u32 $0x1, s0;
	s2 =	sadd.s32 $0x1, s0;
	p0 =	seq.s32 s0, $0x2F  }
0x71: {  	[smem:$0x7F0] =	sst s2;
	s0 =	smul.u32 @!p0 $0xC00, s2;
	s2 =	sxor.u32 @!p0 $0x1, s1  }
0x72: {  	s4 =	rddreg [dreg:$0x7];
	s3 =	smul.u32 @!p0 $0xC000, s2  }
0x73: {  	s5 =	rddreg [dreg:$0x1];
	s4 =	sadd.s32 @!p0 s4, s0  }
0x74: {  	s6 =	simm.s32 @!p0 $0x24000;
	s3 =	sshrl.u32 @!p0 s3, $0x2;
	s4 =	sshrl.u32 @!p0 s4, $0x3  }
0x75: {  	s3 =	sor.u32 @!p0 $0x8000, s3;
	s4 =	sadd.s32 @!p0 s5, s4;
	s5 =	simm.s32 @!p0 $0xC00  }
0x76: {  	[tilespmem:s3], [sflag:$0x1] =	stream.strided.gather @!p0 [hbm4b:s4+s5], $0x3000, s6, s5, $0x38;
	[tilespmem:$0x17000] =	vst v63  }
0x77: {  	s2 =	smul.u32 @!p0 $0x12000, s2;
	s3 =	rddreg [dreg:$0x8]  }
0x78: {  	s31 =	simm.s32 $0x0;
	s0 =	sadd.s32 @!p0 s3, s0  }
0x79: {  	s2 =	sshrl.u32 @!p0 s2, $0x2;
	s3 =	rddreg [dreg:$0x0];
	s0 =	sshrl.u32 @!p0 s0, $0x3  }
0x7a: {  	s2 =	sadd.s32 @!p0 $0xE000, s2;
	s0 =	sadd.s32 @!p0 s3, s0;
	s3 =	smul.u32 $0xC000, s1  }
0x7b: {  	[tilespmem:s2], [sflag:$0x2] =	stream.strided.gather @!p0 [hbm4b:s0+s5], $0x4800, s6, s5, $0x38;
	[tilespmem:$0x17000] =	vst v63  }
0x7c: {  	s1 =	smul.u32 $0x12000, s1;
	s5 =	sor.u32 $0x3, s31  }
0x7d: {  	s8 =	smul.u32 $0xAB, s31;
	s7 =	sand.u32 $0xFF, s5  }
0x7e: {  	s15 =	simm.s32 $0x2;
	s1 =	sshrl.u32 s1, $0x2;
	s4 =	smul.u32 $0xAB, s7  }
0x7f: {  	s9 =	sshrl.u32 s8, $0xC;
	s7 =	simm.s32 $0x1;
	s12 =	sadd.s32 $0xE000, s1  }
0x80: {  	s1 =	sand.u32 $0xF, s9;
	_ =	swait.ge [sflag:s7], $0x3000;
	s4 =	sshrl.u32 s4, $0xC  }
0x81: {  	s6 =	sshrl.u32 s1, $0x3;
	[sflag:s7] =	ssyncset.done $0x0;
	s4 =	smul.u32 $0x18, s4  }
0x82: {  	s0 =	sshrl.u32 s3, $0x2;
	s3 =	smul.u32 $0xC00, s6;
	[sflag:s7] =	ssyncadd.s32 $0xFFFFD000  }
0x83: {  	s0 =	sor.u32 $0x8000, s0;
	_ =	swait.ge [sflag:s15], $0x4800;
	s4 =	ssub.s32 s5, s4  }
0x84: {  	v1 =	vmov s12;
	[dreg:$0x4] =	wrdreg s12;
	s20 =	sadd.s32 $0xC00, s3;
	s17 =	sshll.u32 s4, $0x7  }
0x85: {  	v2 =	vmov s0;
	[sflag:s15] =	ssyncset.done $0x0;
	s5 =	sshrl.u32 s8, $0x5;
	s0 =	sand.u32 $0xC00, s17  }
0x86: {  	s6 =	sand.u32 $0x380, s5;
	s4 =	sshll.u32 s4, $0x4;
	s18 =	sadd.s32 s3, s0  }
0x87: {  	[sflag:s15] =	ssyncadd.s32 $0xFFFFB800;
	s5 =	sand.u32 $0x70, s4;
	s19 =	sor.u32 s6, s18  }
0x88: {  	s21 =	sadd.s32 s0, s20;
	s18 =	sadd.s32 $0x1800, s3;
	s4 =	sor.u32 s5, s19  }
0x89: {  	s17 =	sadd.s32 $0x2400, s3;
	s7 =	sor.u32 s6, s21;
	s8 =	sadd.s32 s0, s18;
	v3 =	vld.idx.msk [tilespmem:v1+s4+$0x0 ss:$0x1], $0xffff  }
0x8a: {  	s25 =	sadd.s32 s0, s17;
	s22 =	sor.u32 s5, s7;
	v16 =	vld.idx.msk [tilespmem:v2+s4+$0x0 ss:$0x1], $0xffff;
	s24 =	sor.u32 s6, s8  }
0x8b: {  	v17 =	vld.idx.msk [tilespmem:v2+s22+$0x0 ss:$0x1], $0xffff;
	s8 =	sor.u32 s6, s25;
	s7 =	sor.u32 s5, s24  }
0x8c: {  	s8 =	sor.u32 s5, s8;
	v18 =	vld.idx.msk [tilespmem:v2+s7+$0x0 ss:$0x1], $0xffff  }
0x8d: {  	v19 =	vld.idx.msk [tilespmem:v2+s8+$0x0 ss:$0x1], $0xffff;
	_ =	sdelay $0x4  }
0x8e: {  	[tilespmem:v16+s14+$0x0] =	vst.idx.add.f32.msk $0xffff, v3  }
0x8f: {  	[tilespmem:v17+s30+$0x0] =	vst.idx.add.f32.msk $0xffff, v3  }
0x90: {  	s15 =	sor.u32 $0x1, s31;
	[tilespmem:v18+s10+$0x0] =	vst.idx.add.f32.msk $0xffff, v3  }
0x91: {  	s26 =	sand.u32 $0xFF, s15;
	[tilespmem:v19+s11+$0x0] =	vst.idx.add.f32.msk $0xffff, v3  }
0x92: {  	s4 =	smul.u32 $0xAB, s26;
	v3 =	vld.idx.msk [tilespmem:v1+s22+$0x0 ss:$0x1], $0xffff;
	_ =	sdelay $0x1  }
0x93: {  	s4 =	sshrl.u32 s4, $0xC  }
0x94: {  	s4 =	smul.u32 $0x18, s4  }
0x95: {  	s2 =	sor.u32 $0x2, s31  }
0x96: {  	s31 =	sand.u32 $0xFF, s2;
	s4 =	ssub.s32 s15, s4;
	[tilespmem:v16+s16+$0x0] =	vst.idx.add.f32.msk $0xffff, v3  }
0x97: {  	s15 =	sshll.u32 s4, $0x7;
	s16 =	smul.u32 $0xAB, s31;
	[tilespmem:v17+s13+$0x0] =	vst.idx.add.f32.msk $0xffff, v3  }
0x98: {  	s1 =	smul.u32 $0x18, s1;
	s19 =	simm.s32 $0x6400;
	s15 =	sand.u32 $0xC00, s15;
	[tilespmem:v18+s23+$0x0] =	vst.idx.add.f32.msk $0xffff, v3  }
0x99: {  	s4 =	sshll.u32 s4, $0x4;
	s16 =	sshrl.u32 s16, $0xC;
	[tilespmem:v19+s19+$0x0] =	vst.idx.add.f32.msk $0xffff, v3;
	s19 =	sadd.s32 s3, s15  }
0x9a: {  	s9 =	smul.u32 $0x18, s16;
	v3 =	vld.idx.msk [tilespmem:v1+s7+$0x0 ss:$0x1], $0xffff;
	s16 =	sor.u32 s6, s19;
	s19 =	sand.u32 $0x50, s4  }
0x9b: {  	s26 =	sadd.s32 s15, s20;
	s7 =	ssub.s32 $0x0, s1;
	s22 =	sor.u32 s19, s16  }
0x9c: {  	s2 =	ssub.s32 s2, s9;
	s23 =	sshll.u32 s7, $0x7;
	s16 =	sor.u32 s6, s26;
	v20 =	vld.idx.msk [tilespmem:v2+s22+$0x0 ss:$0x1], $0xffff  }
0x9d: {  	s26 =	sshll.u32 s7, $0x4;
	s21 =	sshll.u32 s2, $0x7;
	s7 =	sor.u32 s19, s16;
	v6 =	vld.idx.msk [tilespmem:v1+s22+$0x0 ss:$0x1], $0xffff  }
0x9e: {  	s24 =	simm.s32 $0x800;
	s9 =	sand.u32 $0xC00, s21;
	s21 =	sadd.s32 s15, s18;
	v24 =	vld.idx.msk [tilespmem:v2+s7+$0x0 ss:$0x1], $0xffff  }
0x9f: {  	s25 =	simm.s32 $0x2800;
	s21 =	sor.u32 s6, s21;
	[tilespmem:v16+s24+$0x0] =	vst.idx.add.f32.msk $0xffff, v3  }
0xa0: {  	s21 =	sor.u32 s19, s21;
	[tilespmem:v17+s25+$0x0] =	vst.idx.add.f32.msk $0xffff, v3  }
0xa1: {  	s4 =	sand.u32 $0xC00, s23;
	s24 =	simm.s32 $0x4800;
	v25 =	vld.idx.msk [tilespmem:v2+s21+$0x0 ss:$0x1], $0xffff  }
0xa2: {  	s1 =	sadd.s32 s4, s3;
	s25 =	simm.s32 $0x6800;
	[tilespmem:v18+s24+$0x0] =	vst.idx.add.f32.msk $0xffff, v3  }
0xa3: {  	s16 =	sand.u32 $0x40, s26;
	s1 =	sor.u32 s6, s1;
	[tilespmem:v19+s25+$0x0] =	vst.idx.add.f32.msk $0xffff, v3  }
0xa4: {  	s2 =	sshll.u32 s2, $0x4;
	s31 =	sadd.s32 s3, s9;
	s23 =	sor.u32 s16, s1;
	v3 =	vld.idx.msk [tilespmem:v1+s8+$0x0 ss:$0x1], $0xffff  }
0xa5: {  	s2 =	sand.u32 $0x60, s2;
	s31 =	sor.u32 s6, s31;
	v21 =	vld.idx.msk [tilespmem:v2+s23+$0x0 ss:$0x1], $0xffff  }
0xa6: {  	v8 =	vld.idx.msk [tilespmem:v1+s23+$0x0 ss:$0x1], $0xffff;
	s8 =	sor.u32 s2, s31  }
0xa7: {  	v26 =	vld.idx.msk [tilespmem:v2+s8+$0x0 ss:$0x1], $0xffff  }
0xa8: {  	s24 =	sadd.s32 s3, s12;
	s12 =	simm.s32 $0xC00;
	v7 =	vld.idx.msk [tilespmem:v1+s8+$0x0 ss:$0x1], $0xffff  }
0xa9: {  	s26 =	simm.s32 $0x2C00;
	s3 =	sadd.s32 $0x3000, s24;
	[tilespmem:v16+s12+$0x0] =	vst.idx.add.f32.msk $0xffff, v3  }
0xaa: {  	s31 =	sadd.s32 s0, s3;
	s12 =	sadd.s32 s9, s20;
	[tilespmem:v17+s26+$0x0] =	vst.idx.add.f32.msk $0xffff, v3;
	s26 =	simm.s32 $0x4C00  }
0xab: {  	s25 =	sadd.s32 s6, s31;
	s20 =	sadd.s32 s4, s20;
	s31 =	sor.u32 s6, s12;
	[tilespmem:v18+s26+$0x0] =	vst.idx.add.f32.msk $0xffff, v3  }
0xac: {  	s20 =	sor.u32 s6, s20;
	s12 =	sor.u32 s2, s31;
	[tilespmem:v19+s29+$0x0] =	vst.idx.add.f32.msk $0xffff, v3  }
0xad: {  	s26 =	sadd.s32 s9, s18;
	s20 =	sor.u32 s16, s20;
	v30 =	vld.idx.msk [tilespmem:v2+s12+$0x0 ss:$0x1], $0xffff  }
0xae: {  	s25 =	sadd.s32 s5, s25;
	s18 =	sadd.s32 s4, s18;
	s8 =	sor.u32 s6, s26;
	v28 =	vld.idx.msk [tilespmem:v2+s20+$0x0 ss:$0x1], $0xffff  }
0xaf: {  	s1 =	sadd.s32 s15, s17;
	s18 =	sor.u32 s6, s18;
	v5 =	vld [tilespmem:s25+$0x0];
	s26 =	sor.u32 s2, s8  }
0xb0: {  	s25 =	sor.u32 s6, s1;
	s18 =	sor.u32 s16, s18;
	v31 =	vld.idx.msk [tilespmem:v2+s26+$0x0 ss:$0x1], $0xffff  }
0xb1: {  	s1 =	sadd.s32 s9, s17;
	s22 =	sor.u32 s19, s25;
	v3 =	vld.idx.msk [tilespmem:v2+s18+$0x0 ss:$0x1], $0xffff  }
0xb2: {  	s17 =	sadd.s32 s4, s17;
	s23 =	sor.u32 s6, s1;
	v29 =	vld.idx.msk [tilespmem:v2+s22+$0x0 ss:$0x1], $0xffff  }
0xb3: {  	s17 =	sor.u32 s6, s17;
	s8 =	sor.u32 s2, s23;
	[tilespmem:v20+s14+$0x0] =	vst.idx.add.f32.msk $0xffff, v6  }
0xb4: {  	s23 =	sor.u32 s16, s17;
	v27 =	vld.idx.msk [tilespmem:v2+s8+$0x0 ss:$0x1], $0xffff  }
0xb5: {  	v4 =	vld.idx.msk [tilespmem:v2+s23+$0x0 ss:$0x1], $0xffff  }
0xb6: {  	[tilespmem:v24+s30+$0x0] =	vst.idx.add.f32.msk $0xffff, v6  }
0xb7: {  	[tilespmem:v26+s14+$0x0] =	vst.idx.add.f32.msk $0xffff, v7  }
0xb8: {  	[tilespmem:v21+s14+$0x0] =	vst.idx.add.f32.msk $0xffff, v8  }
0xb9: {  	s31 =	simm.s32 $0x1000;
	[tilespmem:v25+s10+$0x0] =	vst.idx.add.f32.msk $0xffff, v6  }
0xba: {  	s28 =	simm.s32 $0x3000;
	[tilespmem:v16+s31+$0x0] =	vst.idx.add.f32.msk $0xffff, v5  }
0xbb: {  	s31 =	simm.s32 $0x5000;
	[tilespmem:v17+s28+$0x0] =	vst.idx.add.f32.msk $0xffff, v5  }
0xbc: {  	[tilespmem:v18+s31+$0x0] =	vst.idx.add.f32.msk $0xffff, v5  }
0xbd: {  	[tilespmem:v30+s30+$0x0] =	vst.idx.add.f32.msk $0xffff, v7  }
0xbe: {  	s1 =	simm.s32 $0x7000;
	[tilespmem:v28+s30+$0x0] =	vst.idx.add.f32.msk $0xffff, v8  }
0xbf: {  	[tilespmem:v19+s1+$0x0] =	vst.idx.add.f32.msk $0xffff, v5  }
0xc0: {  	[tilespmem:v31+s10+$0x0] =	vst.idx.add.f32.msk $0xffff, v7  }
0xc1: {  	[tilespmem:v3+s10+$0x0] =	vst.idx.add.f32.msk $0xffff, v8  }
0xc2: {  	[tilespmem:v29+s11+$0x0] =	vst.idx.add.f32.msk $0xffff, v6  }
0xc3: {  	[tilespmem:v27+s11+$0x0] =	vst.idx.add.f32.msk $0xffff, v7  }
0xc4: {  	v5 =	vld.idx.msk [tilespmem:v1+s7+$0x0 ss:$0x1], $0xffff  }
0xc5: {  	s17 =	sadd.s32 $0x3C00, s24;
	[tilespmem:v4+s11+$0x0] =	vst.idx.add.f32.msk $0xffff, v8  }
0xc6: {  	s0 =	sadd.s32 s0, s17;
	v6 =	vld.idx.msk [tilespmem:v1+s12+$0x0 ss:$0x1], $0xffff  }
0xc7: {  	s0 =	sadd.s32 s6, s0;
	v7 =	vld.idx.msk [tilespmem:v1+s20+$0x0 ss:$0x1], $0xffff  }
0xc8: {  	s0 =	sadd.s32 s5, s0;
	s5 =	simm.s32 $0x400  }
0xc9: {  	[tilespmem:v20+s5+$0x0] =	vst.idx.add.f32.msk $0xffff, v5  }
0xca: {  	[tilespmem:v24+s13+$0x0] =	vst.idx.add.f32.msk $0xffff, v5  }
0xcb: {  	[tilespmem:v26+s5+$0x0] =	vst.idx.add.f32.msk $0xffff, v6  }
0xcc: {  	s10 =	simm.s32 $0x4400;
	[tilespmem:v21+s5+$0x0] =	vst.idx.add.f32.msk $0xffff, v7  }
0xcd: {  	[tilespmem:v25+s10+$0x0] =	vst.idx.add.f32.msk $0xffff, v5  }
0xce: {  	[tilespmem:v30+s13+$0x0] =	vst.idx.add.f32.msk $0xffff, v6  }
0xcf: {  	s11 =	simm.s32 $0x6400;
	[tilespmem:v28+s13+$0x0] =	vst.idx.add.f32.msk $0xffff, v7  }
0xd0: {  	s12 =	simm.s32 $0x4400;
	[tilespmem:v29+s11+$0x0] =	vst.idx.add.f32.msk $0xffff, v5  }
0xd1: {  	s13 =	simm.s32 $0x4400;
	[tilespmem:v31+s12+$0x0] =	vst.idx.add.f32.msk $0xffff, v6  }
0xd2: {  	[tilespmem:v3+s13+$0x0] =	vst.idx.add.f32.msk $0xffff, v7  }
0xd3: {  	[tilespmem:v27+s11+$0x0] =	vst.idx.add.f32.msk $0xffff, v6  }
0xd4: {  	v5 =	vld.idx.msk [tilespmem:v1+s21+$0x0 ss:$0x1], $0xffff  }
0xd5: {  	[tilespmem:v4+s11+$0x0] =	vst.idx.add.f32.msk $0xffff, v7  }
0xd6: {  	v6 =	vld.idx.msk [tilespmem:v1+s26+$0x0 ss:$0x1], $0xffff  }
0xd7: {  	v7 =	vld.idx.msk [tilespmem:v1+s18+$0x0 ss:$0x1], $0xffff  }
0xd8: {  	v32 =	vld [tilespmem:s0+$0x0];
	s20 =	simm.s32 $0x800  }
0xd9: {  	s21 =	simm.s32 $0x2800;
	[tilespmem:v20+s20+$0x0] =	vst.idx.add.f32.msk $0xffff, v5  }
0xda: {  	[tilespmem:v24+s21+$0x0] =	vst.idx.add.f32.msk $0xffff, v5  }
0xdb: {  	[tilespmem:v26+s20+$0x0] =	vst.idx.add.f32.msk $0xffff, v6  }
0xdc: {  	s24 =	simm.s32 $0x4800;
	[tilespmem:v21+s20+$0x0] =	vst.idx.add.f32.msk $0xffff, v7  }
0xdd: {  	[tilespmem:v25+s24+$0x0] =	vst.idx.add.f32.msk $0xffff, v5  }
0xde: {  	[tilespmem:v30+s21+$0x0] =	vst.idx.add.f32.msk $0xffff, v6  }
0xdf: {  	s25 =	simm.s32 $0x6800;
	[tilespmem:v28+s21+$0x0] =	vst.idx.add.f32.msk $0xffff, v7  }
0xe0: {  	[tilespmem:v29+s25+$0x0] =	vst.idx.add.f32.msk $0xffff, v5  }
0xe1: {  	[tilespmem:v31+s24+$0x0] =	vst.idx.add.f32.msk $0xffff, v6  }
0xe2: {  	[tilespmem:v3+s24+$0x0] =	vst.idx.add.f32.msk $0xffff, v7  }
0xe3: {  	[tilespmem:v27+s25+$0x0] =	vst.idx.add.f32.msk $0xffff, v6  }
0xe4: {  	v5 =	vld.idx.msk [tilespmem:v1+s22+$0x0 ss:$0x1], $0xffff  }
0xe5: {  	[tilespmem:v4+s25+$0x0] =	vst.idx.add.f32.msk $0xffff, v7  }
0xe6: {  	s5 =	simm.s32 $0x4;
	v6 =	vld.idx.msk [tilespmem:v1+s8+$0x0 ss:$0x1], $0xffff  }
0xe7: {  	s0 =	sor.u32 $0x3, s5;
	v7 =	vld.idx.msk [tilespmem:v1+s23+$0x0 ss:$0x1], $0xffff  }
0xe8: {  	s10 =	sand.u32 $0xFF, s0;
	s26 =	simm.s32 $0xC00  }
0xe9: {  	s30 =	simm.s32 $0x2C00;
	s7 =	smul.u32 $0xAB, s10;
	[tilespmem:v20+s26+$0x0] =	vst.idx.add.f32.msk $0xffff, v5  }
0xea: {  	[tilespmem:v24+s30+$0x0] =	vst.idx.add.f32.msk $0xffff, v5  }
0xeb: {  	s11 =	simm.s32 $0xC00;
	s7 =	sshrl.u32 s7, $0xC;
	[tilespmem:v26+s26+$0x0] =	vst.idx.add.f32.msk $0xffff, v6  }
0xec: {  	s1 =	simm.s32 $0x4C00;
	s7 =	smul.u32 $0x18, s7;
	[tilespmem:v21+s11+$0x0] =	vst.idx.add.f32.msk $0xffff, v7  }
0xed: {  	[tilespmem:v25+s1+$0x0] =	vst.idx.add.f32.msk $0xffff, v5  }
0xee: {  	s18 =	simm.s32 $0x2C00;
	s7 =	ssub.s32 s0, s7;
	s23 =	smul.u32 $0xAB, s5;
	[tilespmem:v30+s30+$0x0] =	vst.idx.add.f32.msk $0xffff, v6  }
0xef: {  	s12 =	sadd.s32 s15, s3;
	s0 =	sshll.u32 s7, $0x7;
	[tilespmem:v28+s18+$0x0] =	vst.idx.add.f32.msk $0xffff, v7  }
0xf0: {  	s7 =	sshll.u32 s7, $0x4;
	s24 =	sadd.s32 s9, s3;
	s25 =	sshrl.u32 s23, $0xC;
	[tilespmem:v29+s29+$0x0] =	vst.idx.add.f32.msk $0xffff, v5  }
0xf1: {  	s8 =	sadd.s32 s6, s12;
	s12 =	sand.u32 $0xF, s25;
	s26 =	simm.s32 $0x4C00;
	[tilespmem:v31+s1+$0x0] =	vst.idx.add.f32.msk $0xffff, v6  }
0xf2: {  	s0 =	sand.u32 $0xC00, s0;
	s20 =	sadd.s32 s6, s24;
	s10 =	sshrl.u32 s12, $0x3;
	[tilespmem:v3+s26+$0x0] =	vst.idx.add.f32.msk $0xffff, v7  }
0xf3: {  	s3 =	sadd.s32 s4, s3;
	s20 =	sadd.s32 s2, s20;
	s24 =	smul.u32 $0xC00, s10;
	[tilespmem:v27+s29+$0x0] =	vst.idx.add.f32.msk $0xffff, v6  }
0xf4: {  	s8 =	sadd.s32 s19, s8;
	s30 =	sadd.s32 s6, s3;
	s18 =	sshrl.u32 s23, $0x5;
	[tilespmem:v4+s29+$0x0] =	vst.idx.add.f32.msk $0xffff, v7  }
0xf5: {  	s23 =	sand.u32 $0x70, s7;
	s18 =	sand.u32 $0x380, s18;
	s11 =	sadd.s32 s24, s0;
	v5 =	vld [tilespmem:s8+$0x0]  }
0xf6: {  	s3 =	sadd.s32 s16, s30;
	s13 =	sor.u32 s18, s11;
	v6 =	vld [tilespmem:s20+$0x0];
	s20 =	sadd.s32 $0xC00, s24  }
0xf7: {  	s22 =	sadd.s32 $0x1800, s24;
	v7 =	vld [tilespmem:s3+$0x0];
	s7 =	sor.u32 s23, s13;
	s25 =	sadd.s32 s0, s20  }
0xf8: {  	s21 =	sadd.s32 $0x2400, s24;
	s30 =	sadd.s32 s0, s22;
	v8 =	vld.idx.msk [tilespmem:v1+s7+$0x0 ss:$0x1], $0xffff;
	s8 =	sor.u32 s18, s25  }
0xf9: {  	s1 =	sor.u32 s18, s30;
	s3 =	sadd.s32 s0, s21;
	v33 =	vld.idx.msk [tilespmem:v2+s7+$0x0 ss:$0x1], $0xffff;
	s7 =	sor.u32 s23, s8  }
0xfa: {  	s25 =	sor.u32 s18, s3;
	s8 =	sor.u32 s23, s1;
	v34 =	vld.idx.msk [tilespmem:v2+s7+$0x0 ss:$0x1], $0xffff  }
0xfb: {  	s25 =	sor.u32 s23, s25;
	v35 =	vld.idx.msk [tilespmem:v2+s8+$0x0 ss:$0x1], $0xffff  }
0xfc: {  	s13 =	simm.s32 $0x1000;
	v36 =	vld.idx.msk [tilespmem:v2+s25+$0x0 ss:$0x1], $0xffff  }
0xfd: {  	[tilespmem:v20+s13+$0x0] =	vst.idx.add.f32.msk $0xffff, v5  }
0xfe: {  	[tilespmem:v24+s28+$0x0] =	vst.idx.add.f32.msk $0xffff, v5  }
0xff: {  	[tilespmem:v26+s13+$0x0] =	vst.idx.add.f32.msk $0xffff, v6  }
0x100: {  	s30 =	simm.s32 $0x7000;
	[tilespmem:v25+s31+$0x0] =	vst.idx.add.f32.msk $0xffff, v5  }
0x101: {  	[tilespmem:v29+s30+$0x0] =	vst.idx.add.f32.msk $0xffff, v5  }
0x102: {  	s10 =	simm.s32 $0x2000;
	[tilespmem:v33+s14+$0x0] =	vst.idx.add.f32.msk $0xffff, v8  }
0x103: {  	s11 =	simm.s32 $0x4000;
	[tilespmem:v34+s10+$0x0] =	vst.idx.add.f32.msk $0xffff, v8  }
0x104: {  	s1 =	simm.s32 $0x6000;
	[tilespmem:v35+s11+$0x0] =	vst.idx.add.f32.msk $0xffff, v8  }
0x105: {  	[tilespmem:v36+s1+$0x0] =	vst.idx.add.f32.msk $0xffff, v8  }
0x106: {  	v5 =	vld.idx.msk [tilespmem:v1+s7+$0x0 ss:$0x1], $0xffff  }
0x107: {  	s15 =	sadd.s32 s15, s17;
	[tilespmem:v30+s28+$0x0] =	vst.idx.add.f32.msk $0xffff, v6  }
0x108: {  	s15 =	sadd.s32 s6, s15;
	[tilespmem:v31+s31+$0x0] =	vst.idx.add.f32.msk $0xffff, v6  }
0x109: {  	s15 =	sadd.s32 s19, s15;
	[tilespmem:v27+s30+$0x0] =	vst.idx.add.f32.msk $0xffff, v6  }
0x10a: {  	v38 =	vld [tilespmem:s15+$0x0];
	s7 =	simm.s32 $0x400  }
0x10b: {  	s3 =	simm.s32 $0x2400;
	[tilespmem:v33+s7+$0x0] =	vst.idx.add.f32.msk $0xffff, v5  }
0x10c: {  	s13 =	simm.s32 $0x4400;
	[tilespmem:v34+s3+$0x0] =	vst.idx.add.f32.msk $0xffff, v5  }
0x10d: {  	s30 =	simm.s32 $0x6400;
	[tilespmem:v35+s13+$0x0] =	vst.idx.add.f32.msk $0xffff, v5  }
0x10e: {  	s7 =	sor.u32 $0x1, s5;
	[tilespmem:v36+s30+$0x0] =	vst.idx.add.f32.msk $0xffff, v5  }
0x10f: {  	s11 =	simm.s32 $0x1000;
	s3 =	sand.u32 $0xFF, s7;
	v5 =	vld.idx.msk [tilespmem:v1+s8+$0x0 ss:$0x1], $0xffff  }
0x110: {  	s4 =	sadd.s32 s4, s17;
	s28 =	simm.s32 $0x3000;
	[tilespmem:v21+s11+$0x0] =	vst.idx.add.f32.msk $0xffff, v7;
	s8 =	smul.u32 $0xAB, s3  }
0x111: {  	s4 =	sadd.s32 s6, s4;
	s10 =	simm.s32 $0x7000;
	[tilespmem:v28+s28+$0x0] =	vst.idx.add.f32.msk $0xffff, v7;
	s30 =	sadd.s32 s9, s17  }
0x112: {  	[tilespmem:v3+s31+$0x0] =	vst.idx.add.f32.msk $0xffff, v7;
	s1 =	sadd.s32 s6, s30;
	s6 =	sor.u32 $0x2, s5;
	s8 =	sshrl.u32 s8, $0xC  }
0x113: {  	[tilespmem:v4+s10+$0x0] =	vst.idx.add.f32.msk $0xffff, v7;
	s13 =	simm.s32 $0x800;
	s9 =	sand.u32 $0xFF, s6;
	s8 =	smul.u32 $0x18, s8  }
0x114: {  	s31 =	simm.s32 $0x2800;
	s17 =	simm.s32 $0x6800;
	s19 =	smul.u32 $0xAB, s9;
	[tilespmem:v33+s13+$0x0] =	vst.idx.add.f32.msk $0xffff, v5  }
0x115: {  	s2 =	sadd.s32 s2, s1;
	s7 =	ssub.s32 s7, s8;
	s8 =	simm.s32 $0x4800;
	[tilespmem:v34+s31+$0x0] =	vst.idx.add.f32.msk $0xffff, v5  }
0x116: {  	s13 =	sshll.u32 s7, $0x7;
	s7 =	sshll.u32 s7, $0x4;
	s31 =	sshrl.u32 s19, $0xC;
	[tilespmem:v35+s8+$0x0] =	vst.idx.add.f32.msk $0xffff, v5  }
0x117: {  	s8 =	sadd.s32 s16, s4;
	s4 =	sand.u32 $0xC00, s13;
	s9 =	smul.u32 $0x18, s31;
	[tilespmem:v36+s17+$0x0] =	vst.idx.add.f32.msk $0xffff, v5  }
0x118: {  	s19 =	simm.s32 $0x2C00;
	s1 =	sand.u32 $0x50, s7;
	s30 =	sadd.s32 s24, s4;
	v6 =	vld.idx.msk [tilespmem:v1+s25+$0x0 ss:$0x1], $0xffff  }
0x119: {  	v37 =	vld [tilespmem:s2+$0x0];
	s13 =	smul.u32 $0x18, s12;
	s3 =	sor.u32 s18, s30;
	s15 =	ssub.s32 s6, s9  }
0x11a: {  	s16 =	simm.s32 $0xC00;
	v15 =	vld [tilespmem:s8+$0x0];
	s7 =	sor.u32 s1, s3;
	s17 =	sshll.u32 s15, $0x7  }
0x11b: {  	s12 =	sadd.s32 s4, s22;
	s3 =	rddreg [dreg:$0x4];
	v5 =	vld.idx.msk [tilespmem:v2+s7+$0x0 ss:$0x1], $0xffff;
	s6 =	sand.u32 $0xC00, s17  }
0x11c: {  	s15 =	sshll.u32 s15, $0x4;
	s8 =	sadd.s32 s24, s3;
	v14 =	vld.idx.msk [tilespmem:v1+s7+$0x0 ss:$0x1], $0xffff;
	s30 =	sadd.s32 s24, s6  }
0x11d: {  	s15 =	sand.u32 $0x60, s15;
	s2 =	sadd.s32 $0x3000, s8;
	s17 =	sor.u32 s18, s30;
	[tilespmem:v33+s16+$0x0] =	vst.idx.add.f32.msk $0xffff, v6  }
0x11e: {  	s7 =	sor.u32 s18, s12;
	s25 =	sadd.s32 s0, s2;
	s17 =	sor.u32 s15, s17;
	[tilespmem:v34+s19+$0x0] =	vst.idx.add.f32.msk $0xffff, v6  }
0x11f: {  	s16 =	sadd.s32 s18, s25;
	s25 =	sor.u32 s1, s7;
	v39 =	vld.idx.msk [tilespmem:v1+s17+$0x0 ss:$0x1], $0xffff  }
0x120: {  	v9 =	vld.idx.msk [tilespmem:v2+s25+$0x0 ss:$0x1], $0xffff  }
0x121: {  	[tilespmem:v35+s26+$0x0] =	vst.idx.add.f32.msk $0xffff, v6  }
0x122: {  	s9 =	sadd.s32 s4, s20;
	s3 =	ssub.s32 $0x4, s13;
	s13 =	sadd.s32 s4, s21;
	[tilespmem:v36+s29+$0x0] =	vst.idx.add.f32.msk $0xffff, v6  }
0x123: {  	s31 =	sshll.u32 s3, $0x7;
	s16 =	sadd.s32 s23, s16;
	s19 =	sor.u32 s18, s9;
	v6 =	vld.idx.msk [tilespmem:v2+s17+$0x0 ss:$0x1], $0xffff  }
0x124: {  	s19 =	sor.u32 s1, s19;
	s26 =	sor.u32 s18, s13;
	v11 =	vld [tilespmem:s16+$0x0];
	s16 =	sand.u32 $0xC00, s31  }
0x125: {  	s3 =	sshll.u32 s3, $0x4;
	v7 =	vld.idx.msk [tilespmem:v2+s19+$0x0 ss:$0x1], $0xffff;
	s7 =	sor.u32 s1, s26;
	s24 =	sadd.s32 s16, s24  }
0x126: {  	s17 =	sand.u32 $0x40, s3;
	v10 =	vld.idx.msk [tilespmem:v2+s7+$0x0 ss:$0x1], $0xffff;
	s30 =	sor.u32 s18, s24  }
0x127: {  	[tilespmem:v5+s14+$0x0] =	vst.idx.add.f32.msk $0xffff, v14;
	s3 =	sor.u32 s17, s30  }
0x128: {  	v8 =	vld.idx.msk [tilespmem:v2+s3+$0x0 ss:$0x1], $0xffff  }
0x129: {  	v40 =	vld.idx.msk [tilespmem:v1+s3+$0x0 ss:$0x1], $0xffff  }
0x12a: {  	[tilespmem:v33+s11+$0x0] =	vst.idx.add.f32.msk $0xffff, v11  }
0x12b: {  	s26 =	simm.s32 $0x5000;
	[tilespmem:v34+s28+$0x0] =	vst.idx.add.f32.msk $0xffff, v11  }
0x12c: {  	s31 =	sadd.s32 s6, s20;
	s11 =	simm.s32 $0x2000;
	[tilespmem:v35+s26+$0x0] =	vst.idx.add.f32.msk $0xffff, v11  }
0x12d: {  	s3 =	sadd.s32 $0x3C00, s8;
	s8 =	sor.u32 s18, s31;
	[tilespmem:v7+s11+$0x0] =	vst.idx.add.f32.msk $0xffff, v14  }
0x12e: {  	s0 =	sadd.s32 s0, s3;
	s8 =	sor.u32 s15, s8;
	[tilespmem:v36+s10+$0x0] =	vst.idx.add.f32.msk $0xffff, v11  }
0x12f: {  	s12 =	simm.s32 $0x4000;
	s9 =	sadd.s32 s6, s22;
	s0 =	sadd.s32 s18, s0;
	v11 =	vld.idx.msk [tilespmem:v2+s8+$0x0 ss:$0x1], $0xffff  }
0x130: {  	s0 =	sadd.s32 s23, s0;
	s23 =	sor.u32 s18, s9;
	[tilespmem:v9+s12+$0x0] =	vst.idx.add.f32.msk $0xffff, v14  }
0x131: {  	s20 =	sadd.s32 s16, s20;
	s23 =	sor.u32 s15, s23;
	v41 =	vld [tilespmem:s0+$0x0]  }
0x132: {  	s13 =	simm.s32 $0x6000;
	s20 =	sor.u32 s18, s20;
	v12 =	vld.idx.msk [tilespmem:v2+s23+$0x0 ss:$0x1], $0xffff  }
0x133: {  	s20 =	sor.u32 s17, s20;
	s10 =	sadd.s32 s6, s21;
	[tilespmem:v10+s13+$0x0] =	vst.idx.add.f32.msk $0xffff, v14  }
0x134: {  	s22 =	sadd.s32 s16, s22;
	s0 =	sor.u32 s18, s10;
	v14 =	vld.idx.msk [tilespmem:v2+s20+$0x0 ss:$0x1], $0xffff  }
0x135: {  	s22 =	sor.u32 s18, s22;
	s21 =	sadd.s32 s16, s21;
	s0 =	sor.u32 s15, s0;
	v42 =	vld.idx.msk [tilespmem:v1+s19+$0x0 ss:$0x1], $0xffff  }
0x136: {  	s19 =	sor.u32 s18, s21;
	s21 =	sor.u32 s17, s22;
	v13 =	vld.idx.msk [tilespmem:v2+s0+$0x0 ss:$0x1], $0xffff  }
0x137: {  	v23 =	vld.idx.msk [tilespmem:v2+s21+$0x0 ss:$0x1], $0xffff  }
0x138: {  	s19 =	sor.u32 s17, s19;
	[tilespmem:v6+s14+$0x0] =	vst.idx.add.f32.msk $0xffff, v39  }
0x139: {  	v22 =	vld.idx.msk [tilespmem:v2+s19+$0x0 ss:$0x1], $0xffff  }
0x13a: {  	[tilespmem:v8+s14+$0x0] =	vst.idx.add.f32.msk $0xffff, v40  }
0x13b: {  	[tilespmem:v11+s11+$0x0] =	vst.idx.add.f32.msk $0xffff, v39  }
0x13c: {  	s30 =	simm.s32 $0x2000;
	[tilespmem:v12+s12+$0x0] =	vst.idx.add.f32.msk $0xffff, v39  }
0x13d: {  	[tilespmem:v14+s30+$0x0] =	vst.idx.add.f32.msk $0xffff, v40  }
0x13e: {  	s31 =	simm.s32 $0x4000;
	[tilespmem:v13+s13+$0x0] =	vst.idx.add.f32.msk $0xffff, v39  }
0x13f: {  	[tilespmem:v23+s31+$0x0] =	vst.idx.add.f32.msk $0xffff, v40  }
0x140: {  	s12 =	simm.s32 $0x6000;
	v39 =	vld.idx.msk [tilespmem:v1+s8+$0x0 ss:$0x1], $0xffff  }
0x141: {  	s13 =	simm.s32 $0x400;
	[tilespmem:v22+s12+$0x0] =	vst.idx.add.f32.msk $0xffff, v40  }
0x142: {  	[tilespmem:v5+s13+$0x0] =	vst.idx.add.f32.msk $0xffff, v42  }
0x143: {  	v40 =	vld.idx.msk [tilespmem:v1+s20+$0x0 ss:$0x1], $0xffff;
	s20 =	simm.s32 $0x2400  }
0x144: {  	s24 =	simm.s32 $0x4400;
	[tilespmem:v7+s20+$0x0] =	vst.idx.add.f32.msk $0xffff, v42  }
0x145: {  	s22 =	simm.s32 $0x6400;
	[tilespmem:v9+s24+$0x0] =	vst.idx.add.f32.msk $0xffff, v42  }
0x146: {  	[tilespmem:v10+s22+$0x0] =	vst.idx.add.f32.msk $0xffff, v42  }
0x147: {  	v42 =	vld.idx.msk [tilespmem:v1+s25+$0x0 ss:$0x1], $0xffff  }
0x148: {  	[tilespmem:v6+s13+$0x0] =	vst.idx.add.f32.msk $0xffff, v39  }
0x149: {  	s25 =	simm.s32 $0x400;
	[tilespmem:v11+s20+$0x0] =	vst.idx.add.f32.msk $0xffff, v39  }
0x14a: {  	[tilespmem:v8+s25+$0x0] =	vst.idx.add.f32.msk $0xffff, v40  }
0x14b: {  	s30 =	simm.s32 $0x2400;
	[tilespmem:v12+s24+$0x0] =	vst.idx.add.f32.msk $0xffff, v39  }
0x14c: {  	[tilespmem:v14+s30+$0x0] =	vst.idx.add.f32.msk $0xffff, v40  }
0x14d: {  	[tilespmem:v13+s22+$0x0] =	vst.idx.add.f32.msk $0xffff, v39  }
0x14e: {  	[tilespmem:v23+s24+$0x0] =	vst.idx.add.f32.msk $0xffff, v40  }
0x14f: {  	s31 =	simm.s32 $0x6400;
	v39 =	vld.idx.msk [tilespmem:v1+s23+$0x0 ss:$0x1], $0xffff  }
0x150: {  	[tilespmem:v22+s31+$0x0] =	vst.idx.add.f32.msk $0xffff, v40  }
0x151: {  	s10 =	simm.s32 $0x800;
	v40 =	vld.idx.msk [tilespmem:v1+s21+$0x0 ss:$0x1], $0xffff  }
0x152: {  	s11 =	simm.s32 $0x2800;
	[tilespmem:v5+s10+$0x0] =	vst.idx.add.f32.msk $0xffff, v42  }
0x153: {  	s21 =	simm.s32 $0x1400;
	[tilespmem:v7+s11+$0x0] =	vst.idx.add.f32.msk $0xffff, v42  }
0x154: {  	[tilespmem:v16+s21+$0x0] =	vst.idx.add.f32.msk $0xffff, v32  }
0x155: {  	[tilespmem:v20+s21+$0x0] =	vst.idx.add.f32.msk $0xffff, v38  }
0x156: {  	[tilespmem:v33+s21+$0x0] =	vst.idx.add.f32.msk $0xffff, v41  }
0x157: {  	[tilespmem:v26+s21+$0x0] =	vst.idx.add.f32.msk $0xffff, v37  }
0x158: {  	s12 =	simm.s32 $0x4800;
	[tilespmem:v21+s21+$0x0] =	vst.idx.add.f32.msk $0xffff, v15  }
0x159: {  	s23 =	simm.s32 $0x3400;
	[tilespmem:v9+s12+$0x0] =	vst.idx.add.f32.msk $0xffff, v42  }
0x15a: {  	[tilespmem:v17+s23+$0x0] =	vst.idx.add.f32.msk $0xffff, v32  }
0x15b: {  	[tilespmem:v34+s23+$0x0] =	vst.idx.add.f32.msk $0xffff, v41  }
0x15c: {  	[tilespmem:v24+s23+$0x0] =	vst.idx.add.f32.msk $0xffff, v38  }
0x15d: {  	[tilespmem:v30+s23+$0x0] =	vst.idx.add.f32.msk $0xffff, v37  }
0x15e: {  	s13 =	simm.s32 $0x6800;
	[tilespmem:v28+s23+$0x0] =	vst.idx.add.f32.msk $0xffff, v15  }
0x15f: {  	s20 =	simm.s32 $0x5400;
	[tilespmem:v10+s13+$0x0] =	vst.idx.add.f32.msk $0xffff, v42  }
0x160: {  	[tilespmem:v18+s20+$0x0] =	vst.idx.add.f32.msk $0xffff, v32  }
0x161: {  	[tilespmem:v35+s20+$0x0] =	vst.idx.add.f32.msk $0xffff, v41  }
0x162: {  	[tilespmem:v25+s20+$0x0] =	vst.idx.add.f32.msk $0xffff, v38  }
0x163: {  	[tilespmem:v31+s20+$0x0] =	vst.idx.add.f32.msk $0xffff, v37  }
0x164: {  	s22 =	simm.s32 $0x7400;
	v42 =	vld.idx.msk [tilespmem:v1+s7+$0x0 ss:$0x1], $0xffff  }
0x165: {  	[tilespmem:v19+s22+$0x0] =	vst.idx.add.f32.msk $0xffff, v32  }
0x166: {  	[tilespmem:v36+s22+$0x0] =	vst.idx.add.f32.msk $0xffff, v41  }
0x167: {  	[tilespmem:v29+s22+$0x0] =	vst.idx.add.f32.msk $0xffff, v38  }
0x168: {  	[tilespmem:v6+s10+$0x0] =	vst.idx.add.f32.msk $0xffff, v39  }
0x169: {  	[tilespmem:v27+s22+$0x0] =	vst.idx.add.f32.msk $0xffff, v37  }
0x16a: {  	s24 =	simm.s32 $0x800;
	[tilespmem:v11+s11+$0x0] =	vst.idx.add.f32.msk $0xffff, v39  }
0x16b: {  	[tilespmem:v8+s24+$0x0] =	vst.idx.add.f32.msk $0xffff, v40  }
0x16c: {  	s25 =	simm.s32 $0x2800;
	[tilespmem:v12+s12+$0x0] =	vst.idx.add.f32.msk $0xffff, v39  }
0x16d: {  	[tilespmem:v14+s25+$0x0] =	vst.idx.add.f32.msk $0xffff, v40  }
0x16e: {  	s30 =	simm.s32 $0x4800;
	[tilespmem:v13+s13+$0x0] =	vst.idx.add.f32.msk $0xffff, v39  }
0x16f: {  	s31 =	simm.s32 $0x6800;
	[tilespmem:v23+s30+$0x0] =	vst.idx.add.f32.msk $0xffff, v40  }
0x170: {  	[tilespmem:v22+s31+$0x0] =	vst.idx.add.f32.msk $0xffff, v40  }
0x171: {  	v16 =	vld.idx.msk [tilespmem:v1+s0+$0x0 ss:$0x1], $0xffff  }
0x172: {  	s12 =	simm.s32 $0xC00;
	v17 =	vld.idx.msk [tilespmem:v1+s19+$0x0 ss:$0x1], $0xffff  }
0x173: {  	s13 =	simm.s32 $0x2C00;
	[tilespmem:v5+s12+$0x0] =	vst.idx.add.f32.msk $0xffff, v42  }
0x174: {  	s19 =	simm.s32 $0x4C00;
	[tilespmem:v7+s13+$0x0] =	vst.idx.add.f32.msk $0xffff, v42  }
0x175: {  	[tilespmem:v9+s19+$0x0] =	vst.idx.add.f32.msk $0xffff, v42  }
0x176: {  	[tilespmem:v10+s29+$0x0] =	vst.idx.add.f32.msk $0xffff, v42  }
0x177: {  	s21 =	simm.s32 $0xC00;
	s23 =	sadd.s32 s4, s2;
	s4 =	sadd.s32 s4, s3;
	[tilespmem:v6+s12+$0x0] =	vst.idx.add.f32.msk $0xffff, v16  }
0x178: {  	s4 =	sadd.s32 s18, s4;
	s24 =	sadd.s32 s6, s2;
	s2 =	sadd.s32 s16, s2;
	[tilespmem:v11+s13+$0x0] =	vst.idx.add.f32.msk $0xffff, v16  }
0x179: {  	s6 =	sadd.s32 s6, s3;
	s3 =	sadd.s32 s16, s3;
	s25 =	simm.s32 $0x2C00;
	[tilespmem:v8+s21+$0x0] =	vst.idx.add.f32.msk $0xffff, v17  }
0x17a: {  	s2 =	sadd.s32 s18, s2;
	s7 =	sadd.s32 s18, s24;
	s3 =	sadd.s32 s18, s3;
	[tilespmem:v12+s19+$0x0] =	vst.idx.add.f32.msk $0xffff, v16  }
0x17b: {  	s30 =	simm.s32 $0x4C00;
	s2 =	sadd.s32 s17, s2;
	s16 =	sadd.s32 s15, s7;
	[tilespmem:v14+s25+$0x0] =	vst.idx.add.f32.msk $0xffff, v17  }
0x17c: {  	s0 =	sadd.s32 s18, s23;
	s31 =	sadd.s32 s18, s6;
	s6 =	sadd.s32 s17, s3;
	[tilespmem:v13+s29+$0x0] =	vst.idx.add.f32.msk $0xffff, v16  }
0x17d: {  	s18 =	sadd.s32 s15, s31;
	s21 =	sadd.s32 s1, s0;
	s19 =	sadd.s32 s1, s4;
	[tilespmem:v23+s30+$0x0] =	vst.idx.add.f32.msk $0xffff, v17  }
.LBB2_6:
0x17e: {  	[tilespmem:v22+s29+$0x0] =	vst.idx.add.f32.msk $0xffff, v17  }
0x17f: {  	v16 =	vld [tilespmem:s21+$0x0]  }
0x180: {  	s5 =	sadd.s32 $0x4, s5;
	v17 =	vld [tilespmem:s16+$0x0]  }
0x181: {  	s9 =	simm.s32 $0x1000;
	s3 =	sor.u32 $0x3, s5;
	v21 =	vld [tilespmem:s2+$0x0]  }
0x182: {  	s0 =	sor.u32 $0x1, s5;
	s15 =	smul.u32 $0xAB, s5;
	[tilespmem:v3+s20+$0x0] =	vst.idx.add.f32.msk $0xffff, v15;
	s8 =	sand.u32 $0xFF, s3  }
0x183: {  	s1 =	sor.u32 $0x2, s5;
	s4 =	sand.u32 $0xFF, s0;
	[tilespmem:v4+s22+$0x0] =	vst.idx.add.f32.msk $0xffff, v15;
	s8 =	smul.u32 $0xAB, s8  }
0x184: {  	s10 =	simm.s32 $0x1000;
	s7 =	sand.u32 $0xFF, s1;
	s17 =	smul.u32 $0xAB, s4;
	[tilespmem:v5+s9+$0x0] =	vst.idx.add.f32.msk $0xffff, v16  }
0x185: {  	s25 =	simm.s32 $0x7000;
	s7 =	smul.u32 $0xAB, s7;
	s20 =	sshrl.u32 s8, $0xC;
	[tilespmem:v6+s10+$0x0] =	vst.idx.add.f32.msk $0xffff, v17  }
0x186: {  	s30 =	simm.s32 $0x7000;
	s21 =	sshrl.u32 s15, $0xC;
	s4 =	smul.u32 $0x18, s20;
	[tilespmem:v7+s28+$0x0] =	vst.idx.add.f32.msk $0xffff, v16  }
0x187: {  	s8 =	sand.u32 $0xF, s21;
	s2 =	sshrl.u32 s17, $0xC;
	s10 =	simm.s32 $0x1000;
	[tilespmem:v11+s28+$0x0] =	vst.idx.add.f32.msk $0xffff, v17  }
0x188: {  	s22 =	sshrl.u32 s8, $0x3;
	s17 =	smul.u32 $0x18, s2;
	[tilespmem:v8+s10+$0x0] =	vst.idx.add.f32.msk $0xffff, v21;
	s3 =	ssub.s32 s3, s4  }
0x189: {  	s23 =	sshrl.u32 s7, $0xC;
	[tilespmem:v9+s26+$0x0] =	vst.idx.add.f32.msk $0xffff, v16;
	s2 =	smul.u32 $0xC00, s22;
	s24 =	sshll.u32 s3, $0x7  }
0x18a: {  	s15 =	sshrl.u32 s15, $0x5;
	[tilespmem:v12+s26+$0x0] =	vst.idx.add.f32.msk $0xffff, v17;
	s4 =	smul.u32 $0x18, s23;
	s23 =	sand.u32 $0xC00, s24  }
0x18b: {  	s20 =	sand.u32 $0x380, s15;
	[tilespmem:v10+s25+$0x0] =	vst.idx.add.f32.msk $0xffff, v16;
	s3 =	sshll.u32 s3, $0x4;
	s7 =	sadd.s32 s2, s23  }
0x18c: {  	[tilespmem:v13+s30+$0x0] =	vst.idx.add.f32.msk $0xffff, v17;
	s15 =	sadd.s32 $0xC00, s2;
	s22 =	sand.u32 $0x70, s3;
	s31 =	sor.u32 s20, s7  }
0x18d: {  	v26 =	vld [tilespmem:s19+$0x0];
	s11 =	sadd.s32 s23, s15;
	s7 =	sadd.s32 $0x1800, s2;
	s3 =	sor.u32 s22, s31  }
0x18e: {  	s24 =	sadd.s32 $0x2400, s2;
	s16 =	sor.u32 s20, s11;
	s13 =	sadd.s32 s23, s7;
	v15 =	vld.idx.msk [tilespmem:v1+s3+$0x0 ss:$0x1], $0xffff  }
0x18f: {  	s25 =	sadd.s32 s23, s24;
	v17 =	vld.idx.msk [tilespmem:v2+s3+$0x0 ss:$0x1], $0xffff;
	s3 =	sor.u32 s22, s16;
	s21 =	sor.u32 s20, s13  }
0x190: {  	s12 =	simm.s32 $0x7000;
	v3 =	vmov v23;
	s26 =	sor.u32 s20, s25;
	v18 =	vld.idx.msk [tilespmem:v2+s3+$0x0 ss:$0x1], $0xffff;
	s21 =	sor.u32 s22, s21  }
0x191: {  	v4 =	vmov v22;
	s8 =	smul.u32 $0x18, s8;
	s0 =	ssub.s32 s0, s17;
	s16 =	sor.u32 s22, s26;
	v19 =	vld.idx.msk [tilespmem:v2+s21+$0x0 ss:$0x1], $0xffff  }
0x192: {  	p0 =	slt.u32 s5, $0xBC;
	s30 =	sshll.u32 s0, $0x7;
	s0 =	sshll.u32 s0, $0x4;
	v20 =	vld.idx.msk [tilespmem:v2+s16+$0x0 ss:$0x1], $0xffff  }
0x193: {  	v16 =	vld [tilespmem:s18+$0x0];
	s1 =	ssub.s32 s1, s4;
	s4 =	ssub.s32 s5, s8;
	s11 =	simm.s32 $0x3000  }
0x194: {  	s28 =	sand.u32 $0xC00, s30;
	s19 =	sand.u32 $0x50, s0;
	[tilespmem:v14+s11+$0x0] =	vst.idx.add.f32.msk $0xffff, v21;
	s13 =	simm.s32 $0x5000  }
0x195: {  	s0 =	smov.u32 s5;
	s9 =	sshll.u32 s4, $0x7;
	s8 =	sadd.s32 s2, s28;
	[tilespmem:v3+s13+$0x0] =	vst.idx.add.f32.msk $0xffff, v21  }
0x196: {  	s17 =	sadd.s32 s28, s15;
	s30 =	sadd.s32 s28, s24;
	s8 =	sor.u32 s20, s8;
	[tilespmem:v4+s12+$0x0] =	vst.idx.add.f32.msk $0xffff, v21  }
0x197: {  	s31 =	sshll.u32 s1, $0x7;
	s25 =	sadd.s32 s28, s7;
	s13 =	simm.s32 $0x2000;
	[tilespmem:v17+s14+$0x0] =	vst.idx.add.f32.msk $0xffff, v15  }
0x198: {  	s29 =	sand.u32 $0xC00, s31;
	s26 =	sand.u32 $0xC00, s9;
	s14 =	simm.s32 $0x4000;
	[tilespmem:v18+s13+$0x0] =	vst.idx.add.f32.msk $0xffff, v15  }
0x199: {  	s9 =	sadd.s32 s29, s15;
	s13 =	sor.u32 s20, s30;
	s30 =	simm.s32 $0x6000;
	[tilespmem:v19+s14+$0x0] =	vst.idx.add.f32.msk $0xffff, v15  }
0x19a: {  	s10 =	sadd.s32 s29, s7;
	s15 =	sadd.s32 s26, s15;
	s7 =	sadd.s32 s26, s7;
	[tilespmem:v20+s30+$0x0] =	vst.idx.add.f32.msk $0xffff, v15  }
0x19b: {  	s14 =	sor.u32 s20, s15;
	s15 =	sor.u32 s20, s7;
	s7 =	sor.u32 s19, s8;
	v15 =	vld [tilespmem:s6+$0x0]  }
0x19c: {  	s4 =	sshll.u32 s4, $0x4;
	s12 =	sadd.s32 s26, s2;
	s5 =	sor.u32 s19, s13;
	v33 =	vld.idx.msk [tilespmem:v2+s7+$0x0 ss:$0x1], $0xffff  }
0x19d: {  	s18 =	sand.u32 $0x40, s4;
	s12 =	sor.u32 s20, s12;
	v32 =	vld.idx.msk [tilespmem:v2+s5+$0x0 ss:$0x1], $0xffff  }
0x19e: {  	s17 =	sor.u32 s20, s17;
	s4 =	simm.s32 $0x2400;
	s8 =	sor.u32 s18, s12;
	v21 =	vld.idx.msk [tilespmem:v1+s3+$0x0 ss:$0x1], $0xffff  }
0x19f: {  	s1 =	sshll.u32 s1, $0x4;
	s31 =	sadd.s32 s2, s29;
	s11 =	sadd.s32 s29, s24;
	v24 =	vld.idx.msk [tilespmem:v2+s8+$0x0 ss:$0x1], $0xffff  }
0x1a0: {  	s24 =	sadd.s32 s26, s24;
	s31 =	sor.u32 s20, s31;
	s9 =	sor.u32 s20, s9;
	v35 =	vld.idx.msk [tilespmem:v1+s7+$0x0 ss:$0x1], $0xffff  }
0x1a1: {  	s10 =	sor.u32 s20, s10;
	s11 =	sor.u32 s20, s11;
	s30 =	sor.u32 s19, s17;
	v37 =	vld.idx.msk [tilespmem:v1+s8+$0x0 ss:$0x1], $0xffff  }
0x1a2: {  	s24 =	sor.u32 s20, s24;
	s13 =	simm.s32 $0x400;
	s3 =	sand.u32 $0x60, s1;
	v30 =	vld.idx.msk [tilespmem:v2+s30+$0x0 ss:$0x1], $0xffff  }
0x1a3: {  	s6 =	sor.u32 s3, s31;
	s31 =	sor.u32 s3, s9;
	s9 =	sor.u32 s3, s10;
	[tilespmem:v17+s13+$0x0] =	vst.idx.add.f32.msk $0xffff, v21  }
0x1a4: {  	s10 =	sor.u32 s3, s11;
	s11 =	sor.u32 s18, s24;
	s24 =	simm.s32 $0x4400;
	[tilespmem:v18+s4+$0x0] =	vst.idx.add.f32.msk $0xffff, v21  }
0x1a5: {  	[tilespmem:v19+s24+$0x0] =	vst.idx.add.f32.msk $0xffff, v21;
	s24 =	simm.s32 $0x6400  }
0x1a6: {  	s25 =	sor.u32 s20, s25;
	[tilespmem:v20+s24+$0x0] =	vst.idx.add.f32.msk $0xffff, v21  }
0x1a7: {  	s17 =	sor.u32 s19, s25;
	v21 =	vld.idx.msk [tilespmem:v1+s21+$0x0 ss:$0x1], $0xffff  }
0x1a8: {  	s25 =	sor.u32 s18, s15;
	v31 =	vld.idx.msk [tilespmem:v2+s17+$0x0 ss:$0x1], $0xffff  }
0x1a9: {  	v23 =	vld.idx.msk [tilespmem:v2+s25+$0x0 ss:$0x1], $0xffff  }
0x1aa: {  	v29 =	vld.idx.msk [tilespmem:v2+s6+$0x0 ss:$0x1], $0xffff  }
0x1ab: {  	s12 =	simm.s32 $0x800;
	v28 =	vld.idx.msk [tilespmem:v2+s31+$0x0 ss:$0x1], $0xffff  }
0x1ac: {  	s1 =	sor.u32 s18, s14;
	s14 =	simm.s32 $0x2800;
	[tilespmem:v17+s12+$0x0] =	vst.idx.add.f32.msk $0xffff, v21  }
0x1ad: {  	s15 =	simm.s32 $0x4800;
	[tilespmem:v18+s14+$0x0] =	vst.idx.add.f32.msk $0xffff, v21  }
0x1ae: {  	s21 =	simm.s32 $0x6800;
	[tilespmem:v19+s15+$0x0] =	vst.idx.add.f32.msk $0xffff, v21  }
0x1af: {  	[tilespmem:v20+s21+$0x0] =	vst.idx.add.f32.msk $0xffff, v21  }
0x1b0: {  	v34 =	vld.idx.msk [tilespmem:v1+s16+$0x0 ss:$0x1], $0xffff  }
0x1b1: {  	v27 =	vld.idx.msk [tilespmem:v2+s9+$0x0 ss:$0x1], $0xffff  }
0x1b2: {  	v25 =	vld.idx.msk [tilespmem:v2+s10+$0x0 ss:$0x1], $0xffff  }
0x1b3: {  	v22 =	vld.idx.msk [tilespmem:v2+s11+$0x0 ss:$0x1], $0xffff;
	s12 =	rddreg [dreg:$0x4]  }
0x1b4: {  	[dreg:$0x6] =	wrdreg s10;
	v36 =	vld.idx.msk [tilespmem:v1+s6+$0x0 ss:$0x1], $0xffff;
	s10 =	sadd.s32 s2, s12;
	s14 =	simm.s32 $0xC00  }
0x1b5: {  	[dreg:$0x5] =	wrdreg s5;
	s2 =	sadd.s32 $0x3000, s10;
	s16 =	simm.s32 $0x2C00;
	[tilespmem:v17+s14+$0x0] =	vst.idx.add.f32.msk $0xffff, v34  }
0x1b6: {  	s5 =	smov.u32 s0;
	s21 =	sadd.s32 s23, s2;
	[tilespmem:v18+s16+$0x0] =	vst.idx.add.f32.msk $0xffff, v34;
	s16 =	simm.s32 $0x4C00  }
0x1b7: {  	s15 =	sadd.s32 s28, s2;
	s14 =	sadd.s32 s20, s21;
	s21 =	simm.s32 $0x6C00;
	[tilespmem:v19+s16+$0x0] =	vst.idx.add.f32.msk $0xffff, v34  }
0x1b8: {  	s0 =	smov.u32 s11;
	s11 =	sadd.s32 s20, s15;
	s14 =	sadd.s32 s22, s14;
	[tilespmem:v20+s21+$0x0] =	vst.idx.add.f32.msk $0xffff, v34  }
0x1b9: {  	s21 =	sadd.s32 s19, s11;
	s11 =	simm.s32 $0x1400;
	v34 =	vld [tilespmem:s14+$0x0]  }
0x1ba: {  	[tilespmem:v5+s11+$0x0] =	vst.idx.add.f32.msk $0xffff, v26;
	v5 =	vmov v33  }
0x1bb: {  	v21 =	vld.idx.msk [tilespmem:v2+s1+$0x0 ss:$0x1], $0xffff;
	s14 =	simm.s32 $0x0  }
0x1bc: {  	[tilespmem:v29+s14+$0x0] =	vst.idx.add.f32.msk $0xffff, v36  }
0x1bd: {  	s8 =	sadd.s32 $0x3C00, s10;
	s10 =	simm.s32 $0x1000;
	s12 =	sadd.s32 s29, s2;
	[tilespmem:v24+s14+$0x0] =	vst.idx.add.f32.msk $0xffff, v37  }
0x1be: {  	s2 =	sadd.s32 s26, s2;
	s12 =	sadd.s32 s20, s12;
	[tilespmem:v17+s10+$0x0] =	vst.idx.add.f32.msk $0xffff, v34  }
0x1bf: {  	s16 =	sadd.s32 s3, s12;
	s12 =	sadd.s32 s28, s8;
	s28 =	simm.s32 $0x3000;
	[tilespmem:v5+s14+$0x0] =	vst.idx.add.f32.msk $0xffff, v35  }
0x1c0: {  	s6 =	sadd.s32 s26, s8;
	s26 =	simm.s32 $0x5000;
	s10 =	sadd.s32 s23, s8;
	[tilespmem:v18+s28+$0x0] =	vst.idx.add.f32.msk $0xffff, v34  }
0x1c1: {  	s23 =	simm.s32 $0x7000;
	s10 =	sadd.s32 s20, s10;
	[tilespmem:v19+s26+$0x0] =	vst.idx.add.f32.msk $0xffff, v34  }
0x1c2: {  	s10 =	sadd.s32 s22, s10;
	[tilespmem:v20+s23+$0x0] =	vst.idx.add.f32.msk $0xffff, v34  }
0x1c3: {  	v63 =	vld [tilespmem:s10+$0x0];
	s10 =	simm.s32 $0x2000  }
0x1c4: {  	s15 =	sadd.s32 s29, s8;
	[tilespmem:v30+s10+$0x0] =	vst.idx.add.f32.msk $0xffff, v35  }
0x1c5: {  	s8 =	sadd.s32 s20, s15;
	s15 =	simm.s32 $0x4000;
	[tilespmem:v28+s10+$0x0] =	vst.idx.add.f32.msk $0xffff, v36  }
0x1c6: {  	[tilespmem:v31+s15+$0x0] =	vst.idx.add.f32.msk $0xffff, v35  }
0x1c7: {  	s10 =	simm.s32 $0x2000;
	[tilespmem:v27+s15+$0x0] =	vst.idx.add.f32.msk $0xffff, v36  }
0x1c8: {  	s23 =	simm.s32 $0x6000;
	[tilespmem:v21+s10+$0x0] =	vst.idx.add.f32.msk $0xffff, v37  }
0x1c9: {  	[tilespmem:v32+s23+$0x0] =	vst.idx.add.f32.msk $0xffff, v35  }
0x1ca: {  	s15 =	simm.s32 $0x4000;
	[tilespmem:v25+s23+$0x0] =	vst.idx.add.f32.msk $0xffff, v36  }
0x1cb: {  	s23 =	simm.s32 $0x6000;
	[tilespmem:v23+s15+$0x0] =	vst.idx.add.f32.msk $0xffff, v37  }
0x1cc: {  	[tilespmem:v22+s23+$0x0] =	vst.idx.add.f32.msk $0xffff, v37  }
0x1cd: {  	[tilespmem:v17+s11+$0x0] =	vst.idx.add.f32.msk $0xffff, v63  }
0x1ce: {  	s7 =	sadd.s32 s20, s12;
	s12 =	simm.s32 $0x3400;
	v17 =	vld.idx.msk [tilespmem:v1+s30+$0x0 ss:$0x1], $0xffff  }
0x1cf: {  	[tilespmem:v7+s12+$0x0] =	vst.idx.add.f32.msk $0xffff, v26  }
0x1d0: {  	[tilespmem:v18+s12+$0x0] =	vst.idx.add.f32.msk $0xffff, v63  }
0x1d1: {  	s2 =	sadd.s32 s20, s2;
	s6 =	sadd.s32 s20, s6;
	s20 =	simm.s32 $0x5400;
	v18 =	vld.idx.msk [tilespmem:v1+s31+$0x0 ss:$0x1], $0xffff  }
0x1d2: {  	[tilespmem:v9+s20+$0x0] =	vst.idx.add.f32.msk $0xffff, v26  }
0x1d3: {  	[tilespmem:v19+s20+$0x0] =	vst.idx.add.f32.msk $0xffff, v63  }
0x1d4: {  	s22 =	simm.s32 $0x7400;
	v19 =	vld.idx.msk [tilespmem:v1+s1+$0x0 ss:$0x1], $0xffff  }
0x1d5: {  	[tilespmem:v10+s22+$0x0] =	vst.idx.add.f32.msk $0xffff, v26  }
0x1d6: {  	[tilespmem:v20+s22+$0x0] =	vst.idx.add.f32.msk $0xffff, v63  }
0x1d7: {  	[tilespmem:v5+s13+$0x0] =	vst.idx.add.f32.msk $0xffff, v17  }
0x1d8: {  	s2 =	sadd.s32 s18, s2;
	[tilespmem:v30+s4+$0x0] =	vst.idx.add.f32.msk $0xffff, v17  }
0x1d9: {  	s6 =	sadd.s32 s18, s6;
	s18 =	sadd.s32 s3, s8;
	s8 =	simm.s32 $0x4400;
	[tilespmem:v29+s13+$0x0] =	vst.idx.add.f32.msk $0xffff, v18  }
0x1da: {  	[tilespmem:v31+s8+$0x0] =	vst.idx.add.f32.msk $0xffff, v17  }
0x1db: {  	[tilespmem:v28+s4+$0x0] =	vst.idx.add.f32.msk $0xffff, v18  }
0x1dc: {  	[tilespmem:v24+s13+$0x0] =	vst.idx.add.f32.msk $0xffff, v19  }
0x1dd: {  	[tilespmem:v32+s24+$0x0] =	vst.idx.add.f32.msk $0xffff, v17  }
0x1de: {  	[tilespmem:v27+s8+$0x0] =	vst.idx.add.f32.msk $0xffff, v18  }
0x1df: {  	[tilespmem:v21+s4+$0x0] =	vst.idx.add.f32.msk $0xffff, v19  }
0x1e0: {  	s10 =	simm.s32 $0x4400;
	[tilespmem:v25+s24+$0x0] =	vst.idx.add.f32.msk $0xffff, v18  }
0x1e1: {  	[tilespmem:v23+s10+$0x0] =	vst.idx.add.f32.msk $0xffff, v19  }
0x1e2: {  	v17 =	vld.idx.msk [tilespmem:v1+s17+$0x0 ss:$0x1], $0xffff  }
0x1e3: {  	[tilespmem:v22+s24+$0x0] =	vst.idx.add.f32.msk $0xffff, v19  }
0x1e4: {  	v18 =	vld.idx.msk [tilespmem:v1+s9+$0x0 ss:$0x1], $0xffff  }
0x1e5: {  	v7 =	vmov v30;
	[tilespmem:v6+s11+$0x0] =	vst.idx.add.f32.msk $0xffff, v16  }
0x1e6: {  	v19 =	vld.idx.msk [tilespmem:v1+s25+$0x0 ss:$0x1], $0xffff  }
0x1e7: {  	v9 =	vmov v31;
	[tilespmem:v11+s12+$0x0] =	vst.idx.add.f32.msk $0xffff, v16  }
0x1e8: {  	s15 =	simm.s32 $0x800;
	[tilespmem:v12+s20+$0x0] =	vst.idx.add.f32.msk $0xffff, v16  }
0x1e9: {  	s17 =	simm.s32 $0x2800;
	[tilespmem:v5+s15+$0x0] =	vst.idx.add.f32.msk $0xffff, v17  }
0x1ea: {  	v10 =	vmov v32;
	[tilespmem:v7+s17+$0x0] =	vst.idx.add.f32.msk $0xffff, v17  }
0x1eb: {  	s24 =	simm.s32 $0x4800;
	[tilespmem:v29+s15+$0x0] =	vst.idx.add.f32.msk $0xffff, v18  }
0x1ec: {  	[tilespmem:v9+s24+$0x0] =	vst.idx.add.f32.msk $0xffff, v17  }
0x1ed: {  	s30 =	simm.s32 $0x800;
	[tilespmem:v28+s17+$0x0] =	vst.idx.add.f32.msk $0xffff, v18  }
0x1ee: {  	s25 =	simm.s32 $0x6800;
	[tilespmem:v24+s30+$0x0] =	vst.idx.add.f32.msk $0xffff, v19  }
0x1ef: {  	[tilespmem:v10+s25+$0x0] =	vst.idx.add.f32.msk $0xffff, v17  }
0x1f0: {  	s31 =	simm.s32 $0x2800;
	[tilespmem:v27+s24+$0x0] =	vst.idx.add.f32.msk $0xffff, v18  }
0x1f1: {  	[tilespmem:v21+s31+$0x0] =	vst.idx.add.f32.msk $0xffff, v19  }
0x1f2: {  	s8 =	simm.s32 $0x4800;
	[tilespmem:v25+s25+$0x0] =	vst.idx.add.f32.msk $0xffff, v18  }
0x1f3: {  	s10 =	rddreg [dreg:$0x5];
	[tilespmem:v23+s8+$0x0] =	vst.idx.add.f32.msk $0xffff, v19  }
0x1f4: {  	s9 =	simm.s32 $0x6800;
	v18 =	vld.idx.msk [tilespmem:v1+s10+$0x0 ss:$0x1], $0xffff  }
0x1f5: {  	s13 =	rddreg [dreg:$0x6];
	[tilespmem:v22+s9+$0x0] =	vst.idx.add.f32.msk $0xffff, v19  }
0x1f6: {  	v19 =	vld.idx.msk [tilespmem:v1+s13+$0x0 ss:$0x1], $0xffff  }
0x1f7: {  	[tilespmem:v13+s22+$0x0] =	vst.idx.add.f32.msk $0xffff, v16  }
0x1f8: {  	v6 =	vmov v29;
	v17 =	vld.idx.msk [tilespmem:v1+s0+$0x0 ss:$0x1], $0xffff  }
0x1f9: {  	[tilespmem:v8+s11+$0x0] =	vst.idx.add.f32.msk $0xffff, v15  }
0x1fa: {  	v11 =	vmov v28;
	s15 =	simm.s32 $0xC00;
	[tilespmem:v14+s12+$0x0] =	vst.idx.add.f32.msk $0xffff, v15  }
0x1fb: {  	s17 =	simm.s32 $0x2C00;
	[tilespmem:v5+s15+$0x0] =	vst.idx.add.f32.msk $0xffff, v18  }
0x1fc: {  	[tilespmem:v7+s17+$0x0] =	vst.idx.add.f32.msk $0xffff, v18  }
0x1fd: {  	v12 =	vmov v27;
	s24 =	simm.s32 $0x4C00;
	[tilespmem:v6+s15+$0x0] =	vst.idx.add.f32.msk $0xffff, v19  }
0x1fe: {  	[tilespmem:v9+s24+$0x0] =	vst.idx.add.f32.msk $0xffff, v18  }
0x1ff: {  	s25 =	simm.s32 $0xC00;
	[tilespmem:v11+s17+$0x0] =	vst.idx.add.f32.msk $0xffff, v19  }
0x200: {  	s29 =	simm.s32 $0x6C00;
	[tilespmem:v24+s25+$0x0] =	vst.idx.add.f32.msk $0xffff, v17  }
.Ltmp1:
0x201: {  	[tilespmem:v10+s29+$0x0] =	vst.idx.add.f32.msk $0xffff, v18;
	(pc) =	sbr.rel @p0 .LBB2_6-.Ltmp1, $4  }
0x202: {  	s30 =	simm.s32 $0x2C00;
	[tilespmem:v12+s24+$0x0] =	vst.idx.add.f32.msk $0xffff, v19  }
0x203: {  	[tilespmem:v21+s30+$0x0] =	vst.idx.add.f32.msk $0xffff, v17  }
0x204: {  	s31 =	simm.s32 $0x4C00;
	[tilespmem:v25+s29+$0x0] =	vst.idx.add.f32.msk $0xffff, v19  }
0x205: {  	s19 =	sadd.s32 s19, s7;
	s23 =	simm.s32 $0x4400;
	v13 =	vmov v25;
	v8 =	vmov v24;
	v14 =	vmov v21;
	[tilespmem:v23+s31+$0x0] =	vst.idx.add.f32.msk $0xffff, v17  }
0x206: {  	_ =	sdelay $0x3  }
0x207: {  	[tilespmem:v22+s29+$0x0] =	vst.idx.add.f32.msk $0xffff, v17  }
0x208: {  	v1 =	vld [tilespmem:s21+$0x0]  }
0x209: {  	v2 =	vld [tilespmem:s16+$0x0]  }
0x20a: {  	[tilespmem:v3+s20+$0x0] =	vst.idx.add.f32.msk $0xffff, v15  }
0x20b: {  	v16 =	vld [tilespmem:s2+$0x0]  }
0x20c: {  	s0 =	simm.s32 $0x1000;
	[tilespmem:v4+s22+$0x0] =	vst.idx.add.f32.msk $0xffff, v15  }
0x20d: {  	[tilespmem:v5+s0+$0x0] =	vst.idx.add.f32.msk $0xffff, v1  }
0x20e: {  	[tilespmem:v6+s0+$0x0] =	vst.idx.add.f32.msk $0xffff, v2  }
0x20f: {  	[tilespmem:v7+s28+$0x0] =	vst.idx.add.f32.msk $0xffff, v1  }
0x210: {  	[tilespmem:v11+s28+$0x0] =	vst.idx.add.f32.msk $0xffff, v2  }
0x211: {  	[tilespmem:v8+s0+$0x0] =	vst.idx.add.f32.msk $0xffff, v16  }
0x212: {  	[tilespmem:v9+s26+$0x0] =	vst.idx.add.f32.msk $0xffff, v1  }
0x213: {  	[tilespmem:v12+s26+$0x0] =	vst.idx.add.f32.msk $0xffff, v2  }
0x214: {  	s1 =	simm.s32 $0x7000;
	[tilespmem:v14+s28+$0x0] =	vst.idx.add.f32.msk $0xffff, v16  }
0x215: {  	[tilespmem:v10+s1+$0x0] =	vst.idx.add.f32.msk $0xffff, v1  }
0x216: {  	[tilespmem:v13+s1+$0x0] =	vst.idx.add.f32.msk $0xffff, v2  }
0x217: {  	v1 =	vld [tilespmem:s19+$0x0]  }
0x218: {  	v2 =	vld [tilespmem:s18+$0x0]  }
0x219: {  	[tilespmem:v23+s26+$0x0] =	vst.idx.add.f32.msk $0xffff, v16  }
0x21a: {  	[tilespmem:v22+s1+$0x0] =	vst.idx.add.f32.msk $0xffff, v16  }
0x21b: {  	v3 =	vld [tilespmem:s6+$0x0]  }
0x21c: {  	[tilespmem:v5+s11+$0x0] =	vst.idx.add.f32.msk $0xffff, v1  }
0x21d: {  	[tilespmem:v6+s11+$0x0] =	vst.idx.add.f32.msk $0xffff, v2  }
0x21e: {  	[tilespmem:v7+s12+$0x0] =	vst.idx.add.f32.msk $0xffff, v1  }
0x21f: {  	[tilespmem:v11+s12+$0x0] =	vst.idx.add.f32.msk $0xffff, v2  }
0x220: {  	[tilespmem:v8+s11+$0x0] =	vst.idx.add.f32.msk $0xffff, v3  }
0x221: {  	[tilespmem:v9+s20+$0x0] =	vst.idx.add.f32.msk $0xffff, v1  }
0x222: {  	[tilespmem:v12+s20+$0x0] =	vst.idx.add.f32.msk $0xffff, v2  }
0x223: {  	[tilespmem:v14+s12+$0x0] =	vst.idx.add.f32.msk $0xffff, v3  }
0x224: {  	[tilespmem:v10+s22+$0x0] =	vst.idx.add.f32.msk $0xffff, v1  }
0x225: {  	[tilespmem:v13+s22+$0x0] =	vst.idx.add.f32.msk $0xffff, v2  }
0x226: {  	[tilespmem:v23+s20+$0x0] =	vst.idx.add.f32.msk $0xffff, v3  }
0x227: {  	[tilespmem:v22+s22+$0x0] =	vst.idx.add.f32.msk $0xffff, v3  }
0x228: {  	s2 =	simm.s32 $0x1400;
	s0 =	sld [smem:$0x7F0]  }
0x229: {  	_ =	sdelay $0x1  }
0x22a: {  	p0 =	seq.s32 s0, $0x30  }
.Ltmp2:
0x22b: {  	_ = 	snop;
	(pc) =	sbr.rel @!p0 .LBB2_5-.Ltmp2, $3  }
0x22c: {  	_ =	sdelay $0x1  }
0x22d: {  	s30 =	simm.s32 $0x2000;
	s10 =	simm.s32 $0x4000  }
0x22e: {  	s11 =	simm.s32 $0x6000;
	s16 =	simm.s32 $0x400;
	s13 =	simm.s32 $0x2400  }
0x22f: {  	s0 =	rddreg [dreg:$0xb];
	s4 =	simm.s32 $0x3  }
0x230: {  	[hbm4b:s0+s14] =	stream.linear.scatter [tilespmem:s14], [sflag:$0x3], $0x400, $0x38;
	[tilespmem:$0x17000] =	vst v63  }
0x231: {  	_ =	swait.ge [sflag:s4], $0x400  }
0x232: {  	[sflag:s4] =	ssyncset.done $0x0  }
0x233: {  	s9 =	rddreg [dreg:$0xc];
	[sflag:s4] =	ssyncadd.s32 $0xFFFFFC00  }
0x234: {  	[hbm4b:s9+s14] =	stream.linear.scatter [tilespmem:s16], [sflag:$0x3], $0x400, $0x38;
	[tilespmem:$0x17000] =	vst v63  }
0x235: {  	_ =	swait.ge [sflag:s4], $0x400  }
0x236: {  	[sflag:s4] =	ssyncset.done $0x0  }
0x237: {  	s1 =	simm.s32 $0x800;
	s12 =	rddreg [dreg:$0xd];
	[sflag:s4] =	ssyncadd.s32 $0xFFFFFC00  }
0x238: {  	[hbm4b:s12+s14] =	stream.linear.scatter [tilespmem:s1], [sflag:$0x3], $0x400, $0x38;
	[tilespmem:$0x17000] =	vst v63  }
0x239: {  	_ =	swait.ge [sflag:s4], $0x400  }
0x23a: {  	[sflag:s4] =	ssyncset.done $0x0  }
0x23b: {  	s3 =	simm.s32 $0xC00;
	s15 =	rddreg [dreg:$0xe];
	[sflag:s4] =	ssyncadd.s32 $0xFFFFFC00  }
0x23c: {  	[hbm4b:s15+s14] =	stream.linear.scatter [tilespmem:s3], [sflag:$0x3], $0x400, $0x38;
	[tilespmem:$0x17000] =	vst v63  }
0x23d: {  	_ =	swait.ge [sflag:s4], $0x400  }
0x23e: {  	[sflag:s4] =	ssyncset.done $0x0  }
0x23f: {  	s18 =	simm.s32 $0x1000;
	s17 =	rddreg [dreg:$0xf];
	[sflag:s4] =	ssyncadd.s32 $0xFFFFFC00  }
0x240: {  	[hbm4b:s17+s14] =	stream.linear.scatter [tilespmem:s18], [sflag:$0x3], $0x400, $0x38;
	[tilespmem:$0x17000] =	vst v63  }
0x241: {  	_ =	swait.ge [sflag:s4], $0x400  }
0x242: {  	[sflag:s4] =	ssyncset.done $0x0  }
0x243: {  	s19 =	rddreg [dreg:$0x10];
	[sflag:s4] =	ssyncadd.s32 $0xFFFFFC00  }
0x244: {  	[hbm4b:s19+s14] =	stream.linear.scatter [tilespmem:s2], [sflag:$0x3], $0x400, $0x38;
	[tilespmem:$0x17000] =	vst v63  }
0x245: {  	_ =	swait.ge [sflag:s4], $0x400  }
0x246: {  	[sflag:s4] =	ssyncset.done $0x0  }
0x247: {  	s21 =	simm.s32 $0x1800;
	s20 =	rddreg [dreg:$0x11];
	[sflag:s4] =	ssyncadd.s32 $0xFFFFFC00  }
0x248: {  	[hbm4b:s20+s14] =	stream.linear.scatter [tilespmem:s21], [sflag:$0x3], $0x400, $0x38;
	[tilespmem:$0x17000] =	vst v63  }
0x249: {  	_ =	swait.ge [sflag:s4], $0x400  }
0x24a: {  	[sflag:s4] =	ssyncset.done $0x0  }
0x24b: {  	s24 =	simm.s32 $0x1C00;
	s22 =	rddreg [dreg:$0x12];
	[sflag:s4] =	ssyncadd.s32 $0xFFFFFC00  }
0x24c: {  	[hbm4b:s22+s14] =	stream.linear.scatter [tilespmem:s24], [sflag:$0x3], $0x400, $0x38;
	[tilespmem:$0x17000] =	vst v63  }
0x24d: {  	_ =	swait.ge [sflag:s4], $0x400  }
0x24e: {  	[sflag:s4] =	ssyncset.done $0x0  }
0x24f: {  	s25 =	rddreg [dreg:$0x13];
	[sflag:s4] =	ssyncadd.s32 $0xFFFFFC00  }
0x250: {  	[hbm4b:s25+s14] =	stream.linear.scatter [tilespmem:s30], [sflag:$0x3], $0x400, $0x38;
	[tilespmem:$0x17000] =	vst v63  }
0x251: {  	_ =	swait.ge [sflag:s4], $0x400  }
0x252: {  	[sflag:s4] =	ssyncset.done $0x0  }
0x253: {  	s26 =	rddreg [dreg:$0x14];
	[sflag:s4] =	ssyncadd.s32 $0xFFFFFC00  }
0x254: {  	[hbm4b:s26+s14] =	stream.linear.scatter [tilespmem:s13], [sflag:$0x3], $0x400, $0x38;
	[tilespmem:$0x17000] =	vst v63  }
0x255: {  	_ =	swait.ge [sflag:s4], $0x400  }
0x256: {  	[sflag:s4] =	ssyncset.done $0x0  }
0x257: {  	s31 =	simm.s32 $0x2800;
	s28 =	rddreg [dreg:$0x15];
	[sflag:s4] =	ssyncadd.s32 $0xFFFFFC00  }
0x258: {  	[hbm4b:s28+s14] =	stream.linear.scatter [tilespmem:s31], [sflag:$0x3], $0x400, $0x38;
	[tilespmem:$0x17000] =	vst v63  }
0x259: {  	_ =	swait.ge [sflag:s4], $0x400  }
0x25a: {  	[sflag:s4] =	ssyncset.done $0x0  }
0x25b: {  	s2 =	simm.s32 $0x2C00;
	s1 =	rddreg [dreg:$0x16];
	[sflag:s4] =	ssyncadd.s32 $0xFFFFFC00  }
0x25c: {  	[hbm4b:s1+s14] =	stream.linear.scatter [tilespmem:s2], [sflag:$0x3], $0x400, $0x38;
	[tilespmem:$0x17000] =	vst v63  }
0x25d: {  	_ =	swait.ge [sflag:s4], $0x400  }
0x25e: {  	[sflag:s4] =	ssyncset.done $0x0  }
0x25f: {  	s6 =	simm.s32 $0x3000;
	s5 =	rddreg [dreg:$0x17];
	[sflag:s4] =	ssyncadd.s32 $0xFFFFFC00  }
0x260: {  	[hbm4b:s5+s14] =	stream.linear.scatter [tilespmem:s6], [sflag:$0x3], $0x400, $0x38;
	[tilespmem:$0x17000] =	vst v63  }
0x261: {  	_ =	swait.ge [sflag:s4], $0x400  }
0x262: {  	[sflag:s4] =	ssyncset.done $0x0  }
0x263: {  	s8 =	simm.s32 $0x3400;
	s7 =	rddreg [dreg:$0x18];
	[sflag:s4] =	ssyncadd.s32 $0xFFFFFC00  }
0x264: {  	[hbm4b:s7+s14] =	stream.linear.scatter [tilespmem:s8], [sflag:$0x3], $0x400, $0x38;
	[tilespmem:$0x17000] =	vst v63  }
0x265: {  	_ =	swait.ge [sflag:s4], $0x400  }
0x266: {  	[sflag:s4] =	ssyncset.done $0x0  }
0x267: {  	s12 =	simm.s32 $0x3800;
	s9 =	rddreg [dreg:$0x19];
	[sflag:s4] =	ssyncadd.s32 $0xFFFFFC00  }
0x268: {  	[hbm4b:s9+s14] =	stream.linear.scatter [tilespmem:s12], [sflag:$0x3], $0x400, $0x38;
	[tilespmem:$0x17000] =	vst v63  }
0x269: {  	_ =	swait.ge [sflag:s4], $0x400  }
0x26a: {  	[sflag:s4] =	ssyncset.done $0x0  }
0x26b: {  	s17 =	simm.s32 $0x3C00;
	s15 =	rddreg [dreg:$0x1a];
	[sflag:s4] =	ssyncadd.s32 $0xFFFFFC00  }
0x26c: {  	[hbm4b:s15+s14] =	stream.linear.scatter [tilespmem:s17], [sflag:$0x3], $0x400, $0x38;
	[tilespmem:$0x17000] =	vst v63  }
0x26d: {  	_ =	swait.ge [sflag:s4], $0x400  }
0x26e: {  	[sflag:s4] =	ssyncset.done $0x0  }
0x26f: {  	s18 =	rddreg [dreg:$0x1b];
	[sflag:s4] =	ssyncadd.s32 $0xFFFFFC00  }
0x270: {  	[hbm4b:s18+s14] =	stream.linear.scatter [tilespmem:s10], [sflag:$0x3], $0x400, $0x38;
	[tilespmem:$0x17000] =	vst v63  }
0x271: {  	_ =	swait.ge [sflag:s4], $0x400  }
0x272: {  	[sflag:s4] =	ssyncset.done $0x0  }
0x273: {  	s19 =	rddreg [dreg:$0x1c];
	[sflag:s4] =	ssyncadd.s32 $0xFFFFFC00  }
0x274: {  	[hbm4b:s19+s14] =	stream.linear.scatter [tilespmem:s23], [sflag:$0x3], $0x400, $0x38;
	[tilespmem:$0x17000] =	vst v63  }
0x275: {  	_ =	swait.ge [sflag:s4], $0x400  }
0x276: {  	[sflag:s4] =	ssyncset.done $0x0  }
0x277: {  	s21 =	simm.s32 $0x4800;
	s20 =	rddreg [dreg:$0x1d];
	[sflag:s4] =	ssyncadd.s32 $0xFFFFFC00  }
0x278: {  	[hbm4b:s20+s14] =	stream.linear.scatter [tilespmem:s21], [sflag:$0x3], $0x400, $0x38;
	[tilespmem:$0x17000] =	vst v63  }
0x279: {  	_ =	swait.ge [sflag:s4], $0x400  }
0x27a: {  	[sflag:s4] =	ssyncset.done $0x0  }
0x27b: {  	s24 =	simm.s32 $0x4C00;
	s22 =	rddreg [dreg:$0x1e];
	[sflag:s4] =	ssyncadd.s32 $0xFFFFFC00  }
0x27c: {  	[hbm4b:s22+s14] =	stream.linear.scatter [tilespmem:s24], [sflag:$0x3], $0x400, $0x38;
	[tilespmem:$0x17000] =	vst v63  }
0x27d: {  	_ =	swait.ge [sflag:s4], $0x400  }
0x27e: {  	[sflag:s4] =	ssyncset.done $0x0  }
0x27f: {  	s26 =	simm.s32 $0x5000;
	s25 =	rddreg [dreg:$0x1f];
	[sflag:s4] =	ssyncadd.s32 $0xFFFFFC00  }
0x280: {  	[hbm4b:s25+s14] =	stream.linear.scatter [tilespmem:s26], [sflag:$0x3], $0x400, $0x38;
	[tilespmem:$0x17000] =	vst v63  }
0x281: {  	_ =	swait.ge [sflag:s4], $0x400  }
0x282: {  	s28 =	sld [smem:$0x7F2]  }
0x283: {  	[sflag:s4] =	ssyncset.done $0x0  }
0x284: {  	s31 =	simm.s32 $0x5400;
	[sflag:s4] =	ssyncadd.s32 $0xFFFFFC00  }
0x285: {  	[hbm4b:s28+s14] =	stream.linear.scatter [tilespmem:s31], [sflag:$0x3], $0x400, $0x38;
	[tilespmem:$0x17000] =	vst v63  }
0x286: {  	_ =	swait.ge [sflag:s4], $0x400  }
0x287: {  	s1 =	sld [smem:$0x7F3]  }
0x288: {  	[sflag:s4] =	ssyncset.done $0x0  }
0x289: {  	s2 =	simm.s32 $0x5800;
	[sflag:s4] =	ssyncadd.s32 $0xFFFFFC00  }
0x28a: {  	[hbm4b:s1+s14] =	stream.linear.scatter [tilespmem:s2], [sflag:$0x3], $0x400, $0x38;
	[tilespmem:$0x17000] =	vst v63  }
0x28b: {  	_ =	swait.ge [sflag:s4], $0x400  }
0x28c: {  	s5 =	sld [smem:$0x7F4]  }
0x28d: {  	[sflag:s4] =	ssyncset.done $0x0  }
0x28e: {  	s6 =	simm.s32 $0x5C00;
	[sflag:s4] =	ssyncadd.s32 $0xFFFFFC00  }
0x28f: {  	[hbm4b:s5+s14] =	stream.linear.scatter [tilespmem:s6], [sflag:$0x3], $0x400, $0x38;
	[tilespmem:$0x17000] =	vst v63  }
0x290: {  	_ =	swait.ge [sflag:s4], $0x400  }
0x291: {  	s7 =	sld [smem:$0x7F5]  }
0x292: {  	[sflag:s4] =	ssyncset.done $0x0  }
0x293: {  	[sflag:s4] =	ssyncadd.s32 $0xFFFFFC00  }
0x294: {  	[hbm4b:s7+s14] =	stream.linear.scatter [tilespmem:s11], [sflag:$0x3], $0x400, $0x38;
	[tilespmem:$0x17000] =	vst v63  }
0x295: {  	_ =	swait.ge [sflag:s4], $0x400  }
0x296: {  	s8 =	sld [smem:$0x7F6]  }
0x297: {  	[sflag:s4] =	ssyncset.done $0x0  }
0x298: {  	s9 =	simm.s32 $0x6400;
	[sflag:s4] =	ssyncadd.s32 $0xFFFFFC00  }
0x299: {  	[hbm4b:s8+s14] =	stream.linear.scatter [tilespmem:s9], [sflag:$0x3], $0x400, $0x38;
	[tilespmem:$0x17000] =	vst v63  }
0x29a: {  	_ =	swait.ge [sflag:s4], $0x400  }
0x29b: {  	s12 =	sld [smem:$0x7F7]  }
0x29c: {  	[sflag:s4] =	ssyncset.done $0x0  }
0x29d: {  	s15 =	simm.s32 $0x6800;
	[sflag:s4] =	ssyncadd.s32 $0xFFFFFC00  }
0x29e: {  	[hbm4b:s12+s14] =	stream.linear.scatter [tilespmem:s15], [sflag:$0x3], $0x400, $0x38;
	[tilespmem:$0x17000] =	vst v63  }
0x29f: {  	_ =	swait.ge [sflag:s4], $0x400  }
0x2a0: {  	s17 =	sld [smem:$0x7F8]  }
0x2a1: {  	[sflag:s4] =	ssyncset.done $0x0  }
0x2a2: {  	[sflag:s4] =	ssyncadd.s32 $0xFFFFFC00  }
0x2a3: {  	[hbm4b:s17+s14] =	stream.linear.scatter [tilespmem:s29], [sflag:$0x3], $0x400, $0x38;
	[tilespmem:$0x17000] =	vst v63  }
0x2a4: {  	_ =	swait.ge [sflag:s4], $0x400  }
0x2a5: {  	s18 =	sld [smem:$0x7F9]  }
0x2a6: {  	[sflag:s4] =	ssyncset.done $0x0  }
0x2a7: {  	s19 =	simm.s32 $0x7000;
	[sflag:s4] =	ssyncadd.s32 $0xFFFFFC00  }
0x2a8: {  	[hbm4b:s18+s14] =	stream.linear.scatter [tilespmem:s19], [sflag:$0x3], $0x400, $0x38;
	[tilespmem:$0x17000] =	vst v63  }
0x2a9: {  	_ =	swait.ge [sflag:s4], $0x400  }
0x2aa: {  	s20 =	sld [smem:$0x7FA]  }
0x2ab: {  	[sflag:s4] =	ssyncset.done $0x0  }
0x2ac: {  	s21 =	simm.s32 $0x7400;
	[sflag:s4] =	ssyncadd.s32 $0xFFFFFC00  }
0x2ad: {  	[hbm4b:s20+s14] =	stream.linear.scatter [tilespmem:s21], [sflag:$0x3], $0x400, $0x38;
	[tilespmem:$0x17000] =	vst v63  }
0x2ae: {  	_ =	swait.ge [sflag:s4], $0x400  }
0x2af: {  	s22 =	sld [smem:$0x7FB]  }
0x2b0: {  	[sflag:s4] =	ssyncset.done $0x0  }
0x2b1: {  	s24 =	simm.s32 $0x7800;
	[sflag:s4] =	ssyncadd.s32 $0xFFFFFC00  }
0x2b2: {  	[hbm4b:s22+s14] =	stream.linear.scatter [tilespmem:s24], [sflag:$0x3], $0x400, $0x38;
	[tilespmem:$0x17000] =	vst v63  }
0x2b3: {  	_ =	swait.ge [sflag:s4], $0x400  }
0x2b4: {  	s25 =	sld [smem:$0x7FC]  }
0x2b5: {  	[sflag:s4] =	ssyncset.done $0x0  }
0x2b6: {  	s26 =	simm.s32 $0x7C00;
	[sflag:s4] =	ssyncadd.s32 $0xFFFFFC00  }
0x2b7: {  	[hbm4b:s25+s14] =	stream.linear.scatter [tilespmem:s26], [sflag:$0x3], $0x400, $0x38;
	[tilespmem:$0x17000] =	vst v63  }
0x2b8: {  	_ =	swait.ge [sflag:s4], $0x400  }
0x2b9: {  	s28 =	sld [smem:$0x7F1]  }
0x2ba: {  	s31 =	sld [smem:$0x7FD];
	_ =	sdelay $0x1  }
0x2bb: {  	s1 =	sadd.s32 $0x1, s28  }
0x2bc: {  	p0 =	sne.s32 s1, s31  }
.Ltmp3:
0x2bd: {  	_ = 	snop;
	(pc) =	sbr.rel @p0 .LBB2_1-.Ltmp3, $3  }
0x2be: {  	_ =	sdelay $0x1  }
0x2bf: {  	[sflag:s4] =	ssyncset.done $0x0  }
0x2c0: {  	[sflag:s4] =	ssyncadd.s32 $0xFFFFFC00  }
0x2c1: {  	_ =	sfence.sel $0x180000  }
0x2c2: {  	[bflag:$0x0] =	sbarrier.arrive $0xFFFF  }
0x2c3: {  	_ =	strace $0x9000004A  }
0x2c4: {  	s0 =	stileid.u32;
	[bflag:$0x2] =	sbarrier.arrive $0xFFFF  }
0x2c5: {  	p0 =	sne.s32 s0, $0x0;
	s0 =	rddreg [dreg:$0x3]  }
0x2c6: {  	s0 =	sadd.s32 @!p0 $0x100000, s0  }
0x2c7: {  	[sflag:s0] =	ssyncadd.tile.s32 @!p0 $0x1;
	_ =	shalt  }
.Lfunc_end2:
_tile_overlayer_lowered:
.L_overlay_start_2:
0x2c8: {  	(tag) =	ssettag $0x2  }
0x2c9: {  	s0 =	rddreg [dreg:$0x0];
	s2 =	stileid.u32  }
0x2ca: {  	s1 =	rddreg [dreg:$0x1];
	p0 =	sne.s32 s2, $0x0  }
0x2cb: {  	s3 =	rddreg [dreg:$0x2];
	[bflag:$0x3] =	sbarrier.arrive $0xFFFF;
	s2 =	simm.s32 @!p0 $0x1C03  }
0x2cc: {  	[timem:s3], [sflag:s2] =	dma.local @!p0 [hbm:s0], s1  }
0x2cd: {  	s0 =	simm.s32 @!p0 $0x3  }
0x2ce: {  	_ =	swait.ge @!p0 [sflag:s0], s1  }
0x2cf: {  	s1 =	ssub.s32 @!p0 $0x0, s1;
	[sflag:s0] =	ssyncset.done @!p0 $0x0  }
0x2d0: {  	[sflag:s0] =	ssyncadd.s32 @!p0 s1  }
0x2d1: {  	[bflag:$0x3] =	sbarrier.arrive $0xFFFF  }
0x2d2: {  	_ =	shalt  }

</sc_bundles>
